<compile_context>
chip_gen: v7x
topology: tpu7x:2x2x1
jax: 0.10.2.dev20260603
libtpu: 0.0.44.dev20260713+nightly
codegen_flags: <defaults>
</compile_context>

<pallas_src>
import functools

import jax
import jax.numpy as jnp
from jax import lax
from jax.experimental import pallas as pl
from jax.experimental.pallas import tpu as pltpu
from jax.experimental.pallas import tpu_sc as plsc

_FIB = (1, 1, 2, 3, 5, 8, 13, 21)
_PRIMES = (2654435761, 2246822519, 3266489917, 2028178513, 1220703125,
           1610612741, 805306457, 402653189, 3674653429, 2860486313,
           1073676287, 2971215073, 1500450271, 3267000013, 2654435789,
           4049292737, 2246822531, 3266489927, 2028178519, 1220703133)

_VOCAB = 1024
_BYTE_DIM = 128
_NUM_TABLES = 8
_BUCKETS = 65536
_EPT = 16
_HIDDEN = 512
_B, _T = 64, 512
_N = _B * _T
_ROWS = _NUM_TABLES * _N
_GROUP = 128
_NC, _NS = 2, 16
_NW = _NC * _NS
_TPW = _N // _NW
_TCHUNK = 512
_NCHUNK = _TPW // _TCHUNK
_CROWS = _TCHUNK * _NUM_TABLES
_CGROUPS = _CROWS // _GROUP
_TILE = 512


def _prime_i32(t, k):
    p = int(_PRIMES[(t * 3 + k) % len(_PRIMES)]) % (1 << 32)
    if p >= 1 << 31:
        p -= 1 << 32
    return jnp.int32(p)


def _hash_idx_body(tok_ref, out_ref):
    tok = tok_ref[...]
    shifted = {}
    for off in sorted(set(_FIB)):
        z = jnp.zeros((_B, off), jnp.int32)
        shifted[off] = jnp.concatenate([z, tok[:, : _T - off]], axis=1)
    for t in range(_NUM_TABLES):
        h = jnp.zeros((_B, _T), jnp.int32)
        for k, off in enumerate(_FIB):
            h = h ^ (shifted[off] * _prime_i32(t, k))
        out_ref[t] = h & jnp.int32(_BUCKETS - 1)


_hash_idx = pl.pallas_call(
    _hash_idx_body,
    out_shape=jax.ShapeDtypeStruct((_NUM_TABLES, _B, _T), jnp.int32),
)


_TCOLS = 32
_TBUCK = _TCOLS * 128
_QCH = _BUCKETS // (4 * _TBUCK)


def _sc_transpose_body(x1_hbm, out_hbm, slab_v, rows_v, sem):
    wid = lax.axis_index("s") * _NC + lax.axis_index("c")
    t = wid // 4
    q = wid % 4
    iota = lax.iota(jnp.int32, 16)
    wbase = (lax.shift_right_logical(iota, 1 + 2) * jnp.int32(8 * _TCOLS * 128)
             + lax.bitwise_and(iota, 7) * jnp.int32(128))

    def chunk_body(ci, carry):
        bc0 = q * (4 * _TCOLS) + ci * _TCOLS
        for er in range(2):
            pltpu.sync_copy(
                x1_hbm.at[t, pl.ds((er * 4096 + bc0 * 8) * 128,
                                   _TCOLS * 8 * 128)],
                slab_v.at[pl.ds(er * (8 * _TCOLS * 128), _TCOLS * 8 * 128)])

        @plsc.parallel_loop(0, _TBUCK // 16, unroll=2)
        def row_body(g):
            j0 = g * 16
            base = wbase + (lax.shift_right_logical(j0, 7) * jnp.int32(1024)
                            + lax.bitwise_and(j0, 127))
            for k in range(16):
                v = plsc.load_gather(slab_v, [base + jnp.int32(k)])
                rows_v[j0 + k] = v
        pltpu.sync_copy(
            rows_v, out_hbm.at[t, pl.ds(q * (4 * _TBUCK) + ci * _TBUCK,
                                        _TBUCK)])
        return carry

    lax.fori_loop(0, _QCH, chunk_body, 0)


@functools.cache
def _build_sc_transpose():
    mesh = plsc.VectorSubcoreMesh(
        core_axis_name="c", subcore_axis_name="s",
        num_cores=_NC, num_subcores=_NS)
    return pl.kernel(
        _sc_transpose_body,
        out_type=jax.ShapeDtypeStruct((_NUM_TABLES, _BUCKETS, _EPT),
                                      jnp.float32),
        mesh=mesh,
        scratch_types=[
            pltpu.VMEM((2 * 8 * _TCOLS * 128,), jnp.float32),
            pltpu.VMEM((_TBUCK, _EPT), jnp.float32),
            pltpu.SemaphoreType.DMA,
        ],
        name="sc_table_transpose",
        compiler_params=pltpu.CompilerParams(
            use_tc_tiling_on_sc=False, needs_layout_passes=False),
    )


def _sc_gather_body(tables_hbm, gidx_hbm, out_hbm, idx_raw, rows_v, sem):
    wid = lax.axis_index("s") * _NC + lax.axis_index("c")

    def chunk_body(ci, carry):
        n0 = wid * _TPW + ci * _TCHUNK
        pltpu.sync_copy(gidx_hbm.at[:, pl.ds(n0, _TCHUNK)], idx_raw)
        for half in range(2):
            descs = []
            for t in range(_NUM_TABLES // 2):
                tt = half * (_NUM_TABLES // 2) + t
                for g in range(_TCHUNK // _GROUP):
                    descs.append(pltpu.async_copy(
                        tables_hbm.at[tt].at[
                            idx_raw.at[tt, pl.ds(g * _GROUP, _GROUP)]],
                        rows_v.at[pl.ds(tt * _TCHUNK + g * _GROUP, _GROUP)],
                        sem))
            for d in descs:
                d.wait()
        for t in range(_NUM_TABLES):
            pltpu.sync_copy(
                rows_v.at[pl.ds(t * _TCHUNK, _TCHUNK)],
                out_hbm.at[pl.ds(n0, _TCHUNK), pl.ds(t * _EPT, _EPT)])
        return carry

    lax.fori_loop(0, _NCHUNK, chunk_body, 0)


@functools.cache
def _build_sc_gather():
    mesh = plsc.VectorSubcoreMesh(
        core_axis_name="c", subcore_axis_name="s",
        num_cores=_NC, num_subcores=_NS)
    return pl.kernel(
        _sc_gather_body,
        out_type=jax.ShapeDtypeStruct((_N, _NUM_TABLES * _EPT), jnp.float32),
        name="sc_embedding_gather",
        mesh=mesh,
        scratch_types=[
            pltpu.VMEM((_NUM_TABLES, _TCHUNK), jnp.int32),
            pltpu.VMEM((_CROWS, _EPT), jnp.float32),
            pltpu.SemaphoreType.DMA,
        ],
        compiler_params=pltpu.CompilerParams(use_tc_tiling_on_sc=False),
    )


def _be_body(tok_ref, bt_ref, out_ref):
    tok = tok_ref[0]
    iota_v = lax.broadcasted_iota(jnp.int32, (_VOCAB, _TILE), 0)
    oh = (iota_v == tok).astype(jnp.float32)
    out_ref[...] = lax.dot_general(oh, bt_ref[...], (((0,), (0,)), ((), ())),
                                   preferred_element_type=jnp.float32)


_byte_emb = pl.pallas_call(
    _be_body,
    grid=(_N // _TILE,),
    in_specs=[
        pl.BlockSpec((1, 1, _TILE), lambda i: (i, 0, 0)),
        pl.BlockSpec((_VOCAB, _BYTE_DIM), lambda i: (0, 0)),
    ],
    out_specs=pl.BlockSpec((_TILE, _BYTE_DIM), lambda i: (i, 0)),
    out_shape=jax.ShapeDtypeStruct((_N, _BYTE_DIM), jnp.float32),
)


def _mm_body(be_ref, xh_ref, w_ref, b_ref, out_ref):
    x = jnp.concatenate([be_ref[...], xh_ref[...]], axis=-1)
    out_ref[...] = (
        jnp.dot(x, w_ref[...], preferred_element_type=jnp.float32) + b_ref[...])


_matmul = pl.pallas_call(
    _mm_body,
    grid=(_N // _TILE,),
    in_specs=[
        pl.BlockSpec((_TILE, _BYTE_DIM), lambda i: (i, 0)),
        pl.BlockSpec((_TILE, _NUM_TABLES * _EPT), lambda i: (i, 0)),
        pl.BlockSpec((_BYTE_DIM + _NUM_TABLES * _EPT, _HIDDEN), lambda i: (0, 0)),
        pl.BlockSpec((1, _HIDDEN), lambda i: (0, 0)),
    ],
    out_specs=pl.BlockSpec((_TILE, _HIDDEN), lambda i: (i, 0)),
    out_shape=jax.ShapeDtypeStruct((_N, _HIDDEN), jnp.float32),
)


def kernel(tokens, byte_table, hash_tables, W, b):
    gidx = _hash_idx(tokens)
    gidx2 = gidx.reshape(_NUM_TABLES, _N)
    x1 = (hash_tables.transpose(0, 2, 1)
          .reshape(_NUM_TABLES, 2, 8, 512, 128)
          .transpose(0, 1, 3, 2, 4)
          .reshape(_NUM_TABLES, 8192 * 128))
    tables_l = _build_sc_transpose()(x1)
    be = _byte_emb(tokens.reshape(_N // _TILE, 1, _TILE), byte_table)
    xh = _build_sc_gather()(tables_l, gidx2)
    out = _matmul(be, xh, W, b.reshape(1, _HIDDEN))
    return out.reshape(_B, _T, _HIDDEN)

# --- scband reference (transcript-rebuilt; emitter-appended) ---
"""Pipeline reference for scband-poly-hash-v6-42606075576706 (READ-ONLY COPY).

The authoritative reference and input builder live on the scoring server;
editing this copy changes nothing except your own understanding.
"""

import jax, jax.numpy as jnp
import numpy as np

FIBONACCI = [1, 1, 2, 3, 5, 8, 13, 21]
HASH_PRIMES = [2654435761, 2246822519, 3266489917, 2028178513, 1220703125, 1610612741, 805306457, 402653189, 3674653429, 2860486313, 1073676287, 2971215073, 1500450271, 3267000013, 2654435789, 4049292737, 2246822531, 3266489927, 2028178519, 1220703133]

VOCAB = 1024
BYTE_DIM = 128
NUM_TABLES = 8
BUCKETS = 65536
EMBED_PER_TABLE = 16
HIDDEN = 512
B, T = 64, 512


def _hash_ctx(tokens, pattern, table_idx, buckets):
    # uint32 wraparound arithmetic emulates the torch int64 poly-hash modulo 2^32
    tok = tokens.astype(jnp.uint32)
    Tlen = tokens.shape[1]
    h = jnp.zeros(tokens.shape, dtype=jnp.uint32)
    for k, offset in enumerate(pattern):
        pidx = (table_idx * 3 + k) % len(HASH_PRIMES)
        shifted = jnp.zeros_like(tok)
        if 0 < offset < Tlen:
            shifted = shifted.at[:, offset:].set(tok[:, :-offset])
        h = h ^ (shifted * jnp.uint32(HASH_PRIMES[pidx] % (2 ** 32)))
    return (h % jnp.uint32(buckets)).astype(jnp.int32)


def setup_inputs(seed: int = 0) -> dict:
    key = jax.random.key(seed)
    k1, k2, k3, k4, k5 = jax.random.split(key, 5)
    tokens = jax.random.randint(k1, (B, T), 0, VOCAB, dtype=jnp.int32)
    byte_table = jax.random.normal(k2, (VOCAB, BYTE_DIM), dtype=jnp.float32) * 0.02
    hash_tables = jax.random.normal(k3, (NUM_TABLES, BUCKETS, EMBED_PER_TABLE), dtype=jnp.float32) * 0.02
    in_dim = BYTE_DIM + NUM_TABLES * EMBED_PER_TABLE
    W = jax.random.normal(k4, (in_dim, HIDDEN), dtype=jnp.float32) * (1.0 / np.sqrt(in_dim))
    b = jnp.zeros((HIDDEN,), dtype=jnp.float32)
    return {"tokens": tokens, "byte_table": byte_table, "hash_tables": hash_tables, "W": W, "b": b}


def reference(tokens, byte_table, hash_tables, W, b):
    # byte-level embedding lookup
    byte_emb = jnp.take(byte_table, tokens, axis=0)  # [B, T, BYTE_DIM]
    # poly-hash context embedding lookups across NUM_TABLES tables
    parts = [byte_emb]
    for t_idx in range(NUM_TABLES):
        idx = _hash_ctx(tokens, FIBONACCI, t_idx, BUCKETS)  # [B, T]
        parts.append(jnp.take(hash_tables[t_idx], idx, axis=0))  # [B, T, EMBED_PER_TABLE]
    x = jnp.concatenate(parts, axis=-1)  # [B, T, 256]
    out = x @ W + b  # [B, T, HIDDEN]
    return out

if __name__ == "__main__":
    import jax
    _d = setup_inputs()
    print(jax.jit(kernel)(*tuple(_d.values())))

</pallas_src>

<mosaic_0001>
#map = affine_map<(d0, d1) -> (0, 0)>
#map1 = affine_map<(d0, d1) -> (0, 0, 0)>
module attributes {stable_mosaic.version = 14 : i64} {
  func.func @sc_table_transpose(%arg0: i32, %arg1: i32, %arg2: memref<8x1048576xf32, #tpu.memory_space<hbm>>, %arg3: memref<8x65536x16xf32, #tpu.memory_space<hbm>>, %arg4: memref<65536xf32, #tpu.memory_space<vmem>>, %arg5: memref<4096x16xf32, #tpu.memory_space<vmem>>, %arg6: memref<!tpu.dma_semaphore, #tpu.memory_space<semaphore_mem>>) attributes {dimension_semantics = [#tpu.dimension_semantics<core_parallel>, #tpu.dimension_semantics<subcore_parallel>], iteration_bounds = array<i64: 2, 16>, scalar_prefetch = 0 : i64, scratch_operands = 3 : i64, tpu.core_type = #tpu.core_type<sc_vector_subcore>, window_params = [{transform_indices = #map}, {transform_indices = #map1}]} {
    %mul3A = arith.constant 2 : i32
    %mul3A_0 = arith.muli %arg1, %mul3A : i32
    %add3A = arith.addi %mul3A_0, %arg0 : i32
    %jit3A = arith.constant 4 : i32
    %div3A = arith.divsi %add3A, %jit3A : i32
    %sign3A = arith.constant 0 : i32
    %sign3A_1 = arith.cmpi sgt, %add3A, %sign3A : i32
    %sign3A_2 = arith.extui %sign3A_1 : i1 to i32
    %sign3A_3 = arith.constant 0 : i32
    %sign3A_4 = arith.cmpi slt, %add3A, %sign3A_3 : i32
    %sign3A_5 = arith.extui %sign3A_4 : i1 to i32
    %sign3A_6 = arith.subi %sign3A_2, %sign3A_5 : i32
    %sign3A_7 = arith.constant 0 : i32
    %sign3A_8 = arith.cmpi sgt, %jit3A, %sign3A_7 : i32
    %sign3A_9 = arith.extui %sign3A_8 : i1 to i32
    %sign3A_10 = arith.constant 0 : i32
    %sign3A_11 = arith.cmpi slt, %jit3A, %sign3A_10 : i32
    %sign3A_12 = arith.extui %sign3A_11 : i1 to i32
    %sign3A_13 = arith.subi %sign3A_9, %sign3A_12 : i32
    %ne3A = arith.cmpi ne, %sign3A_6, %sign3A_13 : i32
    %rem3A = arith.remsi %add3A, %jit3A : i32
    %ne3A_14 = arith.constant 0 : i32
    %ne3A_15 = arith.cmpi ne, %rem3A, %ne3A_14 : i32
    %and3A = arith.andi %ne3A, %ne3A_15 : i1
    %sub3A = arith.constant 1 : i32
    %sub3A_16 = arith.subi %div3A, %sub3A : i32
    %select_n3A = arith.select %and3A, %sub3A_16, %div3A : i32
    %jit3A_17 = arith.constant 4 : i32
    %eq3A = arith.constant 0 : i32
    %eq3A_18 = arith.cmpi eq, %jit3A_17, %eq3A : i32
    %jit3A_19 = arith.constant 1 : i32
    %select_n3A_20 = arith.select %eq3A_18, %jit3A_19, %jit3A_17 : i32
    %rem3A_21 = arith.remsi %add3A, %select_n3A_20 : i32
    %ne3A_22 = arith.constant 0 : i32
    %ne3A_23 = arith.cmpi ne, %rem3A_21, %ne3A_22 : i32
    %lt3A = arith.constant 0 : i32
    %lt3A_24 = arith.cmpi slt, %rem3A_21, %lt3A : i32
    %lt3A_25 = arith.constant 0 : i32
    %lt3A_26 = arith.cmpi slt, %select_n3A_20, %lt3A_25 : i32
    %ne3A_27 = arith.xori %lt3A_24, %lt3A_26 : i1
    %and3A_28 = arith.andi %ne3A_27, %ne3A_23 : i1
    %add3A_29 = arith.addi %rem3A_21, %select_n3A_20 : i32
    %select_n3A_30 = arith.select %and3A_28, %add3A_29, %rem3A_21 : i32
    %iota3A = tpu.iota {dimensions = array<i32: 0>} : vector<16xi32>
    %shift_right_logical3A = arith.constant 3 : i32
    %shift_right_logical3A_31 = vector.broadcast %shift_right_logical3A : i32 to vector<16xi32>
    %shift_right_logical3A_32 = arith.shrui %iota3A, %shift_right_logical3A_31 : vector<16xi32>
    %mul3A_33 = arith.constant 32768 : i32
    %mul3A_34 = vector.broadcast %mul3A_33 : i32 to vector<16xi32>
    %mul3A_35 = arith.muli %shift_right_logical3A_32, %mul3A_34 : vector<16xi32>
    %and3A_36 = arith.constant 7 : i32
    %and3A_37 = vector.broadcast %and3A_36 : i32 to vector<16xi32>
    %and3A_38 = arith.andi %iota3A, %and3A_37 : vector<16xi32>
    %mul3A_39 = arith.constant 128 : i32
    %mul3A_40 = vector.broadcast %mul3A_39 : i32 to vector<16xi32>
    %mul3A_41 = arith.muli %and3A_38, %mul3A_40 : vector<16xi32>
    %add3A_42 = arith.addi %mul3A_35, %mul3A_41 : vector<16xi32>
    %scan3A = arith.constant 0 : i32
    %scan3A_43 = arith.constant 0 : i32
    %scan3A_44 = arith.constant 4 : i32
    %scan3A_45 = arith.addi %scan3A_43, %scan3A_44 : i32
    %scan3A_46 = arith.constant 1 : i32
    scf.for %scan3A_48 = %scan3A_43 to %scan3A_45 step %scan3A_46  : i32 {
      %mul3A_49 = arith.constant 128 : i32
      %mul3A_50 = arith.muli %select_n3A_30, %mul3A_49 : i32
      %mul3A_51 = arith.constant 32 : i32
      %mul3A_52 = arith.muli %scan3A_48, %mul3A_51 : i32
      %add3A_53 = arith.addi %mul3A_50, %mul3A_52 : i32
      %mul3A_54 = arith.constant 8 : i32
      %mul3A_55 = arith.muli %add3A_53, %mul3A_54 : i32
      %add3A_56 = arith.constant 0 : i32
      %add3A_57 = arith.addi %add3A_56, %mul3A_55 : i32
      %mul3A_58 = arith.constant 128 : i32
      %mul3A_59 = arith.muli %add3A_57, %mul3A_58 : i32
      "tpu.region"() ({
        %run_scoped3A = tpu.sem_alloc : memref<!tpu.dma_semaphore, #tpu.memory_space<semaphore_mem>>
        %dma_start3A = arith.constant 0 : i32
        %dma_start3A_73 = tpu.memref_slice %arg4[%dma_start3A] : memref<65536xf32, #tpu.memory_space<vmem>> -> memref<32768xf32, #tpu.memory_space<vmem>>
        %dma_start3A_74 = tpu.memref_slice %arg2[%select_n3A, %mul3A_59] : memref<8x1048576xf32, #tpu.memory_space<hbm>> -> memref<1x32768xf32, #tpu.memory_space<hbm>>
        %dma_start3A_75 = tpu.memref_squeeze %dma_start3A_74 : memref<1x32768xf32, #tpu.memory_space<hbm>> -> memref<32768xf32, #tpu.memory_space<hbm>>
        %dma_start3A_76 = arith.constant 0 : i32
        %dma_start3A_77 = tpu.memref_slice %arg4[%dma_start3A_76] : memref<65536xf32, #tpu.memory_space<vmem>> -> memref<32768xf32, #tpu.memory_space<vmem>>
        %dma_start3A_78 = tpu.memref_slice %arg2[%select_n3A, %mul3A_59] : memref<8x1048576xf32, #tpu.memory_space<hbm>> -> memref<1x32768xf32, #tpu.memory_space<hbm>>
        %dma_start3A_79 = tpu.memref_squeeze %dma_start3A_78 : memref<1x32768xf32, #tpu.memory_space<hbm>> -> memref<32768xf32, #tpu.memory_space<hbm>>
        tpu.enqueue_dma source(%dma_start3A_79 : memref<32768xf32, #tpu.memory_space<hbm>>) target(%dma_start3A_77 : memref<32768xf32, #tpu.memory_space<vmem>>) target_semaphore(%run_scoped3A : memref<!tpu.dma_semaphore, #tpu.memory_space<semaphore_mem>>)
        %dma_wait3A = arith.constant 0 : i32
        %dma_wait3A_80 = tpu.memref_slice %arg4[%dma_wait3A] : memref<65536xf32, #tpu.memory_space<vmem>> -> memref<32768xf32, #tpu.memory_space<vmem>>
        %dma_wait3A_81 = tpu.memref_slice %arg2[%select_n3A, %mul3A_59] : memref<8x1048576xf32, #tpu.memory_space<hbm>> -> memref<1x32768xf32, #tpu.memory_space<hbm>>
        %dma_wait3A_82 = tpu.memref_squeeze %dma_wait3A_81 : memref<1x32768xf32, #tpu.memory_space<hbm>> -> memref<32768xf32, #tpu.memory_space<hbm>>
        %dma_wait3A_83 = arith.constant 0 : i32
        %dma_wait3A_84 = tpu.memref_slice %arg4[%dma_wait3A_83] : memref<65536xf32, #tpu.memory_space<vmem>> -> memref<32768xf32, #tpu.memory_space<vmem>>
        %dma_wait3A_85 = tpu.memref_slice %arg2[%select_n3A, %mul3A_59] : memref<8x1048576xf32, #tpu.memory_space<hbm>> -> memref<1x32768xf32, #tpu.memory_space<hbm>>
        %dma_wait3A_86 = tpu.memref_squeeze %dma_wait3A_85 : memref<1x32768xf32, #tpu.memory_space<hbm>> -> memref<32768xf32, #tpu.memory_space<hbm>>
        tpu.wait_dma2 semaphore(%run_scoped3A : memref<!tpu.dma_semaphore, #tpu.memory_space<semaphore_mem>>) src(%dma_wait3A_86 : memref<32768xf32, #tpu.memory_space<hbm>>) dst(%dma_wait3A_84 : memref<32768xf32, #tpu.memory_space<vmem>>)
        tpu.yield
      }) : () -> ()
      %mul3A_60 = arith.constant 8 : i32
      %mul3A_61 = arith.muli %add3A_53, %mul3A_60 : i32
      %add3A_62 = arith.constant 4096 : i32
      %add3A_63 = arith.addi %add3A_62, %mul3A_61 : i32
      %mul3A_64 = arith.constant 128 : i32
      %mul3A_65 = arith.muli %add3A_63, %mul3A_64 : i32
      "tpu.region"() ({
        %run_scoped3A = tpu.sem_alloc : memref<!tpu.dma_semaphore, #tpu.memory_space<semaphore_mem>>
        %dma_start3A = arith.constant 32768 : i32
        %dma_start3A_73 = tpu.memref_slice %arg4[%dma_start3A] : memref<65536xf32, #tpu.memory_space<vmem>> -> memref<32768xf32, #tpu.memory_space<vmem>>
        %dma_start3A_74 = tpu.memref_slice %arg2[%select_n3A, %mul3A_65] : memref<8x1048576xf32, #tpu.memory_space<hbm>> -> memref<1x32768xf32, #tpu.memory_space<hbm>>
        %dma_start3A_75 = tpu.memref_squeeze %dma_start3A_74 : memref<1x32768xf32, #tpu.memory_space<hbm>> -> memref<32768xf32, #tpu.memory_space<hbm>>
        %dma_start3A_76 = arith.constant 32768 : i32
        %dma_start3A_77 = tpu.memref_slice %arg4[%dma_start3A_76] : memref<65536xf32, #tpu.memory_space<vmem>> -> memref<32768xf32, #tpu.memory_space<vmem>>
        %dma_start3A_78 = tpu.memref_slice %arg2[%select_n3A, %mul3A_65] : memref<8x1048576xf32, #tpu.memory_space<hbm>> -> memref<1x32768xf32, #tpu.memory_space<hbm>>
        %dma_start3A_79 = tpu.memref_squeeze %dma_start3A_78 : memref<1x32768xf32, #tpu.memory_space<hbm>> -> memref<32768xf32, #tpu.memory_space<hbm>>
        tpu.enqueue_dma source(%dma_start3A_79 : memref<32768xf32, #tpu.memory_space<hbm>>) target(%dma_start3A_77 : memref<32768xf32, #tpu.memory_space<vmem>>) target_semaphore(%run_scoped3A : memref<!tpu.dma_semaphore, #tpu.memory_space<semaphore_mem>>)
        %dma_wait3A = arith.constant 32768 : i32
        %dma_wait3A_80 = tpu.memref_slice %arg4[%dma_wait3A] : memref<65536xf32, #tpu.memory_space<vmem>> -> memref<32768xf32, #tpu.memory_space<vmem>>
        %dma_wait3A_81 = tpu.memref_slice %arg2[%select_n3A, %mul3A_65] : memref<8x1048576xf32, #tpu.memory_space<hbm>> -> memref<1x32768xf32, #tpu.memory_space<hbm>>
        %dma_wait3A_82 = tpu.memref_squeeze %dma_wait3A_81 : memref<1x32768xf32, #tpu.memory_space<hbm>> -> memref<32768xf32, #tpu.memory_space<hbm>>
        %dma_wait3A_83 = arith.constant 32768 : i32
        %dma_wait3A_84 = tpu.memref_slice %arg4[%dma_wait3A_83] : memref<65536xf32, #tpu.memory_space<vmem>> -> memref<32768xf32, #tpu.memory_space<vmem>>
        %dma_wait3A_85 = tpu.memref_slice %arg2[%select_n3A, %mul3A_65] : memref<8x1048576xf32, #tpu.memory_space<hbm>> -> memref<1x32768xf32, #tpu.memory_space<hbm>>
        %dma_wait3A_86 = tpu.memref_squeeze %dma_wait3A_85 : memref<1x32768xf32, #tpu.memory_space<hbm>> -> memref<32768xf32, #tpu.memory_space<hbm>>
        tpu.wait_dma2 semaphore(%run_scoped3A : memref<!tpu.dma_semaphore, #tpu.memory_space<semaphore_mem>>) src(%dma_wait3A_86 : memref<32768xf32, #tpu.memory_space<hbm>>) dst(%dma_wait3A_84 : memref<32768xf32, #tpu.memory_space<vmem>>)
        tpu.yield
      }) : () -> ()
      %parallel_loop3A = arith.constant 0 : i32
      %parallel_loop3A_66 = arith.constant 256 : i32
      %parallel_loop3A_67 = arith.constant 1 : i32
      scf.for %parallel_loop3A_73 = %parallel_loop3A to %parallel_loop3A_66 step %parallel_loop3A_67  : i32 {
        %parallel_loop3A_74 = arith.constant 16 : i32
        %parallel_loop3A_75 = arith.muli %parallel_loop3A_73, %parallel_loop3A_74 : i32
        %parallel_loop3A_76 = arith.constant 7 : i32
        %parallel_loop3A_77 = arith.shrui %parallel_loop3A_75, %parallel_loop3A_76 : i32
        %parallel_loop3A_78 = arith.constant 1024 : i32
        %parallel_loop3A_79 = arith.muli %parallel_loop3A_77, %parallel_loop3A_78 : i32
        %parallel_loop3A_80 = arith.constant 127 : i32
        %parallel_loop3A_81 = arith.andi %parallel_loop3A_75, %parallel_loop3A_80 : i32
        %parallel_loop3A_82 = arith.addi %parallel_loop3A_79, %parallel_loop3A_81 : i32
        %parallel_loop3A_83 = vector.broadcast %parallel_loop3A_82 : i32 to vector<16xi32>
        %parallel_loop3A_84 = arith.addi %add3A_42, %parallel_loop3A_83 : vector<16xi32>
        %parallel_loop3A_85 = arith.constant 0 : i32
        %parallel_loop3A_86 = vector.broadcast %parallel_loop3A_85 : i32 to vector<16xi32>
        %parallel_loop3A_87 = arith.addi %parallel_loop3A_84, %parallel_loop3A_86 : vector<16xi32>
        %parallel_loop3A_88 = tpu.vector_load_idx %arg4[%parallel_loop3A_87] : memref<65536xf32, #tpu.memory_space<vmem>>[vector<16xi32>], vector<16xf32>,
        %parallel_loop3A_89 = arith.constant 0 : i32
        %parallel_loop3A_90 = arith.addi %parallel_loop3A_75, %parallel_loop3A_89 : i32
        %parallel_loop3A_91 = arith.index_cast %parallel_loop3A_90 : i32 to index
        %parallel_loop3A_92 = arith.constant 0 : index
        %parallel_loop3A_93 = tpu.vector_load %arg5[%parallel_loop3A_91, %parallel_loop3A_92] {strides = array<i32>} : memref<4096x16xf32, #tpu.memory_space<vmem>>, vector<16xf32>,
        tpu.vector_store %arg5[%parallel_loop3A_91, %parallel_loop3A_92], %parallel_loop3A_88 {strides = array<i32>} : memref<4096x16xf32, #tpu.memory_space<vmem>>, vector<16xf32>,
        %parallel_loop3A_94 = arith.constant 1 : i32
        %parallel_loop3A_95 = vector.broadcast %parallel_loop3A_94 : i32 to vector<16xi32>
        %parallel_loop3A_96 = arith.addi %parallel_loop3A_84, %parallel_loop3A_95 : vector<16xi32>
        %parallel_loop3A_97 = tpu.vector_load_idx %arg4[%parallel_loop3A_96] : memref<65536xf32, #tpu.memory_space<vmem>>[vector<16xi32>], vector<16xf32>,
        %parallel_loop3A_98 = arith.constant 1 : i32
        %parallel_loop3A_99 = arith.addi %parallel_loop3A_75, %parallel_loop3A_98 : i32
        %parallel_loop3A_100 = arith.index_cast %parallel_loop3A_99 : i32 to index
        %parallel_loop3A_101 = arith.constant 0 : index
        %parallel_loop3A_102 = tpu.vector_load %arg5[%parallel_loop3A_100, %parallel_loop3A_101] {strides = array<i32>} : memref<4096x16xf32, #tpu.memory_space<vmem>>, vector<16xf32>,
        tpu.vector_store %arg5[%parallel_loop3A_100, %parallel_loop3A_101], %parallel_loop3A_97 {strides = array<i32>} : memref<4096x16xf32, #tpu.memory_space<vmem>>, vector<16xf32>,
        %parallel_loop3A_103 = arith.constant 2 : i32
        %parallel_loop3A_104 = vector.broadcast %parallel_loop3A_103 : i32 to vector<16xi32>
        %parallel_loop3A_105 = arith.addi %parallel_loop3A_84, %parallel_loop3A_104 : vector<16xi32>
        %parallel_loop3A_106 = tpu.vector_load_idx %arg4[%parallel_loop3A_105] : memref<65536xf32, #tpu.memory_space<vmem>>[vector<16xi32>], vector<16xf32>,
        %parallel_loop3A_107 = arith.constant 2 : i32
        %parallel_loop3A_108 = arith.addi %parallel_loop3A_75, %parallel_loop3A_107 : i32
        %parallel_loop3A_109 = arith.index_cast %parallel_loop3A_108 : i32 to index
        %parallel_loop3A_110 = arith.constant 0 : index
        %parallel_loop3A_111 = tpu.vector_load %arg5[%parallel_loop3A_109, %parallel_loop3A_110] {strides = array<i32>} : memref<4096x16xf32, #tpu.memory_space<vmem>>, vector<16xf32>,
        tpu.vector_store %arg5[%parallel_loop3A_109, %parallel_loop3A_110], %parallel_loop3A_106 {strides = array<i32>} : memref<4096x16xf32, #tpu.memory_space<vmem>>, vector<16xf32>,
        %parallel_loop3A_112 = arith.constant 3 : i32
        %parallel_loop3A_113 = vector.broadcast %parallel_loop3A_112 : i32 to vector<16xi32>
        %parallel_loop3A_114 = arith.addi %parallel_loop3A_84, %parallel_loop3A_113 : vector<16xi32>
        %parallel_loop3A_115 = tpu.vector_load_idx %arg4[%parallel_loop3A_114] : memref<65536xf32, #tpu.memory_space<vmem>>[vector<16xi32>], vector<16xf32>,
        %parallel_loop3A_116 = arith.constant 3 : i32
        %parallel_loop3A_117 = arith.addi %parallel_loop3A_75, %parallel_loop3A_116 : i32
        %parallel_loop3A_118 = arith.index_cast %parallel_loop3A_117 : i32 to index
        %parallel_loop3A_119 = arith.constant 0 : index
        %parallel_loop3A_120 = tpu.vector_load %arg5[%parallel_loop3A_118, %parallel_loop3A_119] {strides = array<i32>} : memref<4096x16xf32, #tpu.memory_space<vmem>>, vector<16xf32>,
        tpu.vector_store %arg5[%parallel_loop3A_118, %parallel_loop3A_119], %parallel_loop3A_115 {strides = array<i32>} : memref<4096x16xf32, #tpu.memory_space<vmem>>, vector<16xf32>,
        %parallel_loop3A_121 = arith.constant 4 : i32
        %parallel_loop3A_122 = vector.broadcast %parallel_loop3A_121 : i32 to vector<16xi32>
        %parallel_loop3A_123 = arith.addi %parallel_loop3A_84, %parallel_loop3A_122 : vector<16xi32>
        %parallel_loop3A_124 = tpu.vector_load_idx %arg4[%parallel_loop3A_123] : memref<65536xf32, #tpu.memory_space<vmem>>[vector<16xi32>], vector<16xf32>,
        %parallel_loop3A_125 = arith.constant 4 : i32
        %parallel_loop3A_126 = arith.addi %parallel_loop3A_75, %parallel_loop3A_125 : i32
        %parallel_loop3A_127 = arith.index_cast %parallel_loop3A_126 : i32 to index
        %parallel_loop3A_128 = arith.constant 0 : index
        %parallel_loop3A_129 = tpu.vector_load %arg5[%parallel_loop3A_127, %parallel_loop3A_128] {strides = array<i32>} : memref<4096x16xf32, #tpu.memory_space<vmem>>, vector<16xf32>,
        tpu.vector_store %arg5[%parallel_loop3A_127, %parallel_loop3A_128], %parallel_loop3A_124 {strides = array<i32>} : memref<4096x16xf32, #tpu.memory_space<vmem>>, vector<16xf32>,
        %parallel_loop3A_130 = arith.constant 5 : i32
        %parallel_loop3A_131 = vector.broadcast %parallel_loop3A_130 : i32 to vector<16xi32>
        %parallel_loop3A_132 = arith.addi %parallel_loop3A_84, %parallel_loop3A_131 : vector<16xi32>
        %parallel_loop3A_133 = tpu.vector_load_idx %arg4[%parallel_loop3A_132] : memref<65536xf32, #tpu.memory_space<vmem>>[vector<16xi32>], vector<16xf32>,
        %parallel_loop3A_134 = arith.constant 5 : i32
        %parallel_loop3A_135 = arith.addi %parallel_loop3A_75, %parallel_loop3A_134 : i32
        %parallel_loop3A_136 = arith.index_cast %parallel_loop3A_135 : i32 to index
        %parallel_loop3A_137 = arith.constant 0 : index
        %parallel_loop3A_138 = tpu.vector_load %arg5[%parallel_loop3A_136, %parallel_loop3A_137] {strides = array<i32>} : memref<4096x16xf32, #tpu.memory_space<vmem>>, vector<16xf32>,
        tpu.vector_store %arg5[%parallel_loop3A_136, %parallel_loop3A_137], %parallel_loop3A_133 {strides = array<i32>} : memref<4096x16xf32, #tpu.memory_space<vmem>>, vector<16xf32>,
        %parallel_loop3A_139 = arith.constant 6 : i32
        %parallel_loop3A_140 = vector.broadcast %parallel_loop3A_139 : i32 to vector<16xi32>
        %parallel_loop3A_141 = arith.addi %parallel_loop3A_84, %parallel_loop3A_140 : vector<16xi32>
        %parallel_loop3A_142 = tpu.vector_load_idx %arg4[%parallel_loop3A_141] : memref<65536xf32, #tpu.memory_space<vmem>>[vector<16xi32>], vector<16xf32>,
        %parallel_loop3A_143 = arith.constant 6 : i32
        %parallel_loop3A_144 = arith.addi %parallel_loop3A_75, %parallel_loop3A_143 : i32
        %parallel_loop3A_145 = arith.index_cast %parallel_loop3A_144 : i32 to index
        %parallel_loop3A_146 = arith.constant 0 : index
        %parallel_loop3A_147 = tpu.vector_load %arg5[%parallel_loop3A_145, %parallel_loop3A_146] {strides = array<i32>} : memref<4096x16xf32, #tpu.memory_space<vmem>>, vector<16xf32>,
        tpu.vector_store %arg5[%parallel_loop3A_145, %parallel_loop3A_146], %parallel_loop3A_142 {strides = array<i32>} : memref<4096x16xf32, #tpu.memory_space<vmem>>, vector<16xf32>,
        %parallel_loop3A_148 = arith.constant 7 : i32
        %parallel_loop3A_149 = vector.broadcast %parallel_loop3A_148 : i32 to vector<16xi32>
        %parallel_loop3A_150 = arith.addi %parallel_loop3A_84, %parallel_loop3A_149 : vector<16xi32>
        %parallel_loop3A_151 = tpu.vector_load_idx %arg4[%parallel_loop3A_150] : memref<65536xf32, #tpu.memory_space<vmem>>[vector<16xi32>], vector<16xf32>,
        %parallel_loop3A_152 = arith.constant 7 : i32
        %parallel_loop3A_153 = arith.addi %parallel_loop3A_75, %parallel_loop3A_152 : i32
        %parallel_loop3A_154 = arith.index_cast %parallel_loop3A_153 : i32 to index
        %parallel_loop3A_155 = arith.constant 0 : index
        %parallel_loop3A_156 = tpu.vector_load %arg5[%parallel_loop3A_154, %parallel_loop3A_155] {strides = array<i32>} : memref<4096x16xf32, #tpu.memory_space<vmem>>, vector<16xf32>,
        tpu.vector_store %arg5[%parallel_loop3A_154, %parallel_loop3A_155], %parallel_loop3A_151 {strides = array<i32>} : memref<4096x16xf32, #tpu.memory_space<vmem>>, vector<16xf32>,
        %parallel_loop3A_157 = arith.constant 8 : i32
        %parallel_loop3A_158 = vector.broadcast %parallel_loop3A_157 : i32 to vector<16xi32>
        %parallel_loop3A_159 = arith.addi %parallel_loop3A_84, %parallel_loop3A_158 : vector<16xi32>
        %parallel_loop3A_160 = tpu.vector_load_idx %arg4[%parallel_loop3A_159] : memref<65536xf32, #tpu.memory_space<vmem>>[vector<16xi32>], vector<16xf32>,
        %parallel_loop3A_161 = arith.constant 8 : i32
        %parallel_loop3A_162 = arith.addi %parallel_loop3A_75, %parallel_loop3A_161 : i32
        %parallel_loop3A_163 = arith.index_cast %parallel_loop3A_162 : i32 to index
        %parallel_loop3A_164 = arith.constant 0 : index
        %parallel_loop3A_165 = tpu.vector_load %arg5[%parallel_loop3A_163, %parallel_loop3A_164] {strides = array<i32>} : memref<4096x16xf32, #tpu.memory_space<vmem>>, vector<16xf32>,
        tpu.vector_store %arg5[%parallel_loop3A_163, %parallel_loop3A_164], %parallel_loop3A_160 {strides = array<i32>} : memref<4096x16xf32, #tpu.memory_space<vmem>>, vector<16xf32>,
        %parallel_loop3A_166 = arith.constant 9 : i32
        %parallel_loop3A_167 = vector.broadcast %parallel_loop3A_166 : i32 to vector<16xi32>
        %parallel_loop3A_168 = arith.addi %parallel_loop3A_84, %parallel_loop3A_167 : vector<16xi32>
        %parallel_loop3A_169 = tpu.vector_load_idx %arg4[%parallel_loop3A_168] : memref<65536xf32, #tpu.memory_space<vmem>>[vector<16xi32>], vector<16xf32>,
        %parallel_loop3A_170 = arith.constant 9 : i32
        %parallel_loop3A_171 = arith.addi %parallel_loop3A_75, %parallel_loop3A_170 : i32
        %parallel_loop3A_172 = arith.index_cast %parallel_loop3A_171 : i32 to index
        %parallel_loop3A_173 = arith.constant 0 : index
        %parallel_loop3A_174 = tpu.vector_load %arg5[%parallel_loop3A_172, %parallel_loop3A_173] {strides = array<i32>} : memref<4096x16xf32, #tpu.memory_space<vmem>>, vector<16xf32>,
        tpu.vector_store %arg5[%parallel_loop3A_172, %parallel_loop3A_173], %parallel_loop3A_169 {strides = array<i32>} : memref<4096x16xf32, #tpu.memory_space<vmem>>, vector<16xf32>,
        %parallel_loop3A_175 = arith.constant 10 : i32
        %parallel_loop3A_176 = vector.broadcast %parallel_loop3A_175 : i32 to vector<16xi32>
        %parallel_loop3A_177 = arith.addi %parallel_loop3A_84, %parallel_loop3A_176 : vector<16xi32>
        %parallel_loop3A_178 = tpu.vector_load_idx %arg4[%parallel_loop3A_177] : memref<65536xf32, #tpu.memory_space<vmem>>[vector<16xi32>], vector<16xf32>,
        %parallel_loop3A_179 = arith.constant 10 : i32
        %parallel_loop3A_180 = arith.addi %parallel_loop3A_75, %parallel_loop3A_179 : i32
        %parallel_loop3A_181 = arith.index_cast %parallel_loop3A_180 : i32 to index
        %parallel_loop3A_182 = arith.constant 0 : index
        %parallel_loop3A_183 = tpu.vector_load %arg5[%parallel_loop3A_181, %parallel_loop3A_182] {strides = array<i32>} : memref<4096x16xf32, #tpu.memory_space<vmem>>, vector<16xf32>,
        tpu.vector_store %arg5[%parallel_loop3A_181, %parallel_loop3A_182], %parallel_loop3A_178 {strides = array<i32>} : memref<4096x16xf32, #tpu.memory_space<vmem>>, vector<16xf32>,
        %parallel_loop3A_184 = arith.constant 11 : i32
        %parallel_loop3A_185 = vector.broadcast %parallel_loop3A_184 : i32 to vector<16xi32>
        %parallel_loop3A_186 = arith.addi %parallel_loop3A_84, %parallel_loop3A_185 : vector<16xi32>
        %parallel_loop3A_187 = tpu.vector_load_idx %arg4[%parallel_loop3A_186] : memref<65536xf32, #tpu.memory_space<vmem>>[vector<16xi32>], vector<16xf32>,
        %parallel_loop3A_188 = arith.constant 11 : i32
        %parallel_loop3A_189 = arith.addi %parallel_loop3A_75, %parallel_loop3A_188 : i32
        %parallel_loop3A_190 = arith.index_cast %parallel_loop3A_189 : i32 to index
        %parallel_loop3A_191 = arith.constant 0 : index
        %parallel_loop3A_192 = tpu.vector_load %arg5[%parallel_loop3A_190, %parallel_loop3A_191] {strides = array<i32>} : memref<4096x16xf32, #tpu.memory_space<vmem>>, vector<16xf32>,
        tpu.vector_store %arg5[%parallel_loop3A_190, %parallel_loop3A_191], %parallel_loop3A_187 {strides = array<i32>} : memref<4096x16xf32, #tpu.memory_space<vmem>>, vector<16xf32>,
        %parallel_loop3A_193 = arith.constant 12 : i32
        %parallel_loop3A_194 = vector.broadcast %parallel_loop3A_193 : i32 to vector<16xi32>
        %parallel_loop3A_195 = arith.addi %parallel_loop3A_84, %parallel_loop3A_194 : vector<16xi32>
        %parallel_loop3A_196 = tpu.vector_load_idx %arg4[%parallel_loop3A_195] : memref<65536xf32, #tpu.memory_space<vmem>>[vector<16xi32>], vector<16xf32>,
        %parallel_loop3A_197 = arith.constant 12 : i32
        %parallel_loop3A_198 = arith.addi %parallel_loop3A_75, %parallel_loop3A_197 : i32
        %parallel_loop3A_199 = arith.index_cast %parallel_loop3A_198 : i32 to index
        %parallel_loop3A_200 = arith.constant 0 : index
        %parallel_loop3A_201 = tpu.vector_load %arg5[%parallel_loop3A_199, %parallel_loop3A_200] {strides = array<i32>} : memref<4096x16xf32, #tpu.memory_space<vmem>>, vector<16xf32>,
        tpu.vector_store %arg5[%parallel_loop3A_199, %parallel_loop3A_200], %parallel_loop3A_196 {strides = array<i32>} : memref<4096x16xf32, #tpu.memory_space<vmem>>, vector<16xf32>,
        %parallel_loop3A_202 = arith.constant 13 : i32
        %parallel_loop3A_203 = vector.broadcast %parallel_loop3A_202 : i32 to vector<16xi32>
        %parallel_loop3A_204 = arith.addi %parallel_loop3A_84, %parallel_loop3A_203 : vector<16xi32>
        %parallel_loop3A_205 = tpu.vector_load_idx %arg4[%parallel_loop3A_204] : memref<65536xf32, #tpu.memory_space<vmem>>[vector<16xi32>], vector<16xf32>,
        %parallel_loop3A_206 = arith.constant 13 : i32
        %parallel_loop3A_207 = arith.addi %parallel_loop3A_75, %parallel_loop3A_206 : i32
        %parallel_loop3A_208 = arith.index_cast %parallel_loop3A_207 : i32 to index
        %parallel_loop3A_209 = arith.constant 0 : index
        %parallel_loop3A_210 = tpu.vector_load %arg5[%parallel_loop3A_208, %parallel_loop3A_209] {strides = array<i32>} : memref<4096x16xf32, #tpu.memory_space<vmem>>, vector<16xf32>,
        tpu.vector_store %arg5[%parallel_loop3A_208, %parallel_loop3A_209], %parallel_loop3A_205 {strides = array<i32>} : memref<4096x16xf32, #tpu.memory_space<vmem>>, vector<16xf32>,
        %parallel_loop3A_211 = arith.constant 14 : i32
        %parallel_loop3A_212 = vector.broadcast %parallel_loop3A_211 : i32 to vector<16xi32>
        %parallel_loop3A_213 = arith.addi %parallel_loop3A_84, %parallel_loop3A_212 : vector<16xi32>
        %parallel_loop3A_214 = tpu.vector_load_idx %arg4[%parallel_loop3A_213] : memref<65536xf32, #tpu.memory_space<vmem>>[vector<16xi32>], vector<16xf32>,
        %parallel_loop3A_215 = arith.constant 14 : i32
        %parallel_loop3A_216 = arith.addi %parallel_loop3A_75, %parallel_loop3A_215 : i32
        %parallel_loop3A_217 = arith.index_cast %parallel_loop3A_216 : i32 to index
        %parallel_loop3A_218 = arith.constant 0 : index
        %parallel_loop3A_219 = tpu.vector_load %arg5[%parallel_loop3A_217, %parallel_loop3A_218] {strides = array<i32>} : memref<4096x16xf32, #tpu.memory_space<vmem>>, vector<16xf32>,
        tpu.vector_store %arg5[%parallel_loop3A_217, %parallel_loop3A_218], %parallel_loop3A_214 {strides = array<i32>} : memref<4096x16xf32, #tpu.memory_space<vmem>>, vector<16xf32>,
        %parallel_loop3A_220 = arith.constant 15 : i32
        %parallel_loop3A_221 = vector.broadcast %parallel_loop3A_220 : i32 to vector<16xi32>
        %parallel_loop3A_222 = arith.addi %parallel_loop3A_84, %parallel_loop3A_221 : vector<16xi32>
        %parallel_loop3A_223 = tpu.vector_load_idx %arg4[%parallel_loop3A_222] : memref<65536xf32, #tpu.memory_space<vmem>>[vector<16xi32>], vector<16xf32>,
        %parallel_loop3A_224 = arith.constant 15 : i32
        %parallel_loop3A_225 = arith.addi %parallel_loop3A_75, %parallel_loop3A_224 : i32
        %parallel_loop3A_226 = arith.index_cast %parallel_loop3A_225 : i32 to index
        %parallel_loop3A_227 = arith.constant 0 : index
        %parallel_loop3A_228 = tpu.vector_load %arg5[%parallel_loop3A_226, %parallel_loop3A_227] {strides = array<i32>} : memref<4096x16xf32, #tpu.memory_space<vmem>>, vector<16xf32>,
        tpu.vector_store %arg5[%parallel_loop3A_226, %parallel_loop3A_227], %parallel_loop3A_223 {strides = array<i32>} : memref<4096x16xf32, #tpu.memory_space<vmem>>, vector<16xf32>,
      } {sc.loop_unroll_factor = 2 : i64, sc.parallel_access}
      %mul3A_68 = arith.constant 16384 : i32
      %mul3A_69 = arith.muli %select_n3A_30, %mul3A_68 : i32
      %mul3A_70 = arith.constant 4096 : i32
      %mul3A_71 = arith.muli %scan3A_48, %mul3A_70 : i32
      %add3A_72 = arith.addi %mul3A_69, %mul3A_71 : i32
      "tpu.region"() ({
        %run_scoped3A = tpu.sem_alloc : memref<!tpu.dma_semaphore, #tpu.memory_space<semaphore_mem>>
        %dma_start3A = arith.constant 0 : i32
        %dma_start3A_73 = tpu.memref_slice %arg3[%select_n3A, %add3A_72, %dma_start3A] : memref<8x65536x16xf32, #tpu.memory_space<hbm>> -> memref<1x4096x16xf32, #tpu.memory_space<hbm>>
        %dma_start3A_74 = tpu.memref_squeeze %dma_start3A_73 : memref<1x4096x16xf32, #tpu.memory_space<hbm>> -> memref<4096x16xf32, #tpu.memory_space<hbm>>
        %dma_start3A_75 = arith.constant 0 : i32
        %dma_start3A_76 = tpu.memref_slice %arg3[%select_n3A, %add3A_72, %dma_start3A_75] : memref<8x65536x16xf32, #tpu.memory_space<hbm>> -> memref<1x4096x16xf32, #tpu.memory_space<hbm>>
        %dma_start3A_77 = tpu.memref_squeeze %dma_start3A_76 : memref<1x4096x16xf32, #tpu.memory_space<hbm>> -> memref<4096x16xf32, #tpu.memory_space<hbm>>
        tpu.enqueue_dma source(%arg5 : memref<4096x16xf32, #tpu.memory_space<vmem>>) target(%dma_start3A_77 : memref<4096x16xf32, #tpu.memory_space<hbm>>) target_semaphore(%run_scoped3A : memref<!tpu.dma_semaphore, #tpu.memory_space<semaphore_mem>>)
        %dma_wait3A = arith.constant 0 : i32
        %dma_wait3A_78 = tpu.memref_slice %arg3[%select_n3A, %add3A_72, %dma_wait3A] : memref<8x65536x16xf32, #tpu.memory_space<hbm>> -> memref<1x4096x16xf32, #tpu.memory_space<hbm>>
        %dma_wait3A_79 = tpu.memref_squeeze %dma_wait3A_78 : memref<1x4096x16xf32, #tpu.memory_space<hbm>> -> memref<4096x16xf32, #tpu.memory_space<hbm>>
        %dma_wait3A_80 = arith.constant 0 : i32
        %dma_wait3A_81 = tpu.memref_slice %arg3[%select_n3A, %add3A_72, %dma_wait3A_80] : memref<8x65536x16xf32, #tpu.memory_space<hbm>> -> memref<1x4096x16xf32, #tpu.memory_space<hbm>>
        %dma_wait3A_82 = tpu.memref_squeeze %dma_wait3A_81 : memref<1x4096x16xf32, #tpu.memory_space<hbm>> -> memref<4096x16xf32, #tpu.memory_space<hbm>>
        tpu.wait_dma2 semaphore(%run_scoped3A : memref<!tpu.dma_semaphore, #tpu.memory_space<semaphore_mem>>) src(%arg5 : memref<4096x16xf32, #tpu.memory_space<vmem>>) dst(%dma_wait3A_82 : memref<4096x16xf32, #tpu.memory_space<hbm>>)
        tpu.yield
      }) : () -> ()
    }
    %scan3A_47 = arith.constant 4 : i32
    return
  }
}

#map = affine_map<(d0, d1) -> (0, 0, 0)>
#map1 = affine_map<(d0, d1) -> (0, 0)>
module attributes {stable_mosaic.version = 14 : i64} {
  func.func @sc_embedding_gather(%arg0: i32, %arg1: i32, %arg2: memref<8x65536x16xf32, #tpu.memory_space<hbm>>, %arg3: memref<8x32768xi32, #tpu.memory_space<hbm>>, %arg4: memref<32768x128xf32, #tpu.memory_space<hbm>>, %arg5: memref<8x512xi32, #tpu.memory_space<vmem>>, %arg6: memref<4096x16xf32, #tpu.memory_space<vmem>>, %arg7: memref<!tpu.dma_semaphore, #tpu.memory_space<semaphore_mem>>) attributes {dimension_semantics = [#tpu.dimension_semantics<core_parallel>, #tpu.dimension_semantics<subcore_parallel>], iteration_bounds = array<i64: 2, 16>, scalar_prefetch = 0 : i64, scratch_operands = 3 : i64, tpu.core_type = #tpu.core_type<sc_vector_subcore>, window_params = [{transform_indices = #map}, {transform_indices = #map1}, {transform_indices = #map1}]} {
    %mul3A = arith.constant 2 : i32
    %mul3A_0 = arith.muli %arg1, %mul3A : i32
    %add3A = arith.addi %mul3A_0, %arg0 : i32
    %scan3A = arith.constant 0 : i32
    %scan3A_1 = arith.constant 0 : i32
    %scan3A_2 = arith.constant 2 : i32
    %scan3A_3 = arith.addi %scan3A_1, %scan3A_2 : i32
    %scan3A_4 = arith.constant 1 : i32
    scf.for %scan3A_6 = %scan3A_1 to %scan3A_3 step %scan3A_4  : i32 {
      %mul3A_7 = arith.constant 1024 : i32
      %mul3A_8 = arith.muli %add3A, %mul3A_7 : i32
      %mul3A_9 = arith.constant 512 : i32
      %mul3A_10 = arith.muli %scan3A_6, %mul3A_9 : i32
      %add3A_11 = arith.addi %mul3A_8, %mul3A_10 : i32
      "tpu.region"() ({
        %run_scoped3A = tpu.sem_alloc : memref<!tpu.dma_semaphore, #tpu.memory_space<semaphore_mem>>
        %dma_start3A_970 = arith.constant 0 : i32
        %dma_start3A_971 = tpu.memref_slice %arg3[%dma_start3A_970, %add3A_11] : memref<8x32768xi32, #tpu.memory_space<hbm>> -> memref<8x512xi32, #tpu.memory_space<hbm>>
        %dma_start3A_972 = arith.constant 0 : i32
        %dma_start3A_973 = tpu.memref_slice %arg3[%dma_start3A_972, %add3A_11] : memref<8x32768xi32, #tpu.memory_space<hbm>> -> memref<8x512xi32, #tpu.memory_space<hbm>>
        tpu.enqueue_dma source(%dma_start3A_973 : memref<8x512xi32, #tpu.memory_space<hbm>>) target(%arg5 : memref<8x512xi32, #tpu.memory_space<vmem>>) target_semaphore(%run_scoped3A : memref<!tpu.dma_semaphore, #tpu.memory_space<semaphore_mem>>)
        %dma_wait3A_974 = arith.constant 0 : i32
        %dma_wait3A_975 = tpu.memref_slice %arg3[%dma_wait3A_974, %add3A_11] : memref<8x32768xi32, #tpu.memory_space<hbm>> -> memref<8x512xi32, #tpu.memory_space<hbm>>
        %dma_wait3A_976 = arith.constant 0 : i32
        %dma_wait3A_977 = tpu.memref_slice %arg3[%dma_wait3A_976, %add3A_11] : memref<8x32768xi32, #tpu.memory_space<hbm>> -> memref<8x512xi32, #tpu.memory_space<hbm>>
        tpu.wait_dma2 semaphore(%run_scoped3A : memref<!tpu.dma_semaphore, #tpu.memory_space<semaphore_mem>>) src(%dma_wait3A_977 : memref<8x512xi32, #tpu.memory_space<hbm>>) dst(%arg5 : memref<8x512xi32, #tpu.memory_space<vmem>>)
        tpu.yield
      }) : () -> ()
      %dma_start3A = arith.constant 0 : i32
      %dma_start3A_12 = arith.constant 0 : i32
      %dma_start3A_13 = arith.constant 0 : i32
      %dma_start3A_14 = arith.constant 0 : i32
      %dma_start3A_15 = tpu.memref_slice %arg6[%dma_start3A_13, %dma_start3A_14] : memref<4096x16xf32, #tpu.memory_space<vmem>> -> memref<128x16xf32, #tpu.memory_space<vmem>>
      %dma_start3A_16 = arith.constant 0 : i32
      %dma_start3A_17 = tpu.memref_slice %arg5[%dma_start3A_12, %dma_start3A_16] : memref<8x512xi32, #tpu.memory_space<vmem>> -> memref<1x128xi32, #tpu.memory_space<vmem>>
      %dma_start3A_18 = tpu.memref_squeeze %dma_start3A_17 : memref<1x128xi32, #tpu.memory_space<vmem>> -> memref<128xi32, #tpu.memory_space<vmem>>
      %dma_start3A_19 = arith.constant 0 : i32
      %dma_start3A_20 = arith.constant 0 : i32
      %dma_start3A_21 = tpu.memref_slice %arg2[%dma_start3A, %dma_start3A_19, %dma_start3A_20] : memref<8x65536x16xf32, #tpu.memory_space<hbm>> -> memref<1x65536x16xf32, #tpu.memory_space<hbm>>
      %dma_start3A_22 = tpu.memref_squeeze %dma_start3A_21 : memref<1x65536x16xf32, #tpu.memory_space<hbm>> -> memref<65536x16xf32, #tpu.memory_space<hbm>>
      %dma_start3A_23 = arith.constant 0 : i32
      %dma_start3A_24 = arith.constant 0 : i32
      %dma_start3A_25 = tpu.memref_slice %dma_start3A_22[%dma_start3A_23, %dma_start3A_24] : memref<65536x16xf32, #tpu.memory_space<hbm>> -> memref<65536x16xf32, #tpu.memory_space<hbm>>
      tpu.enqueue_indirect_dma source(%dma_start3A_25 : memref<65536x16xf32, #tpu.memory_space<hbm>>) target(%dma_start3A_15 : memref<128x16xf32, #tpu.memory_space<vmem>>) offsets(%dma_start3A_18 : memref<128xi32, #tpu.memory_space<vmem>>) semaphore(%arg7 : memref<!tpu.dma_semaphore, #tpu.memory_space<semaphore_mem>>)
      %dma_start3A_26 = arith.constant 0 : i32
      %dma_start3A_27 = arith.constant 0 : i32
      %dma_start3A_28 = arith.constant 128 : i32
      %dma_start3A_29 = arith.constant 0 : i32
      %dma_start3A_30 = tpu.memref_slice %arg6[%dma_start3A_28, %dma_start3A_29] : memref<4096x16xf32, #tpu.memory_space<vmem>> -> memref<128x16xf32, #tpu.memory_space<vmem>>
      %dma_start3A_31 = arith.constant 128 : i32
      %dma_start3A_32 = tpu.memref_slice %arg5[%dma_start3A_27, %dma_start3A_31] : memref<8x512xi32, #tpu.memory_space<vmem>> -> memref<1x128xi32, #tpu.memory_space<vmem>>
      %dma_start3A_33 = tpu.memref_squeeze %dma_start3A_32 : memref<1x128xi32, #tpu.memory_space<vmem>> -> memref<128xi32, #tpu.memory_space<vmem>>
      %dma_start3A_34 = arith.constant 0 : i32
      %dma_start3A_35 = arith.constant 0 : i32
      %dma_start3A_36 = tpu.memref_slice %arg2[%dma_start3A_26, %dma_start3A_34, %dma_start3A_35] : memref<8x65536x16xf32, #tpu.memory_space<hbm>> -> memref<1x65536x16xf32, #tpu.memory_space<hbm>>
      %dma_start3A_37 = tpu.memref_squeeze %dma_start3A_36 : memref<1x65536x16xf32, #tpu.memory_space<hbm>> -> memref<65536x16xf32, #tpu.memory_space<hbm>>
      %dma_start3A_38 = arith.constant 0 : i32
      %dma_start3A_39 = arith.constant 0 : i32
      %dma_start3A_40 = tpu.memref_slice %dma_start3A_37[%dma_start3A_38, %dma_start3A_39] : memref<65536x16xf32, #tpu.memory_space<hbm>> -> memref<65536x16xf32, #tpu.memory_space<hbm>>
      tpu.enqueue_indirect_dma source(%dma_start3A_40 : memref<65536x16xf32, #tpu.memory_space<hbm>>) target(%dma_start3A_30 : memref<128x16xf32, #tpu.memory_space<vmem>>) offsets(%dma_start3A_33 : memref<128xi32, #tpu.memory_space<vmem>>) semaphore(%arg7 : memref<!tpu.dma_semaphore, #tpu.memory_space<semaphore_mem>>)
      %dma_start3A_41 = arith.constant 0 : i32
      %dma_start3A_42 = arith.constant 0 : i32
      %dma_start3A_43 = arith.constant 256 : i32
      %dma_start3A_44 = arith.constant 0 : i32
      %dma_start3A_45 = tpu.memref_slice %arg6[%dma_start3A_43, %dma_start3A_44] : memref<4096x16xf32, #tpu.memory_space<vmem>> -> memref<128x16xf32, #tpu.memory_space<vmem>>
      %dma_start3A_46 = arith.constant 256 : i32
      %dma_start3A_47 = tpu.memref_slice %arg5[%dma_start3A_42, %dma_start3A_46] : memref<8x512xi32, #tpu.memory_space<vmem>> -> memref<1x128xi32, #tpu.memory_space<vmem>>
      %dma_start3A_48 = tpu.memref_squeeze %dma_start3A_47 : memref<1x128xi32, #tpu.memory_space<vmem>> -> memref<128xi32, #tpu.memory_space<vmem>>
      %dma_start3A_49 = arith.constant 0 : i32
      %dma_start3A_50 = arith.constant 0 : i32
      %dma_start3A_51 = tpu.memref_slice %arg2[%dma_start3A_41, %dma_start3A_49, %dma_start3A_50] : memref<8x65536x16xf32, #tpu.memory_space<hbm>> -> memref<1x65536x16xf32, #tpu.memory_space<hbm>>
      %dma_start3A_52 = tpu.memref_squeeze %dma_start3A_51 : memref<1x65536x16xf32, #tpu.memory_space<hbm>> -> memref<65536x16xf32, #tpu.memory_space<hbm>>
      %dma_start3A_53 = arith.constant 0 : i32
      %dma_start3A_54 = arith.constant 0 : i32
      %dma_start3A_55 = tpu.memref_slice %dma_start3A_52[%dma_start3A_53, %dma_start3A_54] : memref<65536x16xf32, #tpu.memory_space<hbm>> -> memref<65536x16xf32, #tpu.memory_space<hbm>>
      tpu.enqueue_indirect_dma source(%dma_start3A_55 : memref<65536x16xf32, #tpu.memory_space<hbm>>) target(%dma_start3A_45 : memref<128x16xf32, #tpu.memory_space<vmem>>) offsets(%dma_start3A_48 : memref<128xi32, #tpu.memory_space<vmem>>) semaphore(%arg7 : memref<!tpu.dma_semaphore, #tpu.memory_space<semaphore_mem>>)
      %dma_start3A_56 = arith.constant 0 : i32
      %dma_start3A_57 = arith.constant 0 : i32
      %dma_start3A_58 = arith.constant 384 : i32
      %dma_start3A_59 = arith.constant 0 : i32
      %dma_start3A_60 = tpu.memref_slice %arg6[%dma_start3A_58, %dma_start3A_59] : memref<4096x16xf32, #tpu.memory_space<vmem>> -> memref<128x16xf32, #tpu.memory_space<vmem>>
      %dma_start3A_61 = arith.constant 384 : i32
      %dma_start3A_62 = tpu.memref_slice %arg5[%dma_start3A_57, %dma_start3A_61] : memref<8x512xi32, #tpu.memory_space<vmem>> -> memref<1x128xi32, #tpu.memory_space<vmem>>
      %dma_start3A_63 = tpu.memref_squeeze %dma_start3A_62 : memref<1x128xi32, #tpu.memory_space<vmem>> -> memref<128xi32, #tpu.memory_space<vmem>>
      %dma_start3A_64 = arith.constant 0 : i32
      %dma_start3A_65 = arith.constant 0 : i32
      %dma_start3A_66 = tpu.memref_slice %arg2[%dma_start3A_56, %dma_start3A_64, %dma_start3A_65] : memref<8x65536x16xf32, #tpu.memory_space<hbm>> -> memref<1x65536x16xf32, #tpu.memory_space<hbm>>
      %dma_start3A_67 = tpu.memref_squeeze %dma_start3A_66 : memref<1x65536x16xf32, #tpu.memory_space<hbm>> -> memref<65536x16xf32, #tpu.memory_space<hbm>>
      %dma_start3A_68 = arith.constant 0 : i32
      %dma_start3A_69 = arith.constant 0 : i32
      %dma_start3A_70 = tpu.memref_slice %dma_start3A_67[%dma_start3A_68, %dma_start3A_69] : memref<65536x16xf32, #tpu.memory_space<hbm>> -> memref<65536x16xf32, #tpu.memory_space<hbm>>
      tpu.enqueue_indirect_dma source(%dma_start3A_70 : memref<65536x16xf32, #tpu.memory_space<hbm>>) target(%dma_start3A_60 : memref<128x16xf32, #tpu.memory_space<vmem>>) offsets(%dma_start3A_63 : memref<128xi32, #tpu.memory_space<vmem>>) semaphore(%arg7 : memref<!tpu.dma_semaphore, #tpu.memory_space<semaphore_mem>>)
      %dma_start3A_71 = arith.constant 1 : i32
      %dma_start3A_72 = arith.constant 1 : i32
      %dma_start3A_73 = arith.constant 512 : i32
      %dma_start3A_74 = arith.constant 0 : i32
      %dma_start3A_75 = tpu.memref_slice %arg6[%dma_start3A_73, %dma_start3A_74] : memref<4096x16xf32, #tpu.memory_space<vmem>> -> memref<128x16xf32, #tpu.memory_space<vmem>>
      %dma_start3A_76 = arith.constant 0 : i32
      %dma_start3A_77 = tpu.memref_slice %arg5[%dma_start3A_72, %dma_start3A_76] : memref<8x512xi32, #tpu.memory_space<vmem>> -> memref<1x128xi32, #tpu.memory_space<vmem>>
      %dma_start3A_78 = tpu.memref_squeeze %dma_start3A_77 : memref<1x128xi32, #tpu.memory_space<vmem>> -> memref<128xi32, #tpu.memory_space<vmem>>
      %dma_start3A_79 = arith.constant 0 : i32
      %dma_start3A_80 = arith.constant 0 : i32
      %dma_start3A_81 = tpu.memref_slice %arg2[%dma_start3A_71, %dma_start3A_79, %dma_start3A_80] : memref<8x65536x16xf32, #tpu.memory_space<hbm>> -> memref<1x65536x16xf32, #tpu.memory_space<hbm>>
      %dma_start3A_82 = tpu.memref_squeeze %dma_start3A_81 : memref<1x65536x16xf32, #tpu.memory_space<hbm>> -> memref<65536x16xf32, #tpu.memory_space<hbm>>
      %dma_start3A_83 = arith.constant 0 : i32
      %dma_start3A_84 = arith.constant 0 : i32
      %dma_start3A_85 = tpu.memref_slice %dma_start3A_82[%dma_start3A_83, %dma_start3A_84] : memref<65536x16xf32, #tpu.memory_space<hbm>> -> memref<65536x16xf32, #tpu.memory_space<hbm>>
      tpu.enqueue_indirect_dma source(%dma_start3A_85 : memref<65536x16xf32, #tpu.memory_space<hbm>>) target(%dma_start3A_75 : memref<128x16xf32, #tpu.memory_space<vmem>>) offsets(%dma_start3A_78 : memref<128xi32, #tpu.memory_space<vmem>>) semaphore(%arg7 : memref<!tpu.dma_semaphore, #tpu.memory_space<semaphore_mem>>)
      %dma_start3A_86 = arith.constant 1 : i32
      %dma_start3A_87 = arith.constant 1 : i32
      %dma_start3A_88 = arith.constant 640 : i32
      %dma_start3A_89 = arith.constant 0 : i32
      %dma_start3A_90 = tpu.memref_slice %arg6[%dma_start3A_88, %dma_start3A_89] : memref<4096x16xf32, #tpu.memory_space<vmem>> -> memref<128x16xf32, #tpu.memory_space<vmem>>
      %dma_start3A_91 = arith.constant 128 : i32
      %dma_start3A_92 = tpu.memref_slice %arg5[%dma_start3A_87, %dma_start3A_91] : memref<8x512xi32, #tpu.memory_space<vmem>> -> memref<1x128xi32, #tpu.memory_space<vmem>>
      %dma_start3A_93 = tpu.memref_squeeze %dma_start3A_92 : memref<1x128xi32, #tpu.memory_space<vmem>> -> memref<128xi32, #tpu.memory_space<vmem>>
      %dma_start3A_94 = arith.constant 0 : i32
      %dma_start3A_95 = arith.constant 0 : i32
      %dma_start3A_96 = tpu.memref_slice %arg2[%dma_start3A_86, %dma_start3A_94, %dma_start3A_95] : memref<8x65536x16xf32, #tpu.memory_space<hbm>> -> memref<1x65536x16xf32, #tpu.memory_space<hbm>>
      %dma_start3A_97 = tpu.memref_squeeze %dma_start3A_96 : memref<1x65536x16xf32, #tpu.memory_space<hbm>> -> memref<65536x16xf32, #tpu.memory_space<hbm>>
      %dma_start3A_98 = arith.constant 0 : i32
      %dma_start3A_99 = arith.constant 0 : i32
      %dma_start3A_100 = tpu.memref_slice %dma_start3A_97[%dma_start3A_98, %dma_start3A_99] : memref<65536x16xf32, #tpu.memory_space<hbm>> -> memref<65536x16xf32, #tpu.memory_space<hbm>>
      tpu.enqueue_indirect_dma source(%dma_start3A_100 : memref<65536x16xf32, #tpu.memory_space<hbm>>) target(%dma_start3A_90 : memref<128x16xf32, #tpu.memory_space<vmem>>) offsets(%dma_start3A_93 : memref<128xi32, #tpu.memory_space<vmem>>) semaphore(%arg7 : memref<!tpu.dma_semaphore, #tpu.memory_space<semaphore_mem>>)
      %dma_start3A_101 = arith.constant 1 : i32
      %dma_start3A_102 = arith.constant 1 : i32
      %dma_start3A_103 = arith.constant 768 : i32
      %dma_start3A_104 = arith.constant 0 : i32
      %dma_start3A_105 = tpu.memref_slice %arg6[%dma_start3A_103, %dma_start3A_104] : memref<4096x16xf32, #tpu.memory_space<vmem>> -> memref<128x16xf32, #tpu.memory_space<vmem>>
      %dma_start3A_106 = arith.constant 256 : i32
      %dma_start3A_107 = tpu.memref_slice %arg5[%dma_start3A_102, %dma_start3A_106] : memref<8x512xi32, #tpu.memory_space<vmem>> -> memref<1x128xi32, #tpu.memory_space<vmem>>
      %dma_start3A_108 = tpu.memref_squeeze %dma_start3A_107 : memref<1x128xi32, #tpu.memory_space<vmem>> -> memref<128xi32, #tpu.memory_space<vmem>>
      %dma_start3A_109 = arith.constant 0 : i32
      %dma_start3A_110 = arith.constant 0 : i32
      %dma_start3A_111 = tpu.memref_slice %arg2[%dma_start3A_101, %dma_start3A_109, %dma_start3A_110] : memref<8x65536x16xf32, #tpu.memory_space<hbm>> -> memref<1x65536x16xf32, #tpu.memory_space<hbm>>
      %dma_start3A_112 = tpu.memref_squeeze %dma_start3A_111 : memref<1x65536x16xf32, #tpu.memory_space<hbm>> -> memref<65536x16xf32, #tpu.memory_space<hbm>>
      %dma_start3A_113 = arith.constant 0 : i32
      %dma_start3A_114 = arith.constant 0 : i32
      %dma_start3A_115 = tpu.memref_slice %dma_start3A_112[%dma_start3A_113, %dma_start3A_114] : memref<65536x16xf32, #tpu.memory_space<hbm>> -> memref<65536x16xf32, #tpu.memory_space<hbm>>
      tpu.enqueue_indirect_dma source(%dma_start3A_115 : memref<65536x16xf32, #tpu.memory_space<hbm>>) target(%dma_start3A_105 : memref<128x16xf32, #tpu.memory_space<vmem>>) offsets(%dma_start3A_108 : memref<128xi32, #tpu.memory_space<vmem>>) semaphore(%arg7 : memref<!tpu.dma_semaphore, #tpu.memory_space<semaphore_mem>>)
      %dma_start3A_116 = arith.constant 1 : i32
      %dma_start3A_117 = arith.constant 1 : i32
      %dma_start3A_118 = arith.constant 896 : i32
      %dma_start3A_119 = arith.constant 0 : i32
      %dma_start3A_120 = tpu.memref_slice %arg6[%dma_start3A_118, %dma_start3A_119] : memref<4096x16xf32, #tpu.memory_space<vmem>> -> memref<128x16xf32, #tpu.memory_space<vmem>>
      %dma_start3A_121 = arith.constant 384 : i32
      %dma_start3A_122 = tpu.memref_slice %arg5[%dma_start3A_117, %dma_start3A_121] : memref<8x512xi32, #tpu.memory_space<vmem>> -> memref<1x128xi32, #tpu.memory_space<vmem>>
      %dma_start3A_123 = tpu.memref_squeeze %dma_start3A_122 : memref<1x128xi32, #tpu.memory_space<vmem>> -> memref<128xi32, #tpu.memory_space<vmem>>
      %dma_start3A_124 = arith.constant 0 : i32
      %dma_start3A_125 = arith.constant 0 : i32
      %dma_start3A_126 = tpu.memref_slice %arg2[%dma_start3A_116, %dma_start3A_124, %dma_start3A_125] : memref<8x65536x16xf32, #tpu.memory_space<hbm>> -> memref<1x65536x16xf32, #tpu.memory_space<hbm>>
      %dma_start3A_127 = tpu.memref_squeeze %dma_start3A_126 : memref<1x65536x16xf32, #tpu.memory_space<hbm>> -> memref<65536x16xf32, #tpu.memory_space<hbm>>
      %dma_start3A_128 = arith.constant 0 : i32
      %dma_start3A_129 = arith.constant 0 : i32
      %dma_start3A_130 = tpu.memref_slice %dma_start3A_127[%dma_start3A_128, %dma_start3A_129] : memref<65536x16xf32, #tpu.memory_space<hbm>> -> memref<65536x16xf32, #tpu.memory_space<hbm>>
      tpu.enqueue_indirect_dma source(%dma_start3A_130 : memref<65536x16xf32, #tpu.memory_space<hbm>>) target(%dma_start3A_120 : memref<128x16xf32, #tpu.memory_space<vmem>>) offsets(%dma_start3A_123 : memref<128xi32, #tpu.memory_space<vmem>>) semaphore(%arg7 : memref<!tpu.dma_semaphore, #tpu.memory_space<semaphore_mem>>)
      %dma_start3A_131 = arith.constant 2 : i32
      %dma_start3A_132 = arith.constant 2 : i32
      %dma_start3A_133 = arith.constant 1024 : i32
      %dma_start3A_134 = arith.constant 0 : i32
      %dma_start3A_135 = tpu.memref_slice %arg6[%dma_start3A_133, %dma_start3A_134] : memref<4096x16xf32, #tpu.memory_space<vmem>> -> memref<128x16xf32, #tpu.memory_space<vmem>>
      %dma_start3A_136 = arith.constant 0 : i32
      %dma_start3A_137 = tpu.memref_slice %arg5[%dma_start3A_132, %dma_start3A_136] : memref<8x512xi32, #tpu.memory_space<vmem>> -> memref<1x128xi32, #tpu.memory_space<vmem>>
      %dma_start3A_138 = tpu.memref_squeeze %dma_start3A_137 : memref<1x128xi32, #tpu.memory_space<vmem>> -> memref<128xi32, #tpu.memory_space<vmem>>
      %dma_start3A_139 = arith.constant 0 : i32
      %dma_start3A_140 = arith.constant 0 : i32
      %dma_start3A_141 = tpu.memref_slice %arg2[%dma_start3A_131, %dma_start3A_139, %dma_start3A_140] : memref<8x65536x16xf32, #tpu.memory_space<hbm>> -> memref<1x65536x16xf32, #tpu.memory_space<hbm>>
      %dma_start3A_142 = tpu.memref_squeeze %dma_start3A_141 : memref<1x65536x16xf32, #tpu.memory_space<hbm>> -> memref<65536x16xf32, #tpu.memory_space<hbm>>
      %dma_start3A_143 = arith.constant 0 : i32
      %dma_start3A_144 = arith.constant 0 : i32
      %dma_start3A_145 = tpu.memref_slice %dma_start3A_142[%dma_start3A_143, %dma_start3A_144] : memref<65536x16xf32, #tpu.memory_space<hbm>> -> memref<65536x16xf32, #tpu.memory_space<hbm>>
      tpu.enqueue_indirect_dma source(%dma_start3A_145 : memref<65536x16xf32, #tpu.memory_space<hbm>>) target(%dma_start3A_135 : memref<128x16xf32, #tpu.memory_space<vmem>>) offsets(%dma_start3A_138 : memref<128xi32, #tpu.memory_space<vmem>>) semaphore(%arg7 : memref<!tpu.dma_semaphore, #tpu.memory_space<semaphore_mem>>)
      %dma_start3A_146 = arith.constant 2 : i32
      %dma_start3A_147 = arith.constant 2 : i32
      %dma_start3A_148 = arith.constant 1152 : i32
      %dma_start3A_149 = arith.constant 0 : i32
      %dma_start3A_150 = tpu.memref_slice %arg6[%dma_start3A_148, %dma_start3A_149] : memref<4096x16xf32, #tpu.memory_space<vmem>> -> memref<128x16xf32, #tpu.memory_space<vmem>>
      %dma_start3A_151 = arith.constant 128 : i32
      %dma_start3A_152 = tpu.memref_slice %arg5[%dma_start3A_147, %dma_start3A_151] : memref<8x512xi32, #tpu.memory_space<vmem>> -> memref<1x128xi32, #tpu.memory_space<vmem>>
      %dma_start3A_153 = tpu.memref_squeeze %dma_start3A_152 : memref<1x128xi32, #tpu.memory_space<vmem>> -> memref<128xi32, #tpu.memory_space<vmem>>
      %dma_start3A_154 = arith.constant 0 : i32
      %dma_start3A_155 = arith.constant 0 : i32
      %dma_start3A_156 = tpu.memref_slice %arg2[%dma_start3A_146, %dma_start3A_154, %dma_start3A_155] : memref<8x65536x16xf32, #tpu.memory_space<hbm>> -> memref<1x65536x16xf32, #tpu.memory_space<hbm>>
      %dma_start3A_157 = tpu.memref_squeeze %dma_start3A_156 : memref<1x65536x16xf32, #tpu.memory_space<hbm>> -> memref<65536x16xf32, #tpu.memory_space<hbm>>
      %dma_start3A_158 = arith.constant 0 : i32
      %dma_start3A_159 = arith.constant 0 : i32
      %dma_start3A_160 = tpu.memref_slice %dma_start3A_157[%dma_start3A_158, %dma_start3A_159] : memref<65536x16xf32, #tpu.memory_space<hbm>> -> memref<65536x16xf32, #tpu.memory_space<hbm>>
      tpu.enqueue_indirect_dma source(%dma_start3A_160 : memref<65536x16xf32, #tpu.memory_space<hbm>>) target(%dma_start3A_150 : memref<128x16xf32, #tpu.memory_space<vmem>>) offsets(%dma_start3A_153 : memref<128xi32, #tpu.memory_space<vmem>>) semaphore(%arg7 : memref<!tpu.dma_semaphore, #tpu.memory_space<semaphore_mem>>)
      %dma_start3A_161 = arith.constant 2 : i32
      %dma_start3A_162 = arith.constant 2 : i32
      %dma_start3A_163 = arith.constant 1280 : i32
      %dma_start3A_164 = arith.constant 0 : i32
      %dma_start3A_165 = tpu.memref_slice %arg6[%dma_start3A_163, %dma_start3A_164] : memref<4096x16xf32, #tpu.memory_space<vmem>> -> memref<128x16xf32, #tpu.memory_space<vmem>>
      %dma_start3A_166 = arith.constant 256 : i32
      %dma_start3A_167 = tpu.memref_slice %arg5[%dma_start3A_162, %dma_start3A_166] : memref<8x512xi32, #tpu.memory_space<vmem>> -> memref<1x128xi32, #tpu.memory_space<vmem>>
      %dma_start3A_168 = tpu.memref_squeeze %dma_start3A_167 : memref<1x128xi32, #tpu.memory_space<vmem>> -> memref<128xi32, #tpu.memory_space<vmem>>
      %dma_start3A_169 = arith.constant 0 : i32
      %dma_start3A_170 = arith.constant 0 : i32
      %dma_start3A_171 = tpu.memref_slice %arg2[%dma_start3A_161, %dma_start3A_169, %dma_start3A_170] : memref<8x65536x16xf32, #tpu.memory_space<hbm>> -> memref<1x65536x16xf32, #tpu.memory_space<hbm>>
      %dma_start3A_172 = tpu.memref_squeeze %dma_start3A_171 : memref<1x65536x16xf32, #tpu.memory_space<hbm>> -> memref<65536x16xf32, #tpu.memory_space<hbm>>
      %dma_start3A_173 = arith.constant 0 : i32
      %dma_start3A_174 = arith.constant 0 : i32
      %dma_start3A_175 = tpu.memref_slice %dma_start3A_172[%dma_start3A_173, %dma_start3A_174] : memref<65536x16xf32, #tpu.memory_space<hbm>> -> memref<65536x16xf32, #tpu.memory_space<hbm>>
      tpu.enqueue_indirect_dma source(%dma_start3A_175 : memref<65536x16xf32, #tpu.memory_space<hbm>>) target(%dma_start3A_165 : memref<128x16xf32, #tpu.memory_space<vmem>>) offsets(%dma_start3A_168 : memref<128xi32, #tpu.memory_space<vmem>>) semaphore(%arg7 : memref<!tpu.dma_semaphore, #tpu.memory_space<semaphore_mem>>)
      %dma_start3A_176 = arith.constant 2 : i32
      %dma_start3A_177 = arith.constant 2 : i32
      %dma_start3A_178 = arith.constant 1408 : i32
      %dma_start3A_179 = arith.constant 0 : i32
      %dma_start3A_180 = tpu.memref_slice %arg6[%dma_start3A_178, %dma_start3A_179] : memref<4096x16xf32, #tpu.memory_space<vmem>> -> memref<128x16xf32, #tpu.memory_space<vmem>>
      %dma_start3A_181 = arith.constant 384 : i32
      %dma_start3A_182 = tpu.memref_slice %arg5[%dma_start3A_177, %dma_start3A_181] : memref<8x512xi32, #tpu.memory_space<vmem>> -> memref<1x128xi32, #tpu.memory_space<vmem>>
      %dma_start3A_183 = tpu.memref_squeeze %dma_start3A_182 : memref<1x128xi32, #tpu.memory_space<vmem>> -> memref<128xi32, #tpu.memory_space<vmem>>
      %dma_start3A_184 = arith.constant 0 : i32
      %dma_start3A_185 = arith.constant 0 : i32
      %dma_start3A_186 = tpu.memref_slice %arg2[%dma_start3A_176, %dma_start3A_184, %dma_start3A_185] : memref<8x65536x16xf32, #tpu.memory_space<hbm>> -> memref<1x65536x16xf32, #tpu.memory_space<hbm>>
      %dma_start3A_187 = tpu.memref_squeeze %dma_start3A_186 : memref<1x65536x16xf32, #tpu.memory_space<hbm>> -> memref<65536x16xf32, #tpu.memory_space<hbm>>
      %dma_start3A_188 = arith.constant 0 : i32
      %dma_start3A_189 = arith.constant 0 : i32
      %dma_start3A_190 = tpu.memref_slice %dma_start3A_187[%dma_start3A_188, %dma_start3A_189] : memref<65536x16xf32, #tpu.memory_space<hbm>> -> memref<65536x16xf32, #tpu.memory_space<hbm>>
      tpu.enqueue_indirect_dma source(%dma_start3A_190 : memref<65536x16xf32, #tpu.memory_space<hbm>>) target(%dma_start3A_180 : memref<128x16xf32, #tpu.memory_space<vmem>>) offsets(%dma_start3A_183 : memref<128xi32, #tpu.memory_space<vmem>>) semaphore(%arg7 : memref<!tpu.dma_semaphore, #tpu.memory_space<semaphore_mem>>)
      %dma_start3A_191 = arith.constant 3 : i32
      %dma_start3A_192 = arith.constant 3 : i32
      %dma_start3A_193 = arith.constant 1536 : i32
      %dma_start3A_194 = arith.constant 0 : i32
      %dma_start3A_195 = tpu.memref_slice %arg6[%dma_start3A_193, %dma_start3A_194] : memref<4096x16xf32, #tpu.memory_space<vmem>> -> memref<128x16xf32, #tpu.memory_space<vmem>>
      %dma_start3A_196 = arith.constant 0 : i32
      %dma_start3A_197 = tpu.memref_slice %arg5[%dma_start3A_192, %dma_start3A_196] : memref<8x512xi32, #tpu.memory_space<vmem>> -> memref<1x128xi32, #tpu.memory_space<vmem>>
      %dma_start3A_198 = tpu.memref_squeeze %dma_start3A_197 : memref<1x128xi32, #tpu.memory_space<vmem>> -> memref<128xi32, #tpu.memory_space<vmem>>
      %dma_start3A_199 = arith.constant 0 : i32
      %dma_start3A_200 = arith.constant 0 : i32
      %dma_start3A_201 = tpu.memref_slice %arg2[%dma_start3A_191, %dma_start3A_199, %dma_start3A_200] : memref<8x65536x16xf32, #tpu.memory_space<hbm>> -> memref<1x65536x16xf32, #tpu.memory_space<hbm>>
      %dma_start3A_202 = tpu.memref_squeeze %dma_start3A_201 : memref<1x65536x16xf32, #tpu.memory_space<hbm>> -> memref<65536x16xf32, #tpu.memory_space<hbm>>
      %dma_start3A_203 = arith.constant 0 : i32
      %dma_start3A_204 = arith.constant 0 : i32
      %dma_start3A_205 = tpu.memref_slice %dma_start3A_202[%dma_start3A_203, %dma_start3A_204] : memref<65536x16xf32, #tpu.memory_space<hbm>> -> memref<65536x16xf32, #tpu.memory_space<hbm>>
      tpu.enqueue_indirect_dma source(%dma_start3A_205 : memref<65536x16xf32, #tpu.memory_space<hbm>>) target(%dma_start3A_195 : memref<128x16xf32, #tpu.memory_space<vmem>>) offsets(%dma_start3A_198 : memref<128xi32, #tpu.memory_space<vmem>>) semaphore(%arg7 : memref<!tpu.dma_semaphore, #tpu.memory_space<semaphore_mem>>)
      %dma_start3A_206 = arith.constant 3 : i32
      %dma_start3A_207 = arith.constant 3 : i32
      %dma_start3A_208 = arith.constant 1664 : i32
      %dma_start3A_209 = arith.constant 0 : i32
      %dma_start3A_210 = tpu.memref_slice %arg6[%dma_start3A_208, %dma_start3A_209] : memref<4096x16xf32, #tpu.memory_space<vmem>> -> memref<128x16xf32, #tpu.memory_space<vmem>>
      %dma_start3A_211 = arith.constant 128 : i32
      %dma_start3A_212 = tpu.memref_slice %arg5[%dma_start3A_207, %dma_start3A_211] : memref<8x512xi32, #tpu.memory_space<vmem>> -> memref<1x128xi32, #tpu.memory_space<vmem>>
      %dma_start3A_213 = tpu.memref_squeeze %dma_start3A_212 : memref<1x128xi32, #tpu.memory_space<vmem>> -> memref<128xi32, #tpu.memory_space<vmem>>
      %dma_start3A_214 = arith.constant 0 : i32
      %dma_start3A_215 = arith.constant 0 : i32
      %dma_start3A_216 = tpu.memref_slice %arg2[%dma_start3A_206, %dma_start3A_214, %dma_start3A_215] : memref<8x65536x16xf32, #tpu.memory_space<hbm>> -> memref<1x65536x16xf32, #tpu.memory_space<hbm>>
      %dma_start3A_217 = tpu.memref_squeeze %dma_start3A_216 : memref<1x65536x16xf32, #tpu.memory_space<hbm>> -> memref<65536x16xf32, #tpu.memory_space<hbm>>
      %dma_start3A_218 = arith.constant 0 : i32
      %dma_start3A_219 = arith.constant 0 : i32
      %dma_start3A_220 = tpu.memref_slice %dma_start3A_217[%dma_start3A_218, %dma_start3A_219] : memref<65536x16xf32, #tpu.memory_space<hbm>> -> memref<65536x16xf32, #tpu.memory_space<hbm>>
      tpu.enqueue_indirect_dma source(%dma_start3A_220 : memref<65536x16xf32, #tpu.memory_space<hbm>>) target(%dma_start3A_210 : memref<128x16xf32, #tpu.memory_space<vmem>>) offsets(%dma_start3A_213 : memref<128xi32, #tpu.memory_space<vmem>>) semaphore(%arg7 : memref<!tpu.dma_semaphore, #tpu.memory_space<semaphore_mem>>)
      %dma_start3A_221 = arith.constant 3 : i32
      %dma_start3A_222 = arith.constant 3 : i32
      %dma_start3A_223 = arith.constant 1792 : i32
      %dma_start3A_224 = arith.constant 0 : i32
      %dma_start3A_225 = tpu.memref_slice %arg6[%dma_start3A_223, %dma_start3A_224] : memref<4096x16xf32, #tpu.memory_space<vmem>> -> memref<128x16xf32, #tpu.memory_space<vmem>>
      %dma_start3A_226 = arith.constant 256 : i32
      %dma_start3A_227 = tpu.memref_slice %arg5[%dma_start3A_222, %dma_start3A_226] : memref<8x512xi32, #tpu.memory_space<vmem>> -> memref<1x128xi32, #tpu.memory_space<vmem>>
      %dma_start3A_228 = tpu.memref_squeeze %dma_start3A_227 : memref<1x128xi32, #tpu.memory_space<vmem>> -> memref<128xi32, #tpu.memory_space<vmem>>
      %dma_start3A_229 = arith.constant 0 : i32
      %dma_start3A_230 = arith.constant 0 : i32
      %dma_start3A_231 = tpu.memref_slice %arg2[%dma_start3A_221, %dma_start3A_229, %dma_start3A_230] : memref<8x65536x16xf32, #tpu.memory_space<hbm>> -> memref<1x65536x16xf32, #tpu.memory_space<hbm>>
      %dma_start3A_232 = tpu.memref_squeeze %dma_start3A_231 : memref<1x65536x16xf32, #tpu.memory_space<hbm>> -> memref<65536x16xf32, #tpu.memory_space<hbm>>
      %dma_start3A_233 = arith.constant 0 : i32
      %dma_start3A_234 = arith.constant 0 : i32
      %dma_start3A_235 = tpu.memref_slice %dma_start3A_232[%dma_start3A_233, %dma_start3A_234] : memref<65536x16xf32, #tpu.memory_space<hbm>> -> memref<65536x16xf32, #tpu.memory_space<hbm>>
      tpu.enqueue_indirect_dma source(%dma_start3A_235 : memref<65536x16xf32, #tpu.memory_space<hbm>>) target(%dma_start3A_225 : memref<128x16xf32, #tpu.memory_space<vmem>>) offsets(%dma_start3A_228 : memref<128xi32, #tpu.memory_space<vmem>>) semaphore(%arg7 : memref<!tpu.dma_semaphore, #tpu.memory_space<semaphore_mem>>)
      %dma_start3A_236 = arith.constant 3 : i32
      %dma_start3A_237 = arith.constant 3 : i32
      %dma_start3A_238 = arith.constant 1920 : i32
      %dma_start3A_239 = arith.constant 0 : i32
      %dma_start3A_240 = tpu.memref_slice %arg6[%dma_start3A_238, %dma_start3A_239] : memref<4096x16xf32, #tpu.memory_space<vmem>> -> memref<128x16xf32, #tpu.memory_space<vmem>>
      %dma_start3A_241 = arith.constant 384 : i32
      %dma_start3A_242 = tpu.memref_slice %arg5[%dma_start3A_237, %dma_start3A_241] : memref<8x512xi32, #tpu.memory_space<vmem>> -> memref<1x128xi32, #tpu.memory_space<vmem>>
      %dma_start3A_243 = tpu.memref_squeeze %dma_start3A_242 : memref<1x128xi32, #tpu.memory_space<vmem>> -> memref<128xi32, #tpu.memory_space<vmem>>
      %dma_start3A_244 = arith.constant 0 : i32
      %dma_start3A_245 = arith.constant 0 : i32
      %dma_start3A_246 = tpu.memref_slice %arg2[%dma_start3A_236, %dma_start3A_244, %dma_start3A_245] : memref<8x65536x16xf32, #tpu.memory_space<hbm>> -> memref<1x65536x16xf32, #tpu.memory_space<hbm>>
      %dma_start3A_247 = tpu.memref_squeeze %dma_start3A_246 : memref<1x65536x16xf32, #tpu.memory_space<hbm>> -> memref<65536x16xf32, #tpu.memory_space<hbm>>
      %dma_start3A_248 = arith.constant 0 : i32
      %dma_start3A_249 = arith.constant 0 : i32
      %dma_start3A_250 = tpu.memref_slice %dma_start3A_247[%dma_start3A_248, %dma_start3A_249] : memref<65536x16xf32, #tpu.memory_space<hbm>> -> memref<65536x16xf32, #tpu.memory_space<hbm>>
      tpu.enqueue_indirect_dma source(%dma_start3A_250 : memref<65536x16xf32, #tpu.memory_space<hbm>>) target(%dma_start3A_240 : memref<128x16xf32, #tpu.memory_space<vmem>>) offsets(%dma_start3A_243 : memref<128xi32, #tpu.memory_space<vmem>>) semaphore(%arg7 : memref<!tpu.dma_semaphore, #tpu.memory_space<semaphore_mem>>)
      %dma_wait3A = arith.constant 0 : i32
      %dma_wait3A_251 = arith.constant 0 : i32
      %dma_wait3A_252 = arith.constant 0 : i32
      %dma_wait3A_253 = arith.constant 0 : i32
      %dma_wait3A_254 = tpu.memref_slice %arg6[%dma_wait3A_252, %dma_wait3A_253] : memref<4096x16xf32, #tpu.memory_space<vmem>> -> memref<128x16xf32, #tpu.memory_space<vmem>>
      %dma_wait3A_255 = arith.constant 0 : i32
      %dma_wait3A_256 = tpu.memref_slice %arg5[%dma_wait3A_251, %dma_wait3A_255] : memref<8x512xi32, #tpu.memory_space<vmem>> -> memref<1x128xi32, #tpu.memory_space<vmem>>
      %dma_wait3A_257 = tpu.memref_squeeze %dma_wait3A_256 : memref<1x128xi32, #tpu.memory_space<vmem>> -> memref<128xi32, #tpu.memory_space<vmem>>
      %dma_wait3A_258 = arith.constant 0 : i32
      %dma_wait3A_259 = arith.constant 0 : i32
      %dma_wait3A_260 = tpu.memref_slice %arg2[%dma_wait3A, %dma_wait3A_258, %dma_wait3A_259] : memref<8x65536x16xf32, #tpu.memory_space<hbm>> -> memref<1x65536x16xf32, #tpu.memory_space<hbm>>
      %dma_wait3A_261 = tpu.memref_squeeze %dma_wait3A_260 : memref<1x65536x16xf32, #tpu.memory_space<hbm>> -> memref<65536x16xf32, #tpu.memory_space<hbm>>
      %dma_wait3A_262 = arith.constant 0 : i32
      %dma_wait3A_263 = arith.constant 0 : i32
      %dma_wait3A_264 = tpu.memref_slice %dma_wait3A_261[%dma_wait3A_262, %dma_wait3A_263] : memref<65536x16xf32, #tpu.memory_space<hbm>> -> memref<65536x16xf32, #tpu.memory_space<hbm>>
      tpu.wait_indirect_dma semaphore(%arg7 : memref<!tpu.dma_semaphore, #tpu.memory_space<semaphore_mem>>) src(%dma_wait3A_264 : memref<65536x16xf32, #tpu.memory_space<hbm>>) dst(%dma_wait3A_254 : memref<128x16xf32, #tpu.memory_space<vmem>>)
      %dma_wait3A_265 = arith.constant 0 : i32
      %dma_wait3A_266 = arith.constant 0 : i32
      %dma_wait3A_267 = arith.constant 128 : i32
      %dma_wait3A_268 = arith.constant 0 : i32
      %dma_wait3A_269 = tpu.memref_slice %arg6[%dma_wait3A_267, %dma_wait3A_268] : memref<4096x16xf32, #tpu.memory_space<vmem>> -> memref<128x16xf32, #tpu.memory_space<vmem>>
      %dma_wait3A_270 = arith.constant 128 : i32
      %dma_wait3A_271 = tpu.memref_slice %arg5[%dma_wait3A_266, %dma_wait3A_270] : memref<8x512xi32, #tpu.memory_space<vmem>> -> memref<1x128xi32, #tpu.memory_space<vmem>>
      %dma_wait3A_272 = tpu.memref_squeeze %dma_wait3A_271 : memref<1x128xi32, #tpu.memory_space<vmem>> -> memref<128xi32, #tpu.memory_space<vmem>>
      %dma_wait3A_273 = arith.constant 0 : i32
      %dma_wait3A_274 = arith.constant 0 : i32
      %dma_wait3A_275 = tpu.memref_slice %arg2[%dma_wait3A_265, %dma_wait3A_273, %dma_wait3A_274] : memref<8x65536x16xf32, #tpu.memory_space<hbm>> -> memref<1x65536x16xf32, #tpu.memory_space<hbm>>
      %dma_wait3A_276 = tpu.memref_squeeze %dma_wait3A_275 : memref<1x65536x16xf32, #tpu.memory_space<hbm>> -> memref<65536x16xf32, #tpu.memory_space<hbm>>
      %dma_wait3A_277 = arith.constant 0 : i32
      %dma_wait3A_278 = arith.constant 0 : i32
      %dma_wait3A_279 = tpu.memref_slice %dma_wait3A_276[%dma_wait3A_277, %dma_wait3A_278] : memref<65536x16xf32, #tpu.memory_space<hbm>> -> memref<65536x16xf32, #tpu.memory_space<hbm>>
      tpu.wait_indirect_dma semaphore(%arg7 : memref<!tpu.dma_semaphore, #tpu.memory_space<semaphore_mem>>) src(%dma_wait3A_279 : memref<65536x16xf32, #tpu.memory_space<hbm>>) dst(%dma_wait3A_269 : memref<128x16xf32, #tpu.memory_space<vmem>>)
      %dma_wait3A_280 = arith.constant 0 : i32
      %dma_wait3A_281 = arith.constant 0 : i32
      %dma_wait3A_282 = arith.constant 256 : i32
      %dma_wait3A_283 = arith.constant 0 : i32
      %dma_wait3A_284 = tpu.memref_slice %arg6[%dma_wait3A_282, %dma_wait3A_283] : memref<4096x16xf32, #tpu.memory_space<vmem>> -> memref<128x16xf32, #tpu.memory_space<vmem>>
      %dma_wait3A_285 = arith.constant 256 : i32
      %dma_wait3A_286 = tpu.memref_slice %arg5[%dma_wait3A_281, %dma_wait3A_285] : memref<8x512xi32, #tpu.memory_space<vmem>> -> memref<1x128xi32, #tpu.memory_space<vmem>>
      %dma_wait3A_287 = tpu.memref_squeeze %dma_wait3A_286 : memref<1x128xi32, #tpu.memory_space<vmem>> -> memref<128xi32, #tpu.memory_space<vmem>>
      %dma_wait3A_288 = arith.constant 0 : i32
      %dma_wait3A_289 = arith.constant 0 : i32
      %dma_wait3A_290 = tpu.memref_slice %arg2[%dma_wait3A_280, %dma_wait3A_288, %dma_wait3A_289] : memref<8x65536x16xf32, #tpu.memory_space<hbm>> -> memref<1x65536x16xf32, #tpu.memory_space<hbm>>
      %dma_wait3A_291 = tpu.memref_squeeze %dma_wait3A_290 : memref<1x65536x16xf32, #tpu.memory_space<hbm>> -> memref<65536x16xf32, #tpu.memory_space<hbm>>
      %dma_wait3A_292 = arith.constant 0 : i32
      %dma_wait3A_293 = arith.constant 0 : i32
      %dma_wait3A_294 = tpu.memref_slice %dma_wait3A_291[%dma_wait3A_292, %dma_wait3A_293] : memref<65536x16xf32, #tpu.memory_space<hbm>> -> memref<65536x16xf32, #tpu.memory_space<hbm>>
      tpu.wait_indirect_dma semaphore(%arg7 : memref<!tpu.dma_semaphore, #tpu.memory_space<semaphore_mem>>) src(%dma_wait3A_294 : memref<65536x16xf32, #tpu.memory_space<hbm>>) dst(%dma_wait3A_284 : memref<128x16xf32, #tpu.memory_space<vmem>>)
      %dma_wait3A_295 = arith.constant 0 : i32
      %dma_wait3A_296 = arith.constant 0 : i32
      %dma_wait3A_297 = arith.constant 384 : i32
      %dma_wait3A_298 = arith.constant 0 : i32
      %dma_wait3A_299 = tpu.memref_slice %arg6[%dma_wait3A_297, %dma_wait3A_298] : memref<4096x16xf32, #tpu.memory_space<vmem>> -> memref<128x16xf32, #tpu.memory_space<vmem>>
      %dma_wait3A_300 = arith.constant 384 : i32
      %dma_wait3A_301 = tpu.memref_slice %arg5[%dma_wait3A_296, %dma_wait3A_300] : memref<8x512xi32, #tpu.memory_space<vmem>> -> memref<1x128xi32, #tpu.memory_space<vmem>>
      %dma_wait3A_302 = tpu.memref_squeeze %dma_wait3A_301 : memref<1x128xi32, #tpu.memory_space<vmem>> -> memref<128xi32, #tpu.memory_space<vmem>>
      %dma_wait3A_303 = arith.constant 0 : i32
      %dma_wait3A_304 = arith.constant 0 : i32
      %dma_wait3A_305 = tpu.memref_slice %arg2[%dma_wait3A_295, %dma_wait3A_303, %dma_wait3A_304] : memref<8x65536x16xf32, #tpu.memory_space<hbm>> -> memref<1x65536x16xf32, #tpu.memory_space<hbm>>
      %dma_wait3A_306 = tpu.memref_squeeze %dma_wait3A_305 : memref<1x65536x16xf32, #tpu.memory_space<hbm>> -> memref<65536x16xf32, #tpu.memory_space<hbm>>
      %dma_wait3A_307 = arith.constant 0 : i32
      %dma_wait3A_308 = arith.constant 0 : i32
      %dma_wait3A_309 = tpu.memref_slice %dma_wait3A_306[%dma_wait3A_307, %dma_wait3A_308] : memref<65536x16xf32, #tpu.memory_space<hbm>> -> memref<65536x16xf32, #tpu.memory_space<hbm>>
      tpu.wait_indirect_dma semaphore(%arg7 : memref<!tpu.dma_semaphore, #tpu.memory_space<semaphore_mem>>) src(%dma_wait3A_309 : memref<65536x16xf32, #tpu.memory_space<hbm>>) dst(%dma_wait3A_299 : memref<128x16xf32, #tpu.memory_space<vmem>>)
      %dma_wait3A_310 = arith.constant 1 : i32
      %dma_wait3A_311 = arith.constant 1 : i32
      %dma_wait3A_312 = arith.constant 512 : i32
      %dma_wait3A_313 = arith.constant 0 : i32
      %dma_wait3A_314 = tpu.memref_slice %arg6[%dma_wait3A_312, %dma_wait3A_313] : memref<4096x16xf32, #tpu.memory_space<vmem>> -> memref<128x16xf32, #tpu.memory_space<vmem>>
      %dma_wait3A_315 = arith.constant 0 : i32
      %dma_wait3A_316 = tpu.memref_slice %arg5[%dma_wait3A_311, %dma_wait3A_315] : memref<8x512xi32, #tpu.memory_space<vmem>> -> memref<1x128xi32, #tpu.memory_space<vmem>>
      %dma_wait3A_317 = tpu.memref_squeeze %dma_wait3A_316 : memref<1x128xi32, #tpu.memory_space<vmem>> -> memref<128xi32, #tpu.memory_space<vmem>>
      %dma_wait3A_318 = arith.constant 0 : i32
      %dma_wait3A_319 = arith.constant 0 : i32
      %dma_wait3A_320 = tpu.memref_slice %arg2[%dma_wait3A_310, %dma_wait3A_318, %dma_wait3A_319] : memref<8x65536x16xf32, #tpu.memory_space<hbm>> -> memref<1x65536x16xf32, #tpu.memory_space<hbm>>
      %dma_wait3A_321 = tpu.memref_squeeze %dma_wait3A_320 : memref<1x65536x16xf32, #tpu.memory_space<hbm>> -> memref<65536x16xf32, #tpu.memory_space<hbm>>
      %dma_wait3A_322 = arith.constant 0 : i32
      %dma_wait3A_323 = arith.constant 0 : i32
      %dma_wait3A_324 = tpu.memref_slice %dma_wait3A_321[%dma_wait3A_322, %dma_wait3A_323] : memref<65536x16xf32, #tpu.memory_space<hbm>> -> memref<65536x16xf32, #tpu.memory_space<hbm>>
      tpu.wait_indirect_dma semaphore(%arg7 : memref<!tpu.dma_semaphore, #tpu.memory_space<semaphore_mem>>) src(%dma_wait3A_324 : memref<65536x16xf32, #tpu.memory_space<hbm>>) dst(%dma_wait3A_314 : memref<128x16xf32, #tpu.memory_space<vmem>>)
      %dma_wait3A_325 = arith.constant 1 : i32
      %dma_wait3A_326 = arith.constant 1 : i32
      %dma_wait3A_327 = arith.constant 640 : i32
      %dma_wait3A_328 = arith.constant 0 : i32
      %dma_wait3A_329 = tpu.memref_slice %arg6[%dma_wait3A_327, %dma_wait3A_328] : memref<4096x16xf32, #tpu.memory_space<vmem>> -> memref<128x16xf32, #tpu.memory_space<vmem>>
      %dma_wait3A_330 = arith.constant 128 : i32
      %dma_wait3A_331 = tpu.memref_slice %arg5[%dma_wait3A_326, %dma_wait3A_330] : memref<8x512xi32, #tpu.memory_space<vmem>> -> memref<1x128xi32, #tpu.memory_space<vmem>>
      %dma_wait3A_332 = tpu.memref_squeeze %dma_wait3A_331 : memref<1x128xi32, #tpu.memory_space<vmem>> -> memref<128xi32, #tpu.memory_space<vmem>>
      %dma_wait3A_333 = arith.constant 0 : i32
      %dma_wait3A_334 = arith.constant 0 : i32
      %dma_wait3A_335 = tpu.memref_slice %arg2[%dma_wait3A_325, %dma_wait3A_333, %dma_wait3A_334] : memref<8x65536x16xf32, #tpu.memory_space<hbm>> -> memref<1x65536x16xf32, #tpu.memory_space<hbm>>
      %dma_wait3A_336 = tpu.memref_squeeze %dma_wait3A_335 : memref<1x65536x16xf32, #tpu.memory_space<hbm>> -> memref<65536x16xf32, #tpu.memory_space<hbm>>
      %dma_wait3A_337 = arith.constant 0 : i32
      %dma_wait3A_338 = arith.constant 0 : i32
      %dma_wait3A_339 = tpu.memref_slice %dma_wait3A_336[%dma_wait3A_337, %dma_wait3A_338] : memref<65536x16xf32, #tpu.memory_space<hbm>> -> memref<65536x16xf32, #tpu.memory_space<hbm>>
      tpu.wait_indirect_dma semaphore(%arg7 : memref<!tpu.dma_semaphore, #tpu.memory_space<semaphore_mem>>) src(%dma_wait3A_339 : memref<65536x16xf32, #tpu.memory_space<hbm>>) dst(%dma_wait3A_329 : memref<128x16xf32, #tpu.memory_space<vmem>>)
      %dma_wait3A_340 = arith.constant 1 : i32
      %dma_wait3A_341 = arith.constant 1 : i32
      %dma_wait3A_342 = arith.constant 768 : i32
      %dma_wait3A_343 = arith.constant 0 : i32
      %dma_wait3A_344 = tpu.memref_slice %arg6[%dma_wait3A_342, %dma_wait3A_343] : memref<4096x16xf32, #tpu.memory_space<vmem>> -> memref<128x16xf32, #tpu.memory_space<vmem>>
      %dma_wait3A_345 = arith.constant 256 : i32
      %dma_wait3A_346 = tpu.memref_slice %arg5[%dma_wait3A_341, %dma_wait3A_345] : memref<8x512xi32, #tpu.memory_space<vmem>> -> memref<1x128xi32, #tpu.memory_space<vmem>>
      %dma_wait3A_347 = tpu.memref_squeeze %dma_wait3A_346 : memref<1x128xi32, #tpu.memory_space<vmem>> -> memref<128xi32, #tpu.memory_space<vmem>>
      %dma_wait3A_348 = arith.constant 0 : i32
      %dma_wait3A_349 = arith.constant 0 : i32
      %dma_wait3A_350 = tpu.memref_slice %arg2[%dma_wait3A_340, %dma_wait3A_348, %dma_wait3A_349] : memref<8x65536x16xf32, #tpu.memory_space<hbm>> -> memref<1x65536x16xf32, #tpu.memory_space<hbm>>
      %dma_wait3A_351 = tpu.memref_squeeze %dma_wait3A_350 : memref<1x65536x16xf32, #tpu.memory_space<hbm>> -> memref<65536x16xf32, #tpu.memory_space<hbm>>
      %dma_wait3A_352 = arith.constant 0 : i32
      %dma_wait3A_353 = arith.constant 0 : i32
      %dma_wait3A_354 = tpu.memref_slice %dma_wait3A_351[%dma_wait3A_352, %dma_wait3A_353] : memref<65536x16xf32, #tpu.memory_space<hbm>> -> memref<65536x16xf32, #tpu.memory_space<hbm>>
      tpu.wait_indirect_dma semaphore(%arg7 : memref<!tpu.dma_semaphore, #tpu.memory_space<semaphore_mem>>) src(%dma_wait3A_354 : memref<65536x16xf32, #tpu.memory_space<hbm>>) dst(%dma_wait3A_344 : memref<128x16xf32, #tpu.memory_space<vmem>>)
      %dma_wait3A_355 = arith.constant 1 : i32
      %dma_wait3A_356 = arith.constant 1 : i32
      %dma_wait3A_357 = arith.constant 896 : i32
      %dma_wait3A_358 = arith.constant 0 : i32
      %dma_wait3A_359 = tpu.memref_slice %arg6[%dma_wait3A_357, %dma_wait3A_358] : memref<4096x16xf32, #tpu.memory_space<vmem>> -> memref<128x16xf32, #tpu.memory_space<vmem>>
      %dma_wait3A_360 = arith.constant 384 : i32
      %dma_wait3A_361 = tpu.memref_slice %arg5[%dma_wait3A_356, %dma_wait3A_360] : memref<8x512xi32, #tpu.memory_space<vmem>> -> memref<1x128xi32, #tpu.memory_space<vmem>>
      %dma_wait3A_362 = tpu.memref_squeeze %dma_wait3A_361 : memref<1x128xi32, #tpu.memory_space<vmem>> -> memref<128xi32, #tpu.memory_space<vmem>>
      %dma_wait3A_363 = arith.constant 0 : i32
      %dma_wait3A_364 = arith.constant 0 : i32
      %dma_wait3A_365 = tpu.memref_slice %arg2[%dma_wait3A_355, %dma_wait3A_363, %dma_wait3A_364] : memref<8x65536x16xf32, #tpu.memory_space<hbm>> -> memref<1x65536x16xf32, #tpu.memory_space<hbm>>
      %dma_wait3A_366 = tpu.memref_squeeze %dma_wait3A_365 : memref<1x65536x16xf32, #tpu.memory_space<hbm>> -> memref<65536x16xf32, #tpu.memory_space<hbm>>
      %dma_wait3A_367 = arith.constant 0 : i32
      %dma_wait3A_368 = arith.constant 0 : i32
      %dma_wait3A_369 = tpu.memref_slice %dma_wait3A_366[%dma_wait3A_367, %dma_wait3A_368] : memref<65536x16xf32, #tpu.memory_space<hbm>> -> memref<65536x16xf32, #tpu.memory_space<hbm>>
      tpu.wait_indirect_dma semaphore(%arg7 : memref<!tpu.dma_semaphore, #tpu.memory_space<semaphore_mem>>) src(%dma_wait3A_369 : memref<65536x16xf32, #tpu.memory_space<hbm>>) dst(%dma_wait3A_359 : memref<128x16xf32, #tpu.memory_space<vmem>>)
      %dma_wait3A_370 = arith.constant 2 : i32
      %dma_wait3A_371 = arith.constant 2 : i32
      %dma_wait3A_372 = arith.constant 1024 : i32
      %dma_wait3A_373 = arith.constant 0 : i32
      %dma_wait3A_374 = tpu.memref_slice %arg6[%dma_wait3A_372, %dma_wait3A_373] : memref<4096x16xf32, #tpu.memory_space<vmem>> -> memref<128x16xf32, #tpu.memory_space<vmem>>
      %dma_wait3A_375 = arith.constant 0 : i32
      %dma_wait3A_376 = tpu.memref_slice %arg5[%dma_wait3A_371, %dma_wait3A_375] : memref<8x512xi32, #tpu.memory_space<vmem>> -> memref<1x128xi32, #tpu.memory_space<vmem>>
      %dma_wait3A_377 = tpu.memref_squeeze %dma_wait3A_376 : memref<1x128xi32, #tpu.memory_space<vmem>> -> memref<128xi32, #tpu.memory_space<vmem>>
      %dma_wait3A_378 = arith.constant 0 : i32
      %dma_wait3A_379 = arith.constant 0 : i32
      %dma_wait3A_380 = tpu.memref_slice %arg2[%dma_wait3A_370, %dma_wait3A_378, %dma_wait3A_379] : memref<8x65536x16xf32, #tpu.memory_space<hbm>> -> memref<1x65536x16xf32, #tpu.memory_space<hbm>>
      %dma_wait3A_381 = tpu.memref_squeeze %dma_wait3A_380 : memref<1x65536x16xf32, #tpu.memory_space<hbm>> -> memref<65536x16xf32, #tpu.memory_space<hbm>>
      %dma_wait3A_382 = arith.constant 0 : i32
      %dma_wait3A_383 = arith.constant 0 : i32
      %dma_wait3A_384 = tpu.memref_slice %dma_wait3A_381[%dma_wait3A_382, %dma_wait3A_383] : memref<65536x16xf32, #tpu.memory_space<hbm>> -> memref<65536x16xf32, #tpu.memory_space<hbm>>
      tpu.wait_indirect_dma semaphore(%arg7 : memref<!tpu.dma_semaphore, #tpu.memory_space<semaphore_mem>>) src(%dma_wait3A_384 : memref<65536x16xf32, #tpu.memory_space<hbm>>) dst(%dma_wait3A_374 : memref<128x16xf32, #tpu.memory_space<vmem>>)
      %dma_wait3A_385 = arith.constant 2 : i32
      %dma_wait3A_386 = arith.constant 2 : i32
      %dma_wait3A_387 = arith.constant 1152 : i32
      %dma_wait3A_388 = arith.constant 0 : i32
      %dma_wait3A_389 = tpu.memref_slice %arg6[%dma_wait3A_387, %dma_wait3A_388] : memref<4096x16xf32, #tpu.memory_space<vmem>> -> memref<128x16xf32, #tpu.memory_space<vmem>>
      %dma_wait3A_390 = arith.constant 128 : i32
      %dma_wait3A_391 = tpu.memref_slice %arg5[%dma_wait3A_386, %dma_wait3A_390] : memref<8x512xi32, #tpu.memory_space<vmem>> -> memref<1x128xi32, #tpu.memory_space<vmem>>
      %dma_wait3A_392 = tpu.memref_squeeze %dma_wait3A_391 : memref<1x128xi32, #tpu.memory_space<vmem>> -> memref<128xi32, #tpu.memory_space<vmem>>
      %dma_wait3A_393 = arith.constant 0 : i32
      %dma_wait3A_394 = arith.constant 0 : i32
      %dma_wait3A_395 = tpu.memref_slice %arg2[%dma_wait3A_385, %dma_wait3A_393, %dma_wait3A_394] : memref<8x65536x16xf32, #tpu.memory_space<hbm>> -> memref<1x65536x16xf32, #tpu.memory_space<hbm>>
      %dma_wait3A_396 = tpu.memref_squeeze %dma_wait3A_395 : memref<1x65536x16xf32, #tpu.memory_space<hbm>> -> memref<65536x16xf32, #tpu.memory_space<hbm>>
      %dma_wait3A_397 = arith.constant 0 : i32
      %dma_wait3A_398 = arith.constant 0 : i32
      %dma_wait3A_399 = tpu.memref_slice %dma_wait3A_396[%dma_wait3A_397, %dma_wait3A_398] : memref<65536x16xf32, #tpu.memory_space<hbm>> -> memref<65536x16xf32, #tpu.memory_space<hbm>>
      tpu.wait_indirect_dma semaphore(%arg7 : memref<!tpu.dma_semaphore, #tpu.memory_space<semaphore_mem>>) src(%dma_wait3A_399 : memref<65536x16xf32, #tpu.memory_space<hbm>>) dst(%dma_wait3A_389 : memref<128x16xf32, #tpu.memory_space<vmem>>)
      %dma_wait3A_400 = arith.constant 2 : i32
      %dma_wait3A_401 = arith.constant 2 : i32
      %dma_wait3A_402 = arith.constant 1280 : i32
      %dma_wait3A_403 = arith.constant 0 : i32
      %dma_wait3A_404 = tpu.memref_slice %arg6[%dma_wait3A_402, %dma_wait3A_403] : memref<4096x16xf32, #tpu.memory_space<vmem>> -> memref<128x16xf32, #tpu.memory_space<vmem>>
      %dma_wait3A_405 = arith.constant 256 : i32
      %dma_wait3A_406 = tpu.memref_slice %arg5[%dma_wait3A_401, %dma_wait3A_405] : memref<8x512xi32, #tpu.memory_space<vmem>> -> memref<1x128xi32, #tpu.memory_space<vmem>>
      %dma_wait3A_407 = tpu.memref_squeeze %dma_wait3A_406 : memref<1x128xi32, #tpu.memory_space<vmem>> -> memref<128xi32, #tpu.memory_space<vmem>>
      %dma_wait3A_408 = arith.constant 0 : i32
      %dma_wait3A_409 = arith.constant 0 : i32
      %dma_wait3A_410 = tpu.memref_slice %arg2[%dma_wait3A_400, %dma_wait3A_408, %dma_wait3A_409] : memref<8x65536x16xf32, #tpu.memory_space<hbm>> -> memref<1x65536x16xf32, #tpu.memory_space<hbm>>
      %dma_wait3A_411 = tpu.memref_squeeze %dma_wait3A_410 : memref<1x65536x16xf32, #tpu.memory_space<hbm>> -> memref<65536x16xf32, #tpu.memory_space<hbm>>
      %dma_wait3A_412 = arith.constant 0 : i32
      %dma_wait3A_413 = arith.constant 0 : i32
      %dma_wait3A_414 = tpu.memref_slice %dma_wait3A_411[%dma_wait3A_412, %dma_wait3A_413] : memref<65536x16xf32, #tpu.memory_space<hbm>> -> memref<65536x16xf32, #tpu.memory_space<hbm>>
      tpu.wait_indirect_dma semaphore(%arg7 : memref<!tpu.dma_semaphore, #tpu.memory_space<semaphore_mem>>) src(%dma_wait3A_414 : memref<65536x16xf32, #tpu.memory_space<hbm>>) dst(%dma_wait3A_404 : memref<128x16xf32, #tpu.memory_space<vmem>>)
      %dma_wait3A_415 = arith.constant 2 : i32
      %dma_wait3A_416 = arith.constant 2 : i32
      %dma_wait3A_417 = arith.constant 1408 : i32
      %dma_wait3A_418 = arith.constant 0 : i32
      %dma_wait3A_419 = tpu.memref_slice %arg6[%dma_wait3A_417, %dma_wait3A_418] : memref<4096x16xf32, #tpu.memory_space<vmem>> -> memref<128x16xf32, #tpu.memory_space<vmem>>
      %dma_wait3A_420 = arith.constant 384 : i32
      %dma_wait3A_421 = tpu.memref_slice %arg5[%dma_wait3A_416, %dma_wait3A_420] : memref<8x512xi32, #tpu.memory_space<vmem>> -> memref<1x128xi32, #tpu.memory_space<vmem>>
      %dma_wait3A_422 = tpu.memref_squeeze %dma_wait3A_421 : memref<1x128xi32, #tpu.memory_space<vmem>> -> memref<128xi32, #tpu.memory_space<vmem>>
      %dma_wait3A_423 = arith.constant 0 : i32
      %dma_wait3A_424 = arith.constant 0 : i32
      %dma_wait3A_425 = tpu.memref_slice %arg2[%dma_wait3A_415, %dma_wait3A_423, %dma_wait3A_424] : memref<8x65536x16xf32, #tpu.memory_space<hbm>> -> memref<1x65536x16xf32, #tpu.memory_space<hbm>>
      %dma_wait3A_426 = tpu.memref_squeeze %dma_wait3A_425 : memref<1x65536x16xf32, #tpu.memory_space<hbm>> -> memref<65536x16xf32, #tpu.memory_space<hbm>>
      %dma_wait3A_427 = arith.constant 0 : i32
      %dma_wait3A_428 = arith.constant 0 : i32
      %dma_wait3A_429 = tpu.memref_slice %dma_wait3A_426[%dma_wait3A_427, %dma_wait3A_428] : memref<65536x16xf32, #tpu.memory_space<hbm>> -> memref<65536x16xf32, #tpu.memory_space<hbm>>
      tpu.wait_indirect_dma semaphore(%arg7 : memref<!tpu.dma_semaphore, #tpu.memory_space<semaphore_mem>>) src(%dma_wait3A_429 : memref<65536x16xf32, #tpu.memory_space<hbm>>) dst(%dma_wait3A_419 : memref<128x16xf32, #tpu.memory_space<vmem>>)
      %dma_wait3A_430 = arith.constant 3 : i32
      %dma_wait3A_431 = arith.constant 3 : i32
      %dma_wait3A_432 = arith.constant 1536 : i32
      %dma_wait3A_433 = arith.constant 0 : i32
      %dma_wait3A_434 = tpu.memref_slice %arg6[%dma_wait3A_432, %dma_wait3A_433] : memref<4096x16xf32, #tpu.memory_space<vmem>> -> memref<128x16xf32, #tpu.memory_space<vmem>>
      %dma_wait3A_435 = arith.constant 0 : i32
      %dma_wait3A_436 = tpu.memref_slice %arg5[%dma_wait3A_431, %dma_wait3A_435] : memref<8x512xi32, #tpu.memory_space<vmem>> -> memref<1x128xi32, #tpu.memory_space<vmem>>
      %dma_wait3A_437 = tpu.memref_squeeze %dma_wait3A_436 : memref<1x128xi32, #tpu.memory_space<vmem>> -> memref<128xi32, #tpu.memory_space<vmem>>
      %dma_wait3A_438 = arith.constant 0 : i32
      %dma_wait3A_439 = arith.constant 0 : i32
      %dma_wait3A_440 = tpu.memref_slice %arg2[%dma_wait3A_430, %dma_wait3A_438, %dma_wait3A_439] : memref<8x65536x16xf32, #tpu.memory_space<hbm>> -> memref<1x65536x16xf32, #tpu.memory_space<hbm>>
      %dma_wait3A_441 = tpu.memref_squeeze %dma_wait3A_440 : memref<1x65536x16xf32, #tpu.memory_space<hbm>> -> memref<65536x16xf32, #tpu.memory_space<hbm>>
      %dma_wait3A_442 = arith.constant 0 : i32
      %dma_wait3A_443 = arith.constant 0 : i32
      %dma_wait3A_444 = tpu.memref_slice %dma_wait3A_441[%dma_wait3A_442, %dma_wait3A_443] : memref<65536x16xf32, #tpu.memory_space<hbm>> -> memref<65536x16xf32, #tpu.memory_space<hbm>>
      tpu.wait_indirect_dma semaphore(%arg7 : memref<!tpu.dma_semaphore, #tpu.memory_space<semaphore_mem>>) src(%dma_wait3A_444 : memref<65536x16xf32, #tpu.memory_space<hbm>>) dst(%dma_wait3A_434 : memref<128x16xf32, #tpu.memory_space<vmem>>)
      %dma_wait3A_445 = arith.constant 3 : i32
      %dma_wait3A_446 = arith.constant 3 : i32
      %dma_wait3A_447 = arith.constant 1664 : i32
      %dma_wait3A_448 = arith.constant 0 : i32
      %dma_wait3A_449 = tpu.memref_slice %arg6[%dma_wait3A_447, %dma_wait3A_448] : memref<4096x16xf32, #tpu.memory_space<vmem>> -> memref<128x16xf32, #tpu.memory_space<vmem>>
      %dma_wait3A_450 = arith.constant 128 : i32
      %dma_wait3A_451 = tpu.memref_slice %arg5[%dma_wait3A_446, %dma_wait3A_450] : memref<8x512xi32, #tpu.memory_space<vmem>> -> memref<1x128xi32, #tpu.memory_space<vmem>>
      %dma_wait3A_452 = tpu.memref_squeeze %dma_wait3A_451 : memref<1x128xi32, #tpu.memory_space<vmem>> -> memref<128xi32, #tpu.memory_space<vmem>>
      %dma_wait3A_453 = arith.constant 0 : i32
      %dma_wait3A_454 = arith.constant 0 : i32
      %dma_wait3A_455 = tpu.memref_slice %arg2[%dma_wait3A_445, %dma_wait3A_453, %dma_wait3A_454] : memref<8x65536x16xf32, #tpu.memory_space<hbm>> -> memref<1x65536x16xf32, #tpu.memory_space<hbm>>
      %dma_wait3A_456 = tpu.memref_squeeze %dma_wait3A_455 : memref<1x65536x16xf32, #tpu.memory_space<hbm>> -> memref<65536x16xf32, #tpu.memory_space<hbm>>
      %dma_wait3A_457 = arith.constant 0 : i32
      %dma_wait3A_458 = arith.constant 0 : i32
      %dma_wait3A_459 = tpu.memref_slice %dma_wait3A_456[%dma_wait3A_457, %dma_wait3A_458] : memref<65536x16xf32, #tpu.memory_space<hbm>> -> memref<65536x16xf32, #tpu.memory_space<hbm>>
      tpu.wait_indirect_dma semaphore(%arg7 : memref<!tpu.dma_semaphore, #tpu.memory_space<semaphore_mem>>) src(%dma_wait3A_459 : memref<65536x16xf32, #tpu.memory_space<hbm>>) dst(%dma_wait3A_449 : memref<128x16xf32, #tpu.memory_space<vmem>>)
      %dma_wait3A_460 = arith.constant 3 : i32
      %dma_wait3A_461 = arith.constant 3 : i32
      %dma_wait3A_462 = arith.constant 1792 : i32
      %dma_wait3A_463 = arith.constant 0 : i32
      %dma_wait3A_464 = tpu.memref_slice %arg6[%dma_wait3A_462, %dma_wait3A_463] : memref<4096x16xf32, #tpu.memory_space<vmem>> -> memref<128x16xf32, #tpu.memory_space<vmem>>
      %dma_wait3A_465 = arith.constant 256 : i32
      %dma_wait3A_466 = tpu.memref_slice %arg5[%dma_wait3A_461, %dma_wait3A_465] : memref<8x512xi32, #tpu.memory_space<vmem>> -> memref<1x128xi32, #tpu.memory_space<vmem>>
      %dma_wait3A_467 = tpu.memref_squeeze %dma_wait3A_466 : memref<1x128xi32, #tpu.memory_space<vmem>> -> memref<128xi32, #tpu.memory_space<vmem>>
      %dma_wait3A_468 = arith.constant 0 : i32
      %dma_wait3A_469 = arith.constant 0 : i32
      %dma_wait3A_470 = tpu.memref_slice %arg2[%dma_wait3A_460, %dma_wait3A_468, %dma_wait3A_469] : memref<8x65536x16xf32, #tpu.memory_space<hbm>> -> memref<1x65536x16xf32, #tpu.memory_space<hbm>>
      %dma_wait3A_471 = tpu.memref_squeeze %dma_wait3A_470 : memref<1x65536x16xf32, #tpu.memory_space<hbm>> -> memref<65536x16xf32, #tpu.memory_space<hbm>>
      %dma_wait3A_472 = arith.constant 0 : i32
      %dma_wait3A_473 = arith.constant 0 : i32
      %dma_wait3A_474 = tpu.memref_slice %dma_wait3A_471[%dma_wait3A_472, %dma_wait3A_473] : memref<65536x16xf32, #tpu.memory_space<hbm>> -> memref<65536x16xf32, #tpu.memory_space<hbm>>
      tpu.wait_indirect_dma semaphore(%arg7 : memref<!tpu.dma_semaphore, #tpu.memory_space<semaphore_mem>>) src(%dma_wait3A_474 : memref<65536x16xf32, #tpu.memory_space<hbm>>) dst(%dma_wait3A_464 : memref<128x16xf32, #tpu.memory_space<vmem>>)
      %dma_wait3A_475 = arith.constant 3 : i32
      %dma_wait3A_476 = arith.constant 3 : i32
      %dma_wait3A_477 = arith.constant 1920 : i32
      %dma_wait3A_478 = arith.constant 0 : i32
      %dma_wait3A_479 = tpu.memref_slice %arg6[%dma_wait3A_477, %dma_wait3A_478] : memref<4096x16xf32, #tpu.memory_space<vmem>> -> memref<128x16xf32, #tpu.memory_space<vmem>>
      %dma_wait3A_480 = arith.constant 384 : i32
      %dma_wait3A_481 = tpu.memref_slice %arg5[%dma_wait3A_476, %dma_wait3A_480] : memref<8x512xi32, #tpu.memory_space<vmem>> -> memref<1x128xi32, #tpu.memory_space<vmem>>
      %dma_wait3A_482 = tpu.memref_squeeze %dma_wait3A_481 : memref<1x128xi32, #tpu.memory_space<vmem>> -> memref<128xi32, #tpu.memory_space<vmem>>
      %dma_wait3A_483 = arith.constant 0 : i32
      %dma_wait3A_484 = arith.constant 0 : i32
      %dma_wait3A_485 = tpu.memref_slice %arg2[%dma_wait3A_475, %dma_wait3A_483, %dma_wait3A_484] : memref<8x65536x16xf32, #tpu.memory_space<hbm>> -> memref<1x65536x16xf32, #tpu.memory_space<hbm>>
      %dma_wait3A_486 = tpu.memref_squeeze %dma_wait3A_485 : memref<1x65536x16xf32, #tpu.memory_space<hbm>> -> memref<65536x16xf32, #tpu.memory_space<hbm>>
      %dma_wait3A_487 = arith.constant 0 : i32
      %dma_wait3A_488 = arith.constant 0 : i32
      %dma_wait3A_489 = tpu.memref_slice %dma_wait3A_486[%dma_wait3A_487, %dma_wait3A_488] : memref<65536x16xf32, #tpu.memory_space<hbm>> -> memref<65536x16xf32, #tpu.memory_space<hbm>>
      tpu.wait_indirect_dma semaphore(%arg7 : memref<!tpu.dma_semaphore, #tpu.memory_space<semaphore_mem>>) src(%dma_wait3A_489 : memref<65536x16xf32, #tpu.memory_space<hbm>>) dst(%dma_wait3A_479 : memref<128x16xf32, #tpu.memory_space<vmem>>)
      %dma_start3A_490 = arith.constant 4 : i32
      %dma_start3A_491 = arith.constant 4 : i32
      %dma_start3A_492 = arith.constant 2048 : i32
      %dma_start3A_493 = arith.constant 0 : i32
      %dma_start3A_494 = tpu.memref_slice %arg6[%dma_start3A_492, %dma_start3A_493] : memref<4096x16xf32, #tpu.memory_space<vmem>> -> memref<128x16xf32, #tpu.memory_space<vmem>>
      %dma_start3A_495 = arith.constant 0 : i32
      %dma_start3A_496 = tpu.memref_slice %arg5[%dma_start3A_491, %dma_start3A_495] : memref<8x512xi32, #tpu.memory_space<vmem>> -> memref<1x128xi32, #tpu.memory_space<vmem>>
      %dma_start3A_497 = tpu.memref_squeeze %dma_start3A_496 : memref<1x128xi32, #tpu.memory_space<vmem>> -> memref<128xi32, #tpu.memory_space<vmem>>
      %dma_start3A_498 = arith.constant 0 : i32
      %dma_start3A_499 = arith.constant 0 : i32
      %dma_start3A_500 = tpu.memref_slice %arg2[%dma_start3A_490, %dma_start3A_498, %dma_start3A_499] : memref<8x65536x16xf32, #tpu.memory_space<hbm>> -> memref<1x65536x16xf32, #tpu.memory_space<hbm>>
      %dma_start3A_501 = tpu.memref_squeeze %dma_start3A_500 : memref<1x65536x16xf32, #tpu.memory_space<hbm>> -> memref<65536x16xf32, #tpu.memory_space<hbm>>
      %dma_start3A_502 = arith.constant 0 : i32
      %dma_start3A_503 = arith.constant 0 : i32
      %dma_start3A_504 = tpu.memref_slice %dma_start3A_501[%dma_start3A_502, %dma_start3A_503] : memref<65536x16xf32, #tpu.memory_space<hbm>> -> memref<65536x16xf32, #tpu.memory_space<hbm>>
      tpu.enqueue_indirect_dma source(%dma_start3A_504 : memref<65536x16xf32, #tpu.memory_space<hbm>>) target(%dma_start3A_494 : memref<128x16xf32, #tpu.memory_space<vmem>>) offsets(%dma_start3A_497 : memref<128xi32, #tpu.memory_space<vmem>>) semaphore(%arg7 : memref<!tpu.dma_semaphore, #tpu.memory_space<semaphore_mem>>)
      %dma_start3A_505 = arith.constant 4 : i32
      %dma_start3A_506 = arith.constant 4 : i32
      %dma_start3A_507 = arith.constant 2176 : i32
      %dma_start3A_508 = arith.constant 0 : i32
      %dma_start3A_509 = tpu.memref_slice %arg6[%dma_start3A_507, %dma_start3A_508] : memref<4096x16xf32, #tpu.memory_space<vmem>> -> memref<128x16xf32, #tpu.memory_space<vmem>>
      %dma_start3A_510 = arith.constant 128 : i32
      %dma_start3A_511 = tpu.memref_slice %arg5[%dma_start3A_506, %dma_start3A_510] : memref<8x512xi32, #tpu.memory_space<vmem>> -> memref<1x128xi32, #tpu.memory_space<vmem>>
      %dma_start3A_512 = tpu.memref_squeeze %dma_start3A_511 : memref<1x128xi32, #tpu.memory_space<vmem>> -> memref<128xi32, #tpu.memory_space<vmem>>
      %dma_start3A_513 = arith.constant 0 : i32
      %dma_start3A_514 = arith.constant 0 : i32
      %dma_start3A_515 = tpu.memref_slice %arg2[%dma_start3A_505, %dma_start3A_513, %dma_start3A_514] : memref<8x65536x16xf32, #tpu.memory_space<hbm>> -> memref<1x65536x16xf32, #tpu.memory_space<hbm>>
      %dma_start3A_516 = tpu.memref_squeeze %dma_start3A_515 : memref<1x65536x16xf32, #tpu.memory_space<hbm>> -> memref<65536x16xf32, #tpu.memory_space<hbm>>
      %dma_start3A_517 = arith.constant 0 : i32
      %dma_start3A_518 = arith.constant 0 : i32
      %dma_start3A_519 = tpu.memref_slice %dma_start3A_516[%dma_start3A_517, %dma_start3A_518] : memref<65536x16xf32, #tpu.memory_space<hbm>> -> memref<65536x16xf32, #tpu.memory_space<hbm>>
      tpu.enqueue_indirect_dma source(%dma_start3A_519 : memref<65536x16xf32, #tpu.memory_space<hbm>>) target(%dma_start3A_509 : memref<128x16xf32, #tpu.memory_space<vmem>>) offsets(%dma_start3A_512 : memref<128xi32, #tpu.memory_space<vmem>>) semaphore(%arg7 : memref<!tpu.dma_semaphore, #tpu.memory_space<semaphore_mem>>)
      %dma_start3A_520 = arith.constant 4 : i32
      %dma_start3A_521 = arith.constant 4 : i32
      %dma_start3A_522 = arith.constant 2304 : i32
      %dma_start3A_523 = arith.constant 0 : i32
      %dma_start3A_524 = tpu.memref_slice %arg6[%dma_start3A_522, %dma_start3A_523] : memref<4096x16xf32, #tpu.memory_space<vmem>> -> memref<128x16xf32, #tpu.memory_space<vmem>>
      %dma_start3A_525 = arith.constant 256 : i32
      %dma_start3A_526 = tpu.memref_slice %arg5[%dma_start3A_521, %dma_start3A_525] : memref<8x512xi32, #tpu.memory_space<vmem>> -> memref<1x128xi32, #tpu.memory_space<vmem>>
      %dma_start3A_527 = tpu.memref_squeeze %dma_start3A_526 : memref<1x128xi32, #tpu.memory_space<vmem>> -> memref<128xi32, #tpu.memory_space<vmem>>
      %dma_start3A_528 = arith.constant 0 : i32
      %dma_start3A_529 = arith.constant 0 : i32
      %dma_start3A_530 = tpu.memref_slice %arg2[%dma_start3A_520, %dma_start3A_528, %dma_start3A_529] : memref<8x65536x16xf32, #tpu.memory_space<hbm>> -> memref<1x65536x16xf32, #tpu.memory_space<hbm>>
      %dma_start3A_531 = tpu.memref_squeeze %dma_start3A_530 : memref<1x65536x16xf32, #tpu.memory_space<hbm>> -> memref<65536x16xf32, #tpu.memory_space<hbm>>
      %dma_start3A_532 = arith.constant 0 : i32
      %dma_start3A_533 = arith.constant 0 : i32
      %dma_start3A_534 = tpu.memref_slice %dma_start3A_531[%dma_start3A_532, %dma_start3A_533] : memref<65536x16xf32, #tpu.memory_space<hbm>> -> memref<65536x16xf32, #tpu.memory_space<hbm>>
      tpu.enqueue_indirect_dma source(%dma_start3A_534 : memref<65536x16xf32, #tpu.memory_space<hbm>>) target(%dma_start3A_524 : memref<128x16xf32, #tpu.memory_space<vmem>>) offsets(%dma_start3A_527 : memref<128xi32, #tpu.memory_space<vmem>>) semaphore(%arg7 : memref<!tpu.dma_semaphore, #tpu.memory_space<semaphore_mem>>)
      %dma_start3A_535 = arith.constant 4 : i32
      %dma_start3A_536 = arith.constant 4 : i32
      %dma_start3A_537 = arith.constant 2432 : i32
      %dma_start3A_538 = arith.constant 0 : i32
      %dma_start3A_539 = tpu.memref_slice %arg6[%dma_start3A_537, %dma_start3A_538] : memref<4096x16xf32, #tpu.memory_space<vmem>> -> memref<128x16xf32, #tpu.memory_space<vmem>>
      %dma_start3A_540 = arith.constant 384 : i32
      %dma_start3A_541 = tpu.memref_slice %arg5[%dma_start3A_536, %dma_start3A_540] : memref<8x512xi32, #tpu.memory_space<vmem>> -> memref<1x128xi32, #tpu.memory_space<vmem>>
      %dma_start3A_542 = tpu.memref_squeeze %dma_start3A_541 : memref<1x128xi32, #tpu.memory_space<vmem>> -> memref<128xi32, #tpu.memory_space<vmem>>
      %dma_start3A_543 = arith.constant 0 : i32
      %dma_start3A_544 = arith.constant 0 : i32
      %dma_start3A_545 = tpu.memref_slice %arg2[%dma_start3A_535, %dma_start3A_543, %dma_start3A_544] : memref<8x65536x16xf32, #tpu.memory_space<hbm>> -> memref<1x65536x16xf32, #tpu.memory_space<hbm>>
      %dma_start3A_546 = tpu.memref_squeeze %dma_start3A_545 : memref<1x65536x16xf32, #tpu.memory_space<hbm>> -> memref<65536x16xf32, #tpu.memory_space<hbm>>
      %dma_start3A_547 = arith.constant 0 : i32
      %dma_start3A_548 = arith.constant 0 : i32
      %dma_start3A_549 = tpu.memref_slice %dma_start3A_546[%dma_start3A_547, %dma_start3A_548] : memref<65536x16xf32, #tpu.memory_space<hbm>> -> memref<65536x16xf32, #tpu.memory_space<hbm>>
      tpu.enqueue_indirect_dma source(%dma_start3A_549 : memref<65536x16xf32, #tpu.memory_space<hbm>>) target(%dma_start3A_539 : memref<128x16xf32, #tpu.memory_space<vmem>>) offsets(%dma_start3A_542 : memref<128xi32, #tpu.memory_space<vmem>>) semaphore(%arg7 : memref<!tpu.dma_semaphore, #tpu.memory_space<semaphore_mem>>)
      %dma_start3A_550 = arith.constant 5 : i32
      %dma_start3A_551 = arith.constant 5 : i32
      %dma_start3A_552 = arith.constant 2560 : i32
      %dma_start3A_553 = arith.constant 0 : i32
      %dma_start3A_554 = tpu.memref_slice %arg6[%dma_start3A_552, %dma_start3A_553] : memref<4096x16xf32, #tpu.memory_space<vmem>> -> memref<128x16xf32, #tpu.memory_space<vmem>>
      %dma_start3A_555 = arith.constant 0 : i32
      %dma_start3A_556 = tpu.memref_slice %arg5[%dma_start3A_551, %dma_start3A_555] : memref<8x512xi32, #tpu.memory_space<vmem>> -> memref<1x128xi32, #tpu.memory_space<vmem>>
      %dma_start3A_557 = tpu.memref_squeeze %dma_start3A_556 : memref<1x128xi32, #tpu.memory_space<vmem>> -> memref<128xi32, #tpu.memory_space<vmem>>
      %dma_start3A_558 = arith.constant 0 : i32
      %dma_start3A_559 = arith.constant 0 : i32
      %dma_start3A_560 = tpu.memref_slice %arg2[%dma_start3A_550, %dma_start3A_558, %dma_start3A_559] : memref<8x65536x16xf32, #tpu.memory_space<hbm>> -> memref<1x65536x16xf32, #tpu.memory_space<hbm>>
      %dma_start3A_561 = tpu.memref_squeeze %dma_start3A_560 : memref<1x65536x16xf32, #tpu.memory_space<hbm>> -> memref<65536x16xf32, #tpu.memory_space<hbm>>
      %dma_start3A_562 = arith.constant 0 : i32
      %dma_start3A_563 = arith.constant 0 : i32
      %dma_start3A_564 = tpu.memref_slice %dma_start3A_561[%dma_start3A_562, %dma_start3A_563] : memref<65536x16xf32, #tpu.memory_space<hbm>> -> memref<65536x16xf32, #tpu.memory_space<hbm>>
      tpu.enqueue_indirect_dma source(%dma_start3A_564 : memref<65536x16xf32, #tpu.memory_space<hbm>>) target(%dma_start3A_554 : memref<128x16xf32, #tpu.memory_space<vmem>>) offsets(%dma_start3A_557 : memref<128xi32, #tpu.memory_space<vmem>>) semaphore(%arg7 : memref<!tpu.dma_semaphore, #tpu.memory_space<semaphore_mem>>)
      %dma_start3A_565 = arith.constant 5 : i32
      %dma_start3A_566 = arith.constant 5 : i32
      %dma_start3A_567 = arith.constant 2688 : i32
      %dma_start3A_568 = arith.constant 0 : i32
      %dma_start3A_569 = tpu.memref_slice %arg6[%dma_start3A_567, %dma_start3A_568] : memref<4096x16xf32, #tpu.memory_space<vmem>> -> memref<128x16xf32, #tpu.memory_space<vmem>>
      %dma_start3A_570 = arith.constant 128 : i32
      %dma_start3A_571 = tpu.memref_slice %arg5[%dma_start3A_566, %dma_start3A_570] : memref<8x512xi32, #tpu.memory_space<vmem>> -> memref<1x128xi32, #tpu.memory_space<vmem>>
      %dma_start3A_572 = tpu.memref_squeeze %dma_start3A_571 : memref<1x128xi32, #tpu.memory_space<vmem>> -> memref<128xi32, #tpu.memory_space<vmem>>
      %dma_start3A_573 = arith.constant 0 : i32
      %dma_start3A_574 = arith.constant 0 : i32
      %dma_start3A_575 = tpu.memref_slice %arg2[%dma_start3A_565, %dma_start3A_573, %dma_start3A_574] : memref<8x65536x16xf32, #tpu.memory_space<hbm>> -> memref<1x65536x16xf32, #tpu.memory_space<hbm>>
      %dma_start3A_576 = tpu.memref_squeeze %dma_start3A_575 : memref<1x65536x16xf32, #tpu.memory_space<hbm>> -> memref<65536x16xf32, #tpu.memory_space<hbm>>
      %dma_start3A_577 = arith.constant 0 : i32
      %dma_start3A_578 = arith.constant 0 : i32
      %dma_start3A_579 = tpu.memref_slice %dma_start3A_576[%dma_start3A_577, %dma_start3A_578] : memref<65536x16xf32, #tpu.memory_space<hbm>> -> memref<65536x16xf32, #tpu.memory_space<hbm>>
      tpu.enqueue_indirect_dma source(%dma_start3A_579 : memref<65536x16xf32, #tpu.memory_space<hbm>>) target(%dma_start3A_569 : memref<128x16xf32, #tpu.memory_space<vmem>>) offsets(%dma_start3A_572 : memref<128xi32, #tpu.memory_space<vmem>>) semaphore(%arg7 : memref<!tpu.dma_semaphore, #tpu.memory_space<semaphore_mem>>)
      %dma_start3A_580 = arith.constant 5 : i32
      %dma_start3A_581 = arith.constant 5 : i32
      %dma_start3A_582 = arith.constant 2816 : i32
      %dma_start3A_583 = arith.constant 0 : i32
      %dma_start3A_584 = tpu.memref_slice %arg6[%dma_start3A_582, %dma_start3A_583] : memref<4096x16xf32, #tpu.memory_space<vmem>> -> memref<128x16xf32, #tpu.memory_space<vmem>>
      %dma_start3A_585 = arith.constant 256 : i32
      %dma_start3A_586 = tpu.memref_slice %arg5[%dma_start3A_581, %dma_start3A_585] : memref<8x512xi32, #tpu.memory_space<vmem>> -> memref<1x128xi32, #tpu.memory_space<vmem>>
      %dma_start3A_587 = tpu.memref_squeeze %dma_start3A_586 : memref<1x128xi32, #tpu.memory_space<vmem>> -> memref<128xi32, #tpu.memory_space<vmem>>
      %dma_start3A_588 = arith.constant 0 : i32
      %dma_start3A_589 = arith.constant 0 : i32
      %dma_start3A_590 = tpu.memref_slice %arg2[%dma_start3A_580, %dma_start3A_588, %dma_start3A_589] : memref<8x65536x16xf32, #tpu.memory_space<hbm>> -> memref<1x65536x16xf32, #tpu.memory_space<hbm>>
      %dma_start3A_591 = tpu.memref_squeeze %dma_start3A_590 : memref<1x65536x16xf32, #tpu.memory_space<hbm>> -> memref<65536x16xf32, #tpu.memory_space<hbm>>
      %dma_start3A_592 = arith.constant 0 : i32
      %dma_start3A_593 = arith.constant 0 : i32
      %dma_start3A_594 = tpu.memref_slice %dma_start3A_591[%dma_start3A_592, %dma_start3A_593] : memref<65536x16xf32, #tpu.memory_space<hbm>> -> memref<65536x16xf32, #tpu.memory_space<hbm>>
      tpu.enqueue_indirect_dma source(%dma_start3A_594 : memref<65536x16xf32, #tpu.memory_space<hbm>>) target(%dma_start3A_584 : memref<128x16xf32, #tpu.memory_space<vmem>>) offsets(%dma_start3A_587 : memref<128xi32, #tpu.memory_space<vmem>>) semaphore(%arg7 : memref<!tpu.dma_semaphore, #tpu.memory_space<semaphore_mem>>)
      %dma_start3A_595 = arith.constant 5 : i32
      %dma_start3A_596 = arith.constant 5 : i32
      %dma_start3A_597 = arith.constant 2944 : i32
      %dma_start3A_598 = arith.constant 0 : i32
      %dma_start3A_599 = tpu.memref_slice %arg6[%dma_start3A_597, %dma_start3A_598] : memref<4096x16xf32, #tpu.memory_space<vmem>> -> memref<128x16xf32, #tpu.memory_space<vmem>>
      %dma_start3A_600 = arith.constant 384 : i32
      %dma_start3A_601 = tpu.memref_slice %arg5[%dma_start3A_596, %dma_start3A_600] : memref<8x512xi32, #tpu.memory_space<vmem>> -> memref<1x128xi32, #tpu.memory_space<vmem>>
      %dma_start3A_602 = tpu.memref_squeeze %dma_start3A_601 : memref<1x128xi32, #tpu.memory_space<vmem>> -> memref<128xi32, #tpu.memory_space<vmem>>
      %dma_start3A_603 = arith.constant 0 : i32
      %dma_start3A_604 = arith.constant 0 : i32
      %dma_start3A_605 = tpu.memref_slice %arg2[%dma_start3A_595, %dma_start3A_603, %dma_start3A_604] : memref<8x65536x16xf32, #tpu.memory_space<hbm>> -> memref<1x65536x16xf32, #tpu.memory_space<hbm>>
      %dma_start3A_606 = tpu.memref_squeeze %dma_start3A_605 : memref<1x65536x16xf32, #tpu.memory_space<hbm>> -> memref<65536x16xf32, #tpu.memory_space<hbm>>
      %dma_start3A_607 = arith.constant 0 : i32
      %dma_start3A_608 = arith.constant 0 : i32
      %dma_start3A_609 = tpu.memref_slice %dma_start3A_606[%dma_start3A_607, %dma_start3A_608] : memref<65536x16xf32, #tpu.memory_space<hbm>> -> memref<65536x16xf32, #tpu.memory_space<hbm>>
      tpu.enqueue_indirect_dma source(%dma_start3A_609 : memref<65536x16xf32, #tpu.memory_space<hbm>>) target(%dma_start3A_599 : memref<128x16xf32, #tpu.memory_space<vmem>>) offsets(%dma_start3A_602 : memref<128xi32, #tpu.memory_space<vmem>>) semaphore(%arg7 : memref<!tpu.dma_semaphore, #tpu.memory_space<semaphore_mem>>)
      %dma_start3A_610 = arith.constant 6 : i32
      %dma_start3A_611 = arith.constant 6 : i32
      %dma_start3A_612 = arith.constant 3072 : i32
      %dma_start3A_613 = arith.constant 0 : i32
      %dma_start3A_614 = tpu.memref_slice %arg6[%dma_start3A_612, %dma_start3A_613] : memref<4096x16xf32, #tpu.memory_space<vmem>> -> memref<128x16xf32, #tpu.memory_space<vmem>>
      %dma_start3A_615 = arith.constant 0 : i32
      %dma_start3A_616 = tpu.memref_slice %arg5[%dma_start3A_611, %dma_start3A_615] : memref<8x512xi32, #tpu.memory_space<vmem>> -> memref<1x128xi32, #tpu.memory_space<vmem>>
      %dma_start3A_617 = tpu.memref_squeeze %dma_start3A_616 : memref<1x128xi32, #tpu.memory_space<vmem>> -> memref<128xi32, #tpu.memory_space<vmem>>
      %dma_start3A_618 = arith.constant 0 : i32
      %dma_start3A_619 = arith.constant 0 : i32
      %dma_start3A_620 = tpu.memref_slice %arg2[%dma_start3A_610, %dma_start3A_618, %dma_start3A_619] : memref<8x65536x16xf32, #tpu.memory_space<hbm>> -> memref<1x65536x16xf32, #tpu.memory_space<hbm>>
      %dma_start3A_621 = tpu.memref_squeeze %dma_start3A_620 : memref<1x65536x16xf32, #tpu.memory_space<hbm>> -> memref<65536x16xf32, #tpu.memory_space<hbm>>
      %dma_start3A_622 = arith.constant 0 : i32
      %dma_start3A_623 = arith.constant 0 : i32
      %dma_start3A_624 = tpu.memref_slice %dma_start3A_621[%dma_start3A_622, %dma_start3A_623] : memref<65536x16xf32, #tpu.memory_space<hbm>> -> memref<65536x16xf32, #tpu.memory_space<hbm>>
      tpu.enqueue_indirect_dma source(%dma_start3A_624 : memref<65536x16xf32, #tpu.memory_space<hbm>>) target(%dma_start3A_614 : memref<128x16xf32, #tpu.memory_space<vmem>>) offsets(%dma_start3A_617 : memref<128xi32, #tpu.memory_space<vmem>>) semaphore(%arg7 : memref<!tpu.dma_semaphore, #tpu.memory_space<semaphore_mem>>)
      %dma_start3A_625 = arith.constant 6 : i32
      %dma_start3A_626 = arith.constant 6 : i32
      %dma_start3A_627 = arith.constant 3200 : i32
      %dma_start3A_628 = arith.constant 0 : i32
      %dma_start3A_629 = tpu.memref_slice %arg6[%dma_start3A_627, %dma_start3A_628] : memref<4096x16xf32, #tpu.memory_space<vmem>> -> memref<128x16xf32, #tpu.memory_space<vmem>>
      %dma_start3A_630 = arith.constant 128 : i32
      %dma_start3A_631 = tpu.memref_slice %arg5[%dma_start3A_626, %dma_start3A_630] : memref<8x512xi32, #tpu.memory_space<vmem>> -> memref<1x128xi32, #tpu.memory_space<vmem>>
      %dma_start3A_632 = tpu.memref_squeeze %dma_start3A_631 : memref<1x128xi32, #tpu.memory_space<vmem>> -> memref<128xi32, #tpu.memory_space<vmem>>
      %dma_start3A_633 = arith.constant 0 : i32
      %dma_start3A_634 = arith.constant 0 : i32
      %dma_start3A_635 = tpu.memref_slice %arg2[%dma_start3A_625, %dma_start3A_633, %dma_start3A_634] : memref<8x65536x16xf32, #tpu.memory_space<hbm>> -> memref<1x65536x16xf32, #tpu.memory_space<hbm>>
      %dma_start3A_636 = tpu.memref_squeeze %dma_start3A_635 : memref<1x65536x16xf32, #tpu.memory_space<hbm>> -> memref<65536x16xf32, #tpu.memory_space<hbm>>
      %dma_start3A_637 = arith.constant 0 : i32
      %dma_start3A_638 = arith.constant 0 : i32
      %dma_start3A_639 = tpu.memref_slice %dma_start3A_636[%dma_start3A_637, %dma_start3A_638] : memref<65536x16xf32, #tpu.memory_space<hbm>> -> memref<65536x16xf32, #tpu.memory_space<hbm>>
      tpu.enqueue_indirect_dma source(%dma_start3A_639 : memref<65536x16xf32, #tpu.memory_space<hbm>>) target(%dma_start3A_629 : memref<128x16xf32, #tpu.memory_space<vmem>>) offsets(%dma_start3A_632 : memref<128xi32, #tpu.memory_space<vmem>>) semaphore(%arg7 : memref<!tpu.dma_semaphore, #tpu.memory_space<semaphore_mem>>)
      %dma_start3A_640 = arith.constant 6 : i32
      %dma_start3A_641 = arith.constant 6 : i32
      %dma_start3A_642 = arith.constant 3328 : i32
      %dma_start3A_643 = arith.constant 0 : i32
      %dma_start3A_644 = tpu.memref_slice %arg6[%dma_start3A_642, %dma_start3A_643] : memref<4096x16xf32, #tpu.memory_space<vmem>> -> memref<128x16xf32, #tpu.memory_space<vmem>>
      %dma_start3A_645 = arith.constant 256 : i32
      %dma_start3A_646 = tpu.memref_slice %arg5[%dma_start3A_641, %dma_start3A_645] : memref<8x512xi32, #tpu.memory_space<vmem>> -> memref<1x128xi32, #tpu.memory_space<vmem>>
      %dma_start3A_647 = tpu.memref_squeeze %dma_start3A_646 : memref<1x128xi32, #tpu.memory_space<vmem>> -> memref<128xi32, #tpu.memory_space<vmem>>
      %dma_start3A_648 = arith.constant 0 : i32
      %dma_start3A_649 = arith.constant 0 : i32
      %dma_start3A_650 = tpu.memref_slice %arg2[%dma_start3A_640, %dma_start3A_648, %dma_start3A_649] : memref<8x65536x16xf32, #tpu.memory_space<hbm>> -> memref<1x65536x16xf32, #tpu.memory_space<hbm>>
      %dma_start3A_651 = tpu.memref_squeeze %dma_start3A_650 : memref<1x65536x16xf32, #tpu.memory_space<hbm>> -> memref<65536x16xf32, #tpu.memory_space<hbm>>
      %dma_start3A_652 = arith.constant 0 : i32
      %dma_start3A_653 = arith.constant 0 : i32
      %dma_start3A_654 = tpu.memref_slice %dma_start3A_651[%dma_start3A_652, %dma_start3A_653] : memref<65536x16xf32, #tpu.memory_space<hbm>> -> memref<65536x16xf32, #tpu.memory_space<hbm>>
      tpu.enqueue_indirect_dma source(%dma_start3A_654 : memref<65536x16xf32, #tpu.memory_space<hbm>>) target(%dma_start3A_644 : memref<128x16xf32, #tpu.memory_space<vmem>>) offsets(%dma_start3A_647 : memref<128xi32, #tpu.memory_space<vmem>>) semaphore(%arg7 : memref<!tpu.dma_semaphore, #tpu.memory_space<semaphore_mem>>)
      %dma_start3A_655 = arith.constant 6 : i32
      %dma_start3A_656 = arith.constant 6 : i32
      %dma_start3A_657 = arith.constant 3456 : i32
      %dma_start3A_658 = arith.constant 0 : i32
      %dma_start3A_659 = tpu.memref_slice %arg6[%dma_start3A_657, %dma_start3A_658] : memref<4096x16xf32, #tpu.memory_space<vmem>> -> memref<128x16xf32, #tpu.memory_space<vmem>>
      %dma_start3A_660 = arith.constant 384 : i32
      %dma_start3A_661 = tpu.memref_slice %arg5[%dma_start3A_656, %dma_start3A_660] : memref<8x512xi32, #tpu.memory_space<vmem>> -> memref<1x128xi32, #tpu.memory_space<vmem>>
      %dma_start3A_662 = tpu.memref_squeeze %dma_start3A_661 : memref<1x128xi32, #tpu.memory_space<vmem>> -> memref<128xi32, #tpu.memory_space<vmem>>
      %dma_start3A_663 = arith.constant 0 : i32
      %dma_start3A_664 = arith.constant 0 : i32
      %dma_start3A_665 = tpu.memref_slice %arg2[%dma_start3A_655, %dma_start3A_663, %dma_start3A_664] : memref<8x65536x16xf32, #tpu.memory_space<hbm>> -> memref<1x65536x16xf32, #tpu.memory_space<hbm>>
      %dma_start3A_666 = tpu.memref_squeeze %dma_start3A_665 : memref<1x65536x16xf32, #tpu.memory_space<hbm>> -> memref<65536x16xf32, #tpu.memory_space<hbm>>
      %dma_start3A_667 = arith.constant 0 : i32
      %dma_start3A_668 = arith.constant 0 : i32
      %dma_start3A_669 = tpu.memref_slice %dma_start3A_666[%dma_start3A_667, %dma_start3A_668] : memref<65536x16xf32, #tpu.memory_space<hbm>> -> memref<65536x16xf32, #tpu.memory_space<hbm>>
      tpu.enqueue_indirect_dma source(%dma_start3A_669 : memref<65536x16xf32, #tpu.memory_space<hbm>>) target(%dma_start3A_659 : memref<128x16xf32, #tpu.memory_space<vmem>>) offsets(%dma_start3A_662 : memref<128xi32, #tpu.memory_space<vmem>>) semaphore(%arg7 : memref<!tpu.dma_semaphore, #tpu.memory_space<semaphore_mem>>)
      %dma_start3A_670 = arith.constant 7 : i32
      %dma_start3A_671 = arith.constant 7 : i32
      %dma_start3A_672 = arith.constant 3584 : i32
      %dma_start3A_673 = arith.constant 0 : i32
      %dma_start3A_674 = tpu.memref_slice %arg6[%dma_start3A_672, %dma_start3A_673] : memref<4096x16xf32, #tpu.memory_space<vmem>> -> memref<128x16xf32, #tpu.memory_space<vmem>>
      %dma_start3A_675 = arith.constant 0 : i32
      %dma_start3A_676 = tpu.memref_slice %arg5[%dma_start3A_671, %dma_start3A_675] : memref<8x512xi32, #tpu.memory_space<vmem>> -> memref<1x128xi32, #tpu.memory_space<vmem>>
      %dma_start3A_677 = tpu.memref_squeeze %dma_start3A_676 : memref<1x128xi32, #tpu.memory_space<vmem>> -> memref<128xi32, #tpu.memory_space<vmem>>
      %dma_start3A_678 = arith.constant 0 : i32
      %dma_start3A_679 = arith.constant 0 : i32
      %dma_start3A_680 = tpu.memref_slice %arg2[%dma_start3A_670, %dma_start3A_678, %dma_start3A_679] : memref<8x65536x16xf32, #tpu.memory_space<hbm>> -> memref<1x65536x16xf32, #tpu.memory_space<hbm>>
      %dma_start3A_681 = tpu.memref_squeeze %dma_start3A_680 : memref<1x65536x16xf32, #tpu.memory_space<hbm>> -> memref<65536x16xf32, #tpu.memory_space<hbm>>
      %dma_start3A_682 = arith.constant 0 : i32
      %dma_start3A_683 = arith.constant 0 : i32
      %dma_start3A_684 = tpu.memref_slice %dma_start3A_681[%dma_start3A_682, %dma_start3A_683] : memref<65536x16xf32, #tpu.memory_space<hbm>> -> memref<65536x16xf32, #tpu.memory_space<hbm>>
      tpu.enqueue_indirect_dma source(%dma_start3A_684 : memref<65536x16xf32, #tpu.memory_space<hbm>>) target(%dma_start3A_674 : memref<128x16xf32, #tpu.memory_space<vmem>>) offsets(%dma_start3A_677 : memref<128xi32, #tpu.memory_space<vmem>>) semaphore(%arg7 : memref<!tpu.dma_semaphore, #tpu.memory_space<semaphore_mem>>)
      %dma_start3A_685 = arith.constant 7 : i32
      %dma_start3A_686 = arith.constant 7 : i32
      %dma_start3A_687 = arith.constant 3712 : i32
      %dma_start3A_688 = arith.constant 0 : i32
      %dma_start3A_689 = tpu.memref_slice %arg6[%dma_start3A_687, %dma_start3A_688] : memref<4096x16xf32, #tpu.memory_space<vmem>> -> memref<128x16xf32, #tpu.memory_space<vmem>>
      %dma_start3A_690 = arith.constant 128 : i32
      %dma_start3A_691 = tpu.memref_slice %arg5[%dma_start3A_686, %dma_start3A_690] : memref<8x512xi32, #tpu.memory_space<vmem>> -> memref<1x128xi32, #tpu.memory_space<vmem>>
      %dma_start3A_692 = tpu.memref_squeeze %dma_start3A_691 : memref<1x128xi32, #tpu.memory_space<vmem>> -> memref<128xi32, #tpu.memory_space<vmem>>
      %dma_start3A_693 = arith.constant 0 : i32
      %dma_start3A_694 = arith.constant 0 : i32
      %dma_start3A_695 = tpu.memref_slice %arg2[%dma_start3A_685, %dma_start3A_693, %dma_start3A_694] : memref<8x65536x16xf32, #tpu.memory_space<hbm>> -> memref<1x65536x16xf32, #tpu.memory_space<hbm>>
      %dma_start3A_696 = tpu.memref_squeeze %dma_start3A_695 : memref<1x65536x16xf32, #tpu.memory_space<hbm>> -> memref<65536x16xf32, #tpu.memory_space<hbm>>
      %dma_start3A_697 = arith.constant 0 : i32
      %dma_start3A_698 = arith.constant 0 : i32
      %dma_start3A_699 = tpu.memref_slice %dma_start3A_696[%dma_start3A_697, %dma_start3A_698] : memref<65536x16xf32, #tpu.memory_space<hbm>> -> memref<65536x16xf32, #tpu.memory_space<hbm>>
      tpu.enqueue_indirect_dma source(%dma_start3A_699 : memref<65536x16xf32, #tpu.memory_space<hbm>>) target(%dma_start3A_689 : memref<128x16xf32, #tpu.memory_space<vmem>>) offsets(%dma_start3A_692 : memref<128xi32, #tpu.memory_space<vmem>>) semaphore(%arg7 : memref<!tpu.dma_semaphore, #tpu.memory_space<semaphore_mem>>)
      %dma_start3A_700 = arith.constant 7 : i32
      %dma_start3A_701 = arith.constant 7 : i32
      %dma_start3A_702 = arith.constant 3840 : i32
      %dma_start3A_703 = arith.constant 0 : i32
      %dma_start3A_704 = tpu.memref_slice %arg6[%dma_start3A_702, %dma_start3A_703] : memref<4096x16xf32, #tpu.memory_space<vmem>> -> memref<128x16xf32, #tpu.memory_space<vmem>>
      %dma_start3A_705 = arith.constant 256 : i32
      %dma_start3A_706 = tpu.memref_slice %arg5[%dma_start3A_701, %dma_start3A_705] : memref<8x512xi32, #tpu.memory_space<vmem>> -> memref<1x128xi32, #tpu.memory_space<vmem>>
      %dma_start3A_707 = tpu.memref_squeeze %dma_start3A_706 : memref<1x128xi32, #tpu.memory_space<vmem>> -> memref<128xi32, #tpu.memory_space<vmem>>
      %dma_start3A_708 = arith.constant 0 : i32
      %dma_start3A_709 = arith.constant 0 : i32
      %dma_start3A_710 = tpu.memref_slice %arg2[%dma_start3A_700, %dma_start3A_708, %dma_start3A_709] : memref<8x65536x16xf32, #tpu.memory_space<hbm>> -> memref<1x65536x16xf32, #tpu.memory_space<hbm>>
      %dma_start3A_711 = tpu.memref_squeeze %dma_start3A_710 : memref<1x65536x16xf32, #tpu.memory_space<hbm>> -> memref<65536x16xf32, #tpu.memory_space<hbm>>
      %dma_start3A_712 = arith.constant 0 : i32
      %dma_start3A_713 = arith.constant 0 : i32
      %dma_start3A_714 = tpu.memref_slice %dma_start3A_711[%dma_start3A_712, %dma_start3A_713] : memref<65536x16xf32, #tpu.memory_space<hbm>> -> memref<65536x16xf32, #tpu.memory_space<hbm>>
      tpu.enqueue_indirect_dma source(%dma_start3A_714 : memref<65536x16xf32, #tpu.memory_space<hbm>>) target(%dma_start3A_704 : memref<128x16xf32, #tpu.memory_space<vmem>>) offsets(%dma_start3A_707 : memref<128xi32, #tpu.memory_space<vmem>>) semaphore(%arg7 : memref<!tpu.dma_semaphore, #tpu.memory_space<semaphore_mem>>)
      %dma_start3A_715 = arith.constant 7 : i32
      %dma_start3A_716 = arith.constant 7 : i32
      %dma_start3A_717 = arith.constant 3968 : i32
      %dma_start3A_718 = arith.constant 0 : i32
      %dma_start3A_719 = tpu.memref_slice %arg6[%dma_start3A_717, %dma_start3A_718] : memref<4096x16xf32, #tpu.memory_space<vmem>> -> memref<128x16xf32, #tpu.memory_space<vmem>>
      %dma_start3A_720 = arith.constant 384 : i32
      %dma_start3A_721 = tpu.memref_slice %arg5[%dma_start3A_716, %dma_start3A_720] : memref<8x512xi32, #tpu.memory_space<vmem>> -> memref<1x128xi32, #tpu.memory_space<vmem>>
      %dma_start3A_722 = tpu.memref_squeeze %dma_start3A_721 : memref<1x128xi32, #tpu.memory_space<vmem>> -> memref<128xi32, #tpu.memory_space<vmem>>
      %dma_start3A_723 = arith.constant 0 : i32
      %dma_start3A_724 = arith.constant 0 : i32
      %dma_start3A_725 = tpu.memref_slice %arg2[%dma_start3A_715, %dma_start3A_723, %dma_start3A_724] : memref<8x65536x16xf32, #tpu.memory_space<hbm>> -> memref<1x65536x16xf32, #tpu.memory_space<hbm>>
      %dma_start3A_726 = tpu.memref_squeeze %dma_start3A_725 : memref<1x65536x16xf32, #tpu.memory_space<hbm>> -> memref<65536x16xf32, #tpu.memory_space<hbm>>
      %dma_start3A_727 = arith.constant 0 : i32
      %dma_start3A_728 = arith.constant 0 : i32
      %dma_start3A_729 = tpu.memref_slice %dma_start3A_726[%dma_start3A_727, %dma_start3A_728] : memref<65536x16xf32, #tpu.memory_space<hbm>> -> memref<65536x16xf32, #tpu.memory_space<hbm>>
      tpu.enqueue_indirect_dma source(%dma_start3A_729 : memref<65536x16xf32, #tpu.memory_space<hbm>>) target(%dma_start3A_719 : memref<128x16xf32, #tpu.memory_space<vmem>>) offsets(%dma_start3A_722 : memref<128xi32, #tpu.memory_space<vmem>>) semaphore(%arg7 : memref<!tpu.dma_semaphore, #tpu.memory_space<semaphore_mem>>)
      %dma_wait3A_730 = arith.constant 4 : i32
      %dma_wait3A_731 = arith.constant 4 : i32
      %dma_wait3A_732 = arith.constant 2048 : i32
      %dma_wait3A_733 = arith.constant 0 : i32
      %dma_wait3A_734 = tpu.memref_slice %arg6[%dma_wait3A_732, %dma_wait3A_733] : memref<4096x16xf32, #tpu.memory_space<vmem>> -> memref<128x16xf32, #tpu.memory_space<vmem>>
      %dma_wait3A_735 = arith.constant 0 : i32
      %dma_wait3A_736 = tpu.memref_slice %arg5[%dma_wait3A_731, %dma_wait3A_735] : memref<8x512xi32, #tpu.memory_space<vmem>> -> memref<1x128xi32, #tpu.memory_space<vmem>>
      %dma_wait3A_737 = tpu.memref_squeeze %dma_wait3A_736 : memref<1x128xi32, #tpu.memory_space<vmem>> -> memref<128xi32, #tpu.memory_space<vmem>>
      %dma_wait3A_738 = arith.constant 0 : i32
      %dma_wait3A_739 = arith.constant 0 : i32
      %dma_wait3A_740 = tpu.memref_slice %arg2[%dma_wait3A_730, %dma_wait3A_738, %dma_wait3A_739] : memref<8x65536x16xf32, #tpu.memory_space<hbm>> -> memref<1x65536x16xf32, #tpu.memory_space<hbm>>
      %dma_wait3A_741 = tpu.memref_squeeze %dma_wait3A_740 : memref<1x65536x16xf32, #tpu.memory_space<hbm>> -> memref<65536x16xf32, #tpu.memory_space<hbm>>
      %dma_wait3A_742 = arith.constant 0 : i32
      %dma_wait3A_743 = arith.constant 0 : i32
      %dma_wait3A_744 = tpu.memref_slice %dma_wait3A_741[%dma_wait3A_742, %dma_wait3A_743] : memref<65536x16xf32, #tpu.memory_space<hbm>> -> memref<65536x16xf32, #tpu.memory_space<hbm>>
      tpu.wait_indirect_dma semaphore(%arg7 : memref<!tpu.dma_semaphore, #tpu.memory_space<semaphore_mem>>) src(%dma_wait3A_744 : memref<65536x16xf32, #tpu.memory_space<hbm>>) dst(%dma_wait3A_734 : memref<128x16xf32, #tpu.memory_space<vmem>>)
      %dma_wait3A_745 = arith.constant 4 : i32
      %dma_wait3A_746 = arith.constant 4 : i32
      %dma_wait3A_747 = arith.constant 2176 : i32
      %dma_wait3A_748 = arith.constant 0 : i32
      %dma_wait3A_749 = tpu.memref_slice %arg6[%dma_wait3A_747, %dma_wait3A_748] : memref<4096x16xf32, #tpu.memory_space<vmem>> -> memref<128x16xf32, #tpu.memory_space<vmem>>
      %dma_wait3A_750 = arith.constant 128 : i32
      %dma_wait3A_751 = tpu.memref_slice %arg5[%dma_wait3A_746, %dma_wait3A_750] : memref<8x512xi32, #tpu.memory_space<vmem>> -> memref<1x128xi32, #tpu.memory_space<vmem>>
      %dma_wait3A_752 = tpu.memref_squeeze %dma_wait3A_751 : memref<1x128xi32, #tpu.memory_space<vmem>> -> memref<128xi32, #tpu.memory_space<vmem>>
      %dma_wait3A_753 = arith.constant 0 : i32
      %dma_wait3A_754 = arith.constant 0 : i32
      %dma_wait3A_755 = tpu.memref_slice %arg2[%dma_wait3A_745, %dma_wait3A_753, %dma_wait3A_754] : memref<8x65536x16xf32, #tpu.memory_space<hbm>> -> memref<1x65536x16xf32, #tpu.memory_space<hbm>>
      %dma_wait3A_756 = tpu.memref_squeeze %dma_wait3A_755 : memref<1x65536x16xf32, #tpu.memory_space<hbm>> -> memref<65536x16xf32, #tpu.memory_space<hbm>>
      %dma_wait3A_757 = arith.constant 0 : i32
      %dma_wait3A_758 = arith.constant 0 : i32
      %dma_wait3A_759 = tpu.memref_slice %dma_wait3A_756[%dma_wait3A_757, %dma_wait3A_758] : memref<65536x16xf32, #tpu.memory_space<hbm>> -> memref<65536x16xf32, #tpu.memory_space<hbm>>
      tpu.wait_indirect_dma semaphore(%arg7 : memref<!tpu.dma_semaphore, #tpu.memory_space<semaphore_mem>>) src(%dma_wait3A_759 : memref<65536x16xf32, #tpu.memory_space<hbm>>) dst(%dma_wait3A_749 : memref<128x16xf32, #tpu.memory_space<vmem>>)
      %dma_wait3A_760 = arith.constant 4 : i32
      %dma_wait3A_761 = arith.constant 4 : i32
      %dma_wait3A_762 = arith.constant 2304 : i32
      %dma_wait3A_763 = arith.constant 0 : i32
      %dma_wait3A_764 = tpu.memref_slice %arg6[%dma_wait3A_762, %dma_wait3A_763] : memref<4096x16xf32, #tpu.memory_space<vmem>> -> memref<128x16xf32, #tpu.memory_space<vmem>>
      %dma_wait3A_765 = arith.constant 256 : i32
      %dma_wait3A_766 = tpu.memref_slice %arg5[%dma_wait3A_761, %dma_wait3A_765] : memref<8x512xi32, #tpu.memory_space<vmem>> -> memref<1x128xi32, #tpu.memory_space<vmem>>
      %dma_wait3A_767 = tpu.memref_squeeze %dma_wait3A_766 : memref<1x128xi32, #tpu.memory_space<vmem>> -> memref<128xi32, #tpu.memory_space<vmem>>
      %dma_wait3A_768 = arith.constant 0 : i32
      %dma_wait3A_769 = arith.constant 0 : i32
      %dma_wait3A_770 = tpu.memref_slice %arg2[%dma_wait3A_760, %dma_wait3A_768, %dma_wait3A_769] : memref<8x65536x16xf32, #tpu.memory_space<hbm>> -> memref<1x65536x16xf32, #tpu.memory_space<hbm>>
      %dma_wait3A_771 = tpu.memref_squeeze %dma_wait3A_770 : memref<1x65536x16xf32, #tpu.memory_space<hbm>> -> memref<65536x16xf32, #tpu.memory_space<hbm>>
      %dma_wait3A_772 = arith.constant 0 : i32
      %dma_wait3A_773 = arith.constant 0 : i32
      %dma_wait3A_774 = tpu.memref_slice %dma_wait3A_771[%dma_wait3A_772, %dma_wait3A_773] : memref<65536x16xf32, #tpu.memory_space<hbm>> -> memref<65536x16xf32, #tpu.memory_space<hbm>>
      tpu.wait_indirect_dma semaphore(%arg7 : memref<!tpu.dma_semaphore, #tpu.memory_space<semaphore_mem>>) src(%dma_wait3A_774 : memref<65536x16xf32, #tpu.memory_space<hbm>>) dst(%dma_wait3A_764 : memref<128x16xf32, #tpu.memory_space<vmem>>)
      %dma_wait3A_775 = arith.constant 4 : i32
      %dma_wait3A_776 = arith.constant 4 : i32
      %dma_wait3A_777 = arith.constant 2432 : i32
      %dma_wait3A_778 = arith.constant 0 : i32
      %dma_wait3A_779 = tpu.memref_slice %arg6[%dma_wait3A_777, %dma_wait3A_778] : memref<4096x16xf32, #tpu.memory_space<vmem>> -> memref<128x16xf32, #tpu.memory_space<vmem>>
      %dma_wait3A_780 = arith.constant 384 : i32
      %dma_wait3A_781 = tpu.memref_slice %arg5[%dma_wait3A_776, %dma_wait3A_780] : memref<8x512xi32, #tpu.memory_space<vmem>> -> memref<1x128xi32, #tpu.memory_space<vmem>>
      %dma_wait3A_782 = tpu.memref_squeeze %dma_wait3A_781 : memref<1x128xi32, #tpu.memory_space<vmem>> -> memref<128xi32, #tpu.memory_space<vmem>>
      %dma_wait3A_783 = arith.constant 0 : i32
      %dma_wait3A_784 = arith.constant 0 : i32
      %dma_wait3A_785 = tpu.memref_slice %arg2[%dma_wait3A_775, %dma_wait3A_783, %dma_wait3A_784] : memref<8x65536x16xf32, #tpu.memory_space<hbm>> -> memref<1x65536x16xf32, #tpu.memory_space<hbm>>
      %dma_wait3A_786 = tpu.memref_squeeze %dma_wait3A_785 : memref<1x65536x16xf32, #tpu.memory_space<hbm>> -> memref<65536x16xf32, #tpu.memory_space<hbm>>
      %dma_wait3A_787 = arith.constant 0 : i32
      %dma_wait3A_788 = arith.constant 0 : i32
      %dma_wait3A_789 = tpu.memref_slice %dma_wait3A_786[%dma_wait3A_787, %dma_wait3A_788] : memref<65536x16xf32, #tpu.memory_space<hbm>> -> memref<65536x16xf32, #tpu.memory_space<hbm>>
      tpu.wait_indirect_dma semaphore(%arg7 : memref<!tpu.dma_semaphore, #tpu.memory_space<semaphore_mem>>) src(%dma_wait3A_789 : memref<65536x16xf32, #tpu.memory_space<hbm>>) dst(%dma_wait3A_779 : memref<128x16xf32, #tpu.memory_space<vmem>>)
      %dma_wait3A_790 = arith.constant 5 : i32
      %dma_wait3A_791 = arith.constant 5 : i32
      %dma_wait3A_792 = arith.constant 2560 : i32
      %dma_wait3A_793 = arith.constant 0 : i32
      %dma_wait3A_794 = tpu.memref_slice %arg6[%dma_wait3A_792, %dma_wait3A_793] : memref<4096x16xf32, #tpu.memory_space<vmem>> -> memref<128x16xf32, #tpu.memory_space<vmem>>
      %dma_wait3A_795 = arith.constant 0 : i32
      %dma_wait3A_796 = tpu.memref_slice %arg5[%dma_wait3A_791, %dma_wait3A_795] : memref<8x512xi32, #tpu.memory_space<vmem>> -> memref<1x128xi32, #tpu.memory_space<vmem>>
      %dma_wait3A_797 = tpu.memref_squeeze %dma_wait3A_796 : memref<1x128xi32, #tpu.memory_space<vmem>> -> memref<128xi32, #tpu.memory_space<vmem>>
      %dma_wait3A_798 = arith.constant 0 : i32
      %dma_wait3A_799 = arith.constant 0 : i32
      %dma_wait3A_800 = tpu.memref_slice %arg2[%dma_wait3A_790, %dma_wait3A_798, %dma_wait3A_799] : memref<8x65536x16xf32, #tpu.memory_space<hbm>> -> memref<1x65536x16xf32, #tpu.memory_space<hbm>>
      %dma_wait3A_801 = tpu.memref_squeeze %dma_wait3A_800 : memref<1x65536x16xf32, #tpu.memory_space<hbm>> -> memref<65536x16xf32, #tpu.memory_space<hbm>>
      %dma_wait3A_802 = arith.constant 0 : i32
      %dma_wait3A_803 = arith.constant 0 : i32
      %dma_wait3A_804 = tpu.memref_slice %dma_wait3A_801[%dma_wait3A_802, %dma_wait3A_803] : memref<65536x16xf32, #tpu.memory_space<hbm>> -> memref<65536x16xf32, #tpu.memory_space<hbm>>
      tpu.wait_indirect_dma semaphore(%arg7 : memref<!tpu.dma_semaphore, #tpu.memory_space<semaphore_mem>>) src(%dma_wait3A_804 : memref<65536x16xf32, #tpu.memory_space<hbm>>) dst(%dma_wait3A_794 : memref<128x16xf32, #tpu.memory_space<vmem>>)
      %dma_wait3A_805 = arith.constant 5 : i32
      %dma_wait3A_806 = arith.constant 5 : i32
      %dma_wait3A_807 = arith.constant 2688 : i32
      %dma_wait3A_808 = arith.constant 0 : i32
      %dma_wait3A_809 = tpu.memref_slice %arg6[%dma_wait3A_807, %dma_wait3A_808] : memref<4096x16xf32, #tpu.memory_space<vmem>> -> memref<128x16xf32, #tpu.memory_space<vmem>>
      %dma_wait3A_810 = arith.constant 128 : i32
      %dma_wait3A_811 = tpu.memref_slice %arg5[%dma_wait3A_806, %dma_wait3A_810] : memref<8x512xi32, #tpu.memory_space<vmem>> -> memref<1x128xi32, #tpu.memory_space<vmem>>
      %dma_wait3A_812 = tpu.memref_squeeze %dma_wait3A_811 : memref<1x128xi32, #tpu.memory_space<vmem>> -> memref<128xi32, #tpu.memory_space<vmem>>
      %dma_wait3A_813 = arith.constant 0 : i32
      %dma_wait3A_814 = arith.constant 0 : i32
      %dma_wait3A_815 = tpu.memref_slice %arg2[%dma_wait3A_805, %dma_wait3A_813, %dma_wait3A_814] : memref<8x65536x16xf32, #tpu.memory_space<hbm>> -> memref<1x65536x16xf32, #tpu.memory_space<hbm>>
      %dma_wait3A_816 = tpu.memref_squeeze %dma_wait3A_815 : memref<1x65536x16xf32, #tpu.memory_space<hbm>> -> memref<65536x16xf32, #tpu.memory_space<hbm>>
      %dma_wait3A_817 = arith.constant 0 : i32
      %dma_wait3A_818 = arith.constant 0 : i32
      %dma_wait3A_819 = tpu.memref_slice %dma_wait3A_816[%dma_wait3A_817, %dma_wait3A_818] : memref<65536x16xf32, #tpu.memory_space<hbm>> -> memref<65536x16xf32, #tpu.memory_space<hbm>>
      tpu.wait_indirect_dma semaphore(%arg7 : memref<!tpu.dma_semaphore, #tpu.memory_space<semaphore_mem>>) src(%dma_wait3A_819 : memref<65536x16xf32, #tpu.memory_space<hbm>>) dst(%dma_wait3A_809 : memref<128x16xf32, #tpu.memory_space<vmem>>)
      %dma_wait3A_820 = arith.constant 5 : i32
      %dma_wait3A_821 = arith.constant 5 : i32
      %dma_wait3A_822 = arith.constant 2816 : i32
      %dma_wait3A_823 = arith.constant 0 : i32
      %dma_wait3A_824 = tpu.memref_slice %arg6[%dma_wait3A_822, %dma_wait3A_823] : memref<4096x16xf32, #tpu.memory_space<vmem>> -> memref<128x16xf32, #tpu.memory_space<vmem>>
      %dma_wait3A_825 = arith.constant 256 : i32
      %dma_wait3A_826 = tpu.memref_slice %arg5[%dma_wait3A_821, %dma_wait3A_825] : memref<8x512xi32, #tpu.memory_space<vmem>> -> memref<1x128xi32, #tpu.memory_space<vmem>>
      %dma_wait3A_827 = tpu.memref_squeeze %dma_wait3A_826 : memref<1x128xi32, #tpu.memory_space<vmem>> -> memref<128xi32, #tpu.memory_space<vmem>>
      %dma_wait3A_828 = arith.constant 0 : i32
      %dma_wait3A_829 = arith.constant 0 : i32
      %dma_wait3A_830 = tpu.memref_slice %arg2[%dma_wait3A_820, %dma_wait3A_828, %dma_wait3A_829] : memref<8x65536x16xf32, #tpu.memory_space<hbm>> -> memref<1x65536x16xf32, #tpu.memory_space<hbm>>
      %dma_wait3A_831 = tpu.memref_squeeze %dma_wait3A_830 : memref<1x65536x16xf32, #tpu.memory_space<hbm>> -> memref<65536x16xf32, #tpu.memory_space<hbm>>
      %dma_wait3A_832 = arith.constant 0 : i32
      %dma_wait3A_833 = arith.constant 0 : i32
      %dma_wait3A_834 = tpu.memref_slice %dma_wait3A_831[%dma_wait3A_832, %dma_wait3A_833] : memref<65536x16xf32, #tpu.memory_space<hbm>> -> memref<65536x16xf32, #tpu.memory_space<hbm>>
      tpu.wait_indirect_dma semaphore(%arg7 : memref<!tpu.dma_semaphore, #tpu.memory_space<semaphore_mem>>) src(%dma_wait3A_834 : memref<65536x16xf32, #tpu.memory_space<hbm>>) dst(%dma_wait3A_824 : memref<128x16xf32, #tpu.memory_space<vmem>>)
      %dma_wait3A_835 = arith.constant 5 : i32
      %dma_wait3A_836 = arith.constant 5 : i32
      %dma_wait3A_837 = arith.constant 2944 : i32
      %dma_wait3A_838 = arith.constant 0 : i32
      %dma_wait3A_839 = tpu.memref_slice %arg6[%dma_wait3A_837, %dma_wait3A_838] : memref<4096x16xf32, #tpu.memory_space<vmem>> -> memref<128x16xf32, #tpu.memory_space<vmem>>
      %dma_wait3A_840 = arith.constant 384 : i32
      %dma_wait3A_841 = tpu.memref_slice %arg5[%dma_wait3A_836, %dma_wait3A_840] : memref<8x512xi32, #tpu.memory_space<vmem>> -> memref<1x128xi32, #tpu.memory_space<vmem>>
      %dma_wait3A_842 = tpu.memref_squeeze %dma_wait3A_841 : memref<1x128xi32, #tpu.memory_space<vmem>> -> memref<128xi32, #tpu.memory_space<vmem>>
      %dma_wait3A_843 = arith.constant 0 : i32
      %dma_wait3A_844 = arith.constant 0 : i32
      %dma_wait3A_845 = tpu.memref_slice %arg2[%dma_wait3A_835, %dma_wait3A_843, %dma_wait3A_844] : memref<8x65536x16xf32, #tpu.memory_space<hbm>> -> memref<1x65536x16xf32, #tpu.memory_space<hbm>>
      %dma_wait3A_846 = tpu.memref_squeeze %dma_wait3A_845 : memref<1x65536x16xf32, #tpu.memory_space<hbm>> -> memref<65536x16xf32, #tpu.memory_space<hbm>>
      %dma_wait3A_847 = arith.constant 0 : i32
      %dma_wait3A_848 = arith.constant 0 : i32
      %dma_wait3A_849 = tpu.memref_slice %dma_wait3A_846[%dma_wait3A_847, %dma_wait3A_848] : memref<65536x16xf32, #tpu.memory_space<hbm>> -> memref<65536x16xf32, #tpu.memory_space<hbm>>
      tpu.wait_indirect_dma semaphore(%arg7 : memref<!tpu.dma_semaphore, #tpu.memory_space<semaphore_mem>>) src(%dma_wait3A_849 : memref<65536x16xf32, #tpu.memory_space<hbm>>) dst(%dma_wait3A_839 : memref<128x16xf32, #tpu.memory_space<vmem>>)
      %dma_wait3A_850 = arith.constant 6 : i32
      %dma_wait3A_851 = arith.constant 6 : i32
      %dma_wait3A_852 = arith.constant 3072 : i32
      %dma_wait3A_853 = arith.constant 0 : i32
      %dma_wait3A_854 = tpu.memref_slice %arg6[%dma_wait3A_852, %dma_wait3A_853] : memref<4096x16xf32, #tpu.memory_space<vmem>> -> memref<128x16xf32, #tpu.memory_space<vmem>>
      %dma_wait3A_855 = arith.constant 0 : i32
      %dma_wait3A_856 = tpu.memref_slice %arg5[%dma_wait3A_851, %dma_wait3A_855] : memref<8x512xi32, #tpu.memory_space<vmem>> -> memref<1x128xi32, #tpu.memory_space<vmem>>
      %dma_wait3A_857 = tpu.memref_squeeze %dma_wait3A_856 : memref<1x128xi32, #tpu.memory_space<vmem>> -> memref<128xi32, #tpu.memory_space<vmem>>
      %dma_wait3A_858 = arith.constant 0 : i32
      %dma_wait3A_859 = arith.constant 0 : i32
      %dma_wait3A_860 = tpu.memref_slice %arg2[%dma_wait3A_850, %dma_wait3A_858, %dma_wait3A_859] : memref<8x65536x16xf32, #tpu.memory_space<hbm>> -> memref<1x65536x16xf32, #tpu.memory_space<hbm>>
      %dma_wait3A_861 = tpu.memref_squeeze %dma_wait3A_860 : memref<1x65536x16xf32, #tpu.memory_space<hbm>> -> memref<65536x16xf32, #tpu.memory_space<hbm>>
      %dma_wait3A_862 = arith.constant 0 : i32
      %dma_wait3A_863 = arith.constant 0 : i32
      %dma_wait3A_864 = tpu.memref_slice %dma_wait3A_861[%dma_wait3A_862, %dma_wait3A_863] : memref<65536x16xf32, #tpu.memory_space<hbm>> -> memref<65536x16xf32, #tpu.memory_space<hbm>>
      tpu.wait_indirect_dma semaphore(%arg7 : memref<!tpu.dma_semaphore, #tpu.memory_space<semaphore_mem>>) src(%dma_wait3A_864 : memref<65536x16xf32, #tpu.memory_space<hbm>>) dst(%dma_wait3A_854 : memref<128x16xf32, #tpu.memory_space<vmem>>)
      %dma_wait3A_865 = arith.constant 6 : i32
      %dma_wait3A_866 = arith.constant 6 : i32
      %dma_wait3A_867 = arith.constant 3200 : i32
      %dma_wait3A_868 = arith.constant 0 : i32
      %dma_wait3A_869 = tpu.memref_slice %arg6[%dma_wait3A_867, %dma_wait3A_868] : memref<4096x16xf32, #tpu.memory_space<vmem>> -> memref<128x16xf32, #tpu.memory_space<vmem>>
      %dma_wait3A_870 = arith.constant 128 : i32
      %dma_wait3A_871 = tpu.memref_slice %arg5[%dma_wait3A_866, %dma_wait3A_870] : memref<8x512xi32, #tpu.memory_space<vmem>> -> memref<1x128xi32, #tpu.memory_space<vmem>>
      %dma_wait3A_872 = tpu.memref_squeeze %dma_wait3A_871 : memref<1x128xi32, #tpu.memory_space<vmem>> -> memref<128xi32, #tpu.memory_space<vmem>>
      %dma_wait3A_873 = arith.constant 0 : i32
      %dma_wait3A_874 = arith.constant 0 : i32
      %dma_wait3A_875 = tpu.memref_slice %arg2[%dma_wait3A_865, %dma_wait3A_873, %dma_wait3A_874] : memref<8x65536x16xf32, #tpu.memory_space<hbm>> -> memref<1x65536x16xf32, #tpu.memory_space<hbm>>
      %dma_wait3A_876 = tpu.memref_squeeze %dma_wait3A_875 : memref<1x65536x16xf32, #tpu.memory_space<hbm>> -> memref<65536x16xf32, #tpu.memory_space<hbm>>
      %dma_wait3A_877 = arith.constant 0 : i32
      %dma_wait3A_878 = arith.constant 0 : i32
      %dma_wait3A_879 = tpu.memref_slice %dma_wait3A_876[%dma_wait3A_877, %dma_wait3A_878] : memref<65536x16xf32, #tpu.memory_space<hbm>> -> memref<65536x16xf32, #tpu.memory_space<hbm>>
      tpu.wait_indirect_dma semaphore(%arg7 : memref<!tpu.dma_semaphore, #tpu.memory_space<semaphore_mem>>) src(%dma_wait3A_879 : memref<65536x16xf32, #tpu.memory_space<hbm>>) dst(%dma_wait3A_869 : memref<128x16xf32, #tpu.memory_space<vmem>>)
      %dma_wait3A_880 = arith.constant 6 : i32
      %dma_wait3A_881 = arith.constant 6 : i32
      %dma_wait3A_882 = arith.constant 3328 : i32
      %dma_wait3A_883 = arith.constant 0 : i32
      %dma_wait3A_884 = tpu.memref_slice %arg6[%dma_wait3A_882, %dma_wait3A_883] : memref<4096x16xf32, #tpu.memory_space<vmem>> -> memref<128x16xf32, #tpu.memory_space<vmem>>
      %dma_wait3A_885 = arith.constant 256 : i32
      %dma_wait3A_886 = tpu.memref_slice %arg5[%dma_wait3A_881, %dma_wait3A_885] : memref<8x512xi32, #tpu.memory_space<vmem>> -> memref<1x128xi32, #tpu.memory_space<vmem>>
      %dma_wait3A_887 = tpu.memref_squeeze %dma_wait3A_886 : memref<1x128xi32, #tpu.memory_space<vmem>> -> memref<128xi32, #tpu.memory_space<vmem>>
      %dma_wait3A_888 = arith.constant 0 : i32
      %dma_wait3A_889 = arith.constant 0 : i32
      %dma_wait3A_890 = tpu.memref_slice %arg2[%dma_wait3A_880, %dma_wait3A_888, %dma_wait3A_889] : memref<8x65536x16xf32, #tpu.memory_space<hbm>> -> memref<1x65536x16xf32, #tpu.memory_space<hbm>>
      %dma_wait3A_891 = tpu.memref_squeeze %dma_wait3A_890 : memref<1x65536x16xf32, #tpu.memory_space<hbm>> -> memref<65536x16xf32, #tpu.memory_space<hbm>>
      %dma_wait3A_892 = arith.constant 0 : i32
      %dma_wait3A_893 = arith.constant 0 : i32
      %dma_wait3A_894 = tpu.memref_slice %dma_wait3A_891[%dma_wait3A_892, %dma_wait3A_893] : memref<65536x16xf32, #tpu.memory_space<hbm>> -> memref<65536x16xf32, #tpu.memory_space<hbm>>
      tpu.wait_indirect_dma semaphore(%arg7 : memref<!tpu.dma_semaphore, #tpu.memory_space<semaphore_mem>>) src(%dma_wait3A_894 : memref<65536x16xf32, #tpu.memory_space<hbm>>) dst(%dma_wait3A_884 : memref<128x16xf32, #tpu.memory_space<vmem>>)
      %dma_wait3A_895 = arith.constant 6 : i32
      %dma_wait3A_896 = arith.constant 6 : i32
      %dma_wait3A_897 = arith.constant 3456 : i32
      %dma_wait3A_898 = arith.constant 0 : i32
      %dma_wait3A_899 = tpu.memref_slice %arg6[%dma_wait3A_897, %dma_wait3A_898] : memref<4096x16xf32, #tpu.memory_space<vmem>> -> memref<128x16xf32, #tpu.memory_space<vmem>>
      %dma_wait3A_900 = arith.constant 384 : i32
      %dma_wait3A_901 = tpu.memref_slice %arg5[%dma_wait3A_896, %dma_wait3A_900] : memref<8x512xi32, #tpu.memory_space<vmem>> -> memref<1x128xi32, #tpu.memory_space<vmem>>
      %dma_wait3A_902 = tpu.memref_squeeze %dma_wait3A_901 : memref<1x128xi32, #tpu.memory_space<vmem>> -> memref<128xi32, #tpu.memory_space<vmem>>
      %dma_wait3A_903 = arith.constant 0 : i32
      %dma_wait3A_904 = arith.constant 0 : i32
      %dma_wait3A_905 = tpu.memref_slice %arg2[%dma_wait3A_895, %dma_wait3A_903, %dma_wait3A_904] : memref<8x65536x16xf32, #tpu.memory_space<hbm>> -> memref<1x65536x16xf32, #tpu.memory_space<hbm>>
      %dma_wait3A_906 = tpu.memref_squeeze %dma_wait3A_905 : memref<1x65536x16xf32, #tpu.memory_space<hbm>> -> memref<65536x16xf32, #tpu.memory_space<hbm>>
      %dma_wait3A_907 = arith.constant 0 : i32
      %dma_wait3A_908 = arith.constant 0 : i32
      %dma_wait3A_909 = tpu.memref_slice %dma_wait3A_906[%dma_wait3A_907, %dma_wait3A_908] : memref<65536x16xf32, #tpu.memory_space<hbm>> -> memref<65536x16xf32, #tpu.memory_space<hbm>>
      tpu.wait_indirect_dma semaphore(%arg7 : memref<!tpu.dma_semaphore, #tpu.memory_space<semaphore_mem>>) src(%dma_wait3A_909 : memref<65536x16xf32, #tpu.memory_space<hbm>>) dst(%dma_wait3A_899 : memref<128x16xf32, #tpu.memory_space<vmem>>)
      %dma_wait3A_910 = arith.constant 7 : i32
      %dma_wait3A_911 = arith.constant 7 : i32
      %dma_wait3A_912 = arith.constant 3584 : i32
      %dma_wait3A_913 = arith.constant 0 : i32
      %dma_wait3A_914 = tpu.memref_slice %arg6[%dma_wait3A_912, %dma_wait3A_913] : memref<4096x16xf32, #tpu.memory_space<vmem>> -> memref<128x16xf32, #tpu.memory_space<vmem>>
      %dma_wait3A_915 = arith.constant 0 : i32
      %dma_wait3A_916 = tpu.memref_slice %arg5[%dma_wait3A_911, %dma_wait3A_915] : memref<8x512xi32, #tpu.memory_space<vmem>> -> memref<1x128xi32, #tpu.memory_space<vmem>>
      %dma_wait3A_917 = tpu.memref_squeeze %dma_wait3A_916 : memref<1x128xi32, #tpu.memory_space<vmem>> -> memref<128xi32, #tpu.memory_space<vmem>>
      %dma_wait3A_918 = arith.constant 0 : i32
      %dma_wait3A_919 = arith.constant 0 : i32
      %dma_wait3A_920 = tpu.memref_slice %arg2[%dma_wait3A_910, %dma_wait3A_918, %dma_wait3A_919] : memref<8x65536x16xf32, #tpu.memory_space<hbm>> -> memref<1x65536x16xf32, #tpu.memory_space<hbm>>
      %dma_wait3A_921 = tpu.memref_squeeze %dma_wait3A_920 : memref<1x65536x16xf32, #tpu.memory_space<hbm>> -> memref<65536x16xf32, #tpu.memory_space<hbm>>
      %dma_wait3A_922 = arith.constant 0 : i32
      %dma_wait3A_923 = arith.constant 0 : i32
      %dma_wait3A_924 = tpu.memref_slice %dma_wait3A_921[%dma_wait3A_922, %dma_wait3A_923] : memref<65536x16xf32, #tpu.memory_space<hbm>> -> memref<65536x16xf32, #tpu.memory_space<hbm>>
      tpu.wait_indirect_dma semaphore(%arg7 : memref<!tpu.dma_semaphore, #tpu.memory_space<semaphore_mem>>) src(%dma_wait3A_924 : memref<65536x16xf32, #tpu.memory_space<hbm>>) dst(%dma_wait3A_914 : memref<128x16xf32, #tpu.memory_space<vmem>>)
      %dma_wait3A_925 = arith.constant 7 : i32
      %dma_wait3A_926 = arith.constant 7 : i32
      %dma_wait3A_927 = arith.constant 3712 : i32
      %dma_wait3A_928 = arith.constant 0 : i32
      %dma_wait3A_929 = tpu.memref_slice %arg6[%dma_wait3A_927, %dma_wait3A_928] : memref<4096x16xf32, #tpu.memory_space<vmem>> -> memref<128x16xf32, #tpu.memory_space<vmem>>
      %dma_wait3A_930 = arith.constant 128 : i32
      %dma_wait3A_931 = tpu.memref_slice %arg5[%dma_wait3A_926, %dma_wait3A_930] : memref<8x512xi32, #tpu.memory_space<vmem>> -> memref<1x128xi32, #tpu.memory_space<vmem>>
      %dma_wait3A_932 = tpu.memref_squeeze %dma_wait3A_931 : memref<1x128xi32, #tpu.memory_space<vmem>> -> memref<128xi32, #tpu.memory_space<vmem>>
      %dma_wait3A_933 = arith.constant 0 : i32
      %dma_wait3A_934 = arith.constant 0 : i32
      %dma_wait3A_935 = tpu.memref_slice %arg2[%dma_wait3A_925, %dma_wait3A_933, %dma_wait3A_934] : memref<8x65536x16xf32, #tpu.memory_space<hbm>> -> memref<1x65536x16xf32, #tpu.memory_space<hbm>>
      %dma_wait3A_936 = tpu.memref_squeeze %dma_wait3A_935 : memref<1x65536x16xf32, #tpu.memory_space<hbm>> -> memref<65536x16xf32, #tpu.memory_space<hbm>>
      %dma_wait3A_937 = arith.constant 0 : i32
      %dma_wait3A_938 = arith.constant 0 : i32
      %dma_wait3A_939 = tpu.memref_slice %dma_wait3A_936[%dma_wait3A_937, %dma_wait3A_938] : memref<65536x16xf32, #tpu.memory_space<hbm>> -> memref<65536x16xf32, #tpu.memory_space<hbm>>
      tpu.wait_indirect_dma semaphore(%arg7 : memref<!tpu.dma_semaphore, #tpu.memory_space<semaphore_mem>>) src(%dma_wait3A_939 : memref<65536x16xf32, #tpu.memory_space<hbm>>) dst(%dma_wait3A_929 : memref<128x16xf32, #tpu.memory_space<vmem>>)
      %dma_wait3A_940 = arith.constant 7 : i32
      %dma_wait3A_941 = arith.constant 7 : i32
      %dma_wait3A_942 = arith.constant 3840 : i32
      %dma_wait3A_943 = arith.constant 0 : i32
      %dma_wait3A_944 = tpu.memref_slice %arg6[%dma_wait3A_942, %dma_wait3A_943] : memref<4096x16xf32, #tpu.memory_space<vmem>> -> memref<128x16xf32, #tpu.memory_space<vmem>>
      %dma_wait3A_945 = arith.constant 256 : i32
      %dma_wait3A_946 = tpu.memref_slice %arg5[%dma_wait3A_941, %dma_wait3A_945] : memref<8x512xi32, #tpu.memory_space<vmem>> -> memref<1x128xi32, #tpu.memory_space<vmem>>
      %dma_wait3A_947 = tpu.memref_squeeze %dma_wait3A_946 : memref<1x128xi32, #tpu.memory_space<vmem>> -> memref<128xi32, #tpu.memory_space<vmem>>
      %dma_wait3A_948 = arith.constant 0 : i32
      %dma_wait3A_949 = arith.constant 0 : i32
      %dma_wait3A_950 = tpu.memref_slice %arg2[%dma_wait3A_940, %dma_wait3A_948, %dma_wait3A_949] : memref<8x65536x16xf32, #tpu.memory_space<hbm>> -> memref<1x65536x16xf32, #tpu.memory_space<hbm>>
      %dma_wait3A_951 = tpu.memref_squeeze %dma_wait3A_950 : memref<1x65536x16xf32, #tpu.memory_space<hbm>> -> memref<65536x16xf32, #tpu.memory_space<hbm>>
      %dma_wait3A_952 = arith.constant 0 : i32
      %dma_wait3A_953 = arith.constant 0 : i32
      %dma_wait3A_954 = tpu.memref_slice %dma_wait3A_951[%dma_wait3A_952, %dma_wait3A_953] : memref<65536x16xf32, #tpu.memory_space<hbm>> -> memref<65536x16xf32, #tpu.memory_space<hbm>>
      tpu.wait_indirect_dma semaphore(%arg7 : memref<!tpu.dma_semaphore, #tpu.memory_space<semaphore_mem>>) src(%dma_wait3A_954 : memref<65536x16xf32, #tpu.memory_space<hbm>>) dst(%dma_wait3A_944 : memref<128x16xf32, #tpu.memory_space<vmem>>)
      %dma_wait3A_955 = arith.constant 7 : i32
      %dma_wait3A_956 = arith.constant 7 : i32
      %dma_wait3A_957 = arith.constant 3968 : i32
      %dma_wait3A_958 = arith.constant 0 : i32
      %dma_wait3A_959 = tpu.memref_slice %arg6[%dma_wait3A_957, %dma_wait3A_958] : memref<4096x16xf32, #tpu.memory_space<vmem>> -> memref<128x16xf32, #tpu.memory_space<vmem>>
      %dma_wait3A_960 = arith.constant 384 : i32
      %dma_wait3A_961 = tpu.memref_slice %arg5[%dma_wait3A_956, %dma_wait3A_960] : memref<8x512xi32, #tpu.memory_space<vmem>> -> memref<1x128xi32, #tpu.memory_space<vmem>>
      %dma_wait3A_962 = tpu.memref_squeeze %dma_wait3A_961 : memref<1x128xi32, #tpu.memory_space<vmem>> -> memref<128xi32, #tpu.memory_space<vmem>>
      %dma_wait3A_963 = arith.constant 0 : i32
      %dma_wait3A_964 = arith.constant 0 : i32
      %dma_wait3A_965 = tpu.memref_slice %arg2[%dma_wait3A_955, %dma_wait3A_963, %dma_wait3A_964] : memref<8x65536x16xf32, #tpu.memory_space<hbm>> -> memref<1x65536x16xf32, #tpu.memory_space<hbm>>
      %dma_wait3A_966 = tpu.memref_squeeze %dma_wait3A_965 : memref<1x65536x16xf32, #tpu.memory_space<hbm>> -> memref<65536x16xf32, #tpu.memory_space<hbm>>
      %dma_wait3A_967 = arith.constant 0 : i32
      %dma_wait3A_968 = arith.constant 0 : i32
      %dma_wait3A_969 = tpu.memref_slice %dma_wait3A_966[%dma_wait3A_967, %dma_wait3A_968] : memref<65536x16xf32, #tpu.memory_space<hbm>> -> memref<65536x16xf32, #tpu.memory_space<hbm>>
      tpu.wait_indirect_dma semaphore(%arg7 : memref<!tpu.dma_semaphore, #tpu.memory_space<semaphore_mem>>) src(%dma_wait3A_969 : memref<65536x16xf32, #tpu.memory_space<hbm>>) dst(%dma_wait3A_959 : memref<128x16xf32, #tpu.memory_space<vmem>>)
      "tpu.region"() ({
        %run_scoped3A = tpu.sem_alloc : memref<!tpu.dma_semaphore, #tpu.memory_space<semaphore_mem>>
        %dma_start3A_970 = arith.constant 0 : i32
        %dma_start3A_971 = arith.constant 0 : i32
        %dma_start3A_972 = tpu.memref_slice %arg6[%dma_start3A_970, %dma_start3A_971] : memref<4096x16xf32, #tpu.memory_space<vmem>> -> memref<512x16xf32, #tpu.memory_space<vmem>>
        %dma_start3A_973 = arith.constant 0 : i32
        %dma_start3A_974 = tpu.memref_slice %arg4[%add3A_11, %dma_start3A_973] : memref<32768x128xf32, #tpu.memory_space<hbm>> -> memref<512x16xf32, #tpu.memory_space<hbm>>
        %dma_start3A_975 = arith.constant 0 : i32
        %dma_start3A_976 = tpu.memref_slice %arg4[%add3A_11, %dma_start3A_975] : memref<32768x128xf32, #tpu.memory_space<hbm>> -> memref<512x16xf32, #tpu.memory_space<hbm>>
        %dma_start3A_977 = arith.constant 0 : i32
        %dma_start3A_978 = arith.constant 0 : i32
        %dma_start3A_979 = tpu.memref_slice %arg6[%dma_start3A_977, %dma_start3A_978] : memref<4096x16xf32, #tpu.memory_space<vmem>> -> memref<512x16xf32, #tpu.memory_space<vmem>>
        tpu.enqueue_dma source(%dma_start3A_979 : memref<512x16xf32, #tpu.memory_space<vmem>>) target(%dma_start3A_976 : memref<512x16xf32, #tpu.memory_space<hbm>>) target_semaphore(%run_scoped3A : memref<!tpu.dma_semaphore, #tpu.memory_space<semaphore_mem>>)
        %dma_wait3A_980 = arith.constant 0 : i32
        %dma_wait3A_981 = arith.constant 0 : i32
        %dma_wait3A_982 = tpu.memref_slice %arg6[%dma_wait3A_980, %dma_wait3A_981] : memref<4096x16xf32, #tpu.memory_space<vmem>> -> memref<512x16xf32, #tpu.memory_space<vmem>>
        %dma_wait3A_983 = arith.constant 0 : i32
        %dma_wait3A_984 = tpu.memref_slice %arg4[%add3A_11, %dma_wait3A_983] : memref<32768x128xf32, #tpu.memory_space<hbm>> -> memref<512x16xf32, #tpu.memory_space<hbm>>
        %dma_wait3A_985 = arith.constant 0 : i32
        %dma_wait3A_986 = tpu.memref_slice %arg4[%add3A_11, %dma_wait3A_985] : memref<32768x128xf32, #tpu.memory_space<hbm>> -> memref<512x16xf32, #tpu.memory_space<hbm>>
        %dma_wait3A_987 = arith.constant 0 : i32
        %dma_wait3A_988 = arith.constant 0 : i32
        %dma_wait3A_989 = tpu.memref_slice %arg6[%dma_wait3A_987, %dma_wait3A_988] : memref<4096x16xf32, #tpu.memory_space<vmem>> -> memref<512x16xf32, #tpu.memory_space<vmem>>
        tpu.wait_dma2 semaphore(%run_scoped3A : memref<!tpu.dma_semaphore, #tpu.memory_space<semaphore_mem>>) src(%dma_wait3A_989 : memref<512x16xf32, #tpu.memory_space<vmem>>) dst(%dma_wait3A_986 : memref<512x16xf32, #tpu.memory_space<hbm>>)
        tpu.yield
      }) : () -> ()
      "tpu.region"() ({
        %run_scoped3A = tpu.sem_alloc : memref<!tpu.dma_semaphore, #tpu.memory_space<semaphore_mem>>
        %dma_start3A_970 = arith.constant 512 : i32
        %dma_start3A_971 = arith.constant 0 : i32
        %dma_start3A_972 = tpu.memref_slice %arg6[%dma_start3A_970, %dma_start3A_971] : memref<4096x16xf32, #tpu.memory_space<vmem>> -> memref<512x16xf32, #tpu.memory_space<vmem>>
        %dma_start3A_973 = arith.constant 16 : i32
        %dma_start3A_974 = tpu.memref_slice %arg4[%add3A_11, %dma_start3A_973] : memref<32768x128xf32, #tpu.memory_space<hbm>> -> memref<512x16xf32, #tpu.memory_space<hbm>>
        %dma_start3A_975 = arith.constant 16 : i32
        %dma_start3A_976 = tpu.memref_slice %arg4[%add3A_11, %dma_start3A_975] : memref<32768x128xf32, #tpu.memory_space<hbm>> -> memref<512x16xf32, #tpu.memory_space<hbm>>
        %dma_start3A_977 = arith.constant 512 : i32
        %dma_start3A_978 = arith.constant 0 : i32
        %dma_start3A_979 = tpu.memref_slice %arg6[%dma_start3A_977, %dma_start3A_978] : memref<4096x16xf32, #tpu.memory_space<vmem>> -> memref<512x16xf32, #tpu.memory_space<vmem>>
        tpu.enqueue_dma source(%dma_start3A_979 : memref<512x16xf32, #tpu.memory_space<vmem>>) target(%dma_start3A_976 : memref<512x16xf32, #tpu.memory_space<hbm>>) target_semaphore(%run_scoped3A : memref<!tpu.dma_semaphore, #tpu.memory_space<semaphore_mem>>)
        %dma_wait3A_980 = arith.constant 512 : i32
        %dma_wait3A_981 = arith.constant 0 : i32
        %dma_wait3A_982 = tpu.memref_slice %arg6[%dma_wait3A_980, %dma_wait3A_981] : memref<4096x16xf32, #tpu.memory_space<vmem>> -> memref<512x16xf32, #tpu.memory_space<vmem>>
        %dma_wait3A_983 = arith.constant 16 : i32
        %dma_wait3A_984 = tpu.memref_slice %arg4[%add3A_11, %dma_wait3A_983] : memref<32768x128xf32, #tpu.memory_space<hbm>> -> memref<512x16xf32, #tpu.memory_space<hbm>>
        %dma_wait3A_985 = arith.constant 16 : i32
        %dma_wait3A_986 = tpu.memref_slice %arg4[%add3A_11, %dma_wait3A_985] : memref<32768x128xf32, #tpu.memory_space<hbm>> -> memref<512x16xf32, #tpu.memory_space<hbm>>
        %dma_wait3A_987 = arith.constant 512 : i32
        %dma_wait3A_988 = arith.constant 0 : i32
        %dma_wait3A_989 = tpu.memref_slice %arg6[%dma_wait3A_987, %dma_wait3A_988] : memref<4096x16xf32, #tpu.memory_space<vmem>> -> memref<512x16xf32, #tpu.memory_space<vmem>>
        tpu.wait_dma2 semaphore(%run_scoped3A : memref<!tpu.dma_semaphore, #tpu.memory_space<semaphore_mem>>) src(%dma_wait3A_989 : memref<512x16xf32, #tpu.memory_space<vmem>>) dst(%dma_wait3A_986 : memref<512x16xf32, #tpu.memory_space<hbm>>)
        tpu.yield
      }) : () -> ()
      "tpu.region"() ({
        %run_scoped3A = tpu.sem_alloc : memref<!tpu.dma_semaphore, #tpu.memory_space<semaphore_mem>>
        %dma_start3A_970 = arith.constant 1024 : i32
        %dma_start3A_971 = arith.constant 0 : i32
        %dma_start3A_972 = tpu.memref_slice %arg6[%dma_start3A_970, %dma_start3A_971] : memref<4096x16xf32, #tpu.memory_space<vmem>> -> memref<512x16xf32, #tpu.memory_space<vmem>>
        %dma_start3A_973 = arith.constant 32 : i32
        %dma_start3A_974 = tpu.memref_slice %arg4[%add3A_11, %dma_start3A_973] : memref<32768x128xf32, #tpu.memory_space<hbm>> -> memref<512x16xf32, #tpu.memory_space<hbm>>
        %dma_start3A_975 = arith.constant 32 : i32
        %dma_start3A_976 = tpu.memref_slice %arg4[%add3A_11, %dma_start3A_975] : memref<32768x128xf32, #tpu.memory_space<hbm>> -> memref<512x16xf32, #tpu.memory_space<hbm>>
        %dma_start3A_977 = arith.constant 1024 : i32
        %dma_start3A_978 = arith.constant 0 : i32
        %dma_start3A_979 = tpu.memref_slice %arg6[%dma_start3A_977, %dma_start3A_978] : memref<4096x16xf32, #tpu.memory_space<vmem>> -> memref<512x16xf32, #tpu.memory_space<vmem>>
        tpu.enqueue_dma source(%dma_start3A_979 : memref<512x16xf32, #tpu.memory_space<vmem>>) target(%dma_start3A_976 : memref<512x16xf32, #tpu.memory_space<hbm>>) target_semaphore(%run_scoped3A : memref<!tpu.dma_semaphore, #tpu.memory_space<semaphore_mem>>)
        %dma_wait3A_980 = arith.constant 1024 : i32
        %dma_wait3A_981 = arith.constant 0 : i32
        %dma_wait3A_982 = tpu.memref_slice %arg6[%dma_wait3A_980, %dma_wait3A_981] : memref<4096x16xf32, #tpu.memory_space<vmem>> -> memref<512x16xf32, #tpu.memory_space<vmem>>
        %dma_wait3A_983 = arith.constant 32 : i32
        %dma_wait3A_984 = tpu.memref_slice %arg4[%add3A_11, %dma_wait3A_983] : memref<32768x128xf32, #tpu.memory_space<hbm>> -> memref<512x16xf32, #tpu.memory_space<hbm>>
        %dma_wait3A_985 = arith.constant 32 : i32
        %dma_wait3A_986 = tpu.memref_slice %arg4[%add3A_11, %dma_wait3A_985] : memref<32768x128xf32, #tpu.memory_space<hbm>> -> memref<512x16xf32, #tpu.memory_space<hbm>>
        %dma_wait3A_987 = arith.constant 1024 : i32
        %dma_wait3A_988 = arith.constant 0 : i32
        %dma_wait3A_989 = tpu.memref_slice %arg6[%dma_wait3A_987, %dma_wait3A_988] : memref<4096x16xf32, #tpu.memory_space<vmem>> -> memref<512x16xf32, #tpu.memory_space<vmem>>
        tpu.wait_dma2 semaphore(%run_scoped3A : memref<!tpu.dma_semaphore, #tpu.memory_space<semaphore_mem>>) src(%dma_wait3A_989 : memref<512x16xf32, #tpu.memory_space<vmem>>) dst(%dma_wait3A_986 : memref<512x16xf32, #tpu.memory_space<hbm>>)
        tpu.yield
      }) : () -> ()
      "tpu.region"() ({
        %run_scoped3A = tpu.sem_alloc : memref<!tpu.dma_semaphore, #tpu.memory_space<semaphore_mem>>
        %dma_start3A_970 = arith.constant 1536 : i32
        %dma_start3A_971 = arith.constant 0 : i32
        %dma_start3A_972 = tpu.memref_slice %arg6[%dma_start3A_970, %dma_start3A_971] : memref<4096x16xf32, #tpu.memory_space<vmem>> -> memref<512x16xf32, #tpu.memory_space<vmem>>
        %dma_start3A_973 = arith.constant 48 : i32
        %dma_start3A_974 = tpu.memref_slice %arg4[%add3A_11, %dma_start3A_973] : memref<32768x128xf32, #tpu.memory_space<hbm>> -> memref<512x16xf32, #tpu.memory_space<hbm>>
        %dma_start3A_975 = arith.constant 48 : i32
        %dma_start3A_976 = tpu.memref_slice %arg4[%add3A_11, %dma_start3A_975] : memref<32768x128xf32, #tpu.memory_space<hbm>> -> memref<512x16xf32, #tpu.memory_space<hbm>>
        %dma_start3A_977 = arith.constant 1536 : i32
        %dma_start3A_978 = arith.constant 0 : i32
        %dma_start3A_979 = tpu.memref_slice %arg6[%dma_start3A_977, %dma_start3A_978] : memref<4096x16xf32, #tpu.memory_space<vmem>> -> memref<512x16xf32, #tpu.memory_space<vmem>>
        tpu.enqueue_dma source(%dma_start3A_979 : memref<512x16xf32, #tpu.memory_space<vmem>>) target(%dma_start3A_976 : memref<512x16xf32, #tpu.memory_space<hbm>>) target_semaphore(%run_scoped3A : memref<!tpu.dma_semaphore, #tpu.memory_space<semaphore_mem>>)
        %dma_wait3A_980 = arith.constant 1536 : i32
        %dma_wait3A_981 = arith.constant 0 : i32
        %dma_wait3A_982 = tpu.memref_slice %arg6[%dma_wait3A_980, %dma_wait3A_981] : memref<4096x16xf32, #tpu.memory_space<vmem>> -> memref<512x16xf32, #tpu.memory_space<vmem>>
        %dma_wait3A_983 = arith.constant 48 : i32
        %dma_wait3A_984 = tpu.memref_slice %arg4[%add3A_11, %dma_wait3A_983] : memref<32768x128xf32, #tpu.memory_space<hbm>> -> memref<512x16xf32, #tpu.memory_space<hbm>>
        %dma_wait3A_985 = arith.constant 48 : i32
        %dma_wait3A_986 = tpu.memref_slice %arg4[%add3A_11, %dma_wait3A_985] : memref<32768x128xf32, #tpu.memory_space<hbm>> -> memref<512x16xf32, #tpu.memory_space<hbm>>
        %dma_wait3A_987 = arith.constant 1536 : i32
        %dma_wait3A_988 = arith.constant 0 : i32
        %dma_wait3A_989 = tpu.memref_slice %arg6[%dma_wait3A_987, %dma_wait3A_988] : memref<4096x16xf32, #tpu.memory_space<vmem>> -> memref<512x16xf32, #tpu.memory_space<vmem>>
        tpu.wait_dma2 semaphore(%run_scoped3A : memref<!tpu.dma_semaphore, #tpu.memory_space<semaphore_mem>>) src(%dma_wait3A_989 : memref<512x16xf32, #tpu.memory_space<vmem>>) dst(%dma_wait3A_986 : memref<512x16xf32, #tpu.memory_space<hbm>>)
        tpu.yield
      }) : () -> ()
      "tpu.region"() ({
        %run_scoped3A = tpu.sem_alloc : memref<!tpu.dma_semaphore, #tpu.memory_space<semaphore_mem>>
        %dma_start3A_970 = arith.constant 2048 : i32
        %dma_start3A_971 = arith.constant 0 : i32
        %dma_start3A_972 = tpu.memref_slice %arg6[%dma_start3A_970, %dma_start3A_971] : memref<4096x16xf32, #tpu.memory_space<vmem>> -> memref<512x16xf32, #tpu.memory_space<vmem>>
        %dma_start3A_973 = arith.constant 64 : i32
        %dma_start3A_974 = tpu.memref_slice %arg4[%add3A_11, %dma_start3A_973] : memref<32768x128xf32, #tpu.memory_space<hbm>> -> memref<512x16xf32, #tpu.memory_space<hbm>>
        %dma_start3A_975 = arith.constant 64 : i32
        %dma_start3A_976 = tpu.memref_slice %arg4[%add3A_11, %dma_start3A_975] : memref<32768x128xf32, #tpu.memory_space<hbm>> -> memref<512x16xf32, #tpu.memory_space<hbm>>
        %dma_start3A_977 = arith.constant 2048 : i32
        %dma_start3A_978 = arith.constant 0 : i32
        %dma_start3A_979 = tpu.memref_slice %arg6[%dma_start3A_977, %dma_start3A_978] : memref<4096x16xf32, #tpu.memory_space<vmem>> -> memref<512x16xf32, #tpu.memory_space<vmem>>
        tpu.enqueue_dma source(%dma_start3A_979 : memref<512x16xf32, #tpu.memory_space<vmem>>) target(%dma_start3A_976 : memref<512x16xf32, #tpu.memory_space<hbm>>) target_semaphore(%run_scoped3A : memref<!tpu.dma_semaphore, #tpu.memory_space<semaphore_mem>>)
        %dma_wait3A_980 = arith.constant 2048 : i32
        %dma_wait3A_981 = arith.constant 0 : i32
        %dma_wait3A_982 = tpu.memref_slice %arg6[%dma_wait3A_980, %dma_wait3A_981] : memref<4096x16xf32, #tpu.memory_space<vmem>> -> memref<512x16xf32, #tpu.memory_space<vmem>>
        %dma_wait3A_983 = arith.constant 64 : i32
        %dma_wait3A_984 = tpu.memref_slice %arg4[%add3A_11, %dma_wait3A_983] : memref<32768x128xf32, #tpu.memory_space<hbm>> -> memref<512x16xf32, #tpu.memory_space<hbm>>
        %dma_wait3A_985 = arith.constant 64 : i32
        %dma_wait3A_986 = tpu.memref_slice %arg4[%add3A_11, %dma_wait3A_985] : memref<32768x128xf32, #tpu.memory_space<hbm>> -> memref<512x16xf32, #tpu.memory_space<hbm>>
        %dma_wait3A_987 = arith.constant 2048 : i32
        %dma_wait3A_988 = arith.constant 0 : i32
        %dma_wait3A_989 = tpu.memref_slice %arg6[%dma_wait3A_987, %dma_wait3A_988] : memref<4096x16xf32, #tpu.memory_space<vmem>> -> memref<512x16xf32, #tpu.memory_space<vmem>>
        tpu.wait_dma2 semaphore(%run_scoped3A : memref<!tpu.dma_semaphore, #tpu.memory_space<semaphore_mem>>) src(%dma_wait3A_989 : memref<512x16xf32, #tpu.memory_space<vmem>>) dst(%dma_wait3A_986 : memref<512x16xf32, #tpu.memory_space<hbm>>)
        tpu.yield
      }) : () -> ()
      "tpu.region"() ({
        %run_scoped3A = tpu.sem_alloc : memref<!tpu.dma_semaphore, #tpu.memory_space<semaphore_mem>>
        %dma_start3A_970 = arith.constant 2560 : i32
        %dma_start3A_971 = arith.constant 0 : i32
        %dma_start3A_972 = tpu.memref_slice %arg6[%dma_start3A_970, %dma_start3A_971] : memref<4096x16xf32, #tpu.memory_space<vmem>> -> memref<512x16xf32, #tpu.memory_space<vmem>>
        %dma_start3A_973 = arith.constant 80 : i32
        %dma_start3A_974 = tpu.memref_slice %arg4[%add3A_11, %dma_start3A_973] : memref<32768x128xf32, #tpu.memory_space<hbm>> -> memref<512x16xf32, #tpu.memory_space<hbm>>
        %dma_start3A_975 = arith.constant 80 : i32
        %dma_start3A_976 = tpu.memref_slice %arg4[%add3A_11, %dma_start3A_975] : memref<32768x128xf32, #tpu.memory_space<hbm>> -> memref<512x16xf32, #tpu.memory_space<hbm>>
        %dma_start3A_977 = arith.constant 2560 : i32
        %dma_start3A_978 = arith.constant 0 : i32
        %dma_start3A_979 = tpu.memref_slice %arg6[%dma_start3A_977, %dma_start3A_978] : memref<4096x16xf32, #tpu.memory_space<vmem>> -> memref<512x16xf32, #tpu.memory_space<vmem>>
        tpu.enqueue_dma source(%dma_start3A_979 : memref<512x16xf32, #tpu.memory_space<vmem>>) target(%dma_start3A_976 : memref<512x16xf32, #tpu.memory_space<hbm>>) target_semaphore(%run_scoped3A : memref<!tpu.dma_semaphore, #tpu.memory_space<semaphore_mem>>)
        %dma_wait3A_980 = arith.constant 2560 : i32
        %dma_wait3A_981 = arith.constant 0 : i32
        %dma_wait3A_982 = tpu.memref_slice %arg6[%dma_wait3A_980, %dma_wait3A_981] : memref<4096x16xf32, #tpu.memory_space<vmem>> -> memref<512x16xf32, #tpu.memory_space<vmem>>
        %dma_wait3A_983 = arith.constant 80 : i32
        %dma_wait3A_984 = tpu.memref_slice %arg4[%add3A_11, %dma_wait3A_983] : memref<32768x128xf32, #tpu.memory_space<hbm>> -> memref<512x16xf32, #tpu.memory_space<hbm>>
        %dma_wait3A_985 = arith.constant 80 : i32
        %dma_wait3A_986 = tpu.memref_slice %arg4[%add3A_11, %dma_wait3A_985] : memref<32768x128xf32, #tpu.memory_space<hbm>> -> memref<512x16xf32, #tpu.memory_space<hbm>>
        %dma_wait3A_987 = arith.constant 2560 : i32
        %dma_wait3A_988 = arith.constant 0 : i32
        %dma_wait3A_989 = tpu.memref_slice %arg6[%dma_wait3A_987, %dma_wait3A_988] : memref<4096x16xf32, #tpu.memory_space<vmem>> -> memref<512x16xf32, #tpu.memory_space<vmem>>
        tpu.wait_dma2 semaphore(%run_scoped3A : memref<!tpu.dma_semaphore, #tpu.memory_space<semaphore_mem>>) src(%dma_wait3A_989 : memref<512x16xf32, #tpu.memory_space<vmem>>) dst(%dma_wait3A_986 : memref<512x16xf32, #tpu.memory_space<hbm>>)
        tpu.yield
      }) : () -> ()
      "tpu.region"() ({
        %run_scoped3A = tpu.sem_alloc : memref<!tpu.dma_semaphore, #tpu.memory_space<semaphore_mem>>
        %dma_start3A_970 = arith.constant 3072 : i32
        %dma_start3A_971 = arith.constant 0 : i32
        %dma_start3A_972 = tpu.memref_slice %arg6[%dma_start3A_970, %dma_start3A_971] : memref<4096x16xf32, #tpu.memory_space<vmem>> -> memref<512x16xf32, #tpu.memory_space<vmem>>
        %dma_start3A_973 = arith.constant 96 : i32
        %dma_start3A_974 = tpu.memref_slice %arg4[%add3A_11, %dma_start3A_973] : memref<32768x128xf32, #tpu.memory_space<hbm>> -> memref<512x16xf32, #tpu.memory_space<hbm>>
        %dma_start3A_975 = arith.constant 96 : i32
        %dma_start3A_976 = tpu.memref_slice %arg4[%add3A_11, %dma_start3A_975] : memref<32768x128xf32, #tpu.memory_space<hbm>> -> memref<512x16xf32, #tpu.memory_space<hbm>>
        %dma_start3A_977 = arith.constant 3072 : i32
        %dma_start3A_978 = arith.constant 0 : i32
        %dma_start3A_979 = tpu.memref_slice %arg6[%dma_start3A_977, %dma_start3A_978] : memref<4096x16xf32, #tpu.memory_space<vmem>> -> memref<512x16xf32, #tpu.memory_space<vmem>>
        tpu.enqueue_dma source(%dma_start3A_979 : memref<512x16xf32, #tpu.memory_space<vmem>>) target(%dma_start3A_976 : memref<512x16xf32, #tpu.memory_space<hbm>>) target_semaphore(%run_scoped3A : memref<!tpu.dma_semaphore, #tpu.memory_space<semaphore_mem>>)
        %dma_wait3A_980 = arith.constant 3072 : i32
        %dma_wait3A_981 = arith.constant 0 : i32
        %dma_wait3A_982 = tpu.memref_slice %arg6[%dma_wait3A_980, %dma_wait3A_981] : memref<4096x16xf32, #tpu.memory_space<vmem>> -> memref<512x16xf32, #tpu.memory_space<vmem>>
        %dma_wait3A_983 = arith.constant 96 : i32
        %dma_wait3A_984 = tpu.memref_slice %arg4[%add3A_11, %dma_wait3A_983] : memref<32768x128xf32, #tpu.memory_space<hbm>> -> memref<512x16xf32, #tpu.memory_space<hbm>>
        %dma_wait3A_985 = arith.constant 96 : i32
        %dma_wait3A_986 = tpu.memref_slice %arg4[%add3A_11, %dma_wait3A_985] : memref<32768x128xf32, #tpu.memory_space<hbm>> -> memref<512x16xf32, #tpu.memory_space<hbm>>
        %dma_wait3A_987 = arith.constant 3072 : i32
        %dma_wait3A_988 = arith.constant 0 : i32
        %dma_wait3A_989 = tpu.memref_slice %arg6[%dma_wait3A_987, %dma_wait3A_988] : memref<4096x16xf32, #tpu.memory_space<vmem>> -> memref<512x16xf32, #tpu.memory_space<vmem>>
        tpu.wait_dma2 semaphore(%run_scoped3A : memref<!tpu.dma_semaphore, #tpu.memory_space<semaphore_mem>>) src(%dma_wait3A_989 : memref<512x16xf32, #tpu.memory_space<vmem>>) dst(%dma_wait3A_986 : memref<512x16xf32, #tpu.memory_space<hbm>>)
        tpu.yield
      }) : () -> ()
      "tpu.region"() ({
        %run_scoped3A = tpu.sem_alloc : memref<!tpu.dma_semaphore, #tpu.memory_space<semaphore_mem>>
        %dma_start3A_970 = arith.constant 3584 : i32
        %dma_start3A_971 = arith.constant 0 : i32
        %dma_start3A_972 = tpu.memref_slice %arg6[%dma_start3A_970, %dma_start3A_971] : memref<4096x16xf32, #tpu.memory_space<vmem>> -> memref<512x16xf32, #tpu.memory_space<vmem>>
        %dma_start3A_973 = arith.constant 112 : i32
        %dma_start3A_974 = tpu.memref_slice %arg4[%add3A_11, %dma_start3A_973] : memref<32768x128xf32, #tpu.memory_space<hbm>> -> memref<512x16xf32, #tpu.memory_space<hbm>>
        %dma_start3A_975 = arith.constant 112 : i32
        %dma_start3A_976 = tpu.memref_slice %arg4[%add3A_11, %dma_start3A_975] : memref<32768x128xf32, #tpu.memory_space<hbm>> -> memref<512x16xf32, #tpu.memory_space<hbm>>
        %dma_start3A_977 = arith.constant 3584 : i32
        %dma_start3A_978 = arith.constant 0 : i32
        %dma_start3A_979 = tpu.memref_slice %arg6[%dma_start3A_977, %dma_start3A_978] : memref<4096x16xf32, #tpu.memory_space<vmem>> -> memref<512x16xf32, #tpu.memory_space<vmem>>
        tpu.enqueue_dma source(%dma_start3A_979 : memref<512x16xf32, #tpu.memory_space<vmem>>) target(%dma_start3A_976 : memref<512x16xf32, #tpu.memory_space<hbm>>) target_semaphore(%run_scoped3A : memref<!tpu.dma_semaphore, #tpu.memory_space<semaphore_mem>>)
        %dma_wait3A_980 = arith.constant 3584 : i32
        %dma_wait3A_981 = arith.constant 0 : i32
        %dma_wait3A_982 = tpu.memref_slice %arg6[%dma_wait3A_980, %dma_wait3A_981] : memref<4096x16xf32, #tpu.memory_space<vmem>> -> memref<512x16xf32, #tpu.memory_space<vmem>>
        %dma_wait3A_983 = arith.constant 112 : i32
        %dma_wait3A_984 = tpu.memref_slice %arg4[%add3A_11, %dma_wait3A_983] : memref<32768x128xf32, #tpu.memory_space<hbm>> -> memref<512x16xf32, #tpu.memory_space<hbm>>
        %dma_wait3A_985 = arith.constant 112 : i32
        %dma_wait3A_986 = tpu.memref_slice %arg4[%add3A_11, %dma_wait3A_985] : memref<32768x128xf32, #tpu.memory_space<hbm>> -> memref<512x16xf32, #tpu.memory_space<hbm>>
        %dma_wait3A_987 = arith.constant 3584 : i32
        %dma_wait3A_988 = arith.constant 0 : i32
        %dma_wait3A_989 = tpu.memref_slice %arg6[%dma_wait3A_987, %dma_wait3A_988] : memref<4096x16xf32, #tpu.memory_space<vmem>> -> memref<512x16xf32, #tpu.memory_space<vmem>>
        tpu.wait_dma2 semaphore(%run_scoped3A : memref<!tpu.dma_semaphore, #tpu.memory_space<semaphore_mem>>) src(%dma_wait3A_989 : memref<512x16xf32, #tpu.memory_space<vmem>>) dst(%dma_wait3A_986 : memref<512x16xf32, #tpu.memory_space<hbm>>)
        tpu.yield
      }) : () -> ()
    }
    %scan3A_5 = arith.constant 2 : i32
    return
  }
}

module attributes {stable_mosaic.version = 14 : i64} {
  func.func @_be_body(%arg0: i32, %arg1: memref<1x1x512xi32, #tpu.memory_space<vmem>>, %arg2: memref<1024x128xf32, #tpu.memory_space<vmem>>, %arg3: memref<512x128xf32, #tpu.memory_space<vmem>>) attributes {dimension_semantics = [#tpu.dimension_semantics<arbitrary>], iteration_bounds = array<i64: 64>, scalar_prefetch = 0 : i64, scratch_operands = 0 : i64, tpu.core_type = #tpu.core_type<tc>, window_params = [{transform_indices = @transform_0, window_bounds = array<i64: 1, 1, 512>}, {pipeline_mode = #tpu.pipeline_mode<synchronous>, transform_indices = @transform_1, window_bounds = array<i64: 1024, 128>}, {transform_indices = @transform_2, window_bounds = array<i64: 512, 128>}]} {
    %get3A = arith.constant 0 : index
    %get3A_0 = arith.constant 0 : index
    %get3A_1 = arith.constant 0 : index
    %get3A_2 = vector.load %arg1[%get3A, %get3A_0, %get3A_1] : memref<1x1x512xi32, #tpu.memory_space<vmem>>, vector<1x1x512xi32>
    %get3A_3 = vector.shape_cast %get3A_2 : vector<1x1x512xi32> to vector<1x512xi32>
    %iota3A = tpu.iota {dimensions = array<i32: 0>} : vector<1024x512xi32>
    %eq3A = vector.broadcast %get3A_3 : vector<1x512xi32> to vector<1024x512xi32>
    %eq3A_4 = arith.cmpi eq, %iota3A, %eq3A : vector<1024x512xi32>
    %convert_element_type3A = arith.extui %eq3A_4 : vector<1024x512xi1> to vector<1024x512xi32>
    %convert_element_type3A_5 = arith.sitofp %convert_element_type3A : vector<1024x512xi32> to vector<1024x512xf32>
    %get3A_6 = arith.constant 0 : index
    %get3A_7 = arith.constant 0 : index
    %get3A_8 = vector.load %arg2[%get3A_6, %get3A_7] : memref<1024x128xf32, #tpu.memory_space<vmem>>, vector<1024x128xf32>
    %dot_general3A = arith.constant dense<0.000000e+00> : vector<512x128xf32>
    %dot_general3A_9 = tpu.matmul %convert_element_type3A_5, %get3A_8, %dot_general3A {dimension_numbers = #tpu.dot_dimension_numbers<[0], [0], [1], [1], [0, 1, 1, 1], [], []>, transpose_lhs_hint = false} : vector<1024x512xf32>, vector<1024x128xf32>, vector<512x128xf32> -> vector<512x128xf32>
    %swap3A = arith.constant 0 : index
    %swap3A_10 = arith.constant 0 : index
    %swap3A_11 = vector.load %arg3[%swap3A, %swap3A_10] : memref<512x128xf32, #tpu.memory_space<vmem>>, vector<512x128xf32>
    tpu.vector_store %arg3[%swap3A, %swap3A_10], %dot_general3A_9 {strides = array<i32>} : memref<512x128xf32, #tpu.memory_space<vmem>>, vector<512x128xf32>,
    return
  }
  func.func @transform_0(%arg0: i32) -> (i32, i32, i32) {
    %c0_i32 = arith.constant 0 : i32
    %c0_i32_0 = arith.constant 0 : i32
    %c0_i32_1 = arith.constant 0 : i32
    return %arg0, %c0_i32, %c0_i32_0 : i32, i32, i32
  }
  func.func @transform_1(%arg0: i32) -> (i32, i32) {
    %c0_i32 = arith.constant 0 : i32
    %c0_i32_0 = arith.constant 0 : i32
    %c0_i32_1 = arith.constant 0 : i32
    return %c0_i32, %c0_i32_0 : i32, i32
  }
  func.func @transform_2(%arg0: i32) -> (i32, i32) {
    %c0_i32 = arith.constant 0 : i32
    %c0_i32_0 = arith.constant 0 : i32
    return %arg0, %c0_i32 : i32, i32
  }
}

module attributes {stable_mosaic.version = 14 : i64} {
  func.func @_mm_body(%arg0: i32, %arg1: memref<512x128xf32, #tpu.memory_space<vmem>>, %arg2: memref<512x128xf32, #tpu.memory_space<vmem>>, %arg3: memref<256x512xf32, #tpu.memory_space<vmem>>, %arg4: memref<1x512xf32, #tpu.memory_space<vmem>>, %arg5: memref<512x512xf32, #tpu.memory_space<vmem>>) attributes {dimension_semantics = [#tpu.dimension_semantics<arbitrary>], iteration_bounds = array<i64: 64>, scalar_prefetch = 0 : i64, scratch_operands = 0 : i64, tpu.core_type = #tpu.core_type<tc>, window_params = [{transform_indices = @transform_0, window_bounds = array<i64: 512, 128>}, {transform_indices = @transform_1, window_bounds = array<i64: 512, 128>}, {pipeline_mode = #tpu.pipeline_mode<synchronous>, transform_indices = @transform_2, window_bounds = array<i64: 256, 512>}, {pipeline_mode = #tpu.pipeline_mode<synchronous>, transform_indices = @transform_3, window_bounds = array<i64: 1, 512>}, {transform_indices = @transform_4, window_bounds = array<i64: 512, 512>}]} {
    %get3A = arith.constant 0 : index
    %get3A_0 = arith.constant 0 : index
    %get3A_1 = vector.load %arg1[%get3A, %get3A_0] : memref<512x128xf32, #tpu.memory_space<vmem>>, vector<512x128xf32>
    %get3A_2 = arith.constant 0 : index
    %get3A_3 = arith.constant 0 : index
    %get3A_4 = vector.load %arg2[%get3A_2, %get3A_3] : memref<512x128xf32, #tpu.memory_space<vmem>>, vector<512x128xf32>
    %concatenate3A = tpu.concatenate %get3A_1, %get3A_4 in 1 : vector<512x128xf32>, vector<512x128xf32> -> vector<512x256xf32>
    %get3A_5 = arith.constant 0 : index
    %get3A_6 = arith.constant 0 : index
    %get3A_7 = vector.load %arg3[%get3A_5, %get3A_6] : memref<256x512xf32, #tpu.memory_space<vmem>>, vector<256x512xf32>
    %dot_general3A = arith.constant dense<0.000000e+00> : vector<512x512xf32>
    %dot_general3A_8 = tpu.matmul %concatenate3A, %get3A_7, %dot_general3A {dimension_numbers = #tpu.dot_dimension_numbers<[1], [0], [0], [1], [0, 0, 1, 1], [], []>, transpose_lhs_hint = false} : vector<512x256xf32>, vector<256x512xf32>, vector<512x512xf32> -> vector<512x512xf32>
    %get3A_9 = arith.constant 0 : index
    %get3A_10 = arith.constant 0 : index
    %get3A_11 = vector.load %arg4[%get3A_9, %get3A_10] : memref<1x512xf32, #tpu.memory_space<vmem>>, vector<1x512xf32>
    %add3A = vector.broadcast %get3A_11 : vector<1x512xf32> to vector<512x512xf32>
    %add3A_12 = arith.addf %dot_general3A_8, %add3A : vector<512x512xf32>
    %swap3A = arith.constant 0 : index
    %swap3A_13 = arith.constant 0 : index
    %swap3A_14 = vector.load %arg5[%swap3A, %swap3A_13] : memref<512x512xf32, #tpu.memory_space<vmem>>, vector<512x512xf32>
    tpu.vector_store %arg5[%swap3A, %swap3A_13], %add3A_12 {strides = array<i32>} : memref<512x512xf32, #tpu.memory_space<vmem>>, vector<512x512xf32>,
    return
  }
  func.func @transform_0(%arg0: i32) -> (i32, i32) {
    %c0_i32 = arith.constant 0 : i32
    %c0_i32_0 = arith.constant 0 : i32
    return %arg0, %c0_i32 : i32, i32
  }
  func.func @transform_1(%arg0: i32) -> (i32, i32) {
    %c0_i32 = arith.constant 0 : i32
    %c0_i32_0 = arith.constant 0 : i32
    return %arg0, %c0_i32 : i32, i32
  }
  func.func @transform_2(%arg0: i32) -> (i32, i32) {
    %c0_i32 = arith.constant 0 : i32
    %c0_i32_0 = arith.constant 0 : i32
    %c0_i32_1 = arith.constant 0 : i32
    return %c0_i32, %c0_i32_0 : i32, i32
  }
  func.func @transform_3(%arg0: i32) -> (i32, i32) {
    %c0_i32 = arith.constant 0 : i32
    %c0_i32_0 = arith.constant 0 : i32
    %c0_i32_1 = arith.constant 0 : i32
    return %c0_i32, %c0_i32_0 : i32, i32
  }
  func.func @transform_4(%arg0: i32) -> (i32, i32) {
    %c0_i32 = arith.constant 0 : i32
    %c0_i32_0 = arith.constant 0 : i32
    return %arg0, %c0_i32 : i32, i32
  }
}

module attributes {stable_mosaic.version = 14 : i64} {
  func.func @_hash_idx_body(%arg0: memref<64x512xi32, #tpu.memory_space<vmem>>, %arg1: memref<8x64x512xi32, #tpu.memory_space<vmem>>) attributes {dimension_semantics = [], scalar_prefetch = 0 : i64, scratch_operands = 0 : i64, tpu.core_type = #tpu.core_type<tc>} {
    %get3A = arith.constant 0 : index
    %get3A_0 = arith.constant 0 : index
    %get3A_1 = vector.load %arg0[%get3A, %get3A_0] : memref<64x512xi32, #tpu.memory_space<vmem>>, vector<64x512xi32>
    %broadcast_in_dim3A = arith.constant 0 : i32
    %broadcast_in_dim3A_2 = vector.broadcast %broadcast_in_dim3A : i32 to vector<64x1xi32>
    %slice3A = vector.extract_strided_slice %get3A_1 {offsets = [0, 0], sizes = [64, 511], strides = [1, 1]} : vector<64x512xi32> to vector<64x511xi32>
    %concatenate3A = tpu.concatenate %broadcast_in_dim3A_2, %slice3A in 1 : vector<64x1xi32>, vector<64x511xi32> -> vector<64x512xi32>
    %broadcast_in_dim3A_3 = arith.constant 0 : i32
    %broadcast_in_dim3A_4 = vector.broadcast %broadcast_in_dim3A_3 : i32 to vector<64x2xi32>
    %slice3A_5 = vector.extract_strided_slice %get3A_1 {offsets = [0, 0], sizes = [64, 510], strides = [1, 1]} : vector<64x512xi32> to vector<64x510xi32>
    %concatenate3A_6 = tpu.concatenate %broadcast_in_dim3A_4, %slice3A_5 in 1 : vector<64x2xi32>, vector<64x510xi32> -> vector<64x512xi32>
    %broadcast_in_dim3A_7 = arith.constant 0 : i32
    %broadcast_in_dim3A_8 = vector.broadcast %broadcast_in_dim3A_7 : i32 to vector<64x3xi32>
    %slice3A_9 = vector.extract_strided_slice %get3A_1 {offsets = [0, 0], sizes = [64, 509], strides = [1, 1]} : vector<64x512xi32> to vector<64x509xi32>
    %concatenate3A_10 = tpu.concatenate %broadcast_in_dim3A_8, %slice3A_9 in 1 : vector<64x3xi32>, vector<64x509xi32> -> vector<64x512xi32>
    %broadcast_in_dim3A_11 = arith.constant 0 : i32
    %broadcast_in_dim3A_12 = vector.broadcast %broadcast_in_dim3A_11 : i32 to vector<64x5xi32>
    %slice3A_13 = vector.extract_strided_slice %get3A_1 {offsets = [0, 0], sizes = [64, 507], strides = [1, 1]} : vector<64x512xi32> to vector<64x507xi32>
    %concatenate3A_14 = tpu.concatenate %broadcast_in_dim3A_12, %slice3A_13 in 1 : vector<64x5xi32>, vector<64x507xi32> -> vector<64x512xi32>
    %broadcast_in_dim3A_15 = arith.constant 0 : i32
    %broadcast_in_dim3A_16 = vector.broadcast %broadcast_in_dim3A_15 : i32 to vector<64x8xi32>
    %slice3A_17 = vector.extract_strided_slice %get3A_1 {offsets = [0, 0], sizes = [64, 504], strides = [1, 1]} : vector<64x512xi32> to vector<64x504xi32>
    %concatenate3A_18 = tpu.concatenate %broadcast_in_dim3A_16, %slice3A_17 in 1 : vector<64x8xi32>, vector<64x504xi32> -> vector<64x512xi32>
    %broadcast_in_dim3A_19 = arith.constant 0 : i32
    %broadcast_in_dim3A_20 = vector.broadcast %broadcast_in_dim3A_19 : i32 to vector<64x13xi32>
    %slice3A_21 = vector.extract_strided_slice %get3A_1 {offsets = [0, 0], sizes = [64, 499], strides = [1, 1]} : vector<64x512xi32> to vector<64x499xi32>
    %concatenate3A_22 = tpu.concatenate %broadcast_in_dim3A_20, %slice3A_21 in 1 : vector<64x13xi32>, vector<64x499xi32> -> vector<64x512xi32>
    %broadcast_in_dim3A_23 = arith.constant 0 : i32
    %broadcast_in_dim3A_24 = vector.broadcast %broadcast_in_dim3A_23 : i32 to vector<64x21xi32>
    %slice3A_25 = vector.extract_strided_slice %get3A_1 {offsets = [0, 0], sizes = [64, 491], strides = [1, 1]} : vector<64x512xi32> to vector<64x491xi32>
    %concatenate3A_26 = tpu.concatenate %broadcast_in_dim3A_24, %slice3A_25 in 1 : vector<64x21xi32>, vector<64x491xi32> -> vector<64x512xi32>
    %broadcast_in_dim3A_27 = arith.constant 0 : i32
    %broadcast_in_dim3A_28 = vector.broadcast %broadcast_in_dim3A_27 : i32 to vector<64x512xi32>
    %mul3A = arith.constant -1640531535 : i32
    %mul3A_29 = vector.broadcast %mul3A : i32 to vector<64x512xi32>
    %mul3A_30 = arith.muli %concatenate3A, %mul3A_29 : vector<64x512xi32>
    %xor3A = arith.xori %broadcast_in_dim3A_28, %mul3A_30 : vector<64x512xi32>
    %mul3A_31 = arith.constant -2048144777 : i32
    %mul3A_32 = vector.broadcast %mul3A_31 : i32 to vector<64x512xi32>
    %mul3A_33 = arith.muli %concatenate3A, %mul3A_32 : vector<64x512xi32>
    %xor3A_34 = arith.xori %xor3A, %mul3A_33 : vector<64x512xi32>
    %mul3A_35 = arith.constant -1028477379 : i32
    %mul3A_36 = vector.broadcast %mul3A_35 : i32 to vector<64x512xi32>
    %mul3A_37 = arith.muli %concatenate3A_6, %mul3A_36 : vector<64x512xi32>
    %xor3A_38 = arith.xori %xor3A_34, %mul3A_37 : vector<64x512xi32>
    %mul3A_39 = arith.constant 2028178513 : i32
    %mul3A_40 = vector.broadcast %mul3A_39 : i32 to vector<64x512xi32>
    %mul3A_41 = arith.muli %concatenate3A_10, %mul3A_40 : vector<64x512xi32>
    %xor3A_42 = arith.xori %xor3A_38, %mul3A_41 : vector<64x512xi32>
    %mul3A_43 = arith.constant 1220703125 : i32
    %mul3A_44 = vector.broadcast %mul3A_43 : i32 to vector<64x512xi32>
    %mul3A_45 = arith.muli %concatenate3A_14, %mul3A_44 : vector<64x512xi32>
    %xor3A_46 = arith.xori %xor3A_42, %mul3A_45 : vector<64x512xi32>
    %mul3A_47 = arith.constant 1610612741 : i32
    %mul3A_48 = vector.broadcast %mul3A_47 : i32 to vector<64x512xi32>
    %mul3A_49 = arith.muli %concatenate3A_18, %mul3A_48 : vector<64x512xi32>
    %xor3A_50 = arith.xori %xor3A_46, %mul3A_49 : vector<64x512xi32>
    %mul3A_51 = arith.constant 805306457 : i32
    %mul3A_52 = vector.broadcast %mul3A_51 : i32 to vector<64x512xi32>
    %mul3A_53 = arith.muli %concatenate3A_22, %mul3A_52 : vector<64x512xi32>
    %xor3A_54 = arith.xori %xor3A_50, %mul3A_53 : vector<64x512xi32>
    %mul3A_55 = arith.constant 402653189 : i32
    %mul3A_56 = vector.broadcast %mul3A_55 : i32 to vector<64x512xi32>
    %mul3A_57 = arith.muli %concatenate3A_26, %mul3A_56 : vector<64x512xi32>
    %xor3A_58 = arith.xori %xor3A_54, %mul3A_57 : vector<64x512xi32>
    %and3A = arith.constant 65535 : i32
    %and3A_59 = vector.broadcast %and3A : i32 to vector<64x512xi32>
    %and3A_60 = arith.andi %xor3A_58, %and3A_59 : vector<64x512xi32>
    %swap3A = arith.constant 0 : index
    %swap3A_61 = arith.constant 0 : index
    %swap3A_62 = arith.constant 0 : index
    %swap3A_63 = vector.load %arg1[%swap3A, %swap3A_61, %swap3A_62] : memref<8x64x512xi32, #tpu.memory_space<vmem>>, vector<1x64x512xi32>
    %swap3A_64 = vector.shape_cast %swap3A_63 : vector<1x64x512xi32> to vector<64x512xi32>
    %swap3A_65 = vector.shape_cast %and3A_60 : vector<64x512xi32> to vector<1x64x512xi32>
    tpu.vector_store %arg1[%swap3A, %swap3A_61, %swap3A_62], %swap3A_65 {strides = array<i32>} : memref<8x64x512xi32, #tpu.memory_space<vmem>>, vector<1x64x512xi32>,
    %broadcast_in_dim3A_66 = arith.constant 0 : i32
    %broadcast_in_dim3A_67 = vector.broadcast %broadcast_in_dim3A_66 : i32 to vector<64x512xi32>
    %mul3A_68 = arith.constant 2028178513 : i32
    %mul3A_69 = vector.broadcast %mul3A_68 : i32 to vector<64x512xi32>
    %mul3A_70 = arith.muli %concatenate3A, %mul3A_69 : vector<64x512xi32>
    %xor3A_71 = arith.xori %broadcast_in_dim3A_67, %mul3A_70 : vector<64x512xi32>
    %mul3A_72 = arith.constant 1220703125 : i32
    %mul3A_73 = vector.broadcast %mul3A_72 : i32 to vector<64x512xi32>
    %mul3A_74 = arith.muli %concatenate3A, %mul3A_73 : vector<64x512xi32>
    %xor3A_75 = arith.xori %xor3A_71, %mul3A_74 : vector<64x512xi32>
    %mul3A_76 = arith.constant 1610612741 : i32
    %mul3A_77 = vector.broadcast %mul3A_76 : i32 to vector<64x512xi32>
    %mul3A_78 = arith.muli %concatenate3A_6, %mul3A_77 : vector<64x512xi32>
    %xor3A_79 = arith.xori %xor3A_75, %mul3A_78 : vector<64x512xi32>
    %mul3A_80 = arith.constant 805306457 : i32
    %mul3A_81 = vector.broadcast %mul3A_80 : i32 to vector<64x512xi32>
    %mul3A_82 = arith.muli %concatenate3A_10, %mul3A_81 : vector<64x512xi32>
    %xor3A_83 = arith.xori %xor3A_79, %mul3A_82 : vector<64x512xi32>
    %mul3A_84 = arith.constant 402653189 : i32
    %mul3A_85 = vector.broadcast %mul3A_84 : i32 to vector<64x512xi32>
    %mul3A_86 = arith.muli %concatenate3A_14, %mul3A_85 : vector<64x512xi32>
    %xor3A_87 = arith.xori %xor3A_83, %mul3A_86 : vector<64x512xi32>
    %mul3A_88 = arith.constant -620313867 : i32
    %mul3A_89 = vector.broadcast %mul3A_88 : i32 to vector<64x512xi32>
    %mul3A_90 = arith.muli %concatenate3A_18, %mul3A_89 : vector<64x512xi32>
    %xor3A_91 = arith.xori %xor3A_87, %mul3A_90 : vector<64x512xi32>
    %mul3A_92 = arith.constant -1434480983 : i32
    %mul3A_93 = vector.broadcast %mul3A_92 : i32 to vector<64x512xi32>
    %mul3A_94 = arith.muli %concatenate3A_22, %mul3A_93 : vector<64x512xi32>
    %xor3A_95 = arith.xori %xor3A_91, %mul3A_94 : vector<64x512xi32>
    %mul3A_96 = arith.constant 1073676287 : i32
    %mul3A_97 = vector.broadcast %mul3A_96 : i32 to vector<64x512xi32>
    %mul3A_98 = arith.muli %concatenate3A_26, %mul3A_97 : vector<64x512xi32>
    %xor3A_99 = arith.xori %xor3A_95, %mul3A_98 : vector<64x512xi32>
    %and3A_100 = arith.constant 65535 : i32
    %and3A_101 = vector.broadcast %and3A_100 : i32 to vector<64x512xi32>
    %and3A_102 = arith.andi %xor3A_99, %and3A_101 : vector<64x512xi32>
    %swap3A_103 = arith.constant 1 : index
    %swap3A_104 = arith.constant 0 : index
    %swap3A_105 = arith.constant 0 : index
    %swap3A_106 = vector.load %arg1[%swap3A_103, %swap3A_104, %swap3A_105] : memref<8x64x512xi32, #tpu.memory_space<vmem>>, vector<1x64x512xi32>
    %swap3A_107 = vector.shape_cast %swap3A_106 : vector<1x64x512xi32> to vector<64x512xi32>
    %swap3A_108 = vector.shape_cast %and3A_102 : vector<64x512xi32> to vector<1x64x512xi32>
    tpu.vector_store %arg1[%swap3A_103, %swap3A_104, %swap3A_105], %swap3A_108 {strides = array<i32>} : memref<8x64x512xi32, #tpu.memory_space<vmem>>, vector<1x64x512xi32>,
    %broadcast_in_dim3A_109 = arith.constant 0 : i32
    %broadcast_in_dim3A_110 = vector.broadcast %broadcast_in_dim3A_109 : i32 to vector<64x512xi32>
    %mul3A_111 = arith.constant 805306457 : i32
    %mul3A_112 = vector.broadcast %mul3A_111 : i32 to vector<64x512xi32>
    %mul3A_113 = arith.muli %concatenate3A, %mul3A_112 : vector<64x512xi32>
    %xor3A_114 = arith.xori %broadcast_in_dim3A_110, %mul3A_113 : vector<64x512xi32>
    %mul3A_115 = arith.constant 402653189 : i32
    %mul3A_116 = vector.broadcast %mul3A_115 : i32 to vector<64x512xi32>
    %mul3A_117 = arith.muli %concatenate3A, %mul3A_116 : vector<64x512xi32>
    %xor3A_118 = arith.xori %xor3A_114, %mul3A_117 : vector<64x512xi32>
    %mul3A_119 = arith.constant -620313867 : i32
    %mul3A_120 = vector.broadcast %mul3A_119 : i32 to vector<64x512xi32>
    %mul3A_121 = arith.muli %concatenate3A_6, %mul3A_120 : vector<64x512xi32>
    %xor3A_122 = arith.xori %xor3A_118, %mul3A_121 : vector<64x512xi32>
    %mul3A_123 = arith.constant -1434480983 : i32
    %mul3A_124 = vector.broadcast %mul3A_123 : i32 to vector<64x512xi32>
    %mul3A_125 = arith.muli %concatenate3A_10, %mul3A_124 : vector<64x512xi32>
    %xor3A_126 = arith.xori %xor3A_122, %mul3A_125 : vector<64x512xi32>
    %mul3A_127 = arith.constant 1073676287 : i32
    %mul3A_128 = vector.broadcast %mul3A_127 : i32 to vector<64x512xi32>
    %mul3A_129 = arith.muli %concatenate3A_14, %mul3A_128 : vector<64x512xi32>
    %xor3A_130 = arith.xori %xor3A_126, %mul3A_129 : vector<64x512xi32>
    %mul3A_131 = arith.constant -1323752223 : i32
    %mul3A_132 = vector.broadcast %mul3A_131 : i32 to vector<64x512xi32>
    %mul3A_133 = arith.muli %concatenate3A_18, %mul3A_132 : vector<64x512xi32>
    %xor3A_134 = arith.xori %xor3A_130, %mul3A_133 : vector<64x512xi32>
    %mul3A_135 = arith.constant 1500450271 : i32
    %mul3A_136 = vector.broadcast %mul3A_135 : i32 to vector<64x512xi32>
    %mul3A_137 = arith.muli %concatenate3A_22, %mul3A_136 : vector<64x512xi32>
    %xor3A_138 = arith.xori %xor3A_134, %mul3A_137 : vector<64x512xi32>
    %mul3A_139 = arith.constant -1027967283 : i32
    %mul3A_140 = vector.broadcast %mul3A_139 : i32 to vector<64x512xi32>
    %mul3A_141 = arith.muli %concatenate3A_26, %mul3A_140 : vector<64x512xi32>
    %xor3A_142 = arith.xori %xor3A_138, %mul3A_141 : vector<64x512xi32>
    %and3A_143 = arith.constant 65535 : i32
    %and3A_144 = vector.broadcast %and3A_143 : i32 to vector<64x512xi32>
    %and3A_145 = arith.andi %xor3A_142, %and3A_144 : vector<64x512xi32>
    %swap3A_146 = arith.constant 2 : index
    %swap3A_147 = arith.constant 0 : index
    %swap3A_148 = arith.constant 0 : index
    %swap3A_149 = vector.load %arg1[%swap3A_146, %swap3A_147, %swap3A_148] : memref<8x64x512xi32, #tpu.memory_space<vmem>>, vector<1x64x512xi32>
    %swap3A_150 = vector.shape_cast %swap3A_149 : vector<1x64x512xi32> to vector<64x512xi32>
    %swap3A_151 = vector.shape_cast %and3A_145 : vector<64x512xi32> to vector<1x64x512xi32>
    tpu.vector_store %arg1[%swap3A_146, %swap3A_147, %swap3A_148], %swap3A_151 {strides = array<i32>} : memref<8x64x512xi32, #tpu.memory_space<vmem>>, vector<1x64x512xi32>,
    %broadcast_in_dim3A_152 = arith.constant 0 : i32
    %broadcast_in_dim3A_153 = vector.broadcast %broadcast_in_dim3A_152 : i32 to vector<64x512xi32>
    %mul3A_154 = arith.constant -1434480983 : i32
    %mul3A_155 = vector.broadcast %mul3A_154 : i32 to vector<64x512xi32>
    %mul3A_156 = arith.muli %concatenate3A, %mul3A_155 : vector<64x512xi32>
    %xor3A_157 = arith.xori %broadcast_in_dim3A_153, %mul3A_156 : vector<64x512xi32>
    %mul3A_158 = arith.constant 1073676287 : i32
    %mul3A_159 = vector.broadcast %mul3A_158 : i32 to vector<64x512xi32>
    %mul3A_160 = arith.muli %concatenate3A, %mul3A_159 : vector<64x512xi32>
    %xor3A_161 = arith.xori %xor3A_157, %mul3A_160 : vector<64x512xi32>
    %mul3A_162 = arith.constant -1323752223 : i32
    %mul3A_163 = vector.broadcast %mul3A_162 : i32 to vector<64x512xi32>
    %mul3A_164 = arith.muli %concatenate3A_6, %mul3A_163 : vector<64x512xi32>
    %xor3A_165 = arith.xori %xor3A_161, %mul3A_164 : vector<64x512xi32>
    %mul3A_166 = arith.constant 1500450271 : i32
    %mul3A_167 = vector.broadcast %mul3A_166 : i32 to vector<64x512xi32>
    %mul3A_168 = arith.muli %concatenate3A_10, %mul3A_167 : vector<64x512xi32>
    %xor3A_169 = arith.xori %xor3A_165, %mul3A_168 : vector<64x512xi32>
    %mul3A_170 = arith.constant -1027967283 : i32
    %mul3A_171 = vector.broadcast %mul3A_170 : i32 to vector<64x512xi32>
    %mul3A_172 = arith.muli %concatenate3A_14, %mul3A_171 : vector<64x512xi32>
    %xor3A_173 = arith.xori %xor3A_169, %mul3A_172 : vector<64x512xi32>
    %mul3A_174 = arith.constant -1640531507 : i32
    %mul3A_175 = vector.broadcast %mul3A_174 : i32 to vector<64x512xi32>
    %mul3A_176 = arith.muli %concatenate3A_18, %mul3A_175 : vector<64x512xi32>
    %xor3A_177 = arith.xori %xor3A_173, %mul3A_176 : vector<64x512xi32>
    %mul3A_178 = arith.constant -245674559 : i32
    %mul3A_179 = vector.broadcast %mul3A_178 : i32 to vector<64x512xi32>
    %mul3A_180 = arith.muli %concatenate3A_22, %mul3A_179 : vector<64x512xi32>
    %xor3A_181 = arith.xori %xor3A_177, %mul3A_180 : vector<64x512xi32>
    %mul3A_182 = arith.constant -2048144765 : i32
    %mul3A_183 = vector.broadcast %mul3A_182 : i32 to vector<64x512xi32>
    %mul3A_184 = arith.muli %concatenate3A_26, %mul3A_183 : vector<64x512xi32>
    %xor3A_185 = arith.xori %xor3A_181, %mul3A_184 : vector<64x512xi32>
    %and3A_186 = arith.constant 65535 : i32
    %and3A_187 = vector.broadcast %and3A_186 : i32 to vector<64x512xi32>
    %and3A_188 = arith.andi %xor3A_185, %and3A_187 : vector<64x512xi32>
    %swap3A_189 = arith.constant 3 : index
    %swap3A_190 = arith.constant 0 : index
    %swap3A_191 = arith.constant 0 : index
    %swap3A_192 = vector.load %arg1[%swap3A_189, %swap3A_190, %swap3A_191] : memref<8x64x512xi32, #tpu.memory_space<vmem>>, vector<1x64x512xi32>
    %swap3A_193 = vector.shape_cast %swap3A_192 : vector<1x64x512xi32> to vector<64x512xi32>
    %swap3A_194 = vector.shape_cast %and3A_188 : vector<64x512xi32> to vector<1x64x512xi32>
    tpu.vector_store %arg1[%swap3A_189, %swap3A_190, %swap3A_191], %swap3A_194 {strides = array<i32>} : memref<8x64x512xi32, #tpu.memory_space<vmem>>, vector<1x64x512xi32>,
    %broadcast_in_dim3A_195 = arith.constant 0 : i32
    %broadcast_in_dim3A_196 = vector.broadcast %broadcast_in_dim3A_195 : i32 to vector<64x512xi32>
    %mul3A_197 = arith.constant 1500450271 : i32
    %mul3A_198 = vector.broadcast %mul3A_197 : i32 to vector<64x512xi32>
    %mul3A_199 = arith.muli %concatenate3A, %mul3A_198 : vector<64x512xi32>
    %xor3A_200 = arith.xori %broadcast_in_dim3A_196, %mul3A_199 : vector<64x512xi32>
    %mul3A_201 = arith.constant -1027967283 : i32
    %mul3A_202 = vector.broadcast %mul3A_201 : i32 to vector<64x512xi32>
    %mul3A_203 = arith.muli %concatenate3A, %mul3A_202 : vector<64x512xi32>
    %xor3A_204 = arith.xori %xor3A_200, %mul3A_203 : vector<64x512xi32>
    %mul3A_205 = arith.constant -1640531507 : i32
    %mul3A_206 = vector.broadcast %mul3A_205 : i32 to vector<64x512xi32>
    %mul3A_207 = arith.muli %concatenate3A_6, %mul3A_206 : vector<64x512xi32>
    %xor3A_208 = arith.xori %xor3A_204, %mul3A_207 : vector<64x512xi32>
    %mul3A_209 = arith.constant -245674559 : i32
    %mul3A_210 = vector.broadcast %mul3A_209 : i32 to vector<64x512xi32>
    %mul3A_211 = arith.muli %concatenate3A_10, %mul3A_210 : vector<64x512xi32>
    %xor3A_212 = arith.xori %xor3A_208, %mul3A_211 : vector<64x512xi32>
    %mul3A_213 = arith.constant -2048144765 : i32
    %mul3A_214 = vector.broadcast %mul3A_213 : i32 to vector<64x512xi32>
    %mul3A_215 = arith.muli %concatenate3A_14, %mul3A_214 : vector<64x512xi32>
    %xor3A_216 = arith.xori %xor3A_212, %mul3A_215 : vector<64x512xi32>
    %mul3A_217 = arith.constant -1028477369 : i32
    %mul3A_218 = vector.broadcast %mul3A_217 : i32 to vector<64x512xi32>
    %mul3A_219 = arith.muli %concatenate3A_18, %mul3A_218 : vector<64x512xi32>
    %xor3A_220 = arith.xori %xor3A_216, %mul3A_219 : vector<64x512xi32>
    %mul3A_221 = arith.constant 2028178519 : i32
    %mul3A_222 = vector.broadcast %mul3A_221 : i32 to vector<64x512xi32>
    %mul3A_223 = arith.muli %concatenate3A_22, %mul3A_222 : vector<64x512xi32>
    %xor3A_224 = arith.xori %xor3A_220, %mul3A_223 : vector<64x512xi32>
    %mul3A_225 = arith.constant 1220703133 : i32
    %mul3A_226 = vector.broadcast %mul3A_225 : i32 to vector<64x512xi32>
    %mul3A_227 = arith.muli %concatenate3A_26, %mul3A_226 : vector<64x512xi32>
    %xor3A_228 = arith.xori %xor3A_224, %mul3A_227 : vector<64x512xi32>
    %and3A_229 = arith.constant 65535 : i32
    %and3A_230 = vector.broadcast %and3A_229 : i32 to vector<64x512xi32>
    %and3A_231 = arith.andi %xor3A_228, %and3A_230 : vector<64x512xi32>
    %swap3A_232 = arith.constant 4 : index
    %swap3A_233 = arith.constant 0 : index
    %swap3A_234 = arith.constant 0 : index
    %swap3A_235 = vector.load %arg1[%swap3A_232, %swap3A_233, %swap3A_234] : memref<8x64x512xi32, #tpu.memory_space<vmem>>, vector<1x64x512xi32>
    %swap3A_236 = vector.shape_cast %swap3A_235 : vector<1x64x512xi32> to vector<64x512xi32>
    %swap3A_237 = vector.shape_cast %and3A_231 : vector<64x512xi32> to vector<1x64x512xi32>
    tpu.vector_store %arg1[%swap3A_232, %swap3A_233, %swap3A_234], %swap3A_237 {strides = array<i32>} : memref<8x64x512xi32, #tpu.memory_space<vmem>>, vector<1x64x512xi32>,
    %broadcast_in_dim3A_238 = arith.constant 0 : i32
    %broadcast_in_dim3A_239 = vector.broadcast %broadcast_in_dim3A_238 : i32 to vector<64x512xi32>
    %mul3A_240 = arith.constant -245674559 : i32
    %mul3A_241 = vector.broadcast %mul3A_240 : i32 to vector<64x512xi32>
    %mul3A_242 = arith.muli %concatenate3A, %mul3A_241 : vector<64x512xi32>
    %xor3A_243 = arith.xori %broadcast_in_dim3A_239, %mul3A_242 : vector<64x512xi32>
    %mul3A_244 = arith.constant -2048144765 : i32
    %mul3A_245 = vector.broadcast %mul3A_244 : i32 to vector<64x512xi32>
    %mul3A_246 = arith.muli %concatenate3A, %mul3A_245 : vector<64x512xi32>
    %xor3A_247 = arith.xori %xor3A_243, %mul3A_246 : vector<64x512xi32>
    %mul3A_248 = arith.constant -1028477369 : i32
    %mul3A_249 = vector.broadcast %mul3A_248 : i32 to vector<64x512xi32>
    %mul3A_250 = arith.muli %concatenate3A_6, %mul3A_249 : vector<64x512xi32>
    %xor3A_251 = arith.xori %xor3A_247, %mul3A_250 : vector<64x512xi32>
    %mul3A_252 = arith.constant 2028178519 : i32
    %mul3A_253 = vector.broadcast %mul3A_252 : i32 to vector<64x512xi32>
    %mul3A_254 = arith.muli %concatenate3A_10, %mul3A_253 : vector<64x512xi32>
    %xor3A_255 = arith.xori %xor3A_251, %mul3A_254 : vector<64x512xi32>
    %mul3A_256 = arith.constant 1220703133 : i32
    %mul3A_257 = vector.broadcast %mul3A_256 : i32 to vector<64x512xi32>
    %mul3A_258 = arith.muli %concatenate3A_14, %mul3A_257 : vector<64x512xi32>
    %xor3A_259 = arith.xori %xor3A_255, %mul3A_258 : vector<64x512xi32>
    %mul3A_260 = arith.constant -1640531535 : i32
    %mul3A_261 = vector.broadcast %mul3A_260 : i32 to vector<64x512xi32>
    %mul3A_262 = arith.muli %concatenate3A_18, %mul3A_261 : vector<64x512xi32>
    %xor3A_263 = arith.xori %xor3A_259, %mul3A_262 : vector<64x512xi32>
    %mul3A_264 = arith.constant -2048144777 : i32
    %mul3A_265 = vector.broadcast %mul3A_264 : i32 to vector<64x512xi32>
    %mul3A_266 = arith.muli %concatenate3A_22, %mul3A_265 : vector<64x512xi32>
    %xor3A_267 = arith.xori %xor3A_263, %mul3A_266 : vector<64x512xi32>
    %mul3A_268 = arith.constant -1028477379 : i32
    %mul3A_269 = vector.broadcast %mul3A_268 : i32 to vector<64x512xi32>
    %mul3A_270 = arith.muli %concatenate3A_26, %mul3A_269 : vector<64x512xi32>
    %xor3A_271 = arith.xori %xor3A_267, %mul3A_270 : vector<64x512xi32>
    %and3A_272 = arith.constant 65535 : i32
    %and3A_273 = vector.broadcast %and3A_272 : i32 to vector<64x512xi32>
    %and3A_274 = arith.andi %xor3A_271, %and3A_273 : vector<64x512xi32>
    %swap3A_275 = arith.constant 5 : index
    %swap3A_276 = arith.constant 0 : index
    %swap3A_277 = arith.constant 0 : index
    %swap3A_278 = vector.load %arg1[%swap3A_275, %swap3A_276, %swap3A_277] : memref<8x64x512xi32, #tpu.memory_space<vmem>>, vector<1x64x512xi32>
    %swap3A_279 = vector.shape_cast %swap3A_278 : vector<1x64x512xi32> to vector<64x512xi32>
    %swap3A_280 = vector.shape_cast %and3A_274 : vector<64x512xi32> to vector<1x64x512xi32>
    tpu.vector_store %arg1[%swap3A_275, %swap3A_276, %swap3A_277], %swap3A_280 {strides = array<i32>} : memref<8x64x512xi32, #tpu.memory_space<vmem>>, vector<1x64x512xi32>,
    %broadcast_in_dim3A_281 = arith.constant 0 : i32
    %broadcast_in_dim3A_282 = vector.broadcast %broadcast_in_dim3A_281 : i32 to vector<64x512xi32>
    %mul3A_283 = arith.constant 2028178519 : i32
    %mul3A_284 = vector.broadcast %mul3A_283 : i32 to vector<64x512xi32>
    %mul3A_285 = arith.muli %concatenate3A, %mul3A_284 : vector<64x512xi32>
    %xor3A_286 = arith.xori %broadcast_in_dim3A_282, %mul3A_285 : vector<64x512xi32>
    %mul3A_287 = arith.constant 1220703133 : i32
    %mul3A_288 = vector.broadcast %mul3A_287 : i32 to vector<64x512xi32>
    %mul3A_289 = arith.muli %concatenate3A, %mul3A_288 : vector<64x512xi32>
    %xor3A_290 = arith.xori %xor3A_286, %mul3A_289 : vector<64x512xi32>
    %mul3A_291 = arith.constant -1640531535 : i32
    %mul3A_292 = vector.broadcast %mul3A_291 : i32 to vector<64x512xi32>
    %mul3A_293 = arith.muli %concatenate3A_6, %mul3A_292 : vector<64x512xi32>
    %xor3A_294 = arith.xori %xor3A_290, %mul3A_293 : vector<64x512xi32>
    %mul3A_295 = arith.constant -2048144777 : i32
    %mul3A_296 = vector.broadcast %mul3A_295 : i32 to vector<64x512xi32>
    %mul3A_297 = arith.muli %concatenate3A_10, %mul3A_296 : vector<64x512xi32>
    %xor3A_298 = arith.xori %xor3A_294, %mul3A_297 : vector<64x512xi32>
    %mul3A_299 = arith.constant -1028477379 : i32
    %mul3A_300 = vector.broadcast %mul3A_299 : i32 to vector<64x512xi32>
    %mul3A_301 = arith.muli %concatenate3A_14, %mul3A_300 : vector<64x512xi32>
    %xor3A_302 = arith.xori %xor3A_298, %mul3A_301 : vector<64x512xi32>
    %mul3A_303 = arith.constant 2028178513 : i32
    %mul3A_304 = vector.broadcast %mul3A_303 : i32 to vector<64x512xi32>
    %mul3A_305 = arith.muli %concatenate3A_18, %mul3A_304 : vector<64x512xi32>
    %xor3A_306 = arith.xori %xor3A_302, %mul3A_305 : vector<64x512xi32>
    %mul3A_307 = arith.constant 1220703125 : i32
    %mul3A_308 = vector.broadcast %mul3A_307 : i32 to vector<64x512xi32>
    %mul3A_309 = arith.muli %concatenate3A_22, %mul3A_308 : vector<64x512xi32>
    %xor3A_310 = arith.xori %xor3A_306, %mul3A_309 : vector<64x512xi32>
    %mul3A_311 = arith.constant 1610612741 : i32
    %mul3A_312 = vector.broadcast %mul3A_311 : i32 to vector<64x512xi32>
    %mul3A_313 = arith.muli %concatenate3A_26, %mul3A_312 : vector<64x512xi32>
    %xor3A_314 = arith.xori %xor3A_310, %mul3A_313 : vector<64x512xi32>
    %and3A_315 = arith.constant 65535 : i32
    %and3A_316 = vector.broadcast %and3A_315 : i32 to vector<64x512xi32>
    %and3A_317 = arith.andi %xor3A_314, %and3A_316 : vector<64x512xi32>
    %swap3A_318 = arith.constant 6 : index
    %swap3A_319 = arith.constant 0 : index
    %swap3A_320 = arith.constant 0 : index
    %swap3A_321 = vector.load %arg1[%swap3A_318, %swap3A_319, %swap3A_320] : memref<8x64x512xi32, #tpu.memory_space<vmem>>, vector<1x64x512xi32>
    %swap3A_322 = vector.shape_cast %swap3A_321 : vector<1x64x512xi32> to vector<64x512xi32>
    %swap3A_323 = vector.shape_cast %and3A_317 : vector<64x512xi32> to vector<1x64x512xi32>
    tpu.vector_store %arg1[%swap3A_318, %swap3A_319, %swap3A_320], %swap3A_323 {strides = array<i32>} : memref<8x64x512xi32, #tpu.memory_space<vmem>>, vector<1x64x512xi32>,
    %broadcast_in_dim3A_324 = arith.constant 0 : i32
    %broadcast_in_dim3A_325 = vector.broadcast %broadcast_in_dim3A_324 : i32 to vector<64x512xi32>
    %mul3A_326 = arith.constant -2048144777 : i32
    %mul3A_327 = vector.broadcast %mul3A_326 : i32 to vector<64x512xi32>
    %mul3A_328 = arith.muli %concatenate3A, %mul3A_327 : vector<64x512xi32>
    %xor3A_329 = arith.xori %broadcast_in_dim3A_325, %mul3A_328 : vector<64x512xi32>
    %mul3A_330 = arith.constant -1028477379 : i32
    %mul3A_331 = vector.broadcast %mul3A_330 : i32 to vector<64x512xi32>
    %mul3A_332 = arith.muli %concatenate3A, %mul3A_331 : vector<64x512xi32>
    %xor3A_333 = arith.xori %xor3A_329, %mul3A_332 : vector<64x512xi32>
    %mul3A_334 = arith.constant 2028178513 : i32
    %mul3A_335 = vector.broadcast %mul3A_334 : i32 to vector<64x512xi32>
    %mul3A_336 = arith.muli %concatenate3A_6, %mul3A_335 : vector<64x512xi32>
    %xor3A_337 = arith.xori %xor3A_333, %mul3A_336 : vector<64x512xi32>
    %mul3A_338 = arith.constant 1220703125 : i32
    %mul3A_339 = vector.broadcast %mul3A_338 : i32 to vector<64x512xi32>
    %mul3A_340 = arith.muli %concatenate3A_10, %mul3A_339 : vector<64x512xi32>
    %xor3A_341 = arith.xori %xor3A_337, %mul3A_340 : vector<64x512xi32>
    %mul3A_342 = arith.constant 1610612741 : i32
    %mul3A_343 = vector.broadcast %mul3A_342 : i32 to vector<64x512xi32>
    %mul3A_344 = arith.muli %concatenate3A_14, %mul3A_343 : vector<64x512xi32>
    %xor3A_345 = arith.xori %xor3A_341, %mul3A_344 : vector<64x512xi32>
    %mul3A_346 = arith.constant 805306457 : i32
    %mul3A_347 = vector.broadcast %mul3A_346 : i32 to vector<64x512xi32>
    %mul3A_348 = arith.muli %concatenate3A_18, %mul3A_347 : vector<64x512xi32>
    %xor3A_349 = arith.xori %xor3A_345, %mul3A_348 : vector<64x512xi32>
    %mul3A_350 = arith.constant 402653189 : i32
    %mul3A_351 = vector.broadcast %mul3A_350 : i32 to vector<64x512xi32>
    %mul3A_352 = arith.muli %concatenate3A_22, %mul3A_351 : vector<64x512xi32>
    %xor3A_353 = arith.xori %xor3A_349, %mul3A_352 : vector<64x512xi32>
    %mul3A_354 = arith.constant -620313867 : i32
    %mul3A_355 = vector.broadcast %mul3A_354 : i32 to vector<64x512xi32>
    %mul3A_356 = arith.muli %concatenate3A_26, %mul3A_355 : vector<64x512xi32>
    %xor3A_357 = arith.xori %xor3A_353, %mul3A_356 : vector<64x512xi32>
    %and3A_358 = arith.constant 65535 : i32
    %and3A_359 = vector.broadcast %and3A_358 : i32 to vector<64x512xi32>
    %and3A_360 = arith.andi %xor3A_357, %and3A_359 : vector<64x512xi32>
    %swap3A_361 = arith.constant 7 : index
    %swap3A_362 = arith.constant 0 : index
    %swap3A_363 = arith.constant 0 : index
    %swap3A_364 = vector.load %arg1[%swap3A_361, %swap3A_362, %swap3A_363] : memref<8x64x512xi32, #tpu.memory_space<vmem>>, vector<1x64x512xi32>
    %swap3A_365 = vector.shape_cast %swap3A_364 : vector<1x64x512xi32> to vector<64x512xi32>
    %swap3A_366 = vector.shape_cast %and3A_360 : vector<64x512xi32> to vector<1x64x512xi32>
    tpu.vector_store %arg1[%swap3A_361, %swap3A_362, %swap3A_363], %swap3A_366 {strides = array<i32>} : memref<8x64x512xi32, #tpu.memory_space<vmem>>, vector<1x64x512xi32>,
    return
  }
}

</mosaic_0001>

<sc_bundles>
// kernel: sc_embedding_gather.3.cloned.1.call-start
scs
__scs_entry_jumppad:
0x0: {  	(pc) =	sbr.rel $0x88, $3  }
0x1: {  	(tag) =	ssettag $0x0;
	lr =	simm.s32 $0x1  }
0x2: {  	[smem:$0x3F9C] =	sst lr;
	_ =	strace $0xD0000000  }
0x3: {  	_ = 	snop  }
0x4: {  	_ = 	snop  }
0x5: {  	_ = 	snop  }
0x6: {  	_ = 	snop  }
0x7: {  	_ = 	snop  }
__scs_overlays_trampoline_lowered:
0x8: {  	[smem:$0x3FAB] =	sst s0  }
0x9: {  	[smem:$0x3FAC] =	sst s1  }
0xa: {  	[smem:$0x3FAD] =	sst s2  }
0xb: {  	[smem:$0x3FAE] =	sst s3  }
0xc: {  	[smem:$0x3FAF] =	sst s4  }
0xd: {  	[smem:$0x3FB0] =	sst s5  }
0xe: {  	[smem:$0x3FB1] =	sst s6  }
0xf: {  	[smem:$0x3FB2] =	sst s7  }
0x10: {  	[smem:$0x3FB3] =	sst s8  }
0x11: {  	[smem:$0x3FB4] =	sst s9;
	s0 =	simm.s32 @!p0 $0x0  }
0x12: {  	s1 =	sld [smem:$0x3F9A];
	s0 =	simm.s32 @p0 $0x1  }
0x13: {  	[smem:$0x3FB5] =	sst s0;
	s0 =	simm.s32 @!p1 $0x0  }
0x14: {  	s2 =	sld [smem:$0x3F99];
	s0 =	simm.s32 @p1 $0x1  }
0x15: {  	[smem:$0x3FB6] =	sst s0;
	s0 =	simm.s32 @!p2 $0x0  }
0x16: {  	s3 =	sld [smem:$0x3FDB];
	s0 =	simm.s32 @p2 $0x1  }
0x17: {  	s4 =	simm.s32 $0x1BF5;
	[smem:$0x3FB8] =	sst s0  }
0x18: {  	s0 =	sld [smem:$0x3F9B];
	_ =	swait.ge [sflag:s4], $0x0  }
0x19: {  	s7 =	sld [smem:$0x3F9C]  }
0x1a: {  	s8 =	sadd.s32 $0xFFFFE003, lr  }
0x1b: {  	s9 =	sadd.s32 $0xFFFFFEF7, lr;
	s5 =	simm.s32 $0xFFFFFFFF;
	p2 =	slt.u32 s8, $0xFFFFF086  }
0x1c: {  	p1 =	slt.u32 s9, $0xF7A;
	s5 =	simm.s32 @!p2 $0x0  }
0x1d: {  	s5 =	simm.s32 @p1 $0x1;
	p0 =	seq.s32 s7, s2  }
0x1e: {  	s7 =	smul.u32 @!p0 $0xF7A, s2;
	p2 =	seq.s32 @!p0 s5, $0x0  }
0x1f: {  	s9 =	smul.u32 $0xF7A, s1;
	s8 =	simm.s32 @!p0 $0x1BF5;
	p2 =	por !p2, p0  }
0x20: {  	[sflag:s8] =	ssyncset.s32 @!p0 $0xFFFFF086;
	s6 =	sadd.s32 @!p0 s3, s7;
	s7 =	simm.s32 @!p0 $0x108  }
0x21: {  	s3 =	sadd.s32 s3, s9;
	s6 =	sadd.s32 @!p0 $0x88, s6;
	s7 =	simm.s32 @p2 $0x1082  }
0x22: {  	[simem:s7], [sflag:s8] =	dma.local @!p0 [hbm:s6], $0xF7A  }
0x23: {  	s9 =	sor.u32 $0xD0000000, s2;
	s6 =	simm.s32 $0x108;
	_ =	swait.ge @!p0 [sflag:s8], $0x0  }
0x24: {  	s3 =	sadd.s32 $0x88, s3;
	s6 =	simm.s32 @!p1 $0x1082;
	[sflag:s4] =	ssyncset.s32 $0xFFFFF086  }
0x25: {  	[simem:s6], [sflag:s4] =	dma.local [hbm:s3], $0xF7A  }
0x26: {  	[smem:$0x3F9C] =	sst s1;
	(tag) =	ssettag s2;
	_ =	strace s9  }
0x27: {  	s1 =	sld [smem:$0x3FAC]  }
0x28: {  	s2 =	sld [smem:$0x3FAD]  }
0x29: {  	s4 =	sld [smem:$0x3FAF]  }
0x2a: {  	p0 =	seq.s32 s5, $0x0;
	s5 =	sld [smem:$0x3FB0]  }
0x2b: {  	s6 =	sld [smem:$0x3FB1]  }
0x2c: {  	s7 =	sld [smem:$0x3FB2]  }
0x2d: {  	s3 =	simm.s32 $0x108;
	s8 =	sld [smem:$0x3FB3]  }
0x2e: {  	s3 =	simm.s32 @!p0 $0x1082;
	s9 =	sld [smem:$0x3FB4]  }
0x2f: {  	lr =	sadd.s32 s0, s3;
	s0 =	sld [smem:$0x3FAB]  }
0x30: {  	s3 =	sld [smem:$0x3FAE]  }
0x31: {  	[smem:$0x3FB7] =	sst s10  }
0x32: {  	s10 =	sld [smem:$0x3FB5];
	_ =	sdelay $0x3  }
0x33: {  	p0 =	seq.s32 s10, $0x1;
	s10 =	sld [smem:$0x3FB7];
	_ =	sdelay $0x3  }
0x34: {  	[smem:$0x3FB7] =	sst s10  }
0x35: {  	s10 =	sld [smem:$0x3FB6];
	_ =	sdelay $0x3  }
0x36: {  	p1 =	seq.s32 s10, $0x1;
	s10 =	sld [smem:$0x3FB7];
	_ =	sdelay $0x3  }
0x37: {  	[smem:$0x3FB7] =	sst s10  }
0x38: {  	s10 =	sld [smem:$0x3FB8]  }
0x39: {  	_ = 	snop;
	(pc) =	sbr.ind lr, $3  }
0x3a: {  	_ = 	snop  }
0x3b: {  	_ = 	snop  }
0x3c: {  	p2 =	seq.s32 s10, $0x1;
	s10 =	sld [smem:$0x3FB7]  }
0x3d: {  	_ =	shalt  }
0x3e: {  	_ =	shalt  }
0x3f: {  	_ =	shalt  }
0x40: {  	_ =	shalt  }
0x41: {  	_ =	shalt  }
0x42: {  	_ =	shalt  }
0x43: {  	_ =	shalt  }
0x44: {  	_ =	shalt  }
0x45: {  	_ =	shalt  }
0x46: {  	_ =	shalt  }
0x47: {  	_ =	shalt  }
0x48: {  	_ =	shalt  }
0x49: {  	_ =	shalt  }
0x4a: {  	_ =	shalt  }
0x4b: {  	_ =	shalt  }
0x4c: {  	_ =	shalt  }
0x4d: {  	_ =	shalt  }
0x4e: {  	_ =	shalt  }
0x4f: {  	_ =	shalt  }
0x50: {  	_ =	shalt  }
0x51: {  	_ =	shalt  }
0x52: {  	_ =	shalt  }
0x53: {  	_ =	shalt  }
0x54: {  	_ =	shalt  }
0x55: {  	_ =	shalt  }
0x56: {  	_ =	shalt  }
0x57: {  	_ =	shalt  }
0x58: {  	_ =	shalt  }
0x59: {  	_ =	shalt  }
0x5a: {  	_ =	shalt  }
0x5b: {  	_ =	shalt  }
0x5c: {  	_ =	shalt  }
0x5d: {  	_ =	shalt  }
0x5e: {  	_ =	shalt  }
0x5f: {  	_ =	shalt  }
0x60: {  	_ =	shalt  }
0x61: {  	_ =	shalt  }
0x62: {  	_ =	shalt  }
0x63: {  	_ =	shalt  }
0x64: {  	_ =	shalt  }
0x65: {  	_ =	shalt  }
0x66: {  	_ =	shalt  }
0x67: {  	_ =	shalt  }
0x68: {  	_ =	shalt  }
0x69: {  	_ =	shalt  }
0x6a: {  	_ =	shalt  }
0x6b: {  	_ =	shalt  }
0x6c: {  	_ =	shalt  }
0x6d: {  	_ =	shalt  }
0x6e: {  	_ =	shalt  }
0x6f: {  	_ =	shalt  }
0x70: {  	_ =	shalt  }
0x71: {  	_ =	shalt  }
0x72: {  	_ =	shalt  }
0x73: {  	_ =	shalt  }
0x74: {  	_ =	shalt  }
0x75: {  	_ =	shalt  }
0x76: {  	_ =	shalt  }
0x77: {  	_ =	shalt  }
0x78: {  	_ =	shalt  }
0x79: {  	_ =	shalt  }
0x7a: {  	_ =	shalt  }
0x7b: {  	_ =	shalt  }
0x7c: {  	_ =	shalt  }
0x7d: {  	_ =	shalt  }
0x7e: {  	_ =	shalt  }
0x7f: {  	_ =	shalt  }
0x80: {  	_ =	shalt  }
0x81: {  	_ =	shalt  }
0x82: {  	_ =	shalt  }
0x83: {  	_ =	shalt  }
0x84: {  	_ =	shalt  }
0x85: {  	_ =	shalt  }
0x86: {  	_ =	shalt  }
0x87: {  	_ =	shalt  }
.Lfunc_end0:
.L_simem_size_0:
called_computation.3_lowered:
.L_overlay_start_0:
0x88: {  	s2 =	sld [smem:$0x3FD9]  }
0x89: {  	s3 =	sld [smem:$0x3FFE];
	_ =	sdelay $0x1  }
0x8a: {  	s1 =	srdreg.scid  }
0x8b: {  	s0 =	sand.u32 $0x1, s1  }
0x8c: {  	s17 =	sshll.u32 s0, $0xA;
	s2 =	sadd.s32 s3, s2  }
0x8d: {  	s2 =	sadd.s32 s2, s17  }
0x8e: {  	[smem:$0x3FC3] =	sst s2  }
0x8f: {  	_ = 	snop  }
0x90: {  	s2 =	sld [smem:$0x3FD0];
	(tm) =	ssettm $0x1  }
0x91: {  	s18 =	sld [smem:$0x3FFB];
	_ =	sdelay $0x3  }
0x92: {  	_ =	strace s18  }
0x93: {  	s3 =	sld [smem:$0x3FFC];
	_ =	sdelay $0x3  }
0x94: {  	_ =	strace s3  }
0x95: {  	s3 =	sld [smem:$0x3FFD];
	_ =	sdelay $0x3  }
0x96: {  	_ =	strace s3  }
0x97: {  	_ =	strace $0x8FFFFFFF  }
0x98: {  	s19 =	sld [smem:$0x3FDB];
	_ =	sdelay $0x1  }
0x99: {  	s4 =	simm.s32 $_scs_section_size  }
0x9a: {  	s5 =	simm.s32 $_size__tile_overlayer_lowered;
	s6 =	simm.s32 $_tile_overlayer_lowered  }
0x9b: {  	s22 =	simm.s32 $0x1BFF;
	s21 =	sshll.u32 s6, $0x1;
	s3 =	sadd.s32 s4, s19  }
0x9c: {  	s7 =	simm.s32 $0x0;
	s20 =	sshll.u32 s5, $0x1;
	s5 =	sadd.s32 s21, s3  }
0x9d: {  	[timem:s7], [sflag:s22] =	dma.local [hbm:s5], s20  }
0x9e: {  	_ =	swait.ge [sflag:s22], s20  }
0x9f: {  	s4 =	ssub.s32 $0x0, s20;
	[sflag:s22] =	ssyncset.done $0x0  }
0xa0: {  	[sflag:s22] =	ssyncadd.s32 s4;
	_ =	sdelay $0x1  }
0xa1: {  	s23 =	simm.s32 $0x1B8B  }
0xa2: {  	_ =	swait.ge [sflag:s23], $0x1  }
0xa3: {  	[sflag:s23] =	ssyncset.done $0x0  }
0xa4: {  	s25 =	simm.s32 $0x1B8E;
	s24 =	sld [smem:$0x3FFE];
	[sflag:s23] =	ssyncadd.s32 $0xFFFFFFFF  }
0xa5: {  	s26 =	simm.s32 $execute0_lowered;
	[smem:$0x3FD2] =	sst s25  }
0xa6: {  	s5 =	sshll.u32 s26, $0x1;
	_ =	strace $0x8000004F;
	[dreg:$0x1] =	wrdreg $0xFFFFFFFF  }
0xa7: {  	s28 =	simm.s32 $_size_execute0_lowered;
	s3 =	sadd.s32 s3, s5;
	[dreg:$0x0] =	wrdreg $0x0  }
0xa8: {  	s5 =	sshll.u32 s28, $0x1;
	[dreg:$0x2] =	wrdreg s3  }
0xa9: {  	[dreg:$0x3] =	wrdreg s5  }
0xaa: {  	[dreg:$0x4] =	wrdreg $0xC0  }
0xab: {  	_ =	task [dreg:s7], $0x5FFFF  }
0xac: {  	[dreg:$0x1] =	wrdreg $0xFFFFFFFF  }
0xad: {  	[dreg:$0x0] =	wrdreg $0x60  }
0xae: {  	[dreg:$0x2] =	wrdreg s2  }
0xaf: {  	[dreg:$0x3] =	wrdreg s24  }
0xb0: {  	[dreg:$0x4] =	wrdreg $0x9  }
0xb1: {  	_ =	task.clear_ibuf [dreg:s7], $0x5FFFF;
	_ =	strace $0x9000004F  }
0xb2: {  	s29 =	simm.s32 $0x9;
	_ =	strace $0x80000051  }
0xb3: {  	_ =	swait.ge [sflag:s29], $0x1  }
0xb4: {  	[sflag:s29] =	ssyncadd.s32 $0xFFFFFFFF  }
0xb5: {  	_ =	strace $0x90000051  }
0xb6: {  	_ =	sfence  }
0xb7: {  	s30 =	sld [smem:$0x0];
	_ =	sdelay $0x2  }
0xb8: {  	s31 =	sshll.u32 s1, $0xD;
	s1 =	sshrl.u32 s1, $0x2  }
0xb9: {  	s3 =	sand.u32 $0x4000, s31;
	s1 =	sadd.s32 s1, s30  }
0xba: {  	s0 =	sor.u32 s3, s0;
	s1 =	sshll.u32 s1, $0x11  }
0xbb: {  	s0 =	sor.u32 s1, s0  }
0xbc: {  	s0 =	sadd.s32 $0x8F2B, s0  }
0xbd: {  	[sflag:s0] =	ssyncadd.remote.s32 $0x1  }
0xbe: {  	_ =	sfence.sel $0xFFFF  }
0xbf: {  	[dreg:$0x0] =	wrdreg $0xFFFFFFFF;
	(pc) =	sbr.abs _section_cstart, $3  }
0xc0: {  	[dreg:$0x1] =	wrdreg $0xFFFFFFFF  }
0xc1: {  	_ =	task.clear_ibuf [dreg:s7], $0x2FFFF;
	_ =	strace $0x9FFFFFFF  }
0xc2: {  	(tm) =	ssettm $0x7FFFFFFF  }
0xc3: {  	_ =	shalt  }
tec
execute0_lowered:
.L_overlay_start_1:
0x0: {  	(tag) =	ssettag $0x1  }
0x1: {  	s1 =	rddreg [dreg:$0x0]  }
0x2: {  	s0 =	rddreg [dreg:$0x1];
	s2 =	simm.s32 $0x0  }
0x3: {  	s19 =	srdreg.scid;
	s5 =	stileid.u32;
	s28 =	simm.s32 $0x1  }
0x4: {  	s31 =	simm.s32 $0x5000;
	s29 =	simm.s32 $0x7000;
	s14 =	simm.s32 $0x9000  }
0x5: {  	s30 =	simm.s32 $0xD000;
	[smem:$0x7FF] =	sst s2;
	s2 =	sand.u32 $0x1, s19  }
0x6: {  	s15 =	sadd.s32 $0x101C00, s0;
	s5 =	sshll.u32 s5, $0xB;
	s6 =	sadd.s32 $0x1C00, s0  }
0x7: {  	s7 =	sadd.s32 $0x20000, s1;
	s8 =	sadd.s32 $0x40000, s1;
	s9 =	sadd.s32 $0x60000, s1  }
0x8: {  	s20 =	sadd.s32 $0x1C02, s0;
	_ =	strace $0x80000050;
	[dreg:$0x3] =	wrdreg s6  }
0x9: {  	s10 =	sadd.s32 $0x80000, s1;
	s21 =	sadd.s32 $0x1C04, s0;
	[dreg:$0x4] =	wrdreg s20  }
0xa: {  	s11 =	sadd.s32 $0xA0000, s1;
	s22 =	sadd.s32 $0x1C06, s0;
	[dreg:$0x5] =	wrdreg s21  }
0xb: {  	s12 =	sadd.s32 $0xC0000, s1;
	s23 =	sadd.s32 $0x1C08, s0;
	[dreg:$0x6] =	wrdreg s22  }
0xc: {  	s13 =	sadd.s32 $0xE0000, s1;
	s24 =	sadd.s32 $0x1C0A, s0;
	[dreg:$0x7] =	wrdreg s23  }
0xd: {  	s25 =	sadd.s32 $0x1C0C, s0;
	s3 =	ssub.s32 $0x2, s2;
	[dreg:$0x8] =	wrdreg s24  }
0xe: {  	s2 =	sshll.u32 s2, $0xA;
	[dreg:$0x9] =	wrdreg s25;
	s6 =	sadd.s32 $0x1C0E, s0  }
0xf: {  	s23 =	simm.s32 $0x2;
	s24 =	simm.s32 $0x80;
	s4 =	sshrl.u32 s3, $0x1  }
0x10: {  	s21 =	simm.s32 $0xE00;
	s20 =	simm.s32 $0x1000;
	s3 =	ssub.s32 s3, s4  }
0x11: {  	s17 =	sor.u32 s2, s5;
	s2 =	simm.s32 $0x10;
	s26 =	smax.u32 s3, $0x1  }
0x12: {  	s3 =	simm.s32 $0x0;
	[dreg:$0xa] =	wrdreg s26;
	s26 =	simm.s32 $0xB000  }
.LBB2_1:
0x13: {  	[dreg:$0xb] =	wrdreg s3  }
0x14: {  	s25 =	rddreg [dreg:$0x8]  }
0x15: {  	p0 =	por $0x1, $0x1;
	s4 =	simm.s32 $0x0;
	s0 =	rddreg [dreg:$0x9]  }
.LBB2_2:
0x16: {  	s5 =	sor.u32 s17, s4  }
0x17: {  	s18 =	simm.s32 $0x0;
	s4 =	sshrl.u32 s5, $0x3  }
0x18: {  	s19 =	simm.s32 $0x8000;
	s22 =	sadd.s32 s15, s4;
	s4 =	simm.s32 $0x200  }
0x19: {  	[tilespmem:s18], [sflag:$0x2] =	stream.strided.gather [hbm4b:s22+s4], $0x1000, s19, s4, $0x38;
	[tilespmem:$0x11000] =	vst v63  }
0x1a: {  	_ =	swait.ge [sflag:s23], $0x1000  }
0x1b: {  	[sflag:s23] =	ssyncset.done $0x0  }
0x1c: {  	[sflag:s23] =	ssyncadd.s32 $0xFFFFF000  }
0x1d: {  	[tilespmem:s20], [sflag:$0x1] =	stream.indirect.gather [hbm4b:s1+s24], $0x10, s18, s24, $0xb8;
	[tilespmem:$0x11000] =	vst v63  }
0x1e: {  	s22 =	simm.s32 $0x1800  }
0x1f: {  	[tilespmem:s22], [sflag:$0x1] =	stream.indirect.gather [hbm4b:s1+s24], $0x10, s24, s24, $0xb8;
	[tilespmem:$0x11000] =	vst v63  }
0x20: {  	s18 =	simm.s32 $0x100;
	s22 =	simm.s32 $0x2000  }
0x21: {  	[tilespmem:s22], [sflag:$0x1] =	stream.indirect.gather [hbm4b:s1+s24], $0x10, s18, s24, $0xb8;
	[tilespmem:$0x11000] =	vst v63  }
0x22: {  	s18 =	simm.s32 $0x180;
	s22 =	simm.s32 $0x2800  }
0x23: {  	[tilespmem:s22], [sflag:$0x1] =	stream.indirect.gather [hbm4b:s1+s24], $0x10, s18, s24, $0xb8;
	[tilespmem:$0x11000] =	vst v63  }
0x24: {  	s18 =	simm.s32 $0x3000  }
0x25: {  	[tilespmem:s18], [sflag:$0x1] =	stream.indirect.gather [hbm4b:s7+s24], $0x10, s4, s24, $0xb8;
	[tilespmem:$0x11000] =	vst v63  }
0x26: {  	s3 =	smov.u32 s6;
	s6 =	simm.s32 $0x280;
	s22 =	simm.s32 $0x3800  }
0x27: {  	[tilespmem:s22], [sflag:$0x1] =	stream.indirect.gather [hbm4b:s7+s24], $0x10, s6, s24, $0xb8;
	[tilespmem:$0x11000] =	vst v63  }
0x28: {  	s6 =	simm.s32 $0x300;
	s22 =	simm.s32 $0x4000  }
0x29: {  	[tilespmem:s22], [sflag:$0x1] =	stream.indirect.gather [hbm4b:s7+s24], $0x10, s6, s24, $0xb8;
	[tilespmem:$0x11000] =	vst v63  }
0x2a: {  	s6 =	simm.s32 $0x380;
	s22 =	simm.s32 $0x4800  }
0x2b: {  	[tilespmem:s22], [sflag:$0x1] =	stream.indirect.gather [hbm4b:s7+s24], $0x10, s6, s24, $0xb8;
	[tilespmem:$0x11000] =	vst v63  }
0x2c: {  	s22 =	simm.s32 $0x400  }
0x2d: {  	[tilespmem:s31], [sflag:$0x1] =	stream.indirect.gather [hbm4b:s8+s24], $0x10, s22, s24, $0xb8;
	[tilespmem:$0x11000] =	vst v63  }
0x2e: {  	s6 =	simm.s32 $0x480;
	s22 =	simm.s32 $0x5800  }
0x2f: {  	[tilespmem:s22], [sflag:$0x1] =	stream.indirect.gather [hbm4b:s8+s24], $0x10, s6, s24, $0xb8;
	[tilespmem:$0x11000] =	vst v63  }
0x30: {  	s6 =	simm.s32 $0x500;
	s22 =	simm.s32 $0x6000  }
0x31: {  	[tilespmem:s22], [sflag:$0x1] =	stream.indirect.gather [hbm4b:s8+s24], $0x10, s6, s24, $0xb8;
	[tilespmem:$0x11000] =	vst v63  }
0x32: {  	s6 =	simm.s32 $0x580;
	s22 =	simm.s32 $0x6800  }
0x33: {  	[tilespmem:s22], [sflag:$0x1] =	stream.indirect.gather [hbm4b:s8+s24], $0x10, s6, s24, $0xb8;
	[tilespmem:$0x11000] =	vst v63  }
0x34: {  	s22 =	simm.s32 $0x600  }
0x35: {  	[tilespmem:s29], [sflag:$0x1] =	stream.indirect.gather [hbm4b:s9+s24], $0x10, s22, s24, $0xb8;
	[tilespmem:$0x11000] =	vst v63  }
0x36: {  	s6 =	simm.s32 $0x680;
	s22 =	simm.s32 $0x7800  }
0x37: {  	[tilespmem:s22], [sflag:$0x1] =	stream.indirect.gather [hbm4b:s9+s24], $0x10, s6, s24, $0xb8;
	[tilespmem:$0x11000] =	vst v63  }
0x38: {  	s22 =	simm.s32 $0x700  }
0x39: {  	[tilespmem:s19], [sflag:$0x1] =	stream.indirect.gather [hbm4b:s9+s24], $0x10, s22, s24, $0xb8;
	[tilespmem:$0x11000] =	vst v63  }
0x3a: {  	s19 =	simm.s32 $0x780;
	s22 =	simm.s32 $0x8800  }
0x3b: {  	[tilespmem:s22], [sflag:$0x1] =	stream.indirect.gather [hbm4b:s9+s24], $0x10, s19, s24, $0xb8;
	[tilespmem:$0x11000] =	vst v63  }
0x3c: {  	_ =	swait.ge [sflag:s28], $0x800  }
0x3d: {  	[sflag:s28] =	ssyncset.done $0x0  }
0x3e: {  	[sflag:s28] =	ssyncadd.s32 $0xFFFFF800  }
0x3f: {  	_ =	swait.ge [sflag:s28], $0x800  }
0x40: {  	[sflag:s28] =	ssyncset.done $0x0  }
0x41: {  	[sflag:s28] =	ssyncadd.s32 $0xFFFFF800  }
0x42: {  	_ =	swait.ge [sflag:s28], $0x800  }
0x43: {  	[sflag:s28] =	ssyncset.done $0x0  }
0x44: {  	[sflag:s28] =	ssyncadd.s32 $0xFFFFF800  }
0x45: {  	_ =	swait.ge [sflag:s28], $0x800  }
0x46: {  	[sflag:s28] =	ssyncset.done $0x0  }
0x47: {  	[sflag:s28] =	ssyncadd.s32 $0xFFFFF800  }
0x48: {  	_ =	swait.ge [sflag:s28], $0x800  }
0x49: {  	[sflag:s28] =	ssyncset.done $0x0  }
0x4a: {  	[sflag:s28] =	ssyncadd.s32 $0xFFFFF800  }
0x4b: {  	_ =	swait.ge [sflag:s28], $0x800  }
0x4c: {  	[sflag:s28] =	ssyncset.done $0x0  }
0x4d: {  	[sflag:s28] =	ssyncadd.s32 $0xFFFFF800  }
0x4e: {  	_ =	swait.ge [sflag:s28], $0x800  }
0x4f: {  	[sflag:s28] =	ssyncset.done $0x0  }
0x50: {  	[sflag:s28] =	ssyncadd.s32 $0xFFFFF800  }
0x51: {  	_ =	swait.ge [sflag:s28], $0x800  }
0x52: {  	[sflag:s28] =	ssyncset.done $0x0  }
0x53: {  	[sflag:s28] =	ssyncadd.s32 $0xFFFFF800  }
0x54: {  	_ =	swait.ge [sflag:s28], $0x800  }
0x55: {  	[sflag:s28] =	ssyncset.done $0x0  }
0x56: {  	[sflag:s28] =	ssyncadd.s32 $0xFFFFF800  }
0x57: {  	_ =	swait.ge [sflag:s28], $0x800  }
0x58: {  	[sflag:s28] =	ssyncset.done $0x0  }
0x59: {  	[sflag:s28] =	ssyncadd.s32 $0xFFFFF800  }
0x5a: {  	_ =	swait.ge [sflag:s28], $0x800  }
0x5b: {  	[sflag:s28] =	ssyncset.done $0x0  }
0x5c: {  	[sflag:s28] =	ssyncadd.s32 $0xFFFFF800  }
0x5d: {  	_ =	swait.ge [sflag:s28], $0x800  }
0x5e: {  	[sflag:s28] =	ssyncset.done $0x0  }
0x5f: {  	[sflag:s28] =	ssyncadd.s32 $0xFFFFF800  }
0x60: {  	_ =	swait.ge [sflag:s28], $0x800  }
0x61: {  	[sflag:s28] =	ssyncset.done $0x0  }
0x62: {  	[sflag:s28] =	ssyncadd.s32 $0xFFFFF800  }
0x63: {  	_ =	swait.ge [sflag:s28], $0x800  }
0x64: {  	[sflag:s28] =	ssyncset.done $0x0  }
0x65: {  	[sflag:s28] =	ssyncadd.s32 $0xFFFFF800  }
0x66: {  	_ =	swait.ge [sflag:s28], $0x800  }
0x67: {  	[sflag:s28] =	ssyncset.done $0x0  }
0x68: {  	[sflag:s28] =	ssyncadd.s32 $0xFFFFF800  }
0x69: {  	_ =	swait.ge [sflag:s28], $0x800  }
0x6a: {  	[sflag:s28] =	ssyncset.done $0x0  }
0x6b: {  	s22 =	simm.s32 $0x800;
	[sflag:s28] =	ssyncadd.s32 $0xFFFFF800  }
0x6c: {  	[tilespmem:s14], [sflag:$0x1] =	stream.indirect.gather [hbm4b:s10+s24], $0x10, s22, s24, $0xb8;
	[tilespmem:$0x11000] =	vst v63  }
0x6d: {  	s19 =	simm.s32 $0x880;
	s22 =	simm.s32 $0x9800  }
0x6e: {  	[tilespmem:s22], [sflag:$0x1] =	stream.indirect.gather [hbm4b:s10+s24], $0x10, s19, s24, $0xb8;
	[tilespmem:$0x11000] =	vst v63  }
0x6f: {  	s19 =	simm.s32 $0x900;
	s22 =	simm.s32 $0xA000  }
0x70: {  	[tilespmem:s22], [sflag:$0x1] =	stream.indirect.gather [hbm4b:s10+s24], $0x10, s19, s24, $0xb8;
	[tilespmem:$0x11000] =	vst v63  }
0x71: {  	s19 =	simm.s32 $0x980;
	s22 =	simm.s32 $0xA800  }
0x72: {  	[tilespmem:s22], [sflag:$0x1] =	stream.indirect.gather [hbm4b:s10+s24], $0x10, s19, s24, $0xb8;
	[tilespmem:$0x11000] =	vst v63  }
0x73: {  	s22 =	simm.s32 $0xA00  }
0x74: {  	[tilespmem:s26], [sflag:$0x1] =	stream.indirect.gather [hbm4b:s11+s24], $0x10, s22, s24, $0xb8;
	[tilespmem:$0x11000] =	vst v63  }
0x75: {  	s19 =	simm.s32 $0xA80;
	s22 =	simm.s32 $0xB800  }
0x76: {  	[tilespmem:s22], [sflag:$0x1] =	stream.indirect.gather [hbm4b:s11+s24], $0x10, s19, s24, $0xb8;
	[tilespmem:$0x11000] =	vst v63  }
0x77: {  	s19 =	simm.s32 $0xB00;
	s22 =	simm.s32 $0xC000  }
0x78: {  	[tilespmem:s22], [sflag:$0x1] =	stream.indirect.gather [hbm4b:s11+s24], $0x10, s19, s24, $0xb8;
	[tilespmem:$0x11000] =	vst v63  }
0x79: {  	s19 =	simm.s32 $0xB80;
	s22 =	simm.s32 $0xC800  }
0x7a: {  	[tilespmem:s22], [sflag:$0x1] =	stream.indirect.gather [hbm4b:s11+s24], $0x10, s19, s24, $0xb8;
	[tilespmem:$0x11000] =	vst v63  }
0x7b: {  	s22 =	simm.s32 $0xC00  }
0x7c: {  	[tilespmem:s30], [sflag:$0x1] =	stream.indirect.gather [hbm4b:s12+s24], $0x10, s22, s24, $0xb8;
	[tilespmem:$0x11000] =	vst v63  }
0x7d: {  	s19 =	simm.s32 $0xC80;
	s22 =	simm.s32 $0xD800  }
0x7e: {  	[tilespmem:s22], [sflag:$0x1] =	stream.indirect.gather [hbm4b:s12+s24], $0x10, s19, s24, $0xb8;
	[tilespmem:$0x11000] =	vst v63  }
0x7f: {  	s19 =	simm.s32 $0xD00;
	s22 =	simm.s32 $0xE000  }
0x80: {  	[tilespmem:s22], [sflag:$0x1] =	stream.indirect.gather [hbm4b:s12+s24], $0x10, s19, s24, $0xb8;
	[tilespmem:$0x11000] =	vst v63  }
0x81: {  	s19 =	simm.s32 $0xD80;
	s22 =	simm.s32 $0xE800  }
0x82: {  	[tilespmem:s22], [sflag:$0x1] =	stream.indirect.gather [hbm4b:s12+s24], $0x10, s19, s24, $0xb8;
	[tilespmem:$0x11000] =	vst v63  }
0x83: {  	s16 =	simm.s32 $0xF000  }
0x84: {  	[tilespmem:s16], [sflag:$0x1] =	stream.indirect.gather [hbm4b:s13+s24], $0x10, s21, s24, $0xb8;
	[tilespmem:$0x11000] =	vst v63  }
0x85: {  	s19 =	simm.s32 $0xF800;
	s22 =	simm.s32 $0xE80  }
0x86: {  	[tilespmem:s19], [sflag:$0x1] =	stream.indirect.gather [hbm4b:s13+s24], $0x10, s22, s24, $0xb8;
	[tilespmem:$0x11000] =	vst v63  }
0x87: {  	s19 =	simm.s32 $0x10000;
	s22 =	simm.s32 $0xF00  }
0x88: {  	[tilespmem:s19], [sflag:$0x1] =	stream.indirect.gather [hbm4b:s13+s24], $0x10, s22, s24, $0xb8;
	[tilespmem:$0x11000] =	vst v63  }
0x89: {  	s6 =	simm.s32 $0x10800;
	s19 =	simm.s32 $0xF80  }
0x8a: {  	[tilespmem:s6], [sflag:$0x1] =	stream.indirect.gather [hbm4b:s13+s24], $0x10, s19, s24, $0xb8;
	[tilespmem:$0x11000] =	vst v63  }
0x8b: {  	_ =	swait.ge [sflag:s28], $0x800  }
0x8c: {  	[sflag:s28] =	ssyncset.done $0x0  }
0x8d: {  	[sflag:s28] =	ssyncadd.s32 $0xFFFFF800  }
0x8e: {  	_ =	swait.ge [sflag:s28], $0x800  }
0x8f: {  	[sflag:s28] =	ssyncset.done $0x0  }
0x90: {  	[sflag:s28] =	ssyncadd.s32 $0xFFFFF800  }
0x91: {  	_ =	swait.ge [sflag:s28], $0x800  }
0x92: {  	[sflag:s28] =	ssyncset.done $0x0  }
0x93: {  	[sflag:s28] =	ssyncadd.s32 $0xFFFFF800  }
0x94: {  	_ =	swait.ge [sflag:s28], $0x800  }
0x95: {  	[sflag:s28] =	ssyncset.done $0x0  }
0x96: {  	[sflag:s28] =	ssyncadd.s32 $0xFFFFF800  }
0x97: {  	_ =	swait.ge [sflag:s28], $0x800  }
0x98: {  	[sflag:s28] =	ssyncset.done $0x0  }
0x99: {  	[sflag:s28] =	ssyncadd.s32 $0xFFFFF800  }
0x9a: {  	_ =	swait.ge [sflag:s28], $0x800  }
0x9b: {  	[sflag:s28] =	ssyncset.done $0x0  }
0x9c: {  	[sflag:s28] =	ssyncadd.s32 $0xFFFFF800  }
0x9d: {  	_ =	swait.ge [sflag:s28], $0x800  }
0x9e: {  	[sflag:s28] =	ssyncset.done $0x0  }
0x9f: {  	[sflag:s28] =	ssyncadd.s32 $0xFFFFF800  }
0xa0: {  	_ =	swait.ge [sflag:s28], $0x800  }
0xa1: {  	[sflag:s28] =	ssyncset.done $0x0  }
0xa2: {  	[sflag:s28] =	ssyncadd.s32 $0xFFFFF800  }
0xa3: {  	_ =	swait.ge [sflag:s28], $0x800  }
0xa4: {  	[sflag:s28] =	ssyncset.done $0x0  }
0xa5: {  	[sflag:s28] =	ssyncadd.s32 $0xFFFFF800  }
0xa6: {  	_ =	swait.ge [sflag:s28], $0x800  }
0xa7: {  	[sflag:s28] =	ssyncset.done $0x0  }
0xa8: {  	[sflag:s28] =	ssyncadd.s32 $0xFFFFF800  }
0xa9: {  	_ =	swait.ge [sflag:s28], $0x800  }
0xaa: {  	[sflag:s28] =	ssyncset.done $0x0  }
0xab: {  	[sflag:s28] =	ssyncadd.s32 $0xFFFFF800  }
0xac: {  	_ =	swait.ge [sflag:s28], $0x800  }
0xad: {  	[sflag:s28] =	ssyncset.done $0x0  }
0xae: {  	[sflag:s28] =	ssyncadd.s32 $0xFFFFF800  }
0xaf: {  	_ =	swait.ge [sflag:s28], $0x800  }
0xb0: {  	[sflag:s28] =	ssyncset.done $0x0  }
0xb1: {  	[sflag:s28] =	ssyncadd.s32 $0xFFFFF800  }
0xb2: {  	_ =	swait.ge [sflag:s28], $0x800  }
0xb3: {  	[sflag:s28] =	ssyncset.done $0x0  }
0xb4: {  	[sflag:s28] =	ssyncadd.s32 $0xFFFFF800  }
0xb5: {  	_ =	swait.ge [sflag:s28], $0x800  }
0xb6: {  	[sflag:s28] =	ssyncset.done $0x0  }
0xb7: {  	[sflag:s28] =	ssyncadd.s32 $0xFFFFF800  }
0xb8: {  	_ =	swait.ge [sflag:s28], $0x800  }
0xb9: {  	s5 =	sshll.u32 s5, $0x4;
	[sflag:s28] =	ssyncset.done $0x0;
	s22 =	rddreg [dreg:$0x3]  }
0xba: {  	[sflag:s28] =	ssyncadd.s32 $0xFFFFF800;
	s6 =	sadd.s32 s22, s5  }
0xbb: {  	[hbm4b:s6+s2] =	stream.strided.scatter [tilespmem:s20], [sflag:$0x2], $0x2000, s24, s2, $0x38;
	[tilespmem:$0x11000] =	vst v63  }
0xbc: {  	_ =	swait.ge [sflag:s23], $0x2000  }
0xbd: {  	[sflag:s23] =	ssyncset.done $0x0;
	s16 =	rddreg [dreg:$0x4]  }
0xbe: {  	[sflag:s23] =	ssyncadd.s32 $0xFFFFE000;
	s6 =	sadd.s32 s5, s16  }
0xbf: {  	[hbm4b:s6+s2] =	stream.strided.scatter [tilespmem:s18], [sflag:$0x2], $0x2000, s24, s2, $0x38;
	[tilespmem:$0x11000] =	vst v63  }
0xc0: {  	_ =	swait.ge [sflag:s23], $0x2000  }
0xc1: {  	[sflag:s23] =	ssyncset.done $0x0;
	s19 =	rddreg [dreg:$0x5]  }
0xc2: {  	[sflag:s23] =	ssyncadd.s32 $0xFFFFE000;
	s6 =	sadd.s32 s5, s19  }
0xc3: {  	[hbm4b:s6+s2] =	stream.strided.scatter [tilespmem:s31], [sflag:$0x2], $0x2000, s24, s2, $0x38;
	[tilespmem:$0x11000] =	vst v63  }
0xc4: {  	_ =	swait.ge [sflag:s23], $0x2000  }
0xc5: {  	[sflag:s23] =	ssyncset.done $0x0;
	s22 =	rddreg [dreg:$0x6]  }
0xc6: {  	[sflag:s23] =	ssyncadd.s32 $0xFFFFE000;
	s6 =	sadd.s32 s5, s22  }
0xc7: {  	[hbm4b:s6+s2] =	stream.strided.scatter [tilespmem:s29], [sflag:$0x2], $0x2000, s24, s2, $0x38;
	[tilespmem:$0x11000] =	vst v63  }
0xc8: {  	_ =	swait.ge [sflag:s23], $0x2000  }
0xc9: {  	[sflag:s23] =	ssyncset.done $0x0;
	s16 =	rddreg [dreg:$0x7]  }
0xca: {  	[sflag:s23] =	ssyncadd.s32 $0xFFFFE000;
	s6 =	sadd.s32 s5, s16  }
0xcb: {  	[hbm4b:s6+s2] =	stream.strided.scatter [tilespmem:s14], [sflag:$0x2], $0x2000, s24, s2, $0x38;
	[tilespmem:$0x11000] =	vst v63  }
0xcc: {  	_ =	swait.ge [sflag:s23], $0x2000  }
0xcd: {  	[sflag:s23] =	ssyncset.done $0x0  }
0xce: {  	s18 =	sadd.s32 s5, s25;
	[sflag:s23] =	ssyncadd.s32 $0xFFFFE000  }
0xcf: {  	[hbm4b:s18+s2] =	stream.strided.scatter [tilespmem:s26], [sflag:$0x2], $0x2000, s24, s2, $0x38;
	[tilespmem:$0x11000] =	vst v63  }
0xd0: {  	_ =	swait.ge [sflag:s23], $0x2000  }
0xd1: {  	[sflag:s23] =	ssyncset.done $0x0  }
0xd2: {  	s19 =	sadd.s32 s5, s0;
	[sflag:s23] =	ssyncadd.s32 $0xFFFFE000  }
0xd3: {  	[hbm4b:s19+s2] =	stream.strided.scatter [tilespmem:s30], [sflag:$0x2], $0x2000, s24, s2, $0x38;
	[tilespmem:$0x11000] =	vst v63  }
0xd4: {  	p1 =	por p0, p0;
	_ =	swait.ge [sflag:s23], $0x2000  }
0xd5: {  	s22 =	simm.s32 $0xF000;
	s6 =	smov.u32 s3;
	[sflag:s23] =	ssyncset.done $0x0  }
.Ltmp0:
0xd6: {  	s5 =	sadd.s32 s5, s6;
	[sflag:s23] =	ssyncadd.s32 $0xFFFFE000;
	(pc) =	sbr.rel @p1 .LBB2_2-.Ltmp0, $4  }
0xd7: {  	[hbm4b:s5+s2] =	stream.strided.scatter [tilespmem:s22], [sflag:$0x2], $0x2000, s24, s2, $0x38;
	[tilespmem:$0x11000] =	vst v63  }
0xd8: {  	_ =	swait.ge [sflag:s23], $0x2000  }
0xd9: {  	[sflag:s23] =	ssyncset.done $0x0  }
0xda: {  	p0 =	por $0x0, $0x0;
	[sflag:s23] =	ssyncadd.s32 $0xFFFFE000  }
0xdb: {  	s3 =	rddreg [dreg:$0xb]  }
0xdc: {  	s0 =	rddreg [dreg:$0xa];
	s3 =	sadd.s32 $0x1, s3  }
0xdd: {  	p0 =	sne.s32 s3, s0  }
.Ltmp1:
0xde: {  	_ = 	snop;
	(pc) =	sbr.rel @p0 .LBB2_1-.Ltmp1, $1  }
0xdf: {  	_ =	sdelay $0x3  }
0xe0: {  	_ =	sfence.sel $0x180000  }
0xe1: {  	[bflag:$0x0] =	sbarrier.arrive $0xFFFF  }
0xe2: {  	_ =	strace $0x90000050  }
0xe3: {  	s0 =	stileid.u32;
	[bflag:$0x2] =	sbarrier.arrive $0xFFFF  }
0xe4: {  	p0 =	sne.s32 s0, $0x0;
	s0 =	rddreg [dreg:$0x2]  }
0xe5: {  	s0 =	sadd.s32 @!p0 $0x100000, s0  }
0xe6: {  	[sflag:s0] =	ssyncadd.tile.s32 @!p0 $0x1;
	_ =	shalt  }
.Lfunc_end2:
_tile_overlayer_lowered:
.L_overlay_start_2:
0xe7: {  	(tag) =	ssettag $0x2  }
0xe8: {  	s0 =	rddreg [dreg:$0x0];
	s2 =	stileid.u32  }
0xe9: {  	s1 =	rddreg [dreg:$0x1];
	p0 =	sne.s32 s2, $0x0  }
0xea: {  	s3 =	rddreg [dreg:$0x2];
	[bflag:$0x3] =	sbarrier.arrive $0xFFFF;
	s2 =	simm.s32 @!p0 $0x1C02  }
0xeb: {  	[timem:s3], [sflag:s2] =	dma.local @!p0 [hbm:s0], s1  }
0xec: {  	s0 =	simm.s32 @!p0 $0x2  }
0xed: {  	_ =	swait.ge @!p0 [sflag:s0], s1  }
0xee: {  	s1 =	ssub.s32 @!p0 $0x0, s1;
	[sflag:s0] =	ssyncset.done @!p0 $0x0  }
0xef: {  	[sflag:s0] =	ssyncadd.s32 @!p0 s1  }
0xf0: {  	[bflag:$0x3] =	sbarrier.arrive $0xFFFF  }
0xf1: {  	_ =	shalt  }

// kernel: sc_table_transpose.3.cloned.1.call-start
scs
__scs_entry_jumppad:
0x0: {  	(pc) =	sbr.rel $0x88, $3  }
0x1: {  	(tag) =	ssettag $0x0;
	lr =	simm.s32 $0x1  }
0x2: {  	[smem:$0x3F9C] =	sst lr;
	_ =	strace $0xD0000000  }
0x3: {  	_ = 	snop  }
0x4: {  	_ = 	snop  }
0x5: {  	_ = 	snop  }
0x6: {  	_ = 	snop  }
0x7: {  	_ = 	snop  }
__scs_overlays_trampoline_lowered:
0x8: {  	[smem:$0x3FAB] =	sst s0  }
0x9: {  	[smem:$0x3FAC] =	sst s1  }
0xa: {  	[smem:$0x3FAD] =	sst s2  }
0xb: {  	[smem:$0x3FAE] =	sst s3  }
0xc: {  	[smem:$0x3FAF] =	sst s4  }
0xd: {  	[smem:$0x3FB0] =	sst s5  }
0xe: {  	[smem:$0x3FB1] =	sst s6  }
0xf: {  	[smem:$0x3FB2] =	sst s7  }
0x10: {  	[smem:$0x3FB3] =	sst s8  }
0x11: {  	[smem:$0x3FB4] =	sst s9;
	s0 =	simm.s32 @!p0 $0x0  }
0x12: {  	s1 =	sld [smem:$0x3F9A];
	s0 =	simm.s32 @p0 $0x1  }
0x13: {  	[smem:$0x3FB5] =	sst s0;
	s0 =	simm.s32 @!p1 $0x0  }
0x14: {  	s2 =	sld [smem:$0x3F99];
	s0 =	simm.s32 @p1 $0x1  }
0x15: {  	[smem:$0x3FB6] =	sst s0;
	s0 =	simm.s32 @!p2 $0x0  }
0x16: {  	s3 =	sld [smem:$0x3FDB];
	s0 =	simm.s32 @p2 $0x1  }
0x17: {  	s4 =	simm.s32 $0x1BF5;
	[smem:$0x3FB8] =	sst s0  }
0x18: {  	s0 =	sld [smem:$0x3F9B];
	_ =	swait.ge [sflag:s4], $0x0  }
0x19: {  	s7 =	sld [smem:$0x3F9C]  }
0x1a: {  	s8 =	sadd.s32 $0xFFFFE003, lr  }
0x1b: {  	s9 =	sadd.s32 $0xFFFFFEF7, lr;
	s5 =	simm.s32 $0xFFFFFFFF;
	p2 =	slt.u32 s8, $0xFFFFF086  }
0x1c: {  	p1 =	slt.u32 s9, $0xF7A;
	s5 =	simm.s32 @!p2 $0x0  }
0x1d: {  	s5 =	simm.s32 @p1 $0x1;
	p0 =	seq.s32 s7, s2  }
0x1e: {  	s7 =	smul.u32 @!p0 $0xF7A, s2;
	p2 =	seq.s32 @!p0 s5, $0x0  }
0x1f: {  	s9 =	smul.u32 $0xF7A, s1;
	s8 =	simm.s32 @!p0 $0x1BF5;
	p2 =	por !p2, p0  }
0x20: {  	[sflag:s8] =	ssyncset.s32 @!p0 $0xFFFFF086;
	s6 =	sadd.s32 @!p0 s3, s7;
	s7 =	simm.s32 @!p0 $0x108  }
0x21: {  	s3 =	sadd.s32 s3, s9;
	s6 =	sadd.s32 @!p0 $0x88, s6;
	s7 =	simm.s32 @p2 $0x1082  }
0x22: {  	[simem:s7], [sflag:s8] =	dma.local @!p0 [hbm:s6], $0xF7A  }
0x23: {  	s9 =	sor.u32 $0xD0000000, s2;
	s6 =	simm.s32 $0x108;
	_ =	swait.ge @!p0 [sflag:s8], $0x0  }
0x24: {  	s3 =	sadd.s32 $0x88, s3;
	s6 =	simm.s32 @!p1 $0x1082;
	[sflag:s4] =	ssyncset.s32 $0xFFFFF086  }
0x25: {  	[simem:s6], [sflag:s4] =	dma.local [hbm:s3], $0xF7A  }
0x26: {  	[smem:$0x3F9C] =	sst s1;
	(tag) =	ssettag s2;
	_ =	strace s9  }
0x27: {  	s1 =	sld [smem:$0x3FAC]  }
0x28: {  	s2 =	sld [smem:$0x3FAD]  }
0x29: {  	s4 =	sld [smem:$0x3FAF]  }
0x2a: {  	p0 =	seq.s32 s5, $0x0;
	s5 =	sld [smem:$0x3FB0]  }
0x2b: {  	s6 =	sld [smem:$0x3FB1]  }
0x2c: {  	s7 =	sld [smem:$0x3FB2]  }
0x2d: {  	s3 =	simm.s32 $0x108;
	s8 =	sld [smem:$0x3FB3]  }
0x2e: {  	s3 =	simm.s32 @!p0 $0x1082;
	s9 =	sld [smem:$0x3FB4]  }
0x2f: {  	lr =	sadd.s32 s0, s3;
	s0 =	sld [smem:$0x3FAB]  }
0x30: {  	s3 =	sld [smem:$0x3FAE]  }
0x31: {  	[smem:$0x3FB7] =	sst s10  }
0x32: {  	s10 =	sld [smem:$0x3FB5];
	_ =	sdelay $0x3  }
0x33: {  	p0 =	seq.s32 s10, $0x1;
	s10 =	sld [smem:$0x3FB7];
	_ =	sdelay $0x3  }
0x34: {  	[smem:$0x3FB7] =	sst s10  }
0x35: {  	s10 =	sld [smem:$0x3FB6];
	_ =	sdelay $0x3  }
0x36: {  	p1 =	seq.s32 s10, $0x1;
	s10 =	sld [smem:$0x3FB7];
	_ =	sdelay $0x3  }
0x37: {  	[smem:$0x3FB7] =	sst s10  }
0x38: {  	s10 =	sld [smem:$0x3FB8]  }
0x39: {  	_ = 	snop;
	(pc) =	sbr.ind lr, $3  }
0x3a: {  	_ = 	snop  }
0x3b: {  	_ = 	snop  }
0x3c: {  	p2 =	seq.s32 s10, $0x1;
	s10 =	sld [smem:$0x3FB7]  }
0x3d: {  	_ =	shalt  }
0x3e: {  	_ =	shalt  }
0x3f: {  	_ =	shalt  }
0x40: {  	_ =	shalt  }
0x41: {  	_ =	shalt  }
0x42: {  	_ =	shalt  }
0x43: {  	_ =	shalt  }
0x44: {  	_ =	shalt  }
0x45: {  	_ =	shalt  }
0x46: {  	_ =	shalt  }
0x47: {  	_ =	shalt  }
0x48: {  	_ =	shalt  }
0x49: {  	_ =	shalt  }
0x4a: {  	_ =	shalt  }
0x4b: {  	_ =	shalt  }
0x4c: {  	_ =	shalt  }
0x4d: {  	_ =	shalt  }
0x4e: {  	_ =	shalt  }
0x4f: {  	_ =	shalt  }
0x50: {  	_ =	shalt  }
0x51: {  	_ =	shalt  }
0x52: {  	_ =	shalt  }
0x53: {  	_ =	shalt  }
0x54: {  	_ =	shalt  }
0x55: {  	_ =	shalt  }
0x56: {  	_ =	shalt  }
0x57: {  	_ =	shalt  }
0x58: {  	_ =	shalt  }
0x59: {  	_ =	shalt  }
0x5a: {  	_ =	shalt  }
0x5b: {  	_ =	shalt  }
0x5c: {  	_ =	shalt  }
0x5d: {  	_ =	shalt  }
0x5e: {  	_ =	shalt  }
0x5f: {  	_ =	shalt  }
0x60: {  	_ =	shalt  }
0x61: {  	_ =	shalt  }
0x62: {  	_ =	shalt  }
0x63: {  	_ =	shalt  }
0x64: {  	_ =	shalt  }
0x65: {  	_ =	shalt  }
0x66: {  	_ =	shalt  }
0x67: {  	_ =	shalt  }
0x68: {  	_ =	shalt  }
0x69: {  	_ =	shalt  }
0x6a: {  	_ =	shalt  }
0x6b: {  	_ =	shalt  }
0x6c: {  	_ =	shalt  }
0x6d: {  	_ =	shalt  }
0x6e: {  	_ =	shalt  }
0x6f: {  	_ =	shalt  }
0x70: {  	_ =	shalt  }
0x71: {  	_ =	shalt  }
0x72: {  	_ =	shalt  }
0x73: {  	_ =	shalt  }
0x74: {  	_ =	shalt  }
0x75: {  	_ =	shalt  }
0x76: {  	_ =	shalt  }
0x77: {  	_ =	shalt  }
0x78: {  	_ =	shalt  }
0x79: {  	_ =	shalt  }
0x7a: {  	_ =	shalt  }
0x7b: {  	_ =	shalt  }
0x7c: {  	_ =	shalt  }
0x7d: {  	_ =	shalt  }
0x7e: {  	_ =	shalt  }
0x7f: {  	_ =	shalt  }
0x80: {  	_ =	shalt  }
0x81: {  	_ =	shalt  }
0x82: {  	_ =	shalt  }
0x83: {  	_ =	shalt  }
0x84: {  	_ =	shalt  }
0x85: {  	_ =	shalt  }
0x86: {  	_ =	shalt  }
0x87: {  	_ =	shalt  }
.Lfunc_end0:
.L_simem_size_0:
called_computation.2_lowered:
.L_overlay_start_0:
0x88: {  	s2 =	sld [smem:$0x3FD9]  }
0x89: {  	s3 =	sld [smem:$0x3FFE];
	_ =	sdelay $0x1  }
0x8a: {  	s1 =	srdreg.scid  }
0x8b: {  	s0 =	sand.u32 $0x1, s1  }
0x8c: {  	s17 =	sshll.u32 s0, $0xA;
	s2 =	sadd.s32 s3, s2  }
0x8d: {  	s2 =	sadd.s32 s2, s17  }
0x8e: {  	[smem:$0x3FC3] =	sst s2  }
0x8f: {  	_ = 	snop  }
0x90: {  	s2 =	sld [smem:$0x3FD0];
	(tm) =	ssettm $0x1  }
0x91: {  	s18 =	sld [smem:$0x3FFB];
	_ =	sdelay $0x3  }
0x92: {  	_ =	strace s18  }
0x93: {  	s3 =	sld [smem:$0x3FFC];
	_ =	sdelay $0x3  }
0x94: {  	_ =	strace s3  }
0x95: {  	s3 =	sld [smem:$0x3FFD];
	_ =	sdelay $0x3  }
0x96: {  	_ =	strace s3  }
0x97: {  	_ =	strace $0x8FFFFFFF  }
0x98: {  	s19 =	sld [smem:$0x3FDB];
	_ =	sdelay $0x1  }
0x99: {  	s4 =	simm.s32 $_scs_section_size  }
0x9a: {  	s5 =	simm.s32 $_size__tile_overlayer_lowered;
	s6 =	simm.s32 $_tile_overlayer_lowered  }
0x9b: {  	s22 =	simm.s32 $0x1BFF;
	s21 =	sshll.u32 s6, $0x1;
	s3 =	sadd.s32 s4, s19  }
0x9c: {  	s7 =	simm.s32 $0x0;
	s20 =	sshll.u32 s5, $0x1;
	s5 =	sadd.s32 s21, s3  }
0x9d: {  	[timem:s7], [sflag:s22] =	dma.local [hbm:s5], s20  }
0x9e: {  	_ =	swait.ge [sflag:s22], s20  }
0x9f: {  	s4 =	ssub.s32 $0x0, s20;
	[sflag:s22] =	ssyncset.done $0x0  }
0xa0: {  	[sflag:s22] =	ssyncadd.s32 s4;
	_ =	sdelay $0x1  }
0xa1: {  	s23 =	simm.s32 $0x1B8B  }
0xa2: {  	_ =	swait.ge [sflag:s23], $0x1  }
0xa3: {  	[sflag:s23] =	ssyncset.done $0x0  }
0xa4: {  	s25 =	simm.s32 $0x1B8E;
	s24 =	sld [smem:$0x3FFE];
	[sflag:s23] =	ssyncadd.s32 $0xFFFFFFFF  }
0xa5: {  	s26 =	simm.s32 $execute0_lowered;
	[smem:$0x3FD2] =	sst s25  }
0xa6: {  	s5 =	sshll.u32 s26, $0x1;
	_ =	strace $0x8000004C;
	[dreg:$0x1] =	wrdreg $0xFFFFFFFF  }
0xa7: {  	s28 =	simm.s32 $_size_execute0_lowered;
	s3 =	sadd.s32 s3, s5;
	[dreg:$0x0] =	wrdreg $0x0  }
0xa8: {  	s5 =	sshll.u32 s28, $0x1;
	[dreg:$0x2] =	wrdreg s3  }
0xa9: {  	[dreg:$0x3] =	wrdreg s5  }
0xaa: {  	[dreg:$0x4] =	wrdreg $0xC0  }
0xab: {  	_ =	task [dreg:s7], $0x5FFFF  }
0xac: {  	[dreg:$0x1] =	wrdreg $0xFFFFFFFF  }
0xad: {  	[dreg:$0x0] =	wrdreg $0x60  }
0xae: {  	[dreg:$0x2] =	wrdreg s24  }
0xaf: {  	[dreg:$0x3] =	wrdreg s2  }
0xb0: {  	[dreg:$0x4] =	wrdreg $0x9  }
0xb1: {  	_ =	task.clear_ibuf [dreg:s7], $0x5FFFF;
	_ =	strace $0x9000004C  }
0xb2: {  	s29 =	simm.s32 $0x9;
	_ =	strace $0x8000004E  }
0xb3: {  	_ =	swait.ge [sflag:s29], $0x1  }
0xb4: {  	[sflag:s29] =	ssyncadd.s32 $0xFFFFFFFF  }
0xb5: {  	_ =	strace $0x9000004E  }
0xb6: {  	_ =	sfence  }
0xb7: {  	s30 =	sld [smem:$0x0];
	_ =	sdelay $0x2  }
0xb8: {  	s31 =	sshll.u32 s1, $0xD;
	s1 =	sshrl.u32 s1, $0x2  }
0xb9: {  	s3 =	sand.u32 $0x4000, s31;
	s1 =	sadd.s32 s1, s30  }
0xba: {  	s0 =	sor.u32 s3, s0;
	s1 =	sshll.u32 s1, $0x11  }
0xbb: {  	s0 =	sor.u32 s1, s0  }
0xbc: {  	s0 =	sadd.s32 $0x8F2B, s0  }
0xbd: {  	[sflag:s0] =	ssyncadd.remote.s32 $0x1  }
0xbe: {  	_ =	sfence.sel $0xFFFF  }
0xbf: {  	[dreg:$0x0] =	wrdreg $0xFFFFFFFF;
	(pc) =	sbr.abs _section_cstart, $3  }
0xc0: {  	[dreg:$0x1] =	wrdreg $0xFFFFFFFF  }
0xc1: {  	_ =	task.clear_ibuf [dreg:s7], $0x2FFFF;
	_ =	strace $0x9FFFFFFF  }
0xc2: {  	(tm) =	ssettm $0x7FFFFFFF  }
0xc3: {  	_ =	shalt  }
tec
execute0_lowered:
.L_overlay_start_1:
0x0: {  	(tag) =	ssettag $0x1  }
0x1: {  	v0 =	vimm.s32 $0x8380  }
0x2: {  	vm14 =	vcmask $0x300;
	vm13 =	vcmask $0x704;
	vm12 =	vcmask $0xB08  }
0x3: {  	vm11 =	vcmask $0xF0C;
	vm10 =	vcmask $0x1310;
	vm9 =	vcmask $0x1714  }
0x4: {  	vm8 =	vcmask $0x1B18;
	vm7 =	vcmask $0x1F1C;
	vm6 =	vcmask $0x2320  }
0x5: {  	vm5 =	vcmask $0x2724;
	vm4 =	vcmask $0x2B28;
	vm3 =	vcmask $0x2F2C  }
0x6: {  	vm2 =	vcmask $0x3330;
	vm1 =	vcmask $0x3734;
	vm0 =	vcmask $0x3B38  }
0x7: {  	v1 =	vimm.s32 $0x8381;
	v2 =	vimm.s32 $0x8382;
	v3 =	vimm.s32 $0x8383  }
0x8: {  	v4 =	vimm.s32 $0x8384;
	v5 =	vimm.s32 $0x8385;
	v6 =	vimm.s32 $0x8386  }
0x9: {  	v7 =	vimm.s32 $0x8387;
	v8 =	vimm.s32 $0x8388;
	v9 =	vimm.s32 $0x8389  }
0xa: {  	v10 =	vimm.s32 $0x838A;
	v11 =	vimm.s32 $0x838B;
	v12 =	vimm.s32 $0x838C  }
0xb: {  	v13 =	vimm.s32 $0x838D;
	v14 =	vimm.s32 $0x838E;
	v15 =	vimm.s32 $0x838F  }
0xc: {  	v0 =	vsel vm14, $0x0, v0;
	v1 =	vsel vm14, $0x1, v1;
	v2 =	vsel vm14, $0x2, v2  }
0xd: {  	v3 =	vsel vm14, $0x3, v3;
	v4 =	vsel vm14, $0x4, v4;
	v5 =	vsel vm14, $0x5, v5  }
0xe: {  	v6 =	vsel vm14, $0x6, v6;
	v7 =	vsel vm14, $0x7, v7;
	v8 =	vsel vm14, $0x8, v8  }
0xf: {  	v9 =	vsel vm14, $0x9, v9;
	v10 =	vsel vm14, $0xA, v10;
	v11 =	vsel vm14, $0xB, v11  }
0x10: {  	v12 =	vsel vm14, $0xC, v12;
	v13 =	vsel vm14, $0xD, v13;
	v14 =	vsel vm14, $0xE, v14  }
0x11: {  	v15 =	vsel vm14, $0xF, v15;
	v0 =	vsel vm13, $0x80, v0;
	v1 =	vsel vm13, $0x81, v1  }
0x12: {  	v2 =	vsel vm13, $0x82, v2;
	v3 =	vsel vm13, $0x83, v3;
	v4 =	vsel vm13, $0x84, v4  }
0x13: {  	v5 =	vsel vm13, $0x85, v5;
	v6 =	vsel vm13, $0x86, v6;
	v7 =	vsel vm13, $0x87, v7  }
0x14: {  	v8 =	vsel vm13, $0x88, v8;
	v9 =	vsel vm13, $0x89, v9;
	v10 =	vsel vm13, $0x8A, v10  }
0x15: {  	v11 =	vsel vm13, $0x8B, v11;
	v12 =	vsel vm13, $0x8C, v12;
	v13 =	vsel vm13, $0x8D, v13  }
0x16: {  	v14 =	vsel vm13, $0x8E, v14;
	v15 =	vsel vm13, $0x8F, v15;
	v0 =	vsel vm12, $0x100, v0  }
0x17: {  	v1 =	vsel vm12, $0x101, v1;
	v2 =	vsel vm12, $0x102, v2;
	v3 =	vsel vm12, $0x103, v3  }
0x18: {  	v4 =	vsel vm12, $0x104, v4;
	v5 =	vsel vm12, $0x105, v5;
	v6 =	vsel vm12, $0x106, v6  }
0x19: {  	v7 =	vsel vm12, $0x107, v7;
	v8 =	vsel vm12, $0x108, v8;
	v9 =	vsel vm12, $0x109, v9  }
0x1a: {  	v10 =	vsel vm12, $0x10A, v10;
	v11 =	vsel vm12, $0x10B, v11;
	v12 =	vsel vm12, $0x10C, v12  }
0x1b: {  	v13 =	vsel vm12, $0x10D, v13;
	v14 =	vsel vm12, $0x10E, v14;
	v15 =	vsel vm12, $0x10F, v15  }
0x1c: {  	v0 =	vsel vm11, $0x180, v0;
	v1 =	vsel vm11, $0x181, v1;
	v2 =	vsel vm11, $0x182, v2  }
0x1d: {  	v3 =	vsel vm11, $0x183, v3;
	v4 =	vsel vm11, $0x184, v4;
	v5 =	vsel vm11, $0x185, v5  }
0x1e: {  	v6 =	vsel vm11, $0x186, v6;
	v7 =	vsel vm11, $0x187, v7;
	v8 =	vsel vm11, $0x188, v8  }
0x1f: {  	v9 =	vsel vm11, $0x189, v9;
	v10 =	vsel vm11, $0x18A, v10;
	v11 =	vsel vm11, $0x18B, v11  }
0x20: {  	v12 =	vsel vm11, $0x18C, v12;
	v13 =	vsel vm11, $0x18D, v13;
	v14 =	vsel vm11, $0x18E, v14  }
0x21: {  	v15 =	vsel vm11, $0x18F, v15;
	v0 =	vsel vm10, $0x200, v0;
	v1 =	vsel vm10, $0x201, v1  }
0x22: {  	v2 =	vsel vm10, $0x202, v2;
	v3 =	vsel vm10, $0x203, v3;
	v4 =	vsel vm10, $0x204, v4  }
0x23: {  	v5 =	vsel vm10, $0x205, v5;
	v6 =	vsel vm10, $0x206, v6;
	v7 =	vsel vm10, $0x207, v7  }
0x24: {  	v8 =	vsel vm10, $0x208, v8;
	v9 =	vsel vm10, $0x209, v9;
	v10 =	vsel vm10, $0x20A, v10  }
0x25: {  	v11 =	vsel vm10, $0x20B, v11;
	v12 =	vsel vm10, $0x20C, v12;
	v13 =	vsel vm10, $0x20D, v13  }
0x26: {  	v14 =	vsel vm10, $0x20E, v14;
	v15 =	vsel vm10, $0x20F, v15;
	v0 =	vsel vm9, $0x280, v0  }
0x27: {  	v1 =	vsel vm9, $0x281, v1;
	v2 =	vsel vm9, $0x282, v2;
	v3 =	vsel vm9, $0x283, v3  }
0x28: {  	v4 =	vsel vm9, $0x284, v4;
	v5 =	vsel vm9, $0x285, v5;
	v6 =	vsel vm9, $0x286, v6  }
0x29: {  	v7 =	vsel vm9, $0x287, v7;
	v8 =	vsel vm9, $0x288, v8;
	v9 =	vsel vm9, $0x289, v9  }
0x2a: {  	v10 =	vsel vm9, $0x28A, v10;
	v11 =	vsel vm9, $0x28B, v11;
	v12 =	vsel vm9, $0x28C, v12  }
0x2b: {  	v13 =	vsel vm9, $0x28D, v13;
	v14 =	vsel vm9, $0x28E, v14;
	v15 =	vsel vm9, $0x28F, v15  }
0x2c: {  	v0 =	vsel vm8, $0x300, v0;
	v1 =	vsel vm8, $0x301, v1;
	v2 =	vsel vm8, $0x302, v2  }
0x2d: {  	v3 =	vsel vm8, $0x303, v3;
	v4 =	vsel vm8, $0x304, v4;
	v5 =	vsel vm8, $0x305, v5  }
0x2e: {  	v6 =	vsel vm8, $0x306, v6;
	v7 =	vsel vm8, $0x307, v7;
	v8 =	vsel vm8, $0x308, v8  }
0x2f: {  	v9 =	vsel vm8, $0x309, v9;
	v10 =	vsel vm8, $0x30A, v10;
	v11 =	vsel vm8, $0x30B, v11  }
0x30: {  	v12 =	vsel vm8, $0x30C, v12;
	v13 =	vsel vm8, $0x30D, v13;
	v14 =	vsel vm8, $0x30E, v14  }
0x31: {  	v15 =	vsel vm8, $0x30F, v15;
	v0 =	vsel vm7, $0x380, v0;
	v1 =	vsel vm7, $0x381, v1  }
0x32: {  	v2 =	vsel vm7, $0x382, v2;
	v3 =	vsel vm7, $0x383, v3;
	v4 =	vsel vm7, $0x384, v4  }
0x33: {  	v5 =	vsel vm7, $0x385, v5;
	v6 =	vsel vm7, $0x386, v6;
	v7 =	vsel vm7, $0x387, v7  }
0x34: {  	v8 =	vsel vm7, $0x388, v8;
	v9 =	vsel vm7, $0x389, v9;
	v10 =	vsel vm7, $0x38A, v10  }
0x35: {  	v11 =	vsel vm7, $0x38B, v11;
	v12 =	vsel vm7, $0x38C, v12;
	v13 =	vsel vm7, $0x38D, v13  }
0x36: {  	v14 =	vsel vm7, $0x38E, v14;
	v15 =	vsel vm7, $0x38F, v15;
	v0 =	vsel vm6, $0x8000, v0  }
0x37: {  	v1 =	vsel vm6, $0x8001, v1;
	v2 =	vsel vm6, $0x8002, v2;
	v3 =	vsel vm6, $0x8003, v3  }
0x38: {  	v4 =	vsel vm6, $0x8004, v4;
	v5 =	vsel vm6, $0x8005, v5;
	v6 =	vsel vm6, $0x8006, v6  }
0x39: {  	v7 =	vsel vm6, $0x8007, v7;
	v8 =	vsel vm6, $0x8008, v8;
	v9 =	vsel vm6, $0x8009, v9  }
0x3a: {  	v10 =	vsel vm6, $0x800A, v10;
	v11 =	vsel vm6, $0x800B, v11;
	v12 =	vsel vm6, $0x800C, v12  }
0x3b: {  	v13 =	vsel vm6, $0x800D, v13;
	v14 =	vsel vm6, $0x800E, v14;
	v15 =	vsel vm6, $0x800F, v15  }
0x3c: {  	v0 =	vsel vm5, $0x8080, v0;
	v1 =	vsel vm5, $0x8081, v1;
	v2 =	vsel vm5, $0x8082, v2  }
0x3d: {  	v3 =	vsel vm5, $0x8083, v3;
	v4 =	vsel vm5, $0x8084, v4;
	v5 =	vsel vm5, $0x8085, v5  }
0x3e: {  	v6 =	vsel vm5, $0x8086, v6;
	v7 =	vsel vm5, $0x8087, v7;
	v8 =	vsel vm5, $0x8088, v8  }
0x3f: {  	v9 =	vsel vm5, $0x8089, v9;
	v10 =	vsel vm5, $0x808A, v10;
	v11 =	vsel vm5, $0x808B, v11  }
0x40: {  	v12 =	vsel vm5, $0x808C, v12;
	v13 =	vsel vm5, $0x808D, v13;
	v14 =	vsel vm5, $0x808E, v14  }
0x41: {  	v15 =	vsel vm5, $0x808F, v15;
	v0 =	vsel vm4, $0x8100, v0;
	v1 =	vsel vm4, $0x8101, v1  }
0x42: {  	v2 =	vsel vm4, $0x8102, v2;
	v3 =	vsel vm4, $0x8103, v3;
	v4 =	vsel vm4, $0x8104, v4  }
0x43: {  	v5 =	vsel vm4, $0x8105, v5;
	v6 =	vsel vm4, $0x8106, v6;
	v7 =	vsel vm4, $0x8107, v7  }
0x44: {  	v8 =	vsel vm4, $0x8108, v8;
	v9 =	vsel vm4, $0x8109, v9;
	v10 =	vsel vm4, $0x810A, v10  }
0x45: {  	v11 =	vsel vm4, $0x810B, v11;
	v12 =	vsel vm4, $0x810C, v12;
	v13 =	vsel vm4, $0x810D, v13  }
0x46: {  	v14 =	vsel vm4, $0x810E, v14;
	v15 =	vsel vm4, $0x810F, v15;
	v0 =	vsel vm3, $0x8180, v0  }
0x47: {  	v1 =	vsel vm3, $0x8181, v1;
	v2 =	vsel vm3, $0x8182, v2;
	v3 =	vsel vm3, $0x8183, v3  }
0x48: {  	v4 =	vsel vm3, $0x8184, v4;
	v5 =	vsel vm3, $0x8185, v5;
	v6 =	vsel vm3, $0x8186, v6  }
0x49: {  	v7 =	vsel vm3, $0x8187, v7;
	v8 =	vsel vm3, $0x8188, v8;
	v9 =	vsel vm3, $0x8189, v9  }
0x4a: {  	v10 =	vsel vm3, $0x818A, v10;
	v11 =	vsel vm3, $0x818B, v11;
	v12 =	vsel vm3, $0x818C, v12  }
0x4b: {  	v13 =	vsel vm3, $0x818D, v13;
	v14 =	vsel vm3, $0x818E, v14;
	v15 =	vsel vm3, $0x818F, v15  }
0x4c: {  	v0 =	vsel vm2, $0x8200, v0;
	v1 =	vsel vm2, $0x8201, v1;
	v2 =	vsel vm2, $0x8202, v2  }
0x4d: {  	v3 =	vsel vm2, $0x8203, v3;
	v4 =	vsel vm2, $0x8204, v4;
	v5 =	vsel vm2, $0x8205, v5  }
0x4e: {  	v6 =	vsel vm2, $0x8206, v6;
	v7 =	vsel vm2, $0x8207, v7;
	v8 =	vsel vm2, $0x8208, v8  }
0x4f: {  	v9 =	vsel vm2, $0x8209, v9;
	v10 =	vsel vm2, $0x820A, v10;
	v11 =	vsel vm2, $0x820B, v11  }
0x50: {  	v12 =	vsel vm2, $0x820C, v12;
	v13 =	vsel vm2, $0x820D, v13;
	v14 =	vsel vm2, $0x820E, v14  }
0x51: {  	v15 =	vsel vm2, $0x820F, v15;
	v0 =	vsel vm1, $0x8280, v0;
	v1 =	vsel vm1, $0x8281, v1  }
0x52: {  	s4 =	rddreg [dreg:$0x0];
	v2 =	vsel vm1, $0x8282, v2;
	v3 =	vsel vm1, $0x8283, v3;
	v4 =	vsel vm1, $0x8284, v4  }
0x53: {  	s1 =	rddreg [dreg:$0x1];
	v5 =	vsel vm1, $0x8285, v5;
	v6 =	vsel vm1, $0x8286, v6;
	v7 =	vsel vm1, $0x8287, v7  }
0x54: {  	s0 =	rddreg [dreg:$0x2];
	s2 =	simm.s32 $0x0;
	s5 =	srdreg.scid;
	v8 =	vsel vm1, $0x8288, v8;
	v9 =	vsel vm1, $0x8289, v9;
	v10 =	vsel vm1, $0x828A, v10  }
0x55: {  	s3 =	stileid.u32;
	s10 =	simm.s32 $0x1;
	s11 =	simm.s32 $0x8000;
	v11 =	vsel vm1, $0x828B, v11;
	v12 =	vsel vm1, $0x828C, v12;
	v13 =	vsel vm1, $0x828D, v13  }
0x56: {  	s12 =	simm.s32 $0x10000;
	s13 =	simm.s32 $0x0;
	[smem:$0x7FF] =	sst s2;
	v14 =	vsel vm1, $0x828E, v14;
	v15 =	vsel vm1, $0x828F, v15;
	v0 =	vsel vm0, $0x8300, v0  }
0x57: {  	s5 =	sand.u32 $0x1, s5;
	s7 =	sshll.u32 s3, $0x1;
	s4 =	sadd.s32 $0x1C00, s4;
	v1 =	vsel vm0, $0x8301, v1;
	v2 =	vsel vm0, $0x8302, v2;
	v3 =	vsel vm0, $0x8303, v3  }
0x58: {  	_ =	strace $0x8000004D;
	s6 =	ssub.s32 $0x2, s5;
	s7 =	sand.u32 $0x2, s7;
	v4 =	vsel vm0, $0x8304, v4;
	v5 =	vsel vm0, $0x8305, v5;
	v6 =	vsel vm0, $0x8306, v6  }
0x59: {  	s8 =	sshrl.u32 s6, $0x1;
	s31 =	sor.u32 s5, s7;
	s5 =	sshll.u32 s3, $0x13;
	v7 =	vsel vm0, $0x8307, v7;
	v8 =	vsel vm0, $0x8308, v8;
	v9 =	vsel vm0, $0x8309, v9  }
0x5a: {  	s9 =	ssub.s32 s6, s8;
	s6 =	sand.u32 $0x700000, s5;
	s8 =	sshll.u32 s31, $0x12;
	v10 =	vsel vm0, $0x830A, v10;
	v11 =	vsel vm0, $0x830B, v11;
	v12 =	vsel vm0, $0x830C, v12  }
0x5b: {  	s7 =	sshll.u32 s31, $0x11;
	s8 =	sor.u32 s6, s8;
	s9 =	smax.u32 s9, $0x1;
	v13 =	vsel vm0, $0x830D, v13;
	v14 =	vsel vm0, $0x830E, v14;
	v15 =	vsel vm0, $0x830F, v15  }
.LBB2_1:
0x5c: {  	s14 =	simm.s32 $0x0  }
.LBB2_2:
0x5d: {  	s15 =	sshll.u32 s14, $0xF  }
0x5e: {  	s15 =	sadd.s32 s7, s15  }
0x5f: {  	s16 =	sor.u32 s6, s15  }
0x60: {  	s17 =	simm.s32 $0x0;
	s23 =	simm.s32 $0x10;
	s16 =	sshrl.u32 s16, $0x3  }
0x61: {  	s18 =	sand.u32 $0x7C00, s17;
	s15 =	sor.u32 s15, s5;
	s16 =	sadd.s32 s4, s16  }
0x62: {  	[tilespmem:s17], [sflag:$0x1] =	stream.linear.gather [hbm4b:s16+s17], $0x8000, $0x38;
	v63 =	vld [tilespmem:$0x0]  }
0x63: {  	s15 =	sshrl.u32 s15, $0x3;
	s16 =	sand.u32 $0x70, s23;
	_ =	swait.ge [sflag:s10], $0x8000  }
0x64: {  	s15 =	sor.u32 $0x10000, s15;
	s23 =	sor.u32 s18, s16;
	[sflag:s10] =	ssyncset.done $0x0  }
0x65: {  	s15 =	sadd.s32 s4, s15;
	v16 =	vor.u32 s23, v0;
	[sflag:s10] =	ssyncadd.s32 $0xFFFF8000  }
0x66: {  	[tilespmem:s11], [sflag:$0x1] =	stream.linear.gather [hbm4b:s15+s17], $0x8000, $0x38;
	v63 =	vld [tilespmem:$0x0]  }
0x67: {  	_ =	swait.ge [sflag:s10], $0x8000  }
0x68: {  	s24 =	sand.u32 $0x60, s17;
	[sflag:s10] =	ssyncset.done $0x0  }
0x69: {  	s22 =	sor.u32 s24, s18;
	[sflag:s10] =	ssyncadd.s32 $0xFFFF8000  }
0x6a: {  	v17 =	vor.u32 s22, v0;
	v16 =	vld.idx.msk [tilespmem:v16+s2+$0x0], $0xffff  }
0x6b: {  	v18 =	vor.u32 s23, v1;
	_ =	sdelay $0x2  }
0x6c: {  	s15 =	simm.s32 $0x10100  }
0x6d: {  	v17 =	vld.idx.msk [tilespmem:v17+s2+$0x0], $0xffff;
	[tilespmem:s15+$0x0] =	vst v16  }
0x6e: {  	v16 =	vor.u32 s22, v1;
	v18 =	vld.idx.msk [tilespmem:v18+s2+$0x0], $0xffff  }
0x6f: {  	v19 =	vor.u32 s23, v2;
	_ =	sdelay $0x2  }
0x70: {  	[tilespmem:s15+$0xFFFFFF00] =	vst v17  }
0x71: {  	v16 =	vld.idx.msk [tilespmem:v16+s2+$0x0], $0xffff;
	[tilespmem:s15+$0x10] =	vst v18  }
0x72: {  	v17 =	vor.u32 s22, v2;
	v18 =	vld.idx.msk [tilespmem:v19+s2+$0x0], $0xffff  }
0x73: {  	v19 =	vor.u32 s23, v3;
	_ =	sdelay $0x2  }
0x74: {  	[tilespmem:s15+$0xFFFFFF10] =	vst v16  }
0x75: {  	v16 =	vld.idx.msk [tilespmem:v17+s2+$0x0], $0xffff;
	[tilespmem:s15+$0x20] =	vst v18  }
0x76: {  	v17 =	vor.u32 s22, v3;
	v18 =	vld.idx.msk [tilespmem:v19+s2+$0x0], $0xffff  }
0x77: {  	s25 =	simm.s32 $0x30;
	s26 =	simm.s32 $0x100;
	v19 =	vor.u32 s23, v4  }
0x78: {  	s28 =	simm.s32 $0x20;
	s19 =	sand.u32 $0x7C00, s26;
	s16 =	sand.u32 $0x70, s25  }
0x79: {  	s18 =	sand.u32 $0x60, s28;
	s17 =	sor.u32 s19, s16  }
0x7a: {  	s24 =	sor.u32 s18, s19;
	[tilespmem:s15+$0xFFFFFF20] =	vst v16;
	v16 =	vor.u32 s17, v0  }
0x7b: {  	v17 =	vld.idx.msk [tilespmem:v17+s2+$0x0], $0xffff;
	[tilespmem:s15+$0x30] =	vst v18;
	v18 =	vor.u32 s24, v0  }
0x7c: {  	v20 =	vor.u32 s22, v4;
	v19 =	vld.idx.msk [tilespmem:v19+s2+$0x0], $0xffff  }
0x7d: {  	v21 =	vor.u32 s23, v5;
	_ =	sdelay $0x1  }
0x7e: {  	v16 =	vld.idx.msk [tilespmem:v16+s2+$0x0], $0xffff  }
0x7f: {  	[tilespmem:s15+$0xFFFFFF30] =	vst v17;
	v17 =	vld.idx.msk [tilespmem:v18+s2+$0x0], $0xffff;
	v18 =	vor.u32 s17, v1  }
0x80: {  	v22 =	vor.u32 s24, v1;
	v20 =	vld.idx.msk [tilespmem:v20+s2+$0x0], $0xffff;
	[tilespmem:s15+$0x40] =	vst v19  }
0x81: {  	v19 =	vor.u32 s22, v5;
	v21 =	vld.idx.msk [tilespmem:v21+s2+$0x0], $0xffff  }
0x82: {  	v23 =	vor.u32 s23, v6;
	s16 =	simm.s32 $0x10300  }
0x83: {  	[tilespmem:s16+$0x0] =	vst v16  }
0x84: {  	[tilespmem:s16+$0xFFFFFF00] =	vst v17;
	v16 =	vld.idx.msk [tilespmem:v18+s2+$0x0], $0xffff  }
0x85: {  	[tilespmem:s15+$0xFFFFFF40] =	vst v20;
	v18 =	vor.u32 s17, v2;
	v17 =	vld.idx.msk [tilespmem:v22+s2+$0x0], $0xffff  }
0x86: {  	v20 =	vor.u32 s24, v2;
	v19 =	vld.idx.msk [tilespmem:v19+s2+$0x0], $0xffff;
	[tilespmem:s15+$0x50] =	vst v21  }
0x87: {  	v21 =	vor.u32 s22, v6;
	v22 =	vld.idx.msk [tilespmem:v23+s2+$0x0], $0xffff  }
0x88: {  	v23 =	vor.u32 s23, v7  }
0x89: {  	[tilespmem:s16+$0x10] =	vst v16  }
0x8a: {  	[tilespmem:s16+$0xFFFFFF10] =	vst v17;
	v16 =	vld.idx.msk [tilespmem:v18+s2+$0x0], $0xffff  }
0x8b: {  	[tilespmem:s15+$0xFFFFFF50] =	vst v19;
	v18 =	vor.u32 s17, v3;
	v17 =	vld.idx.msk [tilespmem:v20+s2+$0x0], $0xffff  }
0x8c: {  	v19 =	vor.u32 s24, v3;
	v20 =	vld.idx.msk [tilespmem:v21+s2+$0x0], $0xffff;
	[tilespmem:s15+$0x60] =	vst v22  }
0x8d: {  	v21 =	vor.u32 s22, v7;
	v22 =	vld.idx.msk [tilespmem:v23+s2+$0x0], $0xffff  }
0x8e: {  	v23 =	vor.u32 s23, v8  }
0x8f: {  	[tilespmem:s16+$0x20] =	vst v16  }
0x90: {  	[tilespmem:s16+$0xFFFFFF20] =	vst v17;
	v16 =	vld.idx.msk [tilespmem:v18+s2+$0x0], $0xffff  }
0x91: {  	[tilespmem:s15+$0xFFFFFF60] =	vst v20;
	v18 =	vor.u32 s17, v4;
	v17 =	vld.idx.msk [tilespmem:v19+s2+$0x0], $0xffff  }
0x92: {  	s29 =	simm.s32 $0x50;
	s30 =	simm.s32 $0x200;
	v19 =	vor.u32 s24, v4;
	v20 =	vld.idx.msk [tilespmem:v21+s2+$0x0], $0xffff;
	[tilespmem:s15+$0x70] =	vst v22  }
0x93: {  	s20 =	simm.s32 $0x40;
	s18 =	sand.u32 $0x70, s29;
	s19 =	sand.u32 $0x7C00, s30;
	v21 =	vor.u32 s22, v8;
	v22 =	vld.idx.msk [tilespmem:v23+s2+$0x0], $0xffff  }
0x94: {  	s20 =	sand.u32 $0x60, s20;
	s18 =	sor.u32 s19, s18;
	v23 =	vor.u32 s23, v9  }
0x95: {  	s25 =	sor.u32 s20, s19;
	v24 =	vor.u32 s18, v0;
	[tilespmem:s16+$0x30] =	vst v16  }
0x96: {  	v16 =	vor.u32 s25, v0;
	[tilespmem:s16+$0xFFFFFF30] =	vst v17;
	v17 =	vld.idx.msk [tilespmem:v18+s2+$0x0], $0xffff  }
0x97: {  	[tilespmem:s15+$0xFFFFFF70] =	vst v20;
	v18 =	vld.idx.msk [tilespmem:v19+s2+$0x0], $0xffff;
	v19 =	vor.u32 s17, v5  }
0x98: {  	v20 =	vor.u32 s24, v5;
	v21 =	vld.idx.msk [tilespmem:v21+s2+$0x0], $0xffff;
	[tilespmem:s15+$0x80] =	vst v22  }
0x99: {  	v22 =	vor.u32 s22, v9;
	v23 =	vld.idx.msk [tilespmem:v23+s2+$0x0], $0xffff  }
0x9a: {  	v25 =	vor.u32 s23, v10;
	v24 =	vld.idx.msk [tilespmem:v24+s2+$0x0], $0xffff  }
0x9b: {  	v26 =	vor.u32 s18, v1;
	v16 =	vld.idx.msk [tilespmem:v16+s2+$0x0], $0xffff;
	[tilespmem:s16+$0x40] =	vst v17  }
0x9c: {  	v17 =	vor.u32 s25, v1;
	[tilespmem:s16+$0xFFFFFF40] =	vst v18;
	v18 =	vld.idx.msk [tilespmem:v19+s2+$0x0], $0xffff  }
0x9d: {  	[tilespmem:s15+$0xFFFFFF80] =	vst v21;
	v19 =	vld.idx.msk [tilespmem:v20+s2+$0x0], $0xffff;
	v20 =	vor.u32 s17, v6  }
0x9e: {  	s19 =	simm.s32 $0x10500;
	v21 =	vor.u32 s24, v6;
	v22 =	vld.idx.msk [tilespmem:v22+s2+$0x0], $0xffff;
	[tilespmem:s15+$0x90] =	vst v23  }
0x9f: {  	[tilespmem:s19+$0x0] =	vst v24;
	v23 =	vor.u32 s22, v10;
	v24 =	vld.idx.msk [tilespmem:v25+s2+$0x0], $0xffff  }
0xa0: {  	[tilespmem:s19+$0xFFFFFF00] =	vst v16;
	v16 =	vld.idx.msk [tilespmem:v26+s2+$0x0], $0xffff;
	v25 =	vor.u32 s23, v11  }
0xa1: {  	v26 =	vor.u32 s18, v2;
	v17 =	vld.idx.msk [tilespmem:v17+s2+$0x0], $0xffff;
	[tilespmem:s16+$0x50] =	vst v18  }
0xa2: {  	v18 =	vor.u32 s25, v2;
	[tilespmem:s16+$0xFFFFFF50] =	vst v19;
	v19 =	vld.idx.msk [tilespmem:v20+s2+$0x0], $0xffff  }
0xa3: {  	[tilespmem:s15+$0xFFFFFF90] =	vst v22;
	v20 =	vld.idx.msk [tilespmem:v21+s2+$0x0], $0xffff;
	v21 =	vor.u32 s17, v7  }
0xa4: {  	v22 =	vor.u32 s24, v7;
	v23 =	vld.idx.msk [tilespmem:v23+s2+$0x0], $0xffff;
	[tilespmem:s15+$0xA0] =	vst v24  }
0xa5: {  	v24 =	vor.u32 s22, v11;
	[tilespmem:s19+$0x10] =	vst v16;
	v16 =	vld.idx.msk [tilespmem:v25+s2+$0x0], $0xffff  }
0xa6: {  	[tilespmem:s19+$0xFFFFFF10] =	vst v17;
	v17 =	vld.idx.msk [tilespmem:v26+s2+$0x0], $0xffff;
	v25 =	vor.u32 s23, v12  }
0xa7: {  	v26 =	vor.u32 s18, v3;
	v18 =	vld.idx.msk [tilespmem:v18+s2+$0x0], $0xffff;
	[tilespmem:s16+$0x60] =	vst v19  }
0xa8: {  	v19 =	vor.u32 s25, v3;
	[tilespmem:s16+$0xFFFFFF60] =	vst v20;
	v20 =	vld.idx.msk [tilespmem:v21+s2+$0x0], $0xffff  }
0xa9: {  	[tilespmem:s15+$0xFFFFFFA0] =	vst v23;
	v21 =	vld.idx.msk [tilespmem:v22+s2+$0x0], $0xffff;
	v22 =	vor.u32 s17, v8  }
0xaa: {  	v23 =	vor.u32 s24, v8;
	v24 =	vld.idx.msk [tilespmem:v24+s2+$0x0], $0xffff;
	[tilespmem:s15+$0xB0] =	vst v16  }
0xab: {  	v16 =	vor.u32 s22, v12;
	[tilespmem:s19+$0x20] =	vst v17;
	v17 =	vld.idx.msk [tilespmem:v25+s2+$0x0], $0xffff  }
0xac: {  	[tilespmem:s19+$0xFFFFFF20] =	vst v18;
	v18 =	vld.idx.msk [tilespmem:v26+s2+$0x0], $0xffff;
	v25 =	vor.u32 s23, v13  }
0xad: {  	s21 =	simm.s32 $0x300;
	s26 =	simm.s32 $0x60;
	v26 =	vor.u32 s18, v4;
	v19 =	vld.idx.msk [tilespmem:v19+s2+$0x0], $0xffff;
	[tilespmem:s16+$0x70] =	vst v20  }
0xae: {  	s31 =	simm.s32 $0x70;
	s26 =	sand.u32 $0x60, s26;
	s28 =	sand.u32 $0x7C00, s21;
	v20 =	vor.u32 s25, v4;
	[tilespmem:s16+$0xFFFFFF70] =	vst v21;
	v21 =	vld.idx.msk [tilespmem:v22+s2+$0x0], $0xffff  }
0xaf: {  	s26 =	sor.u32 s26, s28;
	s20 =	sand.u32 $0x70, s31;
	[tilespmem:s15+$0xFFFFFFB0] =	vst v24;
	v22 =	vld.idx.msk [tilespmem:v23+s2+$0x0], $0xffff;
	v23 =	vor.u32 s17, v9  }
0xb0: {  	s20 =	sor.u32 s28, s20;
	v24 =	vor.u32 s26, v0;
	v16 =	vld.idx.msk [tilespmem:v16+s2+$0x0], $0xffff;
	[tilespmem:s15+$0xC0] =	vst v17  }
0xb1: {  	v17 =	vor.u32 s20, v0;
	[tilespmem:s19+$0x30] =	vst v18;
	v18 =	vld.idx.msk [tilespmem:v25+s2+$0x0], $0xffff  }
0xb2: {  	v27 =	vor.u32 s24, v9;
	[tilespmem:s19+$0xFFFFFF30] =	vst v19;
	v19 =	vld.idx.msk [tilespmem:v26+s2+$0x0], $0xffff  }
0xb3: {  	v25 =	vor.u32 s23, v14;
	v20 =	vld.idx.msk [tilespmem:v20+s2+$0x0], $0xffff;
	[tilespmem:s16+$0x80] =	vst v21  }
0xb4: {  	v26 =	vor.u32 s18, v5;
	v23 =	vld.idx.msk [tilespmem:v23+s2+$0x0], $0xffff  }
0xb5: {  	v21 =	vor.u32 s25, v5;
	[tilespmem:s16+$0xFFFFFF80] =	vst v22;
	v22 =	vld.idx.msk [tilespmem:v24+s2+$0x0], $0xffff  }
0xb6: {  	v31 =	vor.u32 s22, v13;
	[tilespmem:s15+$0xFFFFFFC0] =	vst v16;
	v17 =	vld.idx.msk [tilespmem:v17+s2+$0x0], $0xffff  }
0xb7: {  	v27 =	vld.idx.msk [tilespmem:v27+s2+$0x0], $0xffff;
	[tilespmem:s15+$0xD0] =	vst v18;
	v18 =	vor.u32 s20, v1  }
0xb8: {  	[tilespmem:s19+$0x40] =	vst v19;
	v19 =	vld.idx.msk [tilespmem:v25+s2+$0x0], $0xffff;
	v25 =	vor.u32 s26, v1  }
0xb9: {  	v24 =	vor.u32 s17, v10;
	[tilespmem:s19+$0xFFFFFF40] =	vst v20;
	v20 =	vld.idx.msk [tilespmem:v26+s2+$0x0], $0xffff  }
0xba: {  	v16 =	vld.idx.msk [tilespmem:v21+s2+$0x0], $0xffff;
	v21 =	vor.u32 s23, v15;
	s23 =	simm.s32 $0x10700;
	[tilespmem:s16+$0x90] =	vst v23  }
0xbb: {  	v49 =	vld.idx.msk [tilespmem:v31+s2+$0x0], $0xffff;
	v26 =	vor.u32 s18, v6;
	[tilespmem:s23+$0x0] =	vst v17  }
0xbc: {  	v23 =	vor.u32 s25, v6;
	[tilespmem:s23+$0xFFFFFF00] =	vst v22;
	v22 =	vld.idx.msk [tilespmem:v18+s2+$0x0], $0xffff  }
0xbd: {  	v25 =	vld.idx.msk [tilespmem:v25+s2+$0x0], $0xffff;
	[tilespmem:s15+$0xE0] =	vst v19;
	v19 =	vor.u32 s20, v2  }
0xbe: {  	v17 =	vld.idx.msk [tilespmem:v24+s2+$0x0], $0xffff;
	v24 =	vor.u32 s24, v10;
	[tilespmem:s16+$0xFFFFFF90] =	vst v27  }
0xbf: {  	v28 =	vor.u32 s17, v11;
	[tilespmem:s19+$0x50] =	vst v20;
	v21 =	vld.idx.msk [tilespmem:v21+s2+$0x0], $0xffff  }
0xc0: {  	v29 =	vor.u32 s26, v2;
	[tilespmem:s19+$0xFFFFFF50] =	vst v16;
	v26 =	vld.idx.msk [tilespmem:v26+s2+$0x0], $0xffff  }
0xc1: {  	v34 =	vor.u32 s24, v11;
	v27 =	vor.u32 s18, v7;
	v33 =	vld.idx.msk [tilespmem:v23+s2+$0x0], $0xffff;
	[tilespmem:s23+$0x10] =	vst v22  }
0xc2: {  	v47 =	vor.u32 s26, v3;
	v39 =	vor.u32 s26, v4;
	v35 =	vor.u32 s25, v7;
	[tilespmem:s23+$0xFFFFFF10] =	vst v25;
	v25 =	vld.idx.msk [tilespmem:v19+s2+$0x0], $0xffff  }
0xc3: {  	v38 =	vor.u32 s26, v5;
	v37 =	vor.u32 s26, v6;
	v46 =	vor.u32 s20, v3;
	v24 =	vld.idx.msk [tilespmem:v24+s2+$0x0], $0xffff;
	[tilespmem:s16+$0xA0] =	vst v17  }
0xc4: {  	v41 =	vor.u32 s17, v12;
	v32 =	vor.u32 s25, v8;
	v30 =	vor.u32 s25, v9;
	[tilespmem:s15+$0xFFFFFFD0] =	vst v49;
	v40 =	vld.idx.msk [tilespmem:v28+s2+$0x0], $0xffff  }
0xc5: {  	v36 =	vor.u32 s26, v7;
	v31 =	vor.u32 s26, v11;
	v49 =	vor.u32 s20, v4;
	v44 =	vld.idx.msk [tilespmem:v29+s2+$0x0], $0xffff;
	[tilespmem:s19+$0x60] =	vst v26  }
0xc6: {  	v43 =	vor.u32 s22, v14;
	v18 =	vor.u32 s22, v15;
	v20 =	vor.u32 s24, v13;
	[tilespmem:s19+$0xFFFFFF60] =	vst v33;
	v50 =	vld.idx.msk [tilespmem:v27+s2+$0x0], $0xffff  }
0xc7: {  	v16 =	vor.u32 s24, v15;
	v23 =	vor.u32 s24, v12;
	v17 =	vor.u32 s24, v14;
	v45 =	vld.idx.msk [tilespmem:v35+s2+$0x0], $0xffff;
	[tilespmem:s23+$0x20] =	vst v25  }
0xc8: {  	v28 =	vor.u32 s25, v11;
	v22 =	vor.u32 s25, v13;
	[tilespmem:s16+$0xFFFFFFA0] =	vst v24;
	v48 =	vld.idx.msk [tilespmem:v46+s2+$0x0], $0xffff;
	v46 =	vor.u32 s18, v8  }
0xc9: {  	v19 =	vor.u32 s25, v15;
	v29 =	vor.u32 s25, v10;
	v26 =	vor.u32 s25, v12;
	v42 =	vld.idx.msk [tilespmem:v34+s2+$0x0], $0xffff;
	[tilespmem:s16+$0xB0] =	vst v40  }
0xca: {  	[tilespmem:s15+$0xF0] =	vst v21;
	v21 =	vor.u32 s25, v14;
	v33 =	vor.u32 s26, v10;
	v27 =	vor.u32 s26, v13;
	v41 =	vld.idx.msk [tilespmem:v41+s2+$0x0], $0xffff  }
0xcb: {  	v43 =	vld.idx.msk [tilespmem:v43+s2+$0x0], $0xffff;
	v35 =	vor.u32 s26, v12;
	v24 =	vor.u32 s26, v14;
	[tilespmem:s23+$0xFFFFFF20] =	vst v44;
	v44 =	vor.u32 s17, v13  }
0xcc: {  	s22 =	simm.s32 $0x10700;
	s24 =	simm.s32 $0x6;
	s25 =	simm.s32 $0x80;
	v40 =	vor.u32 s26, v8;
	v34 =	vor.u32 s26, v9;
	v25 =	vor.u32 s26, v15;
	v47 =	vld.idx.msk [tilespmem:v47+s2+$0x0], $0xffff;
	[tilespmem:s19+$0x70] =	vst v50  }
.LBB2_3:
0xcd: {  	s26 =	sadd.s32 $0x10, s25;
	s24 =	sadd.s32 $0x2, s24;
	s21 =	sadd.s32 $0x100, s21;
	[tilespmem:s19+$0xFFFFFF70] =	vst v45;
	v45 =	vld.idx.msk [tilespmem:v46+s2+$0x0], $0xffff  }
0xce: {  	s28 =	sand.u32 $0x7C00, s21;
	s26 =	sand.u32 $0x70, s26;
	p0 =	slt.u32 s24, $0xFE;
	v46 =	vld.idx.msk [tilespmem:v32+s2+$0x0], $0xffff;
	[tilespmem:s16+$0xFFFFFFB0] =	vst v42;
	v32 =	vmov v40  }
0xcf: {  	s29 =	sand.u32 $0x60, s25;
	v42 =	vor.u32 s18, v9;
	s26 =	sor.u32 s28, s26;
	v50 =	vld.idx.msk [tilespmem:v23+s2+$0x0], $0xffff;
	[tilespmem:s16+$0xC0] =	vst v41;
	v23 =	vmov v26;
	v26 =	vmov v35  }
0xd0: {  	s28 =	sor.u32 s29, s28;
	v41 =	vor.u32 s26, v0;
	[tilespmem:s23+$0x30] =	vst v48;
	v44 =	vld.idx.msk [tilespmem:v44+s2+$0x0], $0xffff  }
0xd1: {  	v48 =	vor.u32 s28, v0;
	v51 =	vor.u32 s28, v1;
	v52 =	vor.u32 s28, v2;
	[tilespmem:s23+$0xFFFFFF30] =	vst v47;
	v47 =	vld.idx.msk [tilespmem:v49+s2+$0x0], $0xffff  }
0xd2: {  	v54 =	vor.u32 s17, v14;
	v49 =	vor.u32 s28, v3;
	v53 =	vld.idx.msk [tilespmem:v39+s2+$0x0], $0xffff;
	v39 =	vor.u32 s28, v4;
	[tilespmem:s15+$0xFFFFFFE0] =	vst v43  }
0xd3: {  	v56 =	vor.u32 s20, v5;
	v55 =	vor.u32 s28, v6;
	v43 =	vor.u32 s28, v5;
	[tilespmem:s19+$0x80] =	vst v45;
	v45 =	vld.idx.msk [tilespmem:v18+s2+$0x0], $0xffff;
	v18 =	vmovc v16;
	v16 =	vmovc v19  }
0xd4: {  	v57 =	vor.u32 s28, v7;
	v40 =	vor.u32 s28, v8;
	v58 =	vor.u32 s28, v9;
	v19 =	vmovc v25;
	[tilespmem:s19+$0xFFFFFF80] =	vst v46;
	v42 =	vld.idx.msk [tilespmem:v42+s2+$0x0], $0xffff  }
0xd5: {  	v59 =	vor.u32 s28, v11;
	v35 =	vor.u32 s28, v12;
	v46 =	vor.u32 s28, v10;
	v41 =	vld.idx.msk [tilespmem:v41+s2+$0x0], $0xffff;
	[tilespmem:s16+$0xFFFFFFC0] =	vst v50  }
0xd6: {  	v61 =	vor.u32 s18, v10;
	v60 =	vor.u32 s28, v14;
	v50 =	vor.u32 s28, v13;
	v48 =	vld.idx.msk [tilespmem:v48+s2+$0x0], $0xffff;
	[tilespmem:s16+$0xD0] =	vst v44  }
0xd7: {  	v25 =	vor.u32 s28, v15;
	v44 =	vor.u32 s26, v1;
	[tilespmem:s23+$0x40] =	vst v47;
	v47 =	vld.idx.msk [tilespmem:v54+s2+$0x0], $0xffff  }
0xd8: {  	[tilespmem:s23+$0xFFFFFF40] =	vst v53;
	v53 =	vld.idx.msk [tilespmem:v56+s2+$0x0], $0xffff  }
0xd9: {  	v56 =	vor.u32 s17, v15;
	s17 =	smov.u32 s18;
	s18 =	smov.u32 s20;
	s20 =	smov.u32 s26;
	v54 =	vld.idx.msk [tilespmem:v38+s2+$0x0], $0xffff;
	[tilespmem:s15+$0xFFFFFFF0] =	vst v45;
	v38 =	vmov v43  }
0xda: {  	s23 =	sadd.s32 $0x200, s23;
	v43 =	vor.u32 s18, v6;
	s15 =	smov.u32 s16;
	s16 =	smov.u32 s19;
	v45 =	vld.idx.msk [tilespmem:v30+s2+$0x0], $0xffff;
	[tilespmem:s19+$0x90] =	vst v42;
	v30 =	vmov v34;
	v34 =	vmov v58  }
0xdb: {  	s19 =	smov.u32 s22;
	s22 =	smov.u32 s23;
	[tilespmem:s23+$0x0] =	vst v41;
	v41 =	vld.idx.msk [tilespmem:v61+s2+$0x0], $0xffff  }
0xdc: {  	[tilespmem:s23+$0xFFFFFF00] =	vst v48;
	v42 =	vld.idx.msk [tilespmem:v44+s2+$0x0], $0xffff  }
0xdd: {  	v48 =	vor.u32 s17, v11;
	v44 =	vld.idx.msk [tilespmem:v51+s2+$0x0], $0xffff;
	[tilespmem:s15+$0xE0] =	vst v47  }
0xde: {  	v47 =	vor.u32 s20, v2;
	[tilespmem:s19+$0x50] =	vst v53;
	v51 =	vld.idx.msk [tilespmem:v56+s2+$0x0], $0xffff  }
0xdf: {  	[tilespmem:s19+$0xFFFFFF50] =	vst v54;
	v43 =	vld.idx.msk [tilespmem:v43+s2+$0x0], $0xffff  }
0xe0: {  	v53 =	vld.idx.msk [tilespmem:v37+s2+$0x0], $0xffff;
	[tilespmem:s16+$0xFFFFFF90] =	vst v45;
	v37 =	vmov v55  }
0xe1: {  	v45 =	vor.u32 s18, v7;
	v54 =	vld.idx.msk [tilespmem:v29+s2+$0x0], $0xffff;
	[tilespmem:s16+$0xA0] =	vst v41;
	v29 =	vmov v33;
	v33 =	vmov v46  }
0xe2: {  	[tilespmem:s23+$0x10] =	vst v42;
	v41 =	vld.idx.msk [tilespmem:v48+s2+$0x0], $0xffff  }
0xe3: {  	[tilespmem:s23+$0xFFFFFF10] =	vst v44;
	v44 =	vld.idx.msk [tilespmem:v47+s2+$0x0], $0xffff  }
0xe4: {  	v48 =	vor.u32 s17, v12;
	v47 =	vld.idx.msk [tilespmem:v52+s2+$0x0], $0xffff;
	[tilespmem:s15+$0xF0] =	vst v51  }
0xe5: {  	v51 =	vor.u32 s20, v3;
	[tilespmem:s19+$0x60] =	vst v43;
	v43 =	vld.idx.msk [tilespmem:v20+s2+$0x0], $0xffff;
	v20 =	vmovc v22;
	v22 =	vmov v27;
	v27 =	vmov v50  }
0xe6: {  	[tilespmem:s19+$0xFFFFFF60] =	vst v53;
	v50 =	vld.idx.msk [tilespmem:v45+s2+$0x0], $0xffff  }
0xe7: {  	v45 =	vld.idx.msk [tilespmem:v36+s2+$0x0], $0xffff;
	[tilespmem:s16+$0xFFFFFFA0] =	vst v54;
	v36 =	vmov v57  }
.Ltmp0:
0xe8: {  	v46 =	vor.u32 s18, v8;
	v42 =	vld.idx.msk [tilespmem:v28+s2+$0x0], $0xffff;
	[tilespmem:s16+$0xB0] =	vst v41;
	v28 =	vmov v31;
	v31 =	vmov v59;
	(pc) =	sbr.rel @p0 .LBB2_3-.Ltmp0, $4  }
0xe9: {  	[tilespmem:s23+$0x20] =	vst v44;
	v41 =	vld.idx.msk [tilespmem:v48+s2+$0x0], $0xffff  }
0xea: {  	[tilespmem:s23+$0xFFFFFF20] =	vst v47;
	v48 =	vld.idx.msk [tilespmem:v51+s2+$0x0], $0xffff  }
0xeb: {  	v44 =	vor.u32 s17, v13;
	v47 =	vld.idx.msk [tilespmem:v49+s2+$0x0], $0xffff;
	[tilespmem:s15+$0xFFFFFFD0] =	vst v43  }
0xec: {  	s25 =	sadd.s32 $0x20, s25;
	v49 =	vor.u32 s20, v4;
	[tilespmem:s19+$0x70] =	vst v50;
	v43 =	vld.idx.msk [tilespmem:v17+s2+$0x0], $0xffff;
	v17 =	vmovc v21;
	v21 =	vmov v24;
	v24 =	vmov v60  }
0xed: {  	_ =	sdelay $0x2  }
0xee: {  	[tilespmem:s23+$0x30] =	vst v48  }
0xef: {  	[tilespmem:s23+$0xFFFFFF30] =	vst v47;
	v61 =	vld.idx.msk [tilespmem:v49+s2+$0x0], $0xffff  }
0xf0: {  	v62 =	vor.u32 s20, v5;
	v39 =	vld.idx.msk [tilespmem:v39+s2+$0x0], $0xffff;
	_ =	sdelay $0x3  }
0xf1: {  	[tilespmem:s23+$0x40] =	vst v61  }
0xf2: {  	[tilespmem:s23+$0xFFFFFF40] =	vst v39;
	v50 =	vld.idx.msk [tilespmem:v62+s2+$0x0], $0xffff  }
0xf3: {  	v51 =	vor.u32 s20, v6;
	v38 =	vld.idx.msk [tilespmem:v38+s2+$0x0], $0xffff;
	_ =	sdelay $0x3  }
0xf4: {  	[tilespmem:s22+$0x50] =	vst v50  }
0xf5: {  	[tilespmem:s22+$0xFFFFFF50] =	vst v38;
	v52 =	vld.idx.msk [tilespmem:v51+s2+$0x0], $0xffff  }
0xf6: {  	v53 =	vor.u32 s20, v7;
	v37 =	vld.idx.msk [tilespmem:v37+s2+$0x0], $0xffff;
	_ =	sdelay $0x3  }
0xf7: {  	[tilespmem:s22+$0x60] =	vst v52  }
0xf8: {  	[tilespmem:s22+$0xFFFFFF60] =	vst v37;
	v54 =	vld.idx.msk [tilespmem:v53+s2+$0x0], $0xffff  }
0xf9: {  	v55 =	vor.u32 s20, v8;
	v36 =	vld.idx.msk [tilespmem:v36+s2+$0x0], $0xffff;
	_ =	sdelay $0x1  }
0xfa: {  	[tilespmem:s19+$0xFFFFFF70] =	vst v45  }
0xfb: {  	v32 =	vld.idx.msk [tilespmem:v32+s2+$0x0], $0xffff  }
0xfc: {  	v56 =	vld.idx.msk [tilespmem:v46+s2+$0x0], $0xffff;
	[tilespmem:s22+$0x70] =	vst v54  }
0xfd: {  	v57 =	vor.u32 s18, v9;
	[tilespmem:s22+$0xFFFFFF70] =	vst v36;
	v58 =	vld.idx.msk [tilespmem:v55+s2+$0x0], $0xffff  }
0xfe: {  	v60 =	vor.u32 s20, v9;
	v59 =	vld.idx.msk [tilespmem:v40+s2+$0x0], $0xffff;
	_ =	sdelay $0x1  }
0xff: {  	[tilespmem:s19+$0xFFFFFF80] =	vst v32  }
0x100: {  	[tilespmem:s19+$0x80] =	vst v56;
	v30 =	vld.idx.msk [tilespmem:v30+s2+$0x0], $0xffff  }
0x101: {  	v61 =	vld.idx.msk [tilespmem:v57+s2+$0x0], $0xffff;
	[tilespmem:s22+$0x80] =	vst v58  }
0x102: {  	v62 =	vor.u32 s18, v10;
	[tilespmem:s22+$0xFFFFFF80] =	vst v59;
	v36 =	vld.idx.msk [tilespmem:v60+s2+$0x0], $0xffff  }
0x103: {  	v45 =	vor.u32 s20, v10;
	v34 =	vld.idx.msk [tilespmem:v34+s2+$0x0], $0xffff;
	_ =	sdelay $0x1  }
0x104: {  	[tilespmem:s19+$0xFFFFFF90] =	vst v30  }
0x105: {  	[tilespmem:s19+$0x90] =	vst v61;
	v29 =	vld.idx.msk [tilespmem:v29+s2+$0x0], $0xffff  }
0x106: {  	v32 =	vld.idx.msk [tilespmem:v62+s2+$0x0], $0xffff;
	[tilespmem:s22+$0x90] =	vst v36  }
0x107: {  	v46 =	vor.u32 s18, v11;
	v36 =	vld.idx.msk [tilespmem:v45+s2+$0x0], $0xffff;
	[tilespmem:s22+$0xFFFFFF90] =	vst v34  }
0x108: {  	v47 =	vor.u32 s20, v11;
	v33 =	vld.idx.msk [tilespmem:v33+s2+$0x0], $0xffff  }
0x109: {  	[tilespmem:s16+$0xFFFFFFB0] =	vst v42  }
0x10a: {  	[tilespmem:s19+$0xFFFFFFA0] =	vst v29  }
0x10b: {  	[tilespmem:s19+$0xA0] =	vst v32;
	v28 =	vld.idx.msk [tilespmem:v28+s2+$0x0], $0xffff  }
0x10c: {  	v30 =	vld.idx.msk [tilespmem:v46+s2+$0x0], $0xffff;
	[tilespmem:s22+$0xA0] =	vst v36  }
0x10d: {  	v48 =	vor.u32 s18, v12;
	v49 =	vld.idx.msk [tilespmem:v47+s2+$0x0], $0xffff;
	[tilespmem:s22+$0xFFFFFFA0] =	vst v33  }
0x10e: {  	[tilespmem:s16+$0xC0] =	vst v41;
	v50 =	vor.u32 s20, v12;
	v31 =	vld.idx.msk [tilespmem:v31+s2+$0x0], $0xffff  }
0x10f: {  	v23 =	vld.idx.msk [tilespmem:v23+s2+$0x0], $0xffff;
	[tilespmem:s15+$0xFFFFFFE0] =	vst v43  }
0x110: {  	v18 =	vld.idx.msk [tilespmem:v18+s2+$0x0], $0xffff;
	[tilespmem:s19+$0xFFFFFFB0] =	vst v28  }
0x111: {  	[tilespmem:s19+$0xB0] =	vst v30;
	v26 =	vld.idx.msk [tilespmem:v26+s2+$0x0], $0xffff  }
0x112: {  	v29 =	vld.idx.msk [tilespmem:v48+s2+$0x0], $0xffff;
	[tilespmem:s22+$0xB0] =	vst v49  }
0x113: {  	v52 =	vor.u32 s18, v13;
	v53 =	vld.idx.msk [tilespmem:v50+s2+$0x0], $0xffff;
	[tilespmem:s22+$0xFFFFFFB0] =	vst v31  }
0x114: {  	[tilespmem:s16+$0xFFFFFFC0] =	vst v23;
	v54 =	vor.u32 s20, v13;
	v31 =	vld.idx.msk [tilespmem:v35+s2+$0x0], $0xffff  }
0x115: {  	v20 =	vld.idx.msk [tilespmem:v20+s2+$0x0], $0xffff;
	[tilespmem:s15+$0xFFFFFFF0] =	vst v18  }
0x116: {  	v51 =	vld.idx.msk [tilespmem:v44+s2+$0x0], $0xffff;
	[tilespmem:s19+$0xFFFFFFC0] =	vst v26  }
0x117: {  	v55 =	vor.u32 s17, v14;
	[tilespmem:s19+$0xC0] =	vst v29;
	v22 =	vld.idx.msk [tilespmem:v22+s2+$0x0], $0xffff  }
0x118: {  	v28 =	vld.idx.msk [tilespmem:v52+s2+$0x0], $0xffff;
	[tilespmem:s22+$0xC0] =	vst v53  }
0x119: {  	v56 =	vor.u32 s18, v14;
	v23 =	vld.idx.msk [tilespmem:v54+s2+$0x0], $0xffff;
	[tilespmem:s22+$0xFFFFFFC0] =	vst v31  }
0x11a: {  	v57 =	vor.u32 s20, v14;
	[tilespmem:s16+$0xFFFFFFD0] =	vst v20;
	v27 =	vld.idx.msk [tilespmem:v27+s2+$0x0], $0xffff  }
0x11b: {  	v17 =	vld.idx.msk [tilespmem:v17+s2+$0x0], $0xffff;
	[tilespmem:s16+$0xD0] =	vst v51  }
0x11c: {  	v58 =	vld.idx.msk [tilespmem:v55+s2+$0x0], $0xffff;
	[tilespmem:s19+$0xFFFFFFD0] =	vst v22  }
0x11d: {  	v59 =	vor.u32 s17, v15;
	[tilespmem:s19+$0xD0] =	vst v28;
	v21 =	vld.idx.msk [tilespmem:v21+s2+$0x0], $0xffff  }
0x11e: {  	v26 =	vld.idx.msk [tilespmem:v56+s2+$0x0], $0xffff;
	[tilespmem:s22+$0xD0] =	vst v23  }
0x11f: {  	v60 =	vor.u32 s18, v15;
	v18 =	vld.idx.msk [tilespmem:v57+s2+$0x0], $0xffff;
	[tilespmem:s22+$0xFFFFFFD0] =	vst v27  }
0x120: {  	v61 =	vor.u32 s20, v15;
	[tilespmem:s16+$0xFFFFFFE0] =	vst v17;
	v24 =	vld.idx.msk [tilespmem:v24+s2+$0x0], $0xffff  }
0x121: {  	v16 =	vld.idx.msk [tilespmem:v16+s2+$0x0], $0xffff;
	[tilespmem:s16+$0xE0] =	vst v58  }
0x122: {  	v20 =	vld.idx.msk [tilespmem:v59+s2+$0x0], $0xffff;
	[tilespmem:s19+$0xFFFFFFE0] =	vst v21  }
0x123: {  	[tilespmem:s19+$0xE0] =	vst v26;
	v19 =	vld.idx.msk [tilespmem:v19+s2+$0x0], $0xffff  }
0x124: {  	v17 =	vld.idx.msk [tilespmem:v60+s2+$0x0], $0xffff;
	[tilespmem:s22+$0xE0] =	vst v18  }
0x125: {  	v18 =	vld.idx.msk [tilespmem:v61+s2+$0x0], $0xffff;
	[tilespmem:s22+$0xFFFFFFE0] =	vst v24  }
0x126: {  	[tilespmem:s16+$0xFFFFFFF0] =	vst v16;
	v62 =	vld.idx.msk [tilespmem:v25+s2+$0x0], $0xffff  }
0x127: {  	[tilespmem:s16+$0xF0] =	vst v20  }
0x128: {  	s31 =	sshll.u32 s14, $0x10;
	[tilespmem:s19+$0xFFFFFFF0] =	vst v19  }
0x129: {  	s14 =	sadd.s32 $0x1, s14;
	s15 =	sadd.s32 s8, s31;
	[tilespmem:s19+$0xF0] =	vst v17  }
0x12a: {  	p0 =	sne.s32 s14, $0x4;
	s15 =	sshrl.u32 s15, $0x3;
	[tilespmem:s22+$0xF0] =	vst v18  }
.Ltmp1:
0x12b: {  	s15 =	sadd.s32 s1, s15;
	[tilespmem:s22+$0xFFFFFFF0] =	vst v62;
	(pc) =	sbr.rel @p0 .LBB2_2-.Ltmp1, $4  }
0x12c: {  	[hbm4b:s15+s2] =	stream.linear.scatter [tilespmem:s12], [sflag:$0x1], $0x10000, $0x38;
	v63 =	vld [tilespmem:$0x0]  }
0x12d: {  	_ =	swait.ge [sflag:s10], $0x10000  }
0x12e: {  	[sflag:s10] =	ssyncset.done $0x0  }
0x12f: {  	[sflag:s10] =	ssyncadd.s32 $0xFFFF0000  }
0x130: {  	s13 =	sadd.s32 $0x1, s13  }
0x131: {  	p0 =	sne.s32 s13, s9  }
.Ltmp2:
0x132: {  	_ = 	snop;
	(pc) =	sbr.rel @p0 .LBB2_1-.Ltmp2, $1  }
0x133: {  	_ =	sdelay $0x3  }
0x134: {  	_ =	sfence.sel $0x180000  }
0x135: {  	[bflag:$0x0] =	sbarrier.arrive $0xFFFF  }
0x136: {  	p0 =	sne.s32 s3, $0x0;
	_ =	strace $0x9000004D  }
0x137: {  	s0 =	sadd.s32 @!p0 $0x100000, s0;
	[bflag:$0x2] =	sbarrier.arrive $0xFFFF  }
0x138: {  	[sflag:s0] =	ssyncadd.tile.s32 @!p0 $0x1;
	_ =	shalt  }
.Lfunc_end2:
_tile_overlayer_lowered:
.L_overlay_start_2:
0x139: {  	(tag) =	ssettag $0x2  }
0x13a: {  	s0 =	rddreg [dreg:$0x0];
	s2 =	stileid.u32  }
0x13b: {  	s1 =	rddreg [dreg:$0x1];
	p0 =	sne.s32 s2, $0x0  }
0x13c: {  	s3 =	rddreg [dreg:$0x2];
	[bflag:$0x3] =	sbarrier.arrive $0xFFFF;
	s2 =	simm.s32 @!p0 $0x1C01  }
0x13d: {  	[timem:s3], [sflag:s2] =	dma.local @!p0 [hbm:s0], s1  }
0x13e: {  	s0 =	simm.s32 @!p0 $0x1  }
0x13f: {  	_ =	swait.ge @!p0 [sflag:s0], s1  }
0x140: {  	s1 =	ssub.s32 @!p0 $0x0, s1;
	[sflag:s0] =	ssyncset.done @!p0 $0x0  }
0x141: {  	[sflag:s0] =	ssyncadd.s32 @!p0 s1  }
0x142: {  	[bflag:$0x3] =	sbarrier.arrive $0xFFFF  }
0x143: {  	_ =	shalt  }

// kernel: sparse-core-data-format-call.1.cloned.1.call-start
scs
called_computation.1_lowered:
.L_overlay_start_0:
0x0: {  	s2 =	sld [smem:$0x3FD9]  }
0x1: {  	s3 =	sld [smem:$0x3FFE];
	_ =	sdelay $0x1  }
0x2: {  	s1 =	srdreg.scid  }
0x3: {  	s0 =	sand.u32 $0x1, s1  }
0x4: {  	s19 =	sshll.u32 s0, $0xA;
	s2 =	sadd.s32 s3, s2  }
0x5: {  	s2 =	sadd.s32 s2, s19  }
0x6: {  	[smem:$0x3FC3] =	sst s2  }
0x7: {  	_ = 	snop  }
0x8: {  	s2 =	sld [smem:$0x3FC7]  }
0x9: {  	s20 =	sld [smem:$0x3FD0];
	(tm) =	ssettm $0x1  }
0xa: {  	s4 =	sld [smem:$0x3FFB];
	_ =	sdelay $0x3  }
0xb: {  	_ =	strace s4  }
0xc: {  	s4 =	sld [smem:$0x3FFC];
	_ =	sdelay $0x3  }
0xd: {  	_ =	strace s4  }
0xe: {  	s4 =	sld [smem:$0x3FFD];
	_ =	sdelay $0x3  }
0xf: {  	_ =	strace s4  }
0x10: {  	_ =	strace $0x8FFFFFFF  }
0x11: {  	s21 =	sld [smem:$0x3FDB];
	_ =	sdelay $0x1  }
0x12: {  	s5 =	simm.s32 $_scs_section_size  }
0x13: {  	s6 =	simm.s32 $_size__tile_overlayer_lowered;
	s7 =	simm.s32 $_tile_overlayer_lowered  }
0x14: {  	s24 =	simm.s32 $0x1BFF;
	s23 =	sshll.u32 s7, $0x1;
	s4 =	sadd.s32 s5, s21  }
0x15: {  	s8 =	simm.s32 $0x0;
	s22 =	sshll.u32 s6, $0x1;
	s6 =	sadd.s32 s23, s4  }
0x16: {  	[timem:s8], [sflag:s24] =	dma.local [hbm:s6], s22  }
0x17: {  	_ =	swait.ge [sflag:s24], s22  }
0x18: {  	s5 =	ssub.s32 $0x0, s22;
	[sflag:s24] =	ssyncset.done $0x0  }
0x19: {  	[sflag:s24] =	ssyncadd.s32 s5;
	_ =	sdelay $0x1  }
0x1a: {  	s25 =	simm.s32 $0x1B8B  }
0x1b: {  	_ =	swait.ge [sflag:s25], $0x1  }
0x1c: {  	[sflag:s25] =	ssyncset.done $0x0  }
0x1d: {  	s26 =	simm.s32 $0x1B8E;
	[sflag:s25] =	ssyncadd.s32 $0xFFFFFFFF  }
0x1e: {  	s27 =	simm.s32 $execute0_lowered;
	[smem:$0x3FD2] =	sst s26  }
0x1f: {  	s5 =	sshll.u32 s27, $0x1;
	_ =	strace $0x80000046;
	[dreg:$0x1] =	wrdreg $0xFFFFFFFF  }
0x20: {  	s28 =	simm.s32 $_size_execute0_lowered;
	s4 =	sadd.s32 s4, s5;
	[dreg:$0x0] =	wrdreg $0x0  }
0x21: {  	s5 =	sshll.u32 s28, $0x1;
	[dreg:$0x2] =	wrdreg s4  }
0x22: {  	[dreg:$0x3] =	wrdreg s5  }
0x23: {  	[dreg:$0x4] =	wrdreg $0xC0  }
0x24: {  	_ =	task [dreg:s8], $0x5FFFF  }
0x25: {  	[dreg:$0x1] =	wrdreg $0xFFFFFFFF  }
0x26: {  	[dreg:$0x0] =	wrdreg $0x60  }
0x27: {  	[dreg:$0x2] =	wrdreg s2  }
0x28: {  	[dreg:$0x3] =	wrdreg s20  }
0x29: {  	[dreg:$0x4] =	wrdreg $0x9  }
0x2a: {  	_ =	task.clear_ibuf [dreg:s8], $0x5FFFF;
	_ =	strace $0x90000046  }
0x2b: {  	s29 =	simm.s32 $0x9;
	_ =	strace $0x80000048  }
0x2c: {  	_ =	swait.ge [sflag:s29], $0x1  }
0x2d: {  	[sflag:s29] =	ssyncadd.s32 $0xFFFFFFFF  }
0x2e: {  	_ =	strace $0x90000048  }
0x2f: {  	_ =	sfence  }
0x30: {  	s30 =	sld [smem:$0x0];
	_ =	sdelay $0x2  }
0x31: {  	s31 =	sshll.u32 s1, $0xD;
	s1 =	sshrl.u32 s1, $0x2  }
0x32: {  	s3 =	sand.u32 $0x4000, s31;
	s1 =	sadd.s32 s1, s30  }
0x33: {  	s0 =	sor.u32 s3, s0;
	s1 =	sshll.u32 s1, $0x11  }
0x34: {  	s0 =	sor.u32 s1, s0  }
0x35: {  	s0 =	sadd.s32 $0x8F2B, s0  }
0x36: {  	[sflag:s0] =	ssyncadd.remote.s32 $0x1  }
0x37: {  	_ =	sfence.sel $0xFFFF  }
0x38: {  	[dreg:$0x0] =	wrdreg $0xFFFFFFFF;
	(pc) =	sbr.abs _section_cstart, $3  }
0x39: {  	[dreg:$0x1] =	wrdreg $0xFFFFFFFF  }
0x3a: {  	_ =	task.clear_ibuf [dreg:s8], $0x2FFFF;
	_ =	strace $0x9FFFFFFF  }
0x3b: {  	(tm) =	ssettm $0x7FFFFFFF  }
tec
execute0_lowered:
.L_overlay_start_1:
0x0: {  	(tag) =	ssettag $0x1  }
0x1: {  	s1 =	srdreg.scid  }
0x2: {  	s0 =	stileid.u32;
	s4 =	rddreg [dreg:$0x0]  }
0x3: {  	s5 =	rddreg [dreg:$0x1];
	s31 =	simm.s32 $0x2;
	s17 =	simm.s32 $0x0  }
0x4: {  	s10 =	simm.s32 $0x80;
	s11 =	simm.s32 $0x400;
	s12 =	simm.s32 $0x0  }
0x5: {  	s18 =	simm.s32 $0x0;
	s19 =	simm.s32 $0x0;
	s2 =	sshll.u32 s1, $0x4  }
0x6: {  	s16 =	simm.s32 $0x0;
	s1 =	sshrl.u32 s0, $0x3;
	s3 =	sand.u32 $0x10, s2  }
0x7: {  	s30 =	ssub.s32 $0x2, s1;
	s2 =	rddreg [dreg:$0x2];
	s6 =	ssub.s32 $0x200, s3  }
0x8: {  	s7 =	sshrl.u32 s30, $0x1;
	s9 =	sand.u32 $0x1, s30;
	s8 =	sshrl.u32 s6, $0x4  }
.Ltmp0:
0x9: {  	s6 =	sshrl.u32 s6, $0x5;
	s8 =	sand.u32 $0x1, s8;
	(pc) =	sbr.rel .LBB1_1-.Ltmp0, $4  }
0xa: {  	_ =	strace $0x80000047;
	s7 =	sadd.s32 s9, s7;
	s8 =	sadd.s32 s6, s8  }
0xb: {  	s14 =	smov.u32 s1;
	s6 =	simm.s32 $0x1;
	s7 =	smul.u32 s7, s8  }
0xc: {  	s13 =	smov.u32 s3;
	s8 =	sand.u32 $0x7, s0;
	[sflag:s6] =	ssyncpa.u1 $0x0  }
0xd: {  	[sflag:s31] =	ssyncpa.u1 $0x0;
	s15 =	smov.u32 s8;
	s9 =	sadd.s32 $0x1, s7  }
.LBB1_7:
0xe: {  	s20 =	sadd.s32 $0x20, s13  }
0xf: {  	s17 =	sadd.s32 $0x2, s14;
	s21 =	smov.u32 s14;
	p1 =	sgt.s32 s20, $0x1FF  }
0x10: {  	s21 =	smov.u32 @p1 s17  }
0x11: {  	s23 =	smov.u32 s15;
	s17 =	sadd.s32 $0x8, s15;
	p2 =	sgt.s32 s21, $0x1  }
0x12: {  	s23 =	smov.u32 @p2 s17  }
0x13: {  	s20 =	smov.u32 @p1 s3;
	p1 =	sgt.s32 s23, $0x7  }
0x14: {  	p0 =	slt.u32 s16, $0x2;
	s23 =	smov.u32 @p1 s8;
	p1 =	sne.s32 s16, s9  }
.Ltmp1:
0x15: {  	s22 =	simm.s32 @!p0 $0x2;
	(pc) =	sbr.rel @!p1 .LBB1_8-.Ltmp1, $4  }
0x16: {  	s18 =	smov.u32 s14;
	s19 =	smov.u32 s15;
	_ =	swait.ge @!p0 [sflag:s22], $0x4000  }
0x17: {  	s12 =	sadd.s32 $0x4000, s12;
	[sflag:s22] =	ssyncset.done @!p0 $0x0;
	s21 =	smov.u32 @p2 s1  }
0x18: {  	s17 =	smov.u32 s13;
	[sflag:s22] =	ssyncadd.s32 @!p0 $0xFFFFC000;
	s13 =	smov.u32 s20  }
0x19: {  	s14 =	smov.u32 s21;
	s16 =	sadd.s32 $0x1, s16;
	s15 =	smov.u32 s23  }
.LBB1_1:
0x1a: {  	p0 =	sge.u32 s16, s7  }
0x1b: {  	s31 =	sadd.s32 $0xFFFFFFFF, s16;
	s20 =	sshll.u32 @!p0 s15, $0x11  }
0x1c: {  	s21 =	sxor.u32 @!p0 $0xFFFFFFFF, s16;
	s22 =	sshll.u32 @!p0 s14, $0x10;
	s20 =	sadd.s32 @!p0 s4, s20  }
0x1d: {  	s23 =	sshll.u32 @!p0 s13, $0x7;
	s21 =	sshll.u32 @!p0 s21, $0xE;
	s20 =	sadd.s32 @!p0 s22, s20  }
0x1e: {  	s21 =	sand.u32 @!p0 $0x4000, s21;
	s22 =	simm.s32 @!p0 $0x0;
	s20 =	sadd.s32 @!p0 s23, s20  }
0x1f: {  	[tilespmem:s21], [sflag:$0x1] =	stream.linear.gather @!p0 [hbm4b:s20+s22], $0x4000, $0x38;
	[tilespmem:$0x10000] =	vst v63  }
0x20: {  	p0 =	sge.u32 s31, s7  }
.Ltmp2:
0x21: {  	_ = 	snop;
	(pc) =	sbr.rel @p0 .LBB1_7-.Ltmp2, $1  }
0x22: {  	_ =	sdelay $0x3  }
0x23: {  	s20 =	sand.u32 $0x4000, s12  }
0x24: {  	_ =	swait.ge [sflag:s6], $0x4000;
	s23 =	sshll.u32 s16, $0xE;
	s21 =	sor.u32 $0x70, s20  }
0x25: {  	s22 =	sor.u32 $0x8040, s20;
	[sflag:s6] =	ssyncset.done $0x0;
	s31 =	sand.u32 $0x4000, s23  }
0x26: {  	s23 =	simm.s32 $0x0;
	[sflag:s6] =	ssyncadd.s32 $0xFFFFC000;
	s20 =	sor.u32 $0x8000, s31  }
.LBB1_3:
0x27: {  	v1 =	vmov s21;
	_ =	sdelay $0x3  }
0x28: {  	s24 =	simm.s32 $0x0  }
0x29: {  	v7 =	vld.idx.msk [tilespmem:v1+s24+$0x0 ss:$0x1], $0xffff  }
0x2a: {  	v0 =	vmov s22;
	v8 =	vld.idx.msk [tilespmem:v1+s24+$0xFFFFFF90 ss:$0x1], $0xffff  }
0x2b: {  	v6 =	vld.idx.msk [tilespmem:v1+s24+$0xFFFFFFA0 ss:$0x1], $0xffff  }
0x2c: {  	v5 =	vld.idx.msk [tilespmem:v1+s24+$0xFFFFFFB0 ss:$0x1], $0xffff  }
0x2d: {  	v4 =	vld.idx.msk [tilespmem:v1+s24+$0xFFFFFFC0 ss:$0x1], $0xffff  }
0x2e: {  	v2 =	vld.idx.msk [tilespmem:v1+s24+$0xFFFFFFD0 ss:$0x1], $0xffff  }
0x2f: {  	v3 =	vld.idx.msk [tilespmem:v1+s24+$0xFFFFFFE0 ss:$0x1], $0xffff;
	[tilespmem:v0+s24+$0x30 ss:$0x1] =	vst.idx.msk $0xffff, v7  }
0x30: {  	s25 =	simm.s32 $0x80;
	s26 =	simm.s32 $0x400;
	[tilespmem:v0+s24+$0xFFFFFFC0 ss:$0x1] =	vst.idx.msk $0xffff, v8;
	v7 =	vld.idx.msk [tilespmem:v1+s24+$0xFFFFFFF0 ss:$0x1], $0xffff  }
.LBB1_4:
0x31: {  	p0 =	sne.s32 s26, $0xE00;
	v8 =	vld.idx.msk [tilespmem:v1+s25+$0x0 ss:$0x1], $0xffff;
	[tilespmem:v0+s24+$0xFFFFFFD0 ss:$0x1] =	vst.idx.msk $0xffff, v6  }
0x32: {  	v9 =	vld.idx.msk [tilespmem:v1+s25+$0xFFFFFF90 ss:$0x1], $0xffff;
	[tilespmem:v0+s24+$0xFFFFFFE0 ss:$0x1] =	vst.idx.msk $0xffff, v5  }
0x33: {  	v6 =	vld.idx.msk [tilespmem:v1+s25+$0xFFFFFFA0 ss:$0x1], $0xffff;
	[tilespmem:v0+s24+$0xFFFFFFF0 ss:$0x1] =	vst.idx.msk $0xffff, v4  }
.Ltmp3:
0x34: {  	v5 =	vld.idx.msk [tilespmem:v1+s25+$0xFFFFFFB0 ss:$0x1], $0xffff;
	[tilespmem:v0+s24+$0x0 ss:$0x1] =	vst.idx.msk $0xffff, v2;
	(pc) =	sbr.rel @p0 .LBB1_4-.Ltmp3, $4  }
0x35: {  	v4 =	vld.idx.msk [tilespmem:v1+s25+$0xFFFFFFC0 ss:$0x1], $0xffff;
	[tilespmem:v0+s24+$0x10 ss:$0x1] =	vst.idx.msk $0xffff, v3  }
0x36: {  	v2 =	vld.idx.msk [tilespmem:v1+s25+$0xFFFFFFD0 ss:$0x1], $0xffff;
	[tilespmem:v0+s24+$0x20 ss:$0x1] =	vst.idx.msk $0xffff, v7;
	s24 =	smov.u32 s25  }
0x37: {  	v3 =	vld.idx.msk [tilespmem:v1+s24+$0xFFFFFFE0 ss:$0x1], $0xffff;
	[tilespmem:v0+s24+$0x30 ss:$0x1] =	vst.idx.msk $0xffff, v8  }
0x38: {  	s25 =	sshra.s32 s26, $0x2;
	s26 =	sadd.s32 $0x200, s26;
	[tilespmem:v0+s24+$0xFFFFFFC0 ss:$0x1] =	vst.idx.msk $0xffff, v9;
	v7 =	vld.idx.msk [tilespmem:v1+s24+$0xFFFFFFF0 ss:$0x1], $0xffff  }
0x39: {  	_ =	sdelay $0x3  }
0x3a: {  	[tilespmem:v0+s24+$0xFFFFFFD0 ss:$0x1] =	vst.idx.msk $0xffff, v6  }
0x3b: {  	v56 =	vld.idx.msk [tilespmem:v1+s25+$0x0 ss:$0x1], $0xffff;
	[tilespmem:v0+s24+$0xFFFFFFE0 ss:$0x1] =	vst.idx.msk $0xffff, v5  }
0x3c: {  	v57 =	vld.idx.msk [tilespmem:v1+s25+$0xFFFFFF90 ss:$0x1], $0xffff;
	[tilespmem:v0+s24+$0xFFFFFFF0 ss:$0x1] =	vst.idx.msk $0xffff, v4  }
0x3d: {  	v58 =	vld.idx.msk [tilespmem:v1+s25+$0xFFFFFFA0 ss:$0x1], $0xffff;
	[tilespmem:v0+s24+$0x0 ss:$0x1] =	vst.idx.msk $0xffff, v2  }
0x3e: {  	v59 =	vld.idx.msk [tilespmem:v1+s25+$0xFFFFFFB0 ss:$0x1], $0xffff;
	[tilespmem:v0+s24+$0x10 ss:$0x1] =	vst.idx.msk $0xffff, v3  }
0x3f: {  	v60 =	vld.idx.msk [tilespmem:v1+s25+$0xFFFFFFC0 ss:$0x1], $0xffff;
	[tilespmem:v0+s24+$0x20 ss:$0x1] =	vst.idx.msk $0xffff, v7  }
0x40: {  	v61 =	vld.idx.msk [tilespmem:v1+s25+$0xFFFFFFD0 ss:$0x1], $0xffff;
	[tilespmem:v0+s25+$0x30 ss:$0x1] =	vst.idx.msk $0xffff, v56  }
0x41: {  	v62 =	vld.idx.msk [tilespmem:v1+s25+$0xFFFFFFE0 ss:$0x1], $0xffff;
	s23 =	sadd.s32 $0x1, s23;
	[tilespmem:v0+s25+$0xFFFFFFC0 ss:$0x1] =	vst.idx.msk $0xffff, v57  }
0x42: {  	v63 =	vld.idx.msk [tilespmem:v1+s25+$0xFFFFFFF0 ss:$0x1], $0xffff;
	p0 =	sne.s32 s23, $0x10;
	[tilespmem:v0+s25+$0xFFFFFFD0 ss:$0x1] =	vst.idx.msk $0xffff, v58  }
.Ltmp4:
0x43: {  	[tilespmem:v0+s25+$0xFFFFFFE0 ss:$0x1] =	vst.idx.msk $0xffff, v59;
	(pc) =	sbr.rel @p0 .LBB1_3-.Ltmp4, $4  }
0x44: {  	[tilespmem:v0+s25+$0xFFFFFFF0 ss:$0x1] =	vst.idx.msk $0xffff, v60  }
0x45: {  	[tilespmem:v0+s25+$0x0 ss:$0x1] =	vst.idx.msk $0xffff, v61  }
0x46: {  	[tilespmem:v0+s25+$0x10 ss:$0x1] =	vst.idx.msk $0xffff, v62  }
0x47: {  	s21 =	sadd.s32 $0x400, s21;
	s22 =	sadd.s32 $0x400, s22;
	[tilespmem:v0+s25+$0x20 ss:$0x1] =	vst.idx.msk $0xffff, v63  }
.Ltmp5:
0x48: {  	s18 =	sshll.u32 s18, $0x13;
	s19 =	sshll.u32 s19, $0x4;
	(pc) =	sbr.rel .LBB1_7-.Ltmp5, $4  }
0x49: {  	s19 =	sand.u32 $0x70, s19;
	s18 =	sadd.s32 s5, s18  }
0x4a: {  	s17 =	sshll.u32 s17, $0xA;
	s18 =	sadd.s32 s19, s18  }
0x4b: {  	s17 =	sadd.s32 s17, s18  }
0x4c: {  	[hbm4b:s17+s10] =	stream.strided.scatter [tilespmem:s20], [sflag:$0x2], $0x4000, s11, s10, $0x38;
	[tilespmem:$0x10000] =	vst v63  }
.LBB1_8:
0x4d: {  	_ =	sfence.sel $0x180000  }
0x4e: {  	s1 =	simm.s32 $0x1;
	[bflag:$0x0] =	sbarrier.arrive $0xFFFF  }
0x4f: {  	s31 =	simm.s32 $0x2;
	[sflag:s1] =	ssyncpa.u1 $0x1  }
0x50: {  	[sflag:s31] =	ssyncpa.u1 $0x1  }
0x51: {  	p0 =	sne.s32 s0, $0x0;
	_ =	strace $0x90000047  }
0x52: {  	s0 =	sadd.s32 @!p0 $0x100000, s2;
	[bflag:$0x2] =	sbarrier.arrive $0xFFFF  }
0x53: {  	[sflag:s0] =	ssyncadd.tile.s32 @!p0 $0x1;
	_ =	shalt  }
.Lfunc_end1:
_tile_overlayer_lowered:
.L_overlay_start_2:
0x54: {  	(tag) =	ssettag $0x2  }
0x55: {  	s0 =	rddreg [dreg:$0x0];
	s2 =	stileid.u32  }
0x56: {  	s1 =	rddreg [dreg:$0x1];
	p0 =	sne.s32 s2, $0x0  }
0x57: {  	s3 =	rddreg [dreg:$0x2];
	[bflag:$0x3] =	sbarrier.arrive $0xFFFF;
	s2 =	simm.s32 @!p0 $0x1C01  }
0x58: {  	[timem:s3], [sflag:s2] =	dma.local @!p0 [hbm:s0], s1  }
0x59: {  	s0 =	simm.s32 @!p0 $0x1  }
0x5a: {  	_ =	swait.ge @!p0 [sflag:s0], s1  }
0x5b: {  	s1 =	ssub.s32 @!p0 $0x0, s1;
	[sflag:s0] =	ssyncset.done @!p0 $0x0  }
0x5c: {  	[sflag:s0] =	ssyncadd.s32 @!p0 s1  }
0x5d: {  	[bflag:$0x3] =	sbarrier.arrive $0xFFFF  }
0x5e: {  	_ =	shalt  }

// kernel: sparse-core-data-format-call.cloned.1.call-start
scs
called_computation_lowered:
.L_overlay_start_0:
0x0: {  	s2 =	sld [smem:$0x3FD9]  }
0x1: {  	s3 =	sld [smem:$0x3FFE];
	_ =	sdelay $0x1  }
0x2: {  	s1 =	srdreg.scid  }
0x3: {  	s0 =	sand.u32 $0x1, s1  }
0x4: {  	s18 =	sshll.u32 s0, $0xA;
	s2 =	sadd.s32 s3, s2  }
0x5: {  	s2 =	sadd.s32 s2, s18  }
0x6: {  	[smem:$0x3FC3] =	sst s2  }
0x7: {  	_ = 	snop  }
0x8: {  	s2 =	sld [smem:$0x3FD0];
	(tm) =	ssettm $0x1  }
0x9: {  	s19 =	sld [smem:$0x3FFB];
	_ =	sdelay $0x3  }
0xa: {  	_ =	strace s19  }
0xb: {  	s3 =	sld [smem:$0x3FFC];
	_ =	sdelay $0x3  }
0xc: {  	_ =	strace s3  }
0xd: {  	s3 =	sld [smem:$0x3FFD];
	_ =	sdelay $0x3  }
0xe: {  	_ =	strace s3  }
0xf: {  	_ =	strace $0x8FFFFFFF  }
0x10: {  	s20 =	sld [smem:$0x3FDB];
	_ =	sdelay $0x1  }
0x11: {  	s4 =	simm.s32 $_scs_section_size  }
0x12: {  	s5 =	simm.s32 $_size__tile_overlayer_lowered;
	s6 =	simm.s32 $_tile_overlayer_lowered  }
0x13: {  	s23 =	simm.s32 $0x1BFF;
	s22 =	sshll.u32 s6, $0x1;
	s3 =	sadd.s32 s4, s20  }
0x14: {  	s7 =	simm.s32 $0x0;
	s21 =	sshll.u32 s5, $0x1;
	s5 =	sadd.s32 s22, s3  }
0x15: {  	[timem:s7], [sflag:s23] =	dma.local [hbm:s5], s21  }
0x16: {  	_ =	swait.ge [sflag:s23], s21  }
0x17: {  	s4 =	ssub.s32 $0x0, s21;
	[sflag:s23] =	ssyncset.done $0x0  }
0x18: {  	[sflag:s23] =	ssyncadd.s32 s4;
	_ =	sdelay $0x1  }
0x19: {  	s24 =	simm.s32 $0x1B8B  }
0x1a: {  	_ =	swait.ge [sflag:s24], $0x1  }
0x1b: {  	[sflag:s24] =	ssyncset.done $0x0  }
0x1c: {  	s26 =	simm.s32 $0x1B8E;
	s25 =	sld [smem:$0x3FFE];
	[sflag:s24] =	ssyncadd.s32 $0xFFFFFFFF  }
0x1d: {  	s27 =	simm.s32 $execute0_lowered;
	[smem:$0x3FD2] =	sst s26  }
0x1e: {  	s5 =	sshll.u32 s27, $0x1;
	_ =	strace $0x80000049;
	[dreg:$0x1] =	wrdreg $0xFFFFFFFF  }
0x1f: {  	s28 =	simm.s32 $_size_execute0_lowered;
	s3 =	sadd.s32 s3, s5;
	[dreg:$0x0] =	wrdreg $0x0  }
0x20: {  	s5 =	sshll.u32 s28, $0x1;
	[dreg:$0x2] =	wrdreg s3  }
0x21: {  	[dreg:$0x3] =	wrdreg s5  }
0x22: {  	[dreg:$0x4] =	wrdreg $0xC0  }
0x23: {  	_ =	task [dreg:s7], $0x5FFFF  }
0x24: {  	[dreg:$0x1] =	wrdreg $0xFFFFFFFF  }
0x25: {  	[dreg:$0x0] =	wrdreg $0x60  }
0x26: {  	[dreg:$0x2] =	wrdreg s2  }
0x27: {  	[dreg:$0x3] =	wrdreg s25  }
0x28: {  	[dreg:$0x4] =	wrdreg $0x9  }
0x29: {  	_ =	task.clear_ibuf [dreg:s7], $0x5FFFF;
	_ =	strace $0x90000049  }
0x2a: {  	s29 =	simm.s32 $0x9;
	_ =	strace $0x8000004B  }
0x2b: {  	_ =	swait.ge [sflag:s29], $0x1  }
0x2c: {  	[sflag:s29] =	ssyncadd.s32 $0xFFFFFFFF  }
0x2d: {  	_ =	strace $0x9000004B  }
0x2e: {  	_ =	sfence  }
0x2f: {  	s30 =	sld [smem:$0x0];
	_ =	sdelay $0x2  }
0x30: {  	s31 =	sshll.u32 s1, $0xD;
	s1 =	sshrl.u32 s1, $0x2  }
0x31: {  	s3 =	sand.u32 $0x4000, s31;
	s1 =	sadd.s32 s1, s30  }
0x32: {  	s0 =	sor.u32 s3, s0;
	s1 =	sshll.u32 s1, $0x11  }
0x33: {  	s0 =	sor.u32 s1, s0  }
0x34: {  	s0 =	sadd.s32 $0x8F2B, s0  }
0x35: {  	[sflag:s0] =	ssyncadd.remote.s32 $0x1  }
0x36: {  	_ =	sfence.sel $0xFFFF  }
0x37: {  	[dreg:$0x0] =	wrdreg $0xFFFFFFFF;
	(pc) =	sbr.abs _section_cstart, $3  }
0x38: {  	[dreg:$0x1] =	wrdreg $0xFFFFFFFF  }
0x39: {  	_ =	task.clear_ibuf [dreg:s7], $0x2FFFF;
	_ =	strace $0x9FFFFFFF  }
0x3a: {  	(tm) =	ssettm $0x7FFFFFFF  }
0x3b: {  	_ =	shalt  }
tec
execute0_lowered:
.L_overlay_start_1:
0x0: {  	(tag) =	ssettag $0x1  }
0x1: {  	s0 =	srdreg.scid  }
0x2: {  	s2 =	rddreg [dreg:$0x0];
	s1 =	sshll.u32 s0, $0x4  }
0x3: {  	s5 =	rddreg [dreg:$0x1];
	s0 =	stileid.u32;
	s1 =	sand.u32 $0x10, s1  }
0x4: {  	s4 =	simm.s32 $0x1;
	s8 =	simm.s32 $0x2;
	s1 =	sor.u32 s0, s1  }
0x5: {  	s13 =	simm.s32 $0x0;
	s9 =	simm.s32 $0x100000;
	s3 =	sshll.u32 s1, $0x4  }
0x6: {  	s10 =	simm.s32 $0x0;
	s12 =	simm.s32 $0x0;
	s6 =	ssub.s32 $0x2000, s3  }
.Ltmp0:
0x7: {  	s5 =	sadd.s32 $0x1C00, s5;
	s7 =	sand.u32 $0x1F0, s6;
	(pc) =	sbr.rel .LBB1_1-.Ltmp0, $4  }
0x8: {  	s1 =	rddreg [dreg:$0x2];
	p0 =	sne.s32 s7, $0x0;
	s7 =	simm.s32 $0x1  }
0x9: {  	_ =	strace $0x8000004A;
	s6 =	sshrl.u32 s6, $0x9;
	s7 =	simm.s32 @!p0 $0x0  }
0xa: {  	[sflag:s4] =	ssyncpa.u1 $0x0;
	s11 =	smov.u32 s3;
	s6 =	sadd.s32 s7, s6  }
0xb: {  	[sflag:s8] =	ssyncpa.u1 $0x0;
	s8 =	simm.s32 $0x800;
	s7 =	sadd.s32 $0x1, s6  }
.LBB1_7:
0xc: {  	s15 =	sadd.s32 $0x200, s11  }
0xd: {  	p1 =	sgt.s32 s15, $0x1FFF  }
0xe: {  	s15 =	smov.u32 @p1 s3;
	p1 =	sne.s32 s12, s7  }
.Ltmp1:
0xf: {  	p0 =	slt.u32 s12, $0x2;
	(pc) =	sbr.rel @!p1 .LBB1_8-.Ltmp1, $4  }
0x10: {  	s14 =	simm.s32 @!p0 $0x2  }
0x11: {  	s16 =	sadd.s32 $0x1, s12;
	_ =	swait.ge @!p0 [sflag:s14], $0x4000  }
0x12: {  	s13 =	smov.u32 s11;
	s10 =	sadd.s32 $0x4000, s10;
	[sflag:s14] =	ssyncset.done @!p0 $0x0  }
0x13: {  	s12 =	smov.u32 s16;
	s11 =	smov.u32 s15;
	[sflag:s14] =	ssyncadd.s32 @!p0 $0xFFFFC000  }
.LBB1_1:
0x14: {  	p0 =	sge.u32 s12, s6  }
0x15: {  	s14 =	sxor.u32 @!p0 $0xFFFFFFFF, s12  }
0x16: {  	s31 =	sadd.s32 $0xFFFFFFFF, s12;
	s15 =	sshll.u32 @!p0 s11, $0x7;
	s14 =	sshll.u32 @!p0 s14, $0xE  }
0x17: {  	s16 =	simm.s32 @!p0 $0x0;
	s15 =	sadd.s32 @!p0 s2, s15;
	s14 =	sand.u32 @!p0 $0x4000, s14  }
0x18: {  	[tilespmem:s14], [sflag:$0x1] =	stream.linear.gather @!p0 [hbm4b:s15+s16], $0x4000, $0x38;
	[tilespmem:$0x10000] =	vst v63  }
0x19: {  	p0 =	sge.u32 s31, s6  }
.Ltmp2:
0x1a: {  	_ = 	snop;
	(pc) =	sbr.rel @p0 .LBB1_7-.Ltmp2, $1  }
0x1b: {  	_ =	sdelay $0x3  }
0x1c: {  	s15 =	sand.u32 $0x4000, s10  }
0x1d: {  	_ =	swait.ge [sflag:s4], $0x4000;
	s17 =	sshll.u32 s12, $0xE;
	s14 =	sor.u32 $0x8040, s15  }
0x1e: {  	s16 =	sor.u32 $0x40, s15;
	[sflag:s4] =	ssyncset.done $0x0;
	s31 =	sand.u32 $0x4000, s17  }
0x1f: {  	s17 =	simm.s32 $0x0;
	[sflag:s4] =	ssyncadd.s32 $0xFFFFC000;
	s15 =	sor.u32 $0x8000, s31  }
.LBB1_3:
0x20: {  	v0 =	vmov s16;
	_ =	sdelay $0x3  }
0x21: {  	s19 =	simm.s32 $0x0  }
0x22: {  	v6 =	vld.idx.msk [tilespmem:v0+s19+$0x30 ss:$0x1], $0xffff  }
0x23: {  	v7 =	vld.idx.msk [tilespmem:v0+s19+$0xFFFFFFC0 ss:$0x1], $0xffff  }
0x24: {  	v5 =	vld.idx.msk [tilespmem:v0+s19+$0xFFFFFFD0 ss:$0x1], $0xffff  }
0x25: {  	v4 =	vld.idx.msk [tilespmem:v0+s19+$0xFFFFFFE0 ss:$0x1], $0xffff  }
0x26: {  	v3 =	vld.idx.msk [tilespmem:v0+s19+$0xFFFFFFF0 ss:$0x1], $0xffff  }
0x27: {  	v1 =	vld.idx.msk [tilespmem:v0+s19+$0x0 ss:$0x1], $0xffff  }
0x28: {  	v2 =	vld.idx.msk [tilespmem:v0+s19+$0x10 ss:$0x1], $0xffff;
	[tilespmem:s14+$0x30] =	vst v6  }
0x29: {  	s18 =	simm.s32 $0x80;
	s20 =	simm.s32 $0x400;
	[tilespmem:s14+$0xFFFFFFC0] =	vst v7;
	v6 =	vld.idx.msk [tilespmem:v0+s19+$0x20 ss:$0x1], $0xffff;
	s19 =	smov.u32 s14  }
.LBB1_4:
0x2a: {  	p0 =	sne.s32 s20, $0xE00;
	v7 =	vld.idx.msk [tilespmem:v0+s18+$0x30 ss:$0x1], $0xffff;
	[tilespmem:s19+$0xFFFFFFD0] =	vst v5  }
0x2b: {  	v8 =	vld.idx.msk [tilespmem:v0+s18+$0xFFFFFFC0 ss:$0x1], $0xffff;
	[tilespmem:s19+$0xFFFFFFE0] =	vst v4  }
0x2c: {  	v5 =	vld.idx.msk [tilespmem:v0+s18+$0xFFFFFFD0 ss:$0x1], $0xffff;
	[tilespmem:s19+$0xFFFFFFF0] =	vst v3  }
.Ltmp3:
0x2d: {  	v4 =	vld.idx.msk [tilespmem:v0+s18+$0xFFFFFFE0 ss:$0x1], $0xffff;
	[tilespmem:s19+$0x0] =	vst v1;
	(pc) =	sbr.rel @p0 .LBB1_4-.Ltmp3, $4  }
0x2e: {  	v3 =	vld.idx.msk [tilespmem:v0+s18+$0xFFFFFFF0 ss:$0x1], $0xffff;
	[tilespmem:s19+$0x10] =	vst v2  }
0x2f: {  	v1 =	vld.idx.msk [tilespmem:v0+s18+$0x0 ss:$0x1], $0xffff;
	[tilespmem:s19+$0x20] =	vst v6;
	s19 =	sadd.s32 $0x800, s19  }
0x30: {  	v2 =	vld.idx.msk [tilespmem:v0+s18+$0x10 ss:$0x1], $0xffff;
	[tilespmem:s19+$0x30] =	vst v7  }
0x31: {  	[tilespmem:s19+$0xFFFFFFC0] =	vst v8;
	v6 =	vld.idx.msk [tilespmem:v0+s18+$0x20 ss:$0x1], $0xffff;
	s18 =	sshra.s32 s20, $0x2;
	s20 =	sadd.s32 $0x200, s20  }
0x32: {  	_ =	sdelay $0x2  }
0x33: {  	[tilespmem:s19+$0xFFFFFFD0] =	vst v5  }
0x34: {  	v56 =	vld.idx.msk [tilespmem:v0+s18+$0x30 ss:$0x1], $0xffff;
	[tilespmem:s19+$0xFFFFFFE0] =	vst v4  }
0x35: {  	v57 =	vld.idx.msk [tilespmem:v0+s18+$0xFFFFFFC0 ss:$0x1], $0xffff;
	[tilespmem:s19+$0xFFFFFFF0] =	vst v3  }
0x36: {  	v58 =	vld.idx.msk [tilespmem:v0+s18+$0xFFFFFFD0 ss:$0x1], $0xffff;
	[tilespmem:s19+$0x0] =	vst v1  }
0x37: {  	v59 =	vld.idx.msk [tilespmem:v0+s18+$0xFFFFFFE0 ss:$0x1], $0xffff;
	[tilespmem:s19+$0x10] =	vst v2  }
0x38: {  	v60 =	vld.idx.msk [tilespmem:v0+s18+$0xFFFFFFF0 ss:$0x1], $0xffff;
	s31 =	sadd.s32 $0x800, s19;
	[tilespmem:s19+$0x20] =	vst v6  }
0x39: {  	v61 =	vld.idx.msk [tilespmem:v0+s18+$0x0 ss:$0x1], $0xffff;
	[tilespmem:s31+$0x30] =	vst v56  }
0x3a: {  	v62 =	vld.idx.msk [tilespmem:v0+s18+$0x10 ss:$0x1], $0xffff;
	s17 =	sadd.s32 $0x1, s17;
	[tilespmem:s31+$0xFFFFFFC0] =	vst v57  }
0x3b: {  	v63 =	vld.idx.msk [tilespmem:v0+s18+$0x20 ss:$0x1], $0xffff;
	p0 =	sne.s32 s17, $0x10;
	[tilespmem:s31+$0xFFFFFFD0] =	vst v58  }
.Ltmp4:
0x3c: {  	[tilespmem:s31+$0xFFFFFFE0] =	vst v59;
	(pc) =	sbr.rel @p0 .LBB1_3-.Ltmp4, $4  }
0x3d: {  	[tilespmem:s31+$0xFFFFFFF0] =	vst v60  }
0x3e: {  	[tilespmem:s31+$0x0] =	vst v61  }
0x3f: {  	[tilespmem:s31+$0x10] =	vst v62  }
0x40: {  	s14 =	sadd.s32 $0x80, s14;
	s16 =	sadd.s32 $0x400, s16;
	[tilespmem:s31+$0x20] =	vst v63  }
.Ltmp5:
0x41: {  	(pc) =	sbr.rel .LBB1_7-.Ltmp5, $4  }
0x42: {  	s13 =	sshll.u32 s13, $0x4  }
0x43: {  	s13 =	sand.u32 $0x1FFF0, s13  }
0x44: {  	s13 =	sadd.s32 s5, s13  }
0x45: {  	[hbm4b:s13+s8] =	stream.strided.scatter [tilespmem:s15], [sflag:$0x2], $0x4000, s9, s8, $0x38;
	[tilespmem:$0x10000] =	vst v63  }
.LBB1_8:
0x46: {  	_ =	sfence.sel $0x180000  }
0x47: {  	s2 =	simm.s32 $0x1;
	[bflag:$0x0] =	sbarrier.arrive $0xFFFF  }
0x48: {  	s31 =	simm.s32 $0x2;
	[sflag:s2] =	ssyncpa.u1 $0x1  }
0x49: {  	[sflag:s31] =	ssyncpa.u1 $0x1  }
0x4a: {  	p0 =	sne.s32 s0, $0x0;
	_ =	strace $0x9000004A  }
0x4b: {  	s0 =	sadd.s32 @!p0 $0x100000, s1;
	[bflag:$0x2] =	sbarrier.arrive $0xFFFF  }
0x4c: {  	[sflag:s0] =	ssyncadd.tile.s32 @!p0 $0x1;
	_ =	shalt  }
.Lfunc_end1:
_tile_overlayer_lowered:
.L_overlay_start_2:
0x4d: {  	(tag) =	ssettag $0x2  }
0x4e: {  	s0 =	rddreg [dreg:$0x0];
	s2 =	stileid.u32  }
0x4f: {  	s1 =	rddreg [dreg:$0x1];
	p0 =	sne.s32 s2, $0x0  }
0x50: {  	s3 =	rddreg [dreg:$0x2];
	[bflag:$0x3] =	sbarrier.arrive $0xFFFF;
	s2 =	simm.s32 @!p0 $0x1C01  }
0x51: {  	[timem:s3], [sflag:s2] =	dma.local @!p0 [hbm:s0], s1  }
0x52: {  	s0 =	simm.s32 @!p0 $0x1  }
0x53: {  	_ =	swait.ge @!p0 [sflag:s0], s1  }
0x54: {  	s1 =	ssub.s32 @!p0 $0x0, s1;
	[sflag:s0] =	ssyncset.done @!p0 $0x0  }
0x55: {  	[sflag:s0] =	ssyncadd.s32 @!p0 s1  }
0x56: {  	[bflag:$0x3] =	sbarrier.arrive $0xFFFF  }
0x57: {  	_ =	shalt  }

</sc_bundles>
